<compile_context>
chip_gen: v7x
topology: tpu7x:2x2x1
jax: 0.10.2.dev20260603
libtpu: 0.0.44.dev20260713+nightly
codegen_flags: <defaults>
</compile_context>

<pallas_src>
import functools

import jax
import jax.numpy as jnp
from jax import lax
from jax.experimental import pallas as pl
from jax.experimental.pallas import tpu as pltpu
from jax.experimental.pallas import tpu_sc as plsc

NUM_STUDENTS = 100000
NUM_QUESTIONS = 128
NUM_CONCEPTS = 128
GUESS_PROB = 0.2
L = 10.0

LANES = 16
NUM_CORES = 2
NUM_SUBCORES = 16
NUM_WORKERS = NUM_CORES * NUM_SUBCORES
ROWS_PER_WORKER = NUM_STUDENTS // NUM_WORKERS
CHUNK = 125
NUM_CHUNKS = ROWS_PER_WORKER // CHUNK
NUM_PAIRS = NUM_CHUNKS // 2
GROUPS = NUM_QUESTIONS // LANES
CHUNK_ELEMS = CHUNK * NUM_QUESTIONS


def _fe_body(A_hbm, D_hbm, row_hbm, col_hbm, out_hbm,
             in0, in1, out0, out1, col_v, row_v, d_v, D_v,
             si0, si1, so0, so1):
    wid = lax.axis_index("s") * NUM_CORES + lax.axis_index("c")
    base = wid * ROWS_PER_WORKER

    def a_slice(ci):
        return A_hbm.at[pl.ds((base + ci * CHUNK) * NUM_QUESTIONS,
                              CHUNK_ELEMS)]

    def o_slice(ci):
        return out_hbm.at[pl.ds((base + ci * CHUNK) * NUM_QUESTIONS,
                                CHUNK_ELEMS)]

    def start_in(ci, buf, sem):
        pltpu.async_copy(a_slice(ci), buf, sem)

    def wait_in(ci, buf, sem):
        pltpu.make_async_copy(a_slice(ci), buf, sem).wait()

    def start_out(ci, buf, sem):
        pltpu.async_copy(buf, o_slice(ci), sem)

    def wait_out(ci, buf, sem):
        pltpu.make_async_copy(buf, o_slice(ci), sem).wait()

    start_in(0, in0, si0)

    pltpu.sync_copy(col_hbm, col_v)
    pltpu.sync_copy(row_hbm, row_v)
    pltpu.sync_copy(D_hbm, D_v)

    for g in range(GROUPS):
        sl = pl.ds(g * LANES, LANES)
        d_v[sl] = plsc.load_gather(
            D_v, [row_v[sl] * NUM_CONCEPTS + col_v[sl]])

    col_g = [col_v[pl.ds(g * LANES, LANES)] for g in range(GROUPS)]
    d10_g = [d_v[pl.ds(g * LANES, LANES)] * jnp.float32(L)
             for g in range(GROUPS)]

    def compute(in_buf, out_buf):
        @plsc.parallel_loop(0, CHUNK, unroll=4)
        def row_body(s):
            s_base = s * NUM_QUESTIONS
            for g in range(GROUPS):
                a = plsc.load_gather(in_buf, [col_g[g] + s_base])
                t = jnp.exp(a * jnp.float32(-L) + d10_g[g])
                out_buf[pl.ds(s_base + g * LANES, LANES)] = jnp.maximum(
                    1.0 - t, jnp.float32(GUESS_PROB))

    start_in(1, in1, si1)
    wait_in(0, in0, si0)
    compute(in0, out0)
    start_out(0, out0, so0)
    start_in(2, in0, si0)
    wait_in(1, in1, si1)
    compute(in1, out1)
    start_out(1, out1, so1)

    def pair_body(k, carry):
        c0 = 2 * k
        c1 = c0 + 1
        start_in(c1, in1, si1)
        wait_in(c0, in0, si0)
        wait_out(c0 - 2, out0, so0)
        compute(in0, out0)
        start_out(c0, out0, so0)
        start_in(c0 + 2, in0, si0)
        wait_in(c1, in1, si1)
        wait_out(c1 - 2, out1, so1)
        compute(in1, out1)
        start_out(c1, out1, so1)
        return carry

    lax.fori_loop(1, NUM_PAIRS, pair_body, 0)

    last = NUM_CHUNKS - 1
    wait_in(last, in0, si0)
    wait_out(last - 2, out0, so0)
    compute(in0, out0)
    start_out(last, out0, so0)
    wait_out(last - 1, out1, so1)
    wait_out(last, out0, so0)


@jax.jit
def _fe_model(A, D, concepts_row, concepts_col):
    mesh = plsc.VectorSubcoreMesh(core_axis_name="c", subcore_axis_name="s")
    run = functools.partial(
        pl.kernel,
        mesh=mesh,
        compiler_params=pltpu.CompilerParams(needs_layout_passes=False),
        out_type=jax.ShapeDtypeStruct((NUM_STUDENTS * NUM_QUESTIONS,),
                                      jnp.float32),
        scratch_types=[
            pltpu.VMEM((CHUNK_ELEMS,), jnp.float32),
            pltpu.VMEM((CHUNK_ELEMS,), jnp.float32),
            pltpu.VMEM((CHUNK_ELEMS,), jnp.float32),
            pltpu.VMEM((CHUNK_ELEMS,), jnp.float32),
            pltpu.VMEM((NUM_QUESTIONS,), jnp.int32),
            pltpu.VMEM((NUM_QUESTIONS,), jnp.int32),
            pltpu.VMEM((NUM_QUESTIONS,), jnp.float32),
            pltpu.VMEM((NUM_QUESTIONS * NUM_CONCEPTS,), jnp.float32),
            pltpu.SemaphoreType.DMA,
            pltpu.SemaphoreType.DMA,
            pltpu.SemaphoreType.DMA,
            pltpu.SemaphoreType.DMA,
        ],
    )(_fe_body)
    out_flat = run(A.reshape(-1), D.reshape(-1), concepts_row, concepts_col)
    return out_flat.reshape(NUM_STUDENTS, NUM_QUESTIONS)


def kernel(x, A, D, concepts_row, concepts_col):
    del x
    return _fe_model(A, D, concepts_row, concepts_col)

# --- scband reference (transcript-rebuilt; emitter-appended) ---
"""Pipeline reference for scband-fe-model-6098853560969 (READ-ONLY COPY).

The authoritative reference and input builder live on the scoring server;
editing this copy changes nothing except your own understanding.
"""

import jax, jax.numpy as jnp
import numpy as np

NUM_STUDENTS = 100000
NUM_QUESTIONS = 128
NUM_CONCEPTS = 128
GUESS_PROB = 0.2
L = 10.0


def setup_inputs(seed: int = 0) -> dict:
    key = jax.random.key(seed)
    k1, k2 = jax.random.split(key, 2)
    # concepts is a tuple-style pair of index vectors: (question_idx, concept_idx).
    # Here question i tests concept i % NUM_CONCEPTS (identity since Q == C).
    concepts_row = jnp.arange(NUM_QUESTIONS, dtype=jnp.int32)
    concepts_col = jnp.arange(NUM_QUESTIONS, dtype=jnp.int32) % NUM_CONCEPTS
    # Learned parameters, sized per init_kwargs.
    A = 0.1 * jax.random.normal(k1, (NUM_STUDENTS, NUM_CONCEPTS), dtype=jnp.float32)
    d_vals = 0.1 * jax.random.normal(k2, (NUM_QUESTIONS,), dtype=jnp.float32)
    D = jnp.zeros((NUM_QUESTIONS, NUM_CONCEPTS), dtype=jnp.float32).at[concepts_row, concepts_col].set(d_vals)
    # x is unused by the model's forward (kept for API compatibility).
    x = jnp.zeros((1,), dtype=jnp.float32)
    return {"x": x, "A": A, "D": D, "concepts_row": concepts_row, "concepts_col": concepts_col}


def floored_exp_irf(a, d, l, c):
    return jnp.maximum(jnp.float32(c), 1.0 - jnp.exp(-l * (a - d)))


def reference(x, A, D, concepts_row, concepts_col):
    # a: gather columns of A by the concept tested by each question -> [num_students, num_questions]
    a = jnp.take(A, concepts_col, axis=1)
    # d: gather the per-question difficulty D[q, c(q)] -> [num_questions]
    d = D[concepts_row, concepts_col]
    return floored_exp_irf(a, d, L, GUESS_PROB)

if __name__ == "__main__":
    import jax
    _d = setup_inputs()
    print(jax.jit(kernel)(*tuple(_d.values())))

</pallas_src>

<mosaic_0001>
#map = affine_map<(d0, d1) -> (0)>
module attributes {stable_mosaic.version = 14 : i64} {
  func.func @_fe_body(%arg0: i32, %arg1: i32, %arg2: memref<12800000xf32, #tpu.memory_space<hbm>>, %arg3: memref<16384xf32, #tpu.memory_space<hbm>>, %arg4: memref<128xi32, #tpu.memory_space<hbm>>, %arg5: memref<128xi32, #tpu.memory_space<hbm>>, %arg6: memref<12800000xf32, #tpu.memory_space<hbm>>, %arg7: memref<16000xf32, #tpu.memory_space<vmem>>, %arg8: memref<16000xf32, #tpu.memory_space<vmem>>, %arg9: memref<16000xf32, #tpu.memory_space<vmem>>, %arg10: memref<16000xf32, #tpu.memory_space<vmem>>, %arg11: memref<128xi32, #tpu.memory_space<vmem>>, %arg12: memref<128xi32, #tpu.memory_space<vmem>>, %arg13: memref<128xf32, #tpu.memory_space<vmem>>, %arg14: memref<16384xf32, #tpu.memory_space<vmem>>, %arg15: memref<!tpu.dma_semaphore, #tpu.memory_space<semaphore_mem>>, %arg16: memref<!tpu.dma_semaphore, #tpu.memory_space<semaphore_mem>>, %arg17: memref<!tpu.dma_semaphore, #tpu.memory_space<semaphore_mem>>, %arg18: memref<!tpu.dma_semaphore, #tpu.memory_space<semaphore_mem>>) attributes {dimension_semantics = [#tpu.dimension_semantics<core_parallel>, #tpu.dimension_semantics<subcore_parallel>], iteration_bounds = array<i64: 2, 16>, scalar_prefetch = 0 : i64, scratch_operands = 12 : i64, tpu.core_type = #tpu.core_type<sc_vector_subcore>, window_params = [{transform_indices = #map}, {transform_indices = #map}, {transform_indices = #map}, {transform_indices = #map}, {transform_indices = #map}]} {
    %mul3A = arith.constant 2 : i32
    %mul3A_0 = arith.muli %arg1, %mul3A : i32
    %add3A = arith.addi %mul3A_0, %arg0 : i32
    %mul3A_1 = arith.constant 3125 : i32
    %mul3A_2 = arith.muli %add3A, %mul3A_1 : i32
    %add3A_3 = arith.constant 0 : i32
    %add3A_4 = arith.addi %mul3A_2, %add3A_3 : i32
    %mul3A_5 = arith.constant 128 : i32
    %mul3A_6 = arith.muli %add3A_4, %mul3A_5 : i32
    %dma_start3A = tpu.memref_slice %arg2[%mul3A_6] : memref<12800000xf32, #tpu.memory_space<hbm>> -> memref<16000xf32, #tpu.memory_space<hbm>>
    %dma_start3A_7 = tpu.memref_slice %arg2[%mul3A_6] : memref<12800000xf32, #tpu.memory_space<hbm>> -> memref<16000xf32, #tpu.memory_space<hbm>>
    tpu.enqueue_dma source(%dma_start3A_7 : memref<16000xf32, #tpu.memory_space<hbm>>) target(%arg7 : memref<16000xf32, #tpu.memory_space<vmem>>) target_semaphore(%arg15 : memref<!tpu.dma_semaphore, #tpu.memory_space<semaphore_mem>>)
    "tpu.region"() ({
      %run_scoped3A = tpu.sem_alloc : memref<!tpu.dma_semaphore, #tpu.memory_space<semaphore_mem>>
      tpu.enqueue_dma source(%arg5 : memref<128xi32, #tpu.memory_space<hbm>>) target(%arg11 : memref<128xi32, #tpu.memory_space<vmem>>) target_semaphore(%run_scoped3A : memref<!tpu.dma_semaphore, #tpu.memory_space<semaphore_mem>>)
      tpu.wait_dma2 semaphore(%run_scoped3A : memref<!tpu.dma_semaphore, #tpu.memory_space<semaphore_mem>>) src(%arg5 : memref<128xi32, #tpu.memory_space<hbm>>) dst(%arg11 : memref<128xi32, #tpu.memory_space<vmem>>)
      tpu.yield
    }) : () -> ()
    "tpu.region"() ({
      %run_scoped3A = tpu.sem_alloc : memref<!tpu.dma_semaphore, #tpu.memory_space<semaphore_mem>>
      tpu.enqueue_dma source(%arg4 : memref<128xi32, #tpu.memory_space<hbm>>) target(%arg12 : memref<128xi32, #tpu.memory_space<vmem>>) target_semaphore(%run_scoped3A : memref<!tpu.dma_semaphore, #tpu.memory_space<semaphore_mem>>)
      tpu.wait_dma2 semaphore(%run_scoped3A : memref<!tpu.dma_semaphore, #tpu.memory_space<semaphore_mem>>) src(%arg4 : memref<128xi32, #tpu.memory_space<hbm>>) dst(%arg12 : memref<128xi32, #tpu.memory_space<vmem>>)
      tpu.yield
    }) : () -> ()
    "tpu.region"() ({
      %run_scoped3A = tpu.sem_alloc : memref<!tpu.dma_semaphore, #tpu.memory_space<semaphore_mem>>
      tpu.enqueue_dma source(%arg3 : memref<16384xf32, #tpu.memory_space<hbm>>) target(%arg14 : memref<16384xf32, #tpu.memory_space<vmem>>) target_semaphore(%run_scoped3A : memref<!tpu.dma_semaphore, #tpu.memory_space<semaphore_mem>>)
      tpu.wait_dma2 semaphore(%run_scoped3A : memref<!tpu.dma_semaphore, #tpu.memory_space<semaphore_mem>>) src(%arg3 : memref<16384xf32, #tpu.memory_space<hbm>>) dst(%arg14 : memref<16384xf32, #tpu.memory_space<vmem>>)
      tpu.yield
    }) : () -> ()
    %get3A = arith.constant 0 : index
    %get3A_8 = tpu.vector_load %arg12[%get3A] {strides = array<i32>} : memref<128xi32, #tpu.memory_space<vmem>>, vector<16xi32>,
    %mul3A_9 = arith.constant 128 : i32
    %mul3A_10 = vector.broadcast %mul3A_9 : i32 to vector<16xi32>
    %mul3A_11 = arith.muli %get3A_8, %mul3A_10 : vector<16xi32>
    %get3A_12 = arith.constant 0 : index
    %get3A_13 = tpu.vector_load %arg11[%get3A_12] {strides = array<i32>} : memref<128xi32, #tpu.memory_space<vmem>>, vector<16xi32>,
    %add3A_14 = arith.addi %mul3A_11, %get3A_13 : vector<16xi32>
    %gather3A = tpu.vector_load_idx %arg14[%add3A_14] : memref<16384xf32, #tpu.memory_space<vmem>>[vector<16xi32>], vector<16xf32>,
    %swap3A = arith.constant 0 : index
    %swap3A_15 = tpu.vector_load %arg13[%swap3A] {strides = array<i32>} : memref<128xf32, #tpu.memory_space<vmem>>, vector<16xf32>,
    tpu.vector_store %arg13[%swap3A], %gather3A {strides = array<i32>} : memref<128xf32, #tpu.memory_space<vmem>>, vector<16xf32>,
    %get3A_16 = arith.constant 16 : index
    %get3A_17 = tpu.vector_load %arg12[%get3A_16] {strides = array<i32>} : memref<128xi32, #tpu.memory_space<vmem>>, vector<16xi32>,
    %mul3A_18 = arith.constant 128 : i32
    %mul3A_19 = vector.broadcast %mul3A_18 : i32 to vector<16xi32>
    %mul3A_20 = arith.muli %get3A_17, %mul3A_19 : vector<16xi32>
    %get3A_21 = arith.constant 16 : index
    %get3A_22 = tpu.vector_load %arg11[%get3A_21] {strides = array<i32>} : memref<128xi32, #tpu.memory_space<vmem>>, vector<16xi32>,
    %add3A_23 = arith.addi %mul3A_20, %get3A_22 : vector<16xi32>
    %gather3A_24 = tpu.vector_load_idx %arg14[%add3A_23] : memref<16384xf32, #tpu.memory_space<vmem>>[vector<16xi32>], vector<16xf32>,
    %swap3A_25 = arith.constant 16 : index
    %swap3A_26 = tpu.vector_load %arg13[%swap3A_25] {strides = array<i32>} : memref<128xf32, #tpu.memory_space<vmem>>, vector<16xf32>,
    tpu.vector_store %arg13[%swap3A_25], %gather3A_24 {strides = array<i32>} : memref<128xf32, #tpu.memory_space<vmem>>, vector<16xf32>,
    %get3A_27 = arith.constant 32 : index
    %get3A_28 = tpu.vector_load %arg12[%get3A_27] {strides = array<i32>} : memref<128xi32, #tpu.memory_space<vmem>>, vector<16xi32>,
    %mul3A_29 = arith.constant 128 : i32
    %mul3A_30 = vector.broadcast %mul3A_29 : i32 to vector<16xi32>
    %mul3A_31 = arith.muli %get3A_28, %mul3A_30 : vector<16xi32>
    %get3A_32 = arith.constant 32 : index
    %get3A_33 = tpu.vector_load %arg11[%get3A_32] {strides = array<i32>} : memref<128xi32, #tpu.memory_space<vmem>>, vector<16xi32>,
    %add3A_34 = arith.addi %mul3A_31, %get3A_33 : vector<16xi32>
    %gather3A_35 = tpu.vector_load_idx %arg14[%add3A_34] : memref<16384xf32, #tpu.memory_space<vmem>>[vector<16xi32>], vector<16xf32>,
    %swap3A_36 = arith.constant 32 : index
    %swap3A_37 = tpu.vector_load %arg13[%swap3A_36] {strides = array<i32>} : memref<128xf32, #tpu.memory_space<vmem>>, vector<16xf32>,
    tpu.vector_store %arg13[%swap3A_36], %gather3A_35 {strides = array<i32>} : memref<128xf32, #tpu.memory_space<vmem>>, vector<16xf32>,
    %get3A_38 = arith.constant 48 : index
    %get3A_39 = tpu.vector_load %arg12[%get3A_38] {strides = array<i32>} : memref<128xi32, #tpu.memory_space<vmem>>, vector<16xi32>,
    %mul3A_40 = arith.constant 128 : i32
    %mul3A_41 = vector.broadcast %mul3A_40 : i32 to vector<16xi32>
    %mul3A_42 = arith.muli %get3A_39, %mul3A_41 : vector<16xi32>
    %get3A_43 = arith.constant 48 : index
    %get3A_44 = tpu.vector_load %arg11[%get3A_43] {strides = array<i32>} : memref<128xi32, #tpu.memory_space<vmem>>, vector<16xi32>,
    %add3A_45 = arith.addi %mul3A_42, %get3A_44 : vector<16xi32>
    %gather3A_46 = tpu.vector_load_idx %arg14[%add3A_45] : memref<16384xf32, #tpu.memory_space<vmem>>[vector<16xi32>], vector<16xf32>,
    %swap3A_47 = arith.constant 48 : index
    %swap3A_48 = tpu.vector_load %arg13[%swap3A_47] {strides = array<i32>} : memref<128xf32, #tpu.memory_space<vmem>>, vector<16xf32>,
    tpu.vector_store %arg13[%swap3A_47], %gather3A_46 {strides = array<i32>} : memref<128xf32, #tpu.memory_space<vmem>>, vector<16xf32>,
    %get3A_49 = arith.constant 64 : index
    %get3A_50 = tpu.vector_load %arg12[%get3A_49] {strides = array<i32>} : memref<128xi32, #tpu.memory_space<vmem>>, vector<16xi32>,
    %mul3A_51 = arith.constant 128 : i32
    %mul3A_52 = vector.broadcast %mul3A_51 : i32 to vector<16xi32>
    %mul3A_53 = arith.muli %get3A_50, %mul3A_52 : vector<16xi32>
    %get3A_54 = arith.constant 64 : index
    %get3A_55 = tpu.vector_load %arg11[%get3A_54] {strides = array<i32>} : memref<128xi32, #tpu.memory_space<vmem>>, vector<16xi32>,
    %add3A_56 = arith.addi %mul3A_53, %get3A_55 : vector<16xi32>
    %gather3A_57 = tpu.vector_load_idx %arg14[%add3A_56] : memref<16384xf32, #tpu.memory_space<vmem>>[vector<16xi32>], vector<16xf32>,
    %swap3A_58 = arith.constant 64 : index
    %swap3A_59 = tpu.vector_load %arg13[%swap3A_58] {strides = array<i32>} : memref<128xf32, #tpu.memory_space<vmem>>, vector<16xf32>,
    tpu.vector_store %arg13[%swap3A_58], %gather3A_57 {strides = array<i32>} : memref<128xf32, #tpu.memory_space<vmem>>, vector<16xf32>,
    %get3A_60 = arith.constant 80 : index
    %get3A_61 = tpu.vector_load %arg12[%get3A_60] {strides = array<i32>} : memref<128xi32, #tpu.memory_space<vmem>>, vector<16xi32>,
    %mul3A_62 = arith.constant 128 : i32
    %mul3A_63 = vector.broadcast %mul3A_62 : i32 to vector<16xi32>
    %mul3A_64 = arith.muli %get3A_61, %mul3A_63 : vector<16xi32>
    %get3A_65 = arith.constant 80 : index
    %get3A_66 = tpu.vector_load %arg11[%get3A_65] {strides = array<i32>} : memref<128xi32, #tpu.memory_space<vmem>>, vector<16xi32>,
    %add3A_67 = arith.addi %mul3A_64, %get3A_66 : vector<16xi32>
    %gather3A_68 = tpu.vector_load_idx %arg14[%add3A_67] : memref<16384xf32, #tpu.memory_space<vmem>>[vector<16xi32>], vector<16xf32>,
    %swap3A_69 = arith.constant 80 : index
    %swap3A_70 = tpu.vector_load %arg13[%swap3A_69] {strides = array<i32>} : memref<128xf32, #tpu.memory_space<vmem>>, vector<16xf32>,
    tpu.vector_store %arg13[%swap3A_69], %gather3A_68 {strides = array<i32>} : memref<128xf32, #tpu.memory_space<vmem>>, vector<16xf32>,
    %get3A_71 = arith.constant 96 : index
    %get3A_72 = tpu.vector_load %arg12[%get3A_71] {strides = array<i32>} : memref<128xi32, #tpu.memory_space<vmem>>, vector<16xi32>,
    %mul3A_73 = arith.constant 128 : i32
    %mul3A_74 = vector.broadcast %mul3A_73 : i32 to vector<16xi32>
    %mul3A_75 = arith.muli %get3A_72, %mul3A_74 : vector<16xi32>
    %get3A_76 = arith.constant 96 : index
    %get3A_77 = tpu.vector_load %arg11[%get3A_76] {strides = array<i32>} : memref<128xi32, #tpu.memory_space<vmem>>, vector<16xi32>,
    %add3A_78 = arith.addi %mul3A_75, %get3A_77 : vector<16xi32>
    %gather3A_79 = tpu.vector_load_idx %arg14[%add3A_78] : memref<16384xf32, #tpu.memory_space<vmem>>[vector<16xi32>], vector<16xf32>,
    %swap3A_80 = arith.constant 96 : index
    %swap3A_81 = tpu.vector_load %arg13[%swap3A_80] {strides = array<i32>} : memref<128xf32, #tpu.memory_space<vmem>>, vector<16xf32>,
    tpu.vector_store %arg13[%swap3A_80], %gather3A_79 {strides = array<i32>} : memref<128xf32, #tpu.memory_space<vmem>>, vector<16xf32>,
    %get3A_82 = arith.constant 112 : index
    %get3A_83 = tpu.vector_load %arg12[%get3A_82] {strides = array<i32>} : memref<128xi32, #tpu.memory_space<vmem>>, vector<16xi32>,
    %mul3A_84 = arith.constant 128 : i32
    %mul3A_85 = vector.broadcast %mul3A_84 : i32 to vector<16xi32>
    %mul3A_86 = arith.muli %get3A_83, %mul3A_85 : vector<16xi32>
    %get3A_87 = arith.constant 112 : index
    %get3A_88 = tpu.vector_load %arg11[%get3A_87] {strides = array<i32>} : memref<128xi32, #tpu.memory_space<vmem>>, vector<16xi32>,
    %add3A_89 = arith.addi %mul3A_86, %get3A_88 : vector<16xi32>
    %gather3A_90 = tpu.vector_load_idx %arg14[%add3A_89] : memref<16384xf32, #tpu.memory_space<vmem>>[vector<16xi32>], vector<16xf32>,
    %swap3A_91 = arith.constant 112 : index
    %swap3A_92 = tpu.vector_load %arg13[%swap3A_91] {strides = array<i32>} : memref<128xf32, #tpu.memory_space<vmem>>, vector<16xf32>,
    tpu.vector_store %arg13[%swap3A_91], %gather3A_90 {strides = array<i32>} : memref<128xf32, #tpu.memory_space<vmem>>, vector<16xf32>,
    %get3A_93 = arith.constant 0 : index
    %get3A_94 = tpu.vector_load %arg11[%get3A_93] {strides = array<i32>} : memref<128xi32, #tpu.memory_space<vmem>>, vector<16xi32>,
    %get3A_95 = arith.constant 16 : index
    %get3A_96 = tpu.vector_load %arg11[%get3A_95] {strides = array<i32>} : memref<128xi32, #tpu.memory_space<vmem>>, vector<16xi32>,
    %get3A_97 = arith.constant 32 : index
    %get3A_98 = tpu.vector_load %arg11[%get3A_97] {strides = array<i32>} : memref<128xi32, #tpu.memory_space<vmem>>, vector<16xi32>,
    %get3A_99 = arith.constant 48 : index
    %get3A_100 = tpu.vector_load %arg11[%get3A_99] {strides = array<i32>} : memref<128xi32, #tpu.memory_space<vmem>>, vector<16xi32>,
    %get3A_101 = arith.constant 64 : index
    %get3A_102 = tpu.vector_load %arg11[%get3A_101] {strides = array<i32>} : memref<128xi32, #tpu.memory_space<vmem>>, vector<16xi32>,
    %get3A_103 = arith.constant 80 : index
    %get3A_104 = tpu.vector_load %arg11[%get3A_103] {strides = array<i32>} : memref<128xi32, #tpu.memory_space<vmem>>, vector<16xi32>,
    %get3A_105 = arith.constant 96 : index
    %get3A_106 = tpu.vector_load %arg11[%get3A_105] {strides = array<i32>} : memref<128xi32, #tpu.memory_space<vmem>>, vector<16xi32>,
    %get3A_107 = arith.constant 112 : index
    %get3A_108 = tpu.vector_load %arg11[%get3A_107] {strides = array<i32>} : memref<128xi32, #tpu.memory_space<vmem>>, vector<16xi32>,
    %get3A_109 = arith.constant 0 : index
    %get3A_110 = tpu.vector_load %arg13[%get3A_109] {strides = array<i32>} : memref<128xf32, #tpu.memory_space<vmem>>, vector<16xf32>,
    %mul3A_111 = arith.constant 1.000000e+01 : f32
    %mul3A_112 = vector.broadcast %mul3A_111 : f32 to vector<16xf32>
    %mul3A_113 = arith.mulf %get3A_110, %mul3A_112 : vector<16xf32>
    %get3A_114 = arith.constant 16 : index
    %get3A_115 = tpu.vector_load %arg13[%get3A_114] {strides = array<i32>} : memref<128xf32, #tpu.memory_space<vmem>>, vector<16xf32>,
    %mul3A_116 = arith.constant 1.000000e+01 : f32
    %mul3A_117 = vector.broadcast %mul3A_116 : f32 to vector<16xf32>
    %mul3A_118 = arith.mulf %get3A_115, %mul3A_117 : vector<16xf32>
    %get3A_119 = arith.constant 32 : index
    %get3A_120 = tpu.vector_load %arg13[%get3A_119] {strides = array<i32>} : memref<128xf32, #tpu.memory_space<vmem>>, vector<16xf32>,
    %mul3A_121 = arith.constant 1.000000e+01 : f32
    %mul3A_122 = vector.broadcast %mul3A_121 : f32 to vector<16xf32>
    %mul3A_123 = arith.mulf %get3A_120, %mul3A_122 : vector<16xf32>
    %get3A_124 = arith.constant 48 : index
    %get3A_125 = tpu.vector_load %arg13[%get3A_124] {strides = array<i32>} : memref<128xf32, #tpu.memory_space<vmem>>, vector<16xf32>,
    %mul3A_126 = arith.constant 1.000000e+01 : f32
    %mul3A_127 = vector.broadcast %mul3A_126 : f32 to vector<16xf32>
    %mul3A_128 = arith.mulf %get3A_125, %mul3A_127 : vector<16xf32>
    %get3A_129 = arith.constant 64 : index
    %get3A_130 = tpu.vector_load %arg13[%get3A_129] {strides = array<i32>} : memref<128xf32, #tpu.memory_space<vmem>>, vector<16xf32>,
    %mul3A_131 = arith.constant 1.000000e+01 : f32
    %mul3A_132 = vector.broadcast %mul3A_131 : f32 to vector<16xf32>
    %mul3A_133 = arith.mulf %get3A_130, %mul3A_132 : vector<16xf32>
    %get3A_134 = arith.constant 80 : index
    %get3A_135 = tpu.vector_load %arg13[%get3A_134] {strides = array<i32>} : memref<128xf32, #tpu.memory_space<vmem>>, vector<16xf32>,
    %mul3A_136 = arith.constant 1.000000e+01 : f32
    %mul3A_137 = vector.broadcast %mul3A_136 : f32 to vector<16xf32>
    %mul3A_138 = arith.mulf %get3A_135, %mul3A_137 : vector<16xf32>
    %get3A_139 = arith.constant 96 : index
    %get3A_140 = tpu.vector_load %arg13[%get3A_139] {strides = array<i32>} : memref<128xf32, #tpu.memory_space<vmem>>, vector<16xf32>,
    %mul3A_141 = arith.constant 1.000000e+01 : f32
    %mul3A_142 = vector.broadcast %mul3A_141 : f32 to vector<16xf32>
    %mul3A_143 = arith.mulf %get3A_140, %mul3A_142 : vector<16xf32>
    %get3A_144 = arith.constant 112 : index
    %get3A_145 = tpu.vector_load %arg13[%get3A_144] {strides = array<i32>} : memref<128xf32, #tpu.memory_space<vmem>>, vector<16xf32>,
    %mul3A_146 = arith.constant 1.000000e+01 : f32
    %mul3A_147 = vector.broadcast %mul3A_146 : f32 to vector<16xf32>
    %mul3A_148 = arith.mulf %get3A_145, %mul3A_147 : vector<16xf32>
    %add3A_149 = arith.constant 125 : i32
    %add3A_150 = arith.addi %mul3A_2, %add3A_149 : i32
    %mul3A_151 = arith.constant 128 : i32
    %mul3A_152 = arith.muli %add3A_150, %mul3A_151 : i32
    %dma_start3A_153 = tpu.memref_slice %arg2[%mul3A_152] : memref<12800000xf32, #tpu.memory_space<hbm>> -> memref<16000xf32, #tpu.memory_space<hbm>>
    %dma_start3A_154 = tpu.memref_slice %arg2[%mul3A_152] : memref<12800000xf32, #tpu.memory_space<hbm>> -> memref<16000xf32, #tpu.memory_space<hbm>>
    tpu.enqueue_dma source(%dma_start3A_154 : memref<16000xf32, #tpu.memory_space<hbm>>) target(%arg8 : memref<16000xf32, #tpu.memory_space<vmem>>) target_semaphore(%arg16 : memref<!tpu.dma_semaphore, #tpu.memory_space<semaphore_mem>>)
    %add3A_155 = arith.constant 0 : i32
    %add3A_156 = arith.addi %mul3A_2, %add3A_155 : i32
    %mul3A_157 = arith.constant 128 : i32
    %mul3A_158 = arith.muli %add3A_156, %mul3A_157 : i32
    %dma_wait3A = tpu.memref_slice %arg2[%mul3A_158] : memref<12800000xf32, #tpu.memory_space<hbm>> -> memref<16000xf32, #tpu.memory_space<hbm>>
    %dma_wait3A_159 = tpu.memref_slice %arg2[%mul3A_158] : memref<12800000xf32, #tpu.memory_space<hbm>> -> memref<16000xf32, #tpu.memory_space<hbm>>
    tpu.wait_dma2 semaphore(%arg15 : memref<!tpu.dma_semaphore, #tpu.memory_space<semaphore_mem>>) src(%dma_wait3A_159 : memref<16000xf32, #tpu.memory_space<hbm>>) dst(%arg7 : memref<16000xf32, #tpu.memory_space<vmem>>)
    %parallel_loop3A = arith.constant 0 : i32
    %parallel_loop3A_160 = arith.constant 125 : i32
    %parallel_loop3A_161 = arith.constant 1 : i32
    scf.for %parallel_loop3A_227 = %parallel_loop3A to %parallel_loop3A_160 step %parallel_loop3A_161  : i32 {
      %parallel_loop3A_228 = arith.constant 128 : i32
      %parallel_loop3A_229 = arith.muli %parallel_loop3A_227, %parallel_loop3A_228 : i32
      %parallel_loop3A_230 = vector.broadcast %parallel_loop3A_229 : i32 to vector<16xi32>
      %parallel_loop3A_231 = arith.addi %get3A_94, %parallel_loop3A_230 : vector<16xi32>
      %parallel_loop3A_232 = tpu.vector_load_idx %arg7[%parallel_loop3A_231] : memref<16000xf32, #tpu.memory_space<vmem>>[vector<16xi32>], vector<16xf32>,
      %parallel_loop3A_233 = arith.constant -1.000000e+01 : f32
      %parallel_loop3A_234 = vector.broadcast %parallel_loop3A_233 : f32 to vector<16xf32>
      %parallel_loop3A_235 = arith.mulf %parallel_loop3A_232, %parallel_loop3A_234 : vector<16xf32>
      %parallel_loop3A_236 = arith.addf %parallel_loop3A_235, %mul3A_113 : vector<16xf32>
      %parallel_loop3A_237 = math.exp %parallel_loop3A_236 : vector<16xf32>
      %parallel_loop3A_238 = arith.constant 1.000000e+00 : f32
      %parallel_loop3A_239 = vector.broadcast %parallel_loop3A_238 : f32 to vector<16xf32>
      %parallel_loop3A_240 = arith.subf %parallel_loop3A_239, %parallel_loop3A_237 : vector<16xf32>
      %parallel_loop3A_241 = arith.constant 2.000000e-01 : f32
      %parallel_loop3A_242 = vector.broadcast %parallel_loop3A_241 : f32 to vector<16xf32>
      %parallel_loop3A_243 = arith.maximumf %parallel_loop3A_240, %parallel_loop3A_242 : vector<16xf32>
      %parallel_loop3A_244 = arith.constant 0 : i32
      %parallel_loop3A_245 = arith.addi %parallel_loop3A_229, %parallel_loop3A_244 : i32
      %parallel_loop3A_246 = arith.index_cast %parallel_loop3A_245 : i32 to index
      %parallel_loop3A_247 = tpu.vector_load %arg9[%parallel_loop3A_246] {strides = array<i32>} : memref<16000xf32, #tpu.memory_space<vmem>>, vector<16xf32>,
      tpu.vector_store %arg9[%parallel_loop3A_246], %parallel_loop3A_243 {strides = array<i32>} : memref<16000xf32, #tpu.memory_space<vmem>>, vector<16xf32>,
      %parallel_loop3A_248 = vector.broadcast %parallel_loop3A_229 : i32 to vector<16xi32>
      %parallel_loop3A_249 = arith.addi %get3A_96, %parallel_loop3A_248 : vector<16xi32>
      %parallel_loop3A_250 = tpu.vector_load_idx %arg7[%parallel_loop3A_249] : memref<16000xf32, #tpu.memory_space<vmem>>[vector<16xi32>], vector<16xf32>,
      %parallel_loop3A_251 = arith.constant -1.000000e+01 : f32
      %parallel_loop3A_252 = vector.broadcast %parallel_loop3A_251 : f32 to vector<16xf32>
      %parallel_loop3A_253 = arith.mulf %parallel_loop3A_250, %parallel_loop3A_252 : vector<16xf32>
      %parallel_loop3A_254 = arith.addf %parallel_loop3A_253, %mul3A_118 : vector<16xf32>
      %parallel_loop3A_255 = math.exp %parallel_loop3A_254 : vector<16xf32>
      %parallel_loop3A_256 = arith.constant 1.000000e+00 : f32
      %parallel_loop3A_257 = vector.broadcast %parallel_loop3A_256 : f32 to vector<16xf32>
      %parallel_loop3A_258 = arith.subf %parallel_loop3A_257, %parallel_loop3A_255 : vector<16xf32>
      %parallel_loop3A_259 = arith.constant 2.000000e-01 : f32
      %parallel_loop3A_260 = vector.broadcast %parallel_loop3A_259 : f32 to vector<16xf32>
      %parallel_loop3A_261 = arith.maximumf %parallel_loop3A_258, %parallel_loop3A_260 : vector<16xf32>
      %parallel_loop3A_262 = arith.constant 16 : i32
      %parallel_loop3A_263 = arith.addi %parallel_loop3A_229, %parallel_loop3A_262 : i32
      %parallel_loop3A_264 = arith.index_cast %parallel_loop3A_263 : i32 to index
      %parallel_loop3A_265 = tpu.vector_load %arg9[%parallel_loop3A_264] {strides = array<i32>} : memref<16000xf32, #tpu.memory_space<vmem>>, vector<16xf32>,
      tpu.vector_store %arg9[%parallel_loop3A_264], %parallel_loop3A_261 {strides = array<i32>} : memref<16000xf32, #tpu.memory_space<vmem>>, vector<16xf32>,
      %parallel_loop3A_266 = vector.broadcast %parallel_loop3A_229 : i32 to vector<16xi32>
      %parallel_loop3A_267 = arith.addi %get3A_98, %parallel_loop3A_266 : vector<16xi32>
      %parallel_loop3A_268 = tpu.vector_load_idx %arg7[%parallel_loop3A_267] : memref<16000xf32, #tpu.memory_space<vmem>>[vector<16xi32>], vector<16xf32>,
      %parallel_loop3A_269 = arith.constant -1.000000e+01 : f32
      %parallel_loop3A_270 = vector.broadcast %parallel_loop3A_269 : f32 to vector<16xf32>
      %parallel_loop3A_271 = arith.mulf %parallel_loop3A_268, %parallel_loop3A_270 : vector<16xf32>
      %parallel_loop3A_272 = arith.addf %parallel_loop3A_271, %mul3A_123 : vector<16xf32>
      %parallel_loop3A_273 = math.exp %parallel_loop3A_272 : vector<16xf32>
      %parallel_loop3A_274 = arith.constant 1.000000e+00 : f32
      %parallel_loop3A_275 = vector.broadcast %parallel_loop3A_274 : f32 to vector<16xf32>
      %parallel_loop3A_276 = arith.subf %parallel_loop3A_275, %parallel_loop3A_273 : vector<16xf32>
      %parallel_loop3A_277 = arith.constant 2.000000e-01 : f32
      %parallel_loop3A_278 = vector.broadcast %parallel_loop3A_277 : f32 to vector<16xf32>
      %parallel_loop3A_279 = arith.maximumf %parallel_loop3A_276, %parallel_loop3A_278 : vector<16xf32>
      %parallel_loop3A_280 = arith.constant 32 : i32
      %parallel_loop3A_281 = arith.addi %parallel_loop3A_229, %parallel_loop3A_280 : i32
      %parallel_loop3A_282 = arith.index_cast %parallel_loop3A_281 : i32 to index
      %parallel_loop3A_283 = tpu.vector_load %arg9[%parallel_loop3A_282] {strides = array<i32>} : memref<16000xf32, #tpu.memory_space<vmem>>, vector<16xf32>,
      tpu.vector_store %arg9[%parallel_loop3A_282], %parallel_loop3A_279 {strides = array<i32>} : memref<16000xf32, #tpu.memory_space<vmem>>, vector<16xf32>,
      %parallel_loop3A_284 = vector.broadcast %parallel_loop3A_229 : i32 to vector<16xi32>
      %parallel_loop3A_285 = arith.addi %get3A_100, %parallel_loop3A_284 : vector<16xi32>
      %parallel_loop3A_286 = tpu.vector_load_idx %arg7[%parallel_loop3A_285] : memref<16000xf32, #tpu.memory_space<vmem>>[vector<16xi32>], vector<16xf32>,
      %parallel_loop3A_287 = arith.constant -1.000000e+01 : f32
      %parallel_loop3A_288 = vector.broadcast %parallel_loop3A_287 : f32 to vector<16xf32>
      %parallel_loop3A_289 = arith.mulf %parallel_loop3A_286, %parallel_loop3A_288 : vector<16xf32>
      %parallel_loop3A_290 = arith.addf %parallel_loop3A_289, %mul3A_128 : vector<16xf32>
      %parallel_loop3A_291 = math.exp %parallel_loop3A_290 : vector<16xf32>
      %parallel_loop3A_292 = arith.constant 1.000000e+00 : f32
      %parallel_loop3A_293 = vector.broadcast %parallel_loop3A_292 : f32 to vector<16xf32>
      %parallel_loop3A_294 = arith.subf %parallel_loop3A_293, %parallel_loop3A_291 : vector<16xf32>
      %parallel_loop3A_295 = arith.constant 2.000000e-01 : f32
      %parallel_loop3A_296 = vector.broadcast %parallel_loop3A_295 : f32 to vector<16xf32>
      %parallel_loop3A_297 = arith.maximumf %parallel_loop3A_294, %parallel_loop3A_296 : vector<16xf32>
      %parallel_loop3A_298 = arith.constant 48 : i32
      %parallel_loop3A_299 = arith.addi %parallel_loop3A_229, %parallel_loop3A_298 : i32
      %parallel_loop3A_300 = arith.index_cast %parallel_loop3A_299 : i32 to index
      %parallel_loop3A_301 = tpu.vector_load %arg9[%parallel_loop3A_300] {strides = array<i32>} : memref<16000xf32, #tpu.memory_space<vmem>>, vector<16xf32>,
      tpu.vector_store %arg9[%parallel_loop3A_300], %parallel_loop3A_297 {strides = array<i32>} : memref<16000xf32, #tpu.memory_space<vmem>>, vector<16xf32>,
      %parallel_loop3A_302 = vector.broadcast %parallel_loop3A_229 : i32 to vector<16xi32>
      %parallel_loop3A_303 = arith.addi %get3A_102, %parallel_loop3A_302 : vector<16xi32>
      %parallel_loop3A_304 = tpu.vector_load_idx %arg7[%parallel_loop3A_303] : memref<16000xf32, #tpu.memory_space<vmem>>[vector<16xi32>], vector<16xf32>,
      %parallel_loop3A_305 = arith.constant -1.000000e+01 : f32
      %parallel_loop3A_306 = vector.broadcast %parallel_loop3A_305 : f32 to vector<16xf32>
      %parallel_loop3A_307 = arith.mulf %parallel_loop3A_304, %parallel_loop3A_306 : vector<16xf32>
      %parallel_loop3A_308 = arith.addf %parallel_loop3A_307, %mul3A_133 : vector<16xf32>
      %parallel_loop3A_309 = math.exp %parallel_loop3A_308 : vector<16xf32>
      %parallel_loop3A_310 = arith.constant 1.000000e+00 : f32
      %parallel_loop3A_311 = vector.broadcast %parallel_loop3A_310 : f32 to vector<16xf32>
      %parallel_loop3A_312 = arith.subf %parallel_loop3A_311, %parallel_loop3A_309 : vector<16xf32>
      %parallel_loop3A_313 = arith.constant 2.000000e-01 : f32
      %parallel_loop3A_314 = vector.broadcast %parallel_loop3A_313 : f32 to vector<16xf32>
      %parallel_loop3A_315 = arith.maximumf %parallel_loop3A_312, %parallel_loop3A_314 : vector<16xf32>
      %parallel_loop3A_316 = arith.constant 64 : i32
      %parallel_loop3A_317 = arith.addi %parallel_loop3A_229, %parallel_loop3A_316 : i32
      %parallel_loop3A_318 = arith.index_cast %parallel_loop3A_317 : i32 to index
      %parallel_loop3A_319 = tpu.vector_load %arg9[%parallel_loop3A_318] {strides = array<i32>} : memref<16000xf32, #tpu.memory_space<vmem>>, vector<16xf32>,
      tpu.vector_store %arg9[%parallel_loop3A_318], %parallel_loop3A_315 {strides = array<i32>} : memref<16000xf32, #tpu.memory_space<vmem>>, vector<16xf32>,
      %parallel_loop3A_320 = vector.broadcast %parallel_loop3A_229 : i32 to vector<16xi32>
      %parallel_loop3A_321 = arith.addi %get3A_104, %parallel_loop3A_320 : vector<16xi32>
      %parallel_loop3A_322 = tpu.vector_load_idx %arg7[%parallel_loop3A_321] : memref<16000xf32, #tpu.memory_space<vmem>>[vector<16xi32>], vector<16xf32>,
      %parallel_loop3A_323 = arith.constant -1.000000e+01 : f32
      %parallel_loop3A_324 = vector.broadcast %parallel_loop3A_323 : f32 to vector<16xf32>
      %parallel_loop3A_325 = arith.mulf %parallel_loop3A_322, %parallel_loop3A_324 : vector<16xf32>
      %parallel_loop3A_326 = arith.addf %parallel_loop3A_325, %mul3A_138 : vector<16xf32>
      %parallel_loop3A_327 = math.exp %parallel_loop3A_326 : vector<16xf32>
      %parallel_loop3A_328 = arith.constant 1.000000e+00 : f32
      %parallel_loop3A_329 = vector.broadcast %parallel_loop3A_328 : f32 to vector<16xf32>
      %parallel_loop3A_330 = arith.subf %parallel_loop3A_329, %parallel_loop3A_327 : vector<16xf32>
      %parallel_loop3A_331 = arith.constant 2.000000e-01 : f32
      %parallel_loop3A_332 = vector.broadcast %parallel_loop3A_331 : f32 to vector<16xf32>
      %parallel_loop3A_333 = arith.maximumf %parallel_loop3A_330, %parallel_loop3A_332 : vector<16xf32>
      %parallel_loop3A_334 = arith.constant 80 : i32
      %parallel_loop3A_335 = arith.addi %parallel_loop3A_229, %parallel_loop3A_334 : i32
      %parallel_loop3A_336 = arith.index_cast %parallel_loop3A_335 : i32 to index
      %parallel_loop3A_337 = tpu.vector_load %arg9[%parallel_loop3A_336] {strides = array<i32>} : memref<16000xf32, #tpu.memory_space<vmem>>, vector<16xf32>,
      tpu.vector_store %arg9[%parallel_loop3A_336], %parallel_loop3A_333 {strides = array<i32>} : memref<16000xf32, #tpu.memory_space<vmem>>, vector<16xf32>,
      %parallel_loop3A_338 = vector.broadcast %parallel_loop3A_229 : i32 to vector<16xi32>
      %parallel_loop3A_339 = arith.addi %get3A_106, %parallel_loop3A_338 : vector<16xi32>
      %parallel_loop3A_340 = tpu.vector_load_idx %arg7[%parallel_loop3A_339] : memref<16000xf32, #tpu.memory_space<vmem>>[vector<16xi32>], vector<16xf32>,
      %parallel_loop3A_341 = arith.constant -1.000000e+01 : f32
      %parallel_loop3A_342 = vector.broadcast %parallel_loop3A_341 : f32 to vector<16xf32>
      %parallel_loop3A_343 = arith.mulf %parallel_loop3A_340, %parallel_loop3A_342 : vector<16xf32>
      %parallel_loop3A_344 = arith.addf %parallel_loop3A_343, %mul3A_143 : vector<16xf32>
      %parallel_loop3A_345 = math.exp %parallel_loop3A_344 : vector<16xf32>
      %parallel_loop3A_346 = arith.constant 1.000000e+00 : f32
      %parallel_loop3A_347 = vector.broadcast %parallel_loop3A_346 : f32 to vector<16xf32>
      %parallel_loop3A_348 = arith.subf %parallel_loop3A_347, %parallel_loop3A_345 : vector<16xf32>
      %parallel_loop3A_349 = arith.constant 2.000000e-01 : f32
      %parallel_loop3A_350 = vector.broadcast %parallel_loop3A_349 : f32 to vector<16xf32>
      %parallel_loop3A_351 = arith.maximumf %parallel_loop3A_348, %parallel_loop3A_350 : vector<16xf32>
      %parallel_loop3A_352 = arith.constant 96 : i32
      %parallel_loop3A_353 = arith.addi %parallel_loop3A_229, %parallel_loop3A_352 : i32
      %parallel_loop3A_354 = arith.index_cast %parallel_loop3A_353 : i32 to index
      %parallel_loop3A_355 = tpu.vector_load %arg9[%parallel_loop3A_354] {strides = array<i32>} : memref<16000xf32, #tpu.memory_space<vmem>>, vector<16xf32>,
      tpu.vector_store %arg9[%parallel_loop3A_354], %parallel_loop3A_351 {strides = array<i32>} : memref<16000xf32, #tpu.memory_space<vmem>>, vector<16xf32>,
      %parallel_loop3A_356 = vector.broadcast %parallel_loop3A_229 : i32 to vector<16xi32>
      %parallel_loop3A_357 = arith.addi %get3A_108, %parallel_loop3A_356 : vector<16xi32>
      %parallel_loop3A_358 = tpu.vector_load_idx %arg7[%parallel_loop3A_357] : memref<16000xf32, #tpu.memory_space<vmem>>[vector<16xi32>], vector<16xf32>,
      %parallel_loop3A_359 = arith.constant -1.000000e+01 : f32
      %parallel_loop3A_360 = vector.broadcast %parallel_loop3A_359 : f32 to vector<16xf32>
      %parallel_loop3A_361 = arith.mulf %parallel_loop3A_358, %parallel_loop3A_360 : vector<16xf32>
      %parallel_loop3A_362 = arith.addf %parallel_loop3A_361, %mul3A_148 : vector<16xf32>
      %parallel_loop3A_363 = math.exp %parallel_loop3A_362 : vector<16xf32>
      %parallel_loop3A_364 = arith.constant 1.000000e+00 : f32
      %parallel_loop3A_365 = vector.broadcast %parallel_loop3A_364 : f32 to vector<16xf32>
      %parallel_loop3A_366 = arith.subf %parallel_loop3A_365, %parallel_loop3A_363 : vector<16xf32>
      %parallel_loop3A_367 = arith.constant 2.000000e-01 : f32
      %parallel_loop3A_368 = vector.broadcast %parallel_loop3A_367 : f32 to vector<16xf32>
      %parallel_loop3A_369 = arith.maximumf %parallel_loop3A_366, %parallel_loop3A_368 : vector<16xf32>
      %parallel_loop3A_370 = arith.constant 112 : i32
      %parallel_loop3A_371 = arith.addi %parallel_loop3A_229, %parallel_loop3A_370 : i32
      %parallel_loop3A_372 = arith.index_cast %parallel_loop3A_371 : i32 to index
      %parallel_loop3A_373 = tpu.vector_load %arg9[%parallel_loop3A_372] {strides = array<i32>} : memref<16000xf32, #tpu.memory_space<vmem>>, vector<16xf32>,
      tpu.vector_store %arg9[%parallel_loop3A_372], %parallel_loop3A_369 {strides = array<i32>} : memref<16000xf32, #tpu.memory_space<vmem>>, vector<16xf32>,
    } {sc.loop_unroll_factor = 4 : i64, sc.parallel_access}
    %add3A_162 = arith.constant 0 : i32
    %add3A_163 = arith.addi %mul3A_2, %add3A_162 : i32
    %mul3A_164 = arith.constant 128 : i32
    %mul3A_165 = arith.muli %add3A_163, %mul3A_164 : i32
    %dma_start3A_166 = tpu.memref_slice %arg6[%mul3A_165] : memref<12800000xf32, #tpu.memory_space<hbm>> -> memref<16000xf32, #tpu.memory_space<hbm>>
    %dma_start3A_167 = tpu.memref_slice %arg6[%mul3A_165] : memref<12800000xf32, #tpu.memory_space<hbm>> -> memref<16000xf32, #tpu.memory_space<hbm>>
    tpu.enqueue_dma source(%arg9 : memref<16000xf32, #tpu.memory_space<vmem>>) target(%dma_start3A_167 : memref<16000xf32, #tpu.memory_space<hbm>>) target_semaphore(%arg17 : memref<!tpu.dma_semaphore, #tpu.memory_space<semaphore_mem>>)
    %add3A_168 = arith.constant 250 : i32
    %add3A_169 = arith.addi %mul3A_2, %add3A_168 : i32
    %mul3A_170 = arith.constant 128 : i32
    %mul3A_171 = arith.muli %add3A_169, %mul3A_170 : i32
    %dma_start3A_172 = tpu.memref_slice %arg2[%mul3A_171] : memref<12800000xf32, #tpu.memory_space<hbm>> -> memref<16000xf32, #tpu.memory_space<hbm>>
    %dma_start3A_173 = tpu.memref_slice %arg2[%mul3A_171] : memref<12800000xf32, #tpu.memory_space<hbm>> -> memref<16000xf32, #tpu.memory_space<hbm>>
    tpu.enqueue_dma source(%dma_start3A_173 : memref<16000xf32, #tpu.memory_space<hbm>>) target(%arg7 : memref<16000xf32, #tpu.memory_space<vmem>>) target_semaphore(%arg15 : memref<!tpu.dma_semaphore, #tpu.memory_space<semaphore_mem>>)
    %add3A_174 = arith.constant 125 : i32
    %add3A_175 = arith.addi %mul3A_2, %add3A_174 : i32
    %mul3A_176 = arith.constant 128 : i32
    %mul3A_177 = arith.muli %add3A_175, %mul3A_176 : i32
    %dma_wait3A_178 = tpu.memref_slice %arg2[%mul3A_177] : memref<12800000xf32, #tpu.memory_space<hbm>> -> memref<16000xf32, #tpu.memory_space<hbm>>
    %dma_wait3A_179 = tpu.memref_slice %arg2[%mul3A_177] : memref<12800000xf32, #tpu.memory_space<hbm>> -> memref<16000xf32, #tpu.memory_space<hbm>>
    tpu.wait_dma2 semaphore(%arg16 : memref<!tpu.dma_semaphore, #tpu.memory_space<semaphore_mem>>) src(%dma_wait3A_179 : memref<16000xf32, #tpu.memory_space<hbm>>) dst(%arg8 : memref<16000xf32, #tpu.memory_space<vmem>>)
    %parallel_loop3A_180 = arith.constant 0 : i32
    %parallel_loop3A_181 = arith.constant 125 : i32
    %parallel_loop3A_182 = arith.constant 1 : i32
    scf.for %parallel_loop3A_227 = %parallel_loop3A_180 to %parallel_loop3A_181 step %parallel_loop3A_182  : i32 {
      %parallel_loop3A_228 = arith.constant 128 : i32
      %parallel_loop3A_229 = arith.muli %parallel_loop3A_227, %parallel_loop3A_228 : i32
      %parallel_loop3A_230 = vector.broadcast %parallel_loop3A_229 : i32 to vector<16xi32>
      %parallel_loop3A_231 = arith.addi %get3A_94, %parallel_loop3A_230 : vector<16xi32>
      %parallel_loop3A_232 = tpu.vector_load_idx %arg8[%parallel_loop3A_231] : memref<16000xf32, #tpu.memory_space<vmem>>[vector<16xi32>], vector<16xf32>,
      %parallel_loop3A_233 = arith.constant -1.000000e+01 : f32
      %parallel_loop3A_234 = vector.broadcast %parallel_loop3A_233 : f32 to vector<16xf32>
      %parallel_loop3A_235 = arith.mulf %parallel_loop3A_232, %parallel_loop3A_234 : vector<16xf32>
      %parallel_loop3A_236 = arith.addf %parallel_loop3A_235, %mul3A_113 : vector<16xf32>
      %parallel_loop3A_237 = math.exp %parallel_loop3A_236 : vector<16xf32>
      %parallel_loop3A_238 = arith.constant 1.000000e+00 : f32
      %parallel_loop3A_239 = vector.broadcast %parallel_loop3A_238 : f32 to vector<16xf32>
      %parallel_loop3A_240 = arith.subf %parallel_loop3A_239, %parallel_loop3A_237 : vector<16xf32>
      %parallel_loop3A_241 = arith.constant 2.000000e-01 : f32
      %parallel_loop3A_242 = vector.broadcast %parallel_loop3A_241 : f32 to vector<16xf32>
      %parallel_loop3A_243 = arith.maximumf %parallel_loop3A_240, %parallel_loop3A_242 : vector<16xf32>
      %parallel_loop3A_244 = arith.constant 0 : i32
      %parallel_loop3A_245 = arith.addi %parallel_loop3A_229, %parallel_loop3A_244 : i32
      %parallel_loop3A_246 = arith.index_cast %parallel_loop3A_245 : i32 to index
      %parallel_loop3A_247 = tpu.vector_load %arg10[%parallel_loop3A_246] {strides = array<i32>} : memref<16000xf32, #tpu.memory_space<vmem>>, vector<16xf32>,
      tpu.vector_store %arg10[%parallel_loop3A_246], %parallel_loop3A_243 {strides = array<i32>} : memref<16000xf32, #tpu.memory_space<vmem>>, vector<16xf32>,
      %parallel_loop3A_248 = vector.broadcast %parallel_loop3A_229 : i32 to vector<16xi32>
      %parallel_loop3A_249 = arith.addi %get3A_96, %parallel_loop3A_248 : vector<16xi32>
      %parallel_loop3A_250 = tpu.vector_load_idx %arg8[%parallel_loop3A_249] : memref<16000xf32, #tpu.memory_space<vmem>>[vector<16xi32>], vector<16xf32>,
      %parallel_loop3A_251 = arith.constant -1.000000e+01 : f32
      %parallel_loop3A_252 = vector.broadcast %parallel_loop3A_251 : f32 to vector<16xf32>
      %parallel_loop3A_253 = arith.mulf %parallel_loop3A_250, %parallel_loop3A_252 : vector<16xf32>
      %parallel_loop3A_254 = arith.addf %parallel_loop3A_253, %mul3A_118 : vector<16xf32>
      %parallel_loop3A_255 = math.exp %parallel_loop3A_254 : vector<16xf32>
      %parallel_loop3A_256 = arith.constant 1.000000e+00 : f32
      %parallel_loop3A_257 = vector.broadcast %parallel_loop3A_256 : f32 to vector<16xf32>
      %parallel_loop3A_258 = arith.subf %parallel_loop3A_257, %parallel_loop3A_255 : vector<16xf32>
      %parallel_loop3A_259 = arith.constant 2.000000e-01 : f32
      %parallel_loop3A_260 = vector.broadcast %parallel_loop3A_259 : f32 to vector<16xf32>
      %parallel_loop3A_261 = arith.maximumf %parallel_loop3A_258, %parallel_loop3A_260 : vector<16xf32>
      %parallel_loop3A_262 = arith.constant 16 : i32
      %parallel_loop3A_263 = arith.addi %parallel_loop3A_229, %parallel_loop3A_262 : i32
      %parallel_loop3A_264 = arith.index_cast %parallel_loop3A_263 : i32 to index
      %parallel_loop3A_265 = tpu.vector_load %arg10[%parallel_loop3A_264] {strides = array<i32>} : memref<16000xf32, #tpu.memory_space<vmem>>, vector<16xf32>,
      tpu.vector_store %arg10[%parallel_loop3A_264], %parallel_loop3A_261 {strides = array<i32>} : memref<16000xf32, #tpu.memory_space<vmem>>, vector<16xf32>,
      %parallel_loop3A_266 = vector.broadcast %parallel_loop3A_229 : i32 to vector<16xi32>
      %parallel_loop3A_267 = arith.addi %get3A_98, %parallel_loop3A_266 : vector<16xi32>
      %parallel_loop3A_268 = tpu.vector_load_idx %arg8[%parallel_loop3A_267] : memref<16000xf32, #tpu.memory_space<vmem>>[vector<16xi32>], vector<16xf32>,
      %parallel_loop3A_269 = arith.constant -1.000000e+01 : f32
      %parallel_loop3A_270 = vector.broadcast %parallel_loop3A_269 : f32 to vector<16xf32>
      %parallel_loop3A_271 = arith.mulf %parallel_loop3A_268, %parallel_loop3A_270 : vector<16xf32>
      %parallel_loop3A_272 = arith.addf %parallel_loop3A_271, %mul3A_123 : vector<16xf32>
      %parallel_loop3A_273 = math.exp %parallel_loop3A_272 : vector<16xf32>
      %parallel_loop3A_274 = arith.constant 1.000000e+00 : f32
      %parallel_loop3A_275 = vector.broadcast %parallel_loop3A_274 : f32 to vector<16xf32>
      %parallel_loop3A_276 = arith.subf %parallel_loop3A_275, %parallel_loop3A_273 : vector<16xf32>
      %parallel_loop3A_277 = arith.constant 2.000000e-01 : f32
      %parallel_loop3A_278 = vector.broadcast %parallel_loop3A_277 : f32 to vector<16xf32>
      %parallel_loop3A_279 = arith.maximumf %parallel_loop3A_276, %parallel_loop3A_278 : vector<16xf32>
      %parallel_loop3A_280 = arith.constant 32 : i32
      %parallel_loop3A_281 = arith.addi %parallel_loop3A_229, %parallel_loop3A_280 : i32
      %parallel_loop3A_282 = arith.index_cast %parallel_loop3A_281 : i32 to index
      %parallel_loop3A_283 = tpu.vector_load %arg10[%parallel_loop3A_282] {strides = array<i32>} : memref<16000xf32, #tpu.memory_space<vmem>>, vector<16xf32>,
      tpu.vector_store %arg10[%parallel_loop3A_282], %parallel_loop3A_279 {strides = array<i32>} : memref<16000xf32, #tpu.memory_space<vmem>>, vector<16xf32>,
      %parallel_loop3A_284 = vector.broadcast %parallel_loop3A_229 : i32 to vector<16xi32>
      %parallel_loop3A_285 = arith.addi %get3A_100, %parallel_loop3A_284 : vector<16xi32>
      %parallel_loop3A_286 = tpu.vector_load_idx %arg8[%parallel_loop3A_285] : memref<16000xf32, #tpu.memory_space<vmem>>[vector<16xi32>], vector<16xf32>,
      %parallel_loop3A_287 = arith.constant -1.000000e+01 : f32
      %parallel_loop3A_288 = vector.broadcast %parallel_loop3A_287 : f32 to vector<16xf32>
      %parallel_loop3A_289 = arith.mulf %parallel_loop3A_286, %parallel_loop3A_288 : vector<16xf32>
      %parallel_loop3A_290 = arith.addf %parallel_loop3A_289, %mul3A_128 : vector<16xf32>
      %parallel_loop3A_291 = math.exp %parallel_loop3A_290 : vector<16xf32>
      %parallel_loop3A_292 = arith.constant 1.000000e+00 : f32
      %parallel_loop3A_293 = vector.broadcast %parallel_loop3A_292 : f32 to vector<16xf32>
      %parallel_loop3A_294 = arith.subf %parallel_loop3A_293, %parallel_loop3A_291 : vector<16xf32>
      %parallel_loop3A_295 = arith.constant 2.000000e-01 : f32
      %parallel_loop3A_296 = vector.broadcast %parallel_loop3A_295 : f32 to vector<16xf32>
      %parallel_loop3A_297 = arith.maximumf %parallel_loop3A_294, %parallel_loop3A_296 : vector<16xf32>
      %parallel_loop3A_298 = arith.constant 48 : i32
      %parallel_loop3A_299 = arith.addi %parallel_loop3A_229, %parallel_loop3A_298 : i32
      %parallel_loop3A_300 = arith.index_cast %parallel_loop3A_299 : i32 to index
      %parallel_loop3A_301 = tpu.vector_load %arg10[%parallel_loop3A_300] {strides = array<i32>} : memref<16000xf32, #tpu.memory_space<vmem>>, vector<16xf32>,
      tpu.vector_store %arg10[%parallel_loop3A_300], %parallel_loop3A_297 {strides = array<i32>} : memref<16000xf32, #tpu.memory_space<vmem>>, vector<16xf32>,
      %parallel_loop3A_302 = vector.broadcast %parallel_loop3A_229 : i32 to vector<16xi32>
      %parallel_loop3A_303 = arith.addi %get3A_102, %parallel_loop3A_302 : vector<16xi32>
      %parallel_loop3A_304 = tpu.vector_load_idx %arg8[%parallel_loop3A_303] : memref<16000xf32, #tpu.memory_space<vmem>>[vector<16xi32>], vector<16xf32>,
      %parallel_loop3A_305 = arith.constant -1.000000e+01 : f32
      %parallel_loop3A_306 = vector.broadcast %parallel_loop3A_305 : f32 to vector<16xf32>
      %parallel_loop3A_307 = arith.mulf %parallel_loop3A_304, %parallel_loop3A_306 : vector<16xf32>
      %parallel_loop3A_308 = arith.addf %parallel_loop3A_307, %mul3A_133 : vector<16xf32>
      %parallel_loop3A_309 = math.exp %parallel_loop3A_308 : vector<16xf32>
      %parallel_loop3A_310 = arith.constant 1.000000e+00 : f32
      %parallel_loop3A_311 = vector.broadcast %parallel_loop3A_310 : f32 to vector<16xf32>
      %parallel_loop3A_312 = arith.subf %parallel_loop3A_311, %parallel_loop3A_309 : vector<16xf32>
      %parallel_loop3A_313 = arith.constant 2.000000e-01 : f32
      %parallel_loop3A_314 = vector.broadcast %parallel_loop3A_313 : f32 to vector<16xf32>
      %parallel_loop3A_315 = arith.maximumf %parallel_loop3A_312, %parallel_loop3A_314 : vector<16xf32>
      %parallel_loop3A_316 = arith.constant 64 : i32
      %parallel_loop3A_317 = arith.addi %parallel_loop3A_229, %parallel_loop3A_316 : i32
      %parallel_loop3A_318 = arith.index_cast %parallel_loop3A_317 : i32 to index
      %parallel_loop3A_319 = tpu.vector_load %arg10[%parallel_loop3A_318] {strides = array<i32>} : memref<16000xf32, #tpu.memory_space<vmem>>, vector<16xf32>,
      tpu.vector_store %arg10[%parallel_loop3A_318], %parallel_loop3A_315 {strides = array<i32>} : memref<16000xf32, #tpu.memory_space<vmem>>, vector<16xf32>,
      %parallel_loop3A_320 = vector.broadcast %parallel_loop3A_229 : i32 to vector<16xi32>
      %parallel_loop3A_321 = arith.addi %get3A_104, %parallel_loop3A_320 : vector<16xi32>
      %parallel_loop3A_322 = tpu.vector_load_idx %arg8[%parallel_loop3A_321] : memref<16000xf32, #tpu.memory_space<vmem>>[vector<16xi32>], vector<16xf32>,
      %parallel_loop3A_323 = arith.constant -1.000000e+01 : f32
      %parallel_loop3A_324 = vector.broadcast %parallel_loop3A_323 : f32 to vector<16xf32>
      %parallel_loop3A_325 = arith.mulf %parallel_loop3A_322, %parallel_loop3A_324 : vector<16xf32>
      %parallel_loop3A_326 = arith.addf %parallel_loop3A_325, %mul3A_138 : vector<16xf32>
      %parallel_loop3A_327 = math.exp %parallel_loop3A_326 : vector<16xf32>
      %parallel_loop3A_328 = arith.constant 1.000000e+00 : f32
      %parallel_loop3A_329 = vector.broadcast %parallel_loop3A_328 : f32 to vector<16xf32>
      %parallel_loop3A_330 = arith.subf %parallel_loop3A_329, %parallel_loop3A_327 : vector<16xf32>
      %parallel_loop3A_331 = arith.constant 2.000000e-01 : f32
      %parallel_loop3A_332 = vector.broadcast %parallel_loop3A_331 : f32 to vector<16xf32>
      %parallel_loop3A_333 = arith.maximumf %parallel_loop3A_330, %parallel_loop3A_332 : vector<16xf32>
      %parallel_loop3A_334 = arith.constant 80 : i32
      %parallel_loop3A_335 = arith.addi %parallel_loop3A_229, %parallel_loop3A_334 : i32
      %parallel_loop3A_336 = arith.index_cast %parallel_loop3A_335 : i32 to index
      %parallel_loop3A_337 = tpu.vector_load %arg10[%parallel_loop3A_336] {strides = array<i32>} : memref<16000xf32, #tpu.memory_space<vmem>>, vector<16xf32>,
      tpu.vector_store %arg10[%parallel_loop3A_336], %parallel_loop3A_333 {strides = array<i32>} : memref<16000xf32, #tpu.memory_space<vmem>>, vector<16xf32>,
      %parallel_loop3A_338 = vector.broadcast %parallel_loop3A_229 : i32 to vector<16xi32>
      %parallel_loop3A_339 = arith.addi %get3A_106, %parallel_loop3A_338 : vector<16xi32>
      %parallel_loop3A_340 = tpu.vector_load_idx %arg8[%parallel_loop3A_339] : memref<16000xf32, #tpu.memory_space<vmem>>[vector<16xi32>], vector<16xf32>,
      %parallel_loop3A_341 = arith.constant -1.000000e+01 : f32
      %parallel_loop3A_342 = vector.broadcast %parallel_loop3A_341 : f32 to vector<16xf32>
      %parallel_loop3A_343 = arith.mulf %parallel_loop3A_340, %parallel_loop3A_342 : vector<16xf32>
      %parallel_loop3A_344 = arith.addf %parallel_loop3A_343, %mul3A_143 : vector<16xf32>
      %parallel_loop3A_345 = math.exp %parallel_loop3A_344 : vector<16xf32>
      %parallel_loop3A_346 = arith.constant 1.000000e+00 : f32
      %parallel_loop3A_347 = vector.broadcast %parallel_loop3A_346 : f32 to vector<16xf32>
      %parallel_loop3A_348 = arith.subf %parallel_loop3A_347, %parallel_loop3A_345 : vector<16xf32>
      %parallel_loop3A_349 = arith.constant 2.000000e-01 : f32
      %parallel_loop3A_350 = vector.broadcast %parallel_loop3A_349 : f32 to vector<16xf32>
      %parallel_loop3A_351 = arith.maximumf %parallel_loop3A_348, %parallel_loop3A_350 : vector<16xf32>
      %parallel_loop3A_352 = arith.constant 96 : i32
      %parallel_loop3A_353 = arith.addi %parallel_loop3A_229, %parallel_loop3A_352 : i32
      %parallel_loop3A_354 = arith.index_cast %parallel_loop3A_353 : i32 to index
      %parallel_loop3A_355 = tpu.vector_load %arg10[%parallel_loop3A_354] {strides = array<i32>} : memref<16000xf32, #tpu.memory_space<vmem>>, vector<16xf32>,
      tpu.vector_store %arg10[%parallel_loop3A_354], %parallel_loop3A_351 {strides = array<i32>} : memref<16000xf32, #tpu.memory_space<vmem>>, vector<16xf32>,
      %parallel_loop3A_356 = vector.broadcast %parallel_loop3A_229 : i32 to vector<16xi32>
      %parallel_loop3A_357 = arith.addi %get3A_108, %parallel_loop3A_356 : vector<16xi32>
      %parallel_loop3A_358 = tpu.vector_load_idx %arg8[%parallel_loop3A_357] : memref<16000xf32, #tpu.memory_space<vmem>>[vector<16xi32>], vector<16xf32>,
      %parallel_loop3A_359 = arith.constant -1.000000e+01 : f32
      %parallel_loop3A_360 = vector.broadcast %parallel_loop3A_359 : f32 to vector<16xf32>
      %parallel_loop3A_361 = arith.mulf %parallel_loop3A_358, %parallel_loop3A_360 : vector<16xf32>
      %parallel_loop3A_362 = arith.addf %parallel_loop3A_361, %mul3A_148 : vector<16xf32>
      %parallel_loop3A_363 = math.exp %parallel_loop3A_362 : vector<16xf32>
      %parallel_loop3A_364 = arith.constant 1.000000e+00 : f32
      %parallel_loop3A_365 = vector.broadcast %parallel_loop3A_364 : f32 to vector<16xf32>
      %parallel_loop3A_366 = arith.subf %parallel_loop3A_365, %parallel_loop3A_363 : vector<16xf32>
      %parallel_loop3A_367 = arith.constant 2.000000e-01 : f32
      %parallel_loop3A_368 = vector.broadcast %parallel_loop3A_367 : f32 to vector<16xf32>
      %parallel_loop3A_369 = arith.maximumf %parallel_loop3A_366, %parallel_loop3A_368 : vector<16xf32>
      %parallel_loop3A_370 = arith.constant 112 : i32
      %parallel_loop3A_371 = arith.addi %parallel_loop3A_229, %parallel_loop3A_370 : i32
      %parallel_loop3A_372 = arith.index_cast %parallel_loop3A_371 : i32 to index
      %parallel_loop3A_373 = tpu.vector_load %arg10[%parallel_loop3A_372] {strides = array<i32>} : memref<16000xf32, #tpu.memory_space<vmem>>, vector<16xf32>,
      tpu.vector_store %arg10[%parallel_loop3A_372], %parallel_loop3A_369 {strides = array<i32>} : memref<16000xf32, #tpu.memory_space<vmem>>, vector<16xf32>,
    } {sc.loop_unroll_factor = 4 : i64, sc.parallel_access}
    %add3A_183 = arith.constant 125 : i32
    %add3A_184 = arith.addi %mul3A_2, %add3A_183 : i32
    %mul3A_185 = arith.constant 128 : i32
    %mul3A_186 = arith.muli %add3A_184, %mul3A_185 : i32
    %dma_start3A_187 = tpu.memref_slice %arg6[%mul3A_186] : memref<12800000xf32, #tpu.memory_space<hbm>> -> memref<16000xf32, #tpu.memory_space<hbm>>
    %dma_start3A_188 = tpu.memref_slice %arg6[%mul3A_186] : memref<12800000xf32, #tpu.memory_space<hbm>> -> memref<16000xf32, #tpu.memory_space<hbm>>
    tpu.enqueue_dma source(%arg10 : memref<16000xf32, #tpu.memory_space<vmem>>) target(%dma_start3A_188 : memref<16000xf32, #tpu.memory_space<hbm>>) target_semaphore(%arg18 : memref<!tpu.dma_semaphore, #tpu.memory_space<semaphore_mem>>)
    %scan3A = arith.constant 0 : i32
    %scan3A_189 = arith.constant 1 : i32
    %scan3A_190 = arith.constant 11 : i32
    %scan3A_191 = arith.addi %scan3A_189, %scan3A_190 : i32
    %scan3A_192 = arith.constant 1 : i32
    scf.for %scan3A_227 = %scan3A_189 to %scan3A_191 step %scan3A_192  : i32 {
      %mul3A_228 = arith.constant 2 : i32
      %mul3A_229 = arith.muli %mul3A_228, %scan3A_227 : i32
      %add3A_230 = arith.constant 1 : i32
      %add3A_231 = arith.addi %mul3A_229, %add3A_230 : i32
      %mul3A_232 = arith.constant 125 : i32
      %mul3A_233 = arith.muli %add3A_231, %mul3A_232 : i32
      %add3A_234 = arith.addi %mul3A_2, %mul3A_233 : i32
      %mul3A_235 = arith.constant 128 : i32
      %mul3A_236 = arith.muli %add3A_234, %mul3A_235 : i32
      %dma_start3A_237 = tpu.memref_slice %arg2[%mul3A_236] : memref<12800000xf32, #tpu.memory_space<hbm>> -> memref<16000xf32, #tpu.memory_space<hbm>>
      %dma_start3A_238 = tpu.memref_slice %arg2[%mul3A_236] : memref<12800000xf32, #tpu.memory_space<hbm>> -> memref<16000xf32, #tpu.memory_space<hbm>>
      tpu.enqueue_dma source(%dma_start3A_238 : memref<16000xf32, #tpu.memory_space<hbm>>) target(%arg8 : memref<16000xf32, #tpu.memory_space<vmem>>) target_semaphore(%arg16 : memref<!tpu.dma_semaphore, #tpu.memory_space<semaphore_mem>>)
      %mul3A_239 = arith.constant 125 : i32
      %mul3A_240 = arith.muli %mul3A_229, %mul3A_239 : i32
      %add3A_241 = arith.addi %mul3A_2, %mul3A_240 : i32
      %mul3A_242 = arith.constant 128 : i32
      %mul3A_243 = arith.muli %add3A_241, %mul3A_242 : i32
      %dma_wait3A_244 = tpu.memref_slice %arg2[%mul3A_243] : memref<12800000xf32, #tpu.memory_space<hbm>> -> memref<16000xf32, #tpu.memory_space<hbm>>
      %dma_wait3A_245 = tpu.memref_slice %arg2[%mul3A_243] : memref<12800000xf32, #tpu.memory_space<hbm>> -> memref<16000xf32, #tpu.memory_space<hbm>>
      tpu.wait_dma2 semaphore(%arg15 : memref<!tpu.dma_semaphore, #tpu.memory_space<semaphore_mem>>) src(%dma_wait3A_245 : memref<16000xf32, #tpu.memory_space<hbm>>) dst(%arg7 : memref<16000xf32, #tpu.memory_space<vmem>>)
      %sub3A = arith.constant 2 : i32
      %sub3A_246 = arith.subi %mul3A_229, %sub3A : i32
      %mul3A_247 = arith.constant 125 : i32
      %mul3A_248 = arith.muli %sub3A_246, %mul3A_247 : i32
      %add3A_249 = arith.addi %mul3A_2, %mul3A_248 : i32
      %mul3A_250 = arith.constant 128 : i32
      %mul3A_251 = arith.muli %add3A_249, %mul3A_250 : i32
      %dma_wait3A_252 = tpu.memref_slice %arg6[%mul3A_251] : memref<12800000xf32, #tpu.memory_space<hbm>> -> memref<16000xf32, #tpu.memory_space<hbm>>
      %dma_wait3A_253 = tpu.memref_slice %arg6[%mul3A_251] : memref<12800000xf32, #tpu.memory_space<hbm>> -> memref<16000xf32, #tpu.memory_space<hbm>>
      tpu.wait_dma2 semaphore(%arg17 : memref<!tpu.dma_semaphore, #tpu.memory_space<semaphore_mem>>) src(%arg9 : memref<16000xf32, #tpu.memory_space<vmem>>) dst(%dma_wait3A_253 : memref<16000xf32, #tpu.memory_space<hbm>>)
      %parallel_loop3A_254 = arith.constant 0 : i32
      %parallel_loop3A_255 = arith.constant 125 : i32
      %parallel_loop3A_256 = arith.constant 1 : i32
      scf.for %parallel_loop3A_299 = %parallel_loop3A_254 to %parallel_loop3A_255 step %parallel_loop3A_256  : i32 {
        %parallel_loop3A_300 = arith.constant 128 : i32
        %parallel_loop3A_301 = arith.muli %parallel_loop3A_299, %parallel_loop3A_300 : i32
        %parallel_loop3A_302 = vector.broadcast %parallel_loop3A_301 : i32 to vector<16xi32>
        %parallel_loop3A_303 = arith.addi %get3A_94, %parallel_loop3A_302 : vector<16xi32>
        %parallel_loop3A_304 = tpu.vector_load_idx %arg7[%parallel_loop3A_303] : memref<16000xf32, #tpu.memory_space<vmem>>[vector<16xi32>], vector<16xf32>,
        %parallel_loop3A_305 = arith.constant -1.000000e+01 : f32
        %parallel_loop3A_306 = vector.broadcast %parallel_loop3A_305 : f32 to vector<16xf32>
        %parallel_loop3A_307 = arith.mulf %parallel_loop3A_304, %parallel_loop3A_306 : vector<16xf32>
        %parallel_loop3A_308 = arith.addf %parallel_loop3A_307, %mul3A_113 : vector<16xf32>
        %parallel_loop3A_309 = math.exp %parallel_loop3A_308 : vector<16xf32>
        %parallel_loop3A_310 = arith.constant 1.000000e+00 : f32
        %parallel_loop3A_311 = vector.broadcast %parallel_loop3A_310 : f32 to vector<16xf32>
        %parallel_loop3A_312 = arith.subf %parallel_loop3A_311, %parallel_loop3A_309 : vector<16xf32>
        %parallel_loop3A_313 = arith.constant 2.000000e-01 : f32
        %parallel_loop3A_314 = vector.broadcast %parallel_loop3A_313 : f32 to vector<16xf32>
        %parallel_loop3A_315 = arith.maximumf %parallel_loop3A_312, %parallel_loop3A_314 : vector<16xf32>
        %parallel_loop3A_316 = arith.constant 0 : i32
        %parallel_loop3A_317 = arith.addi %parallel_loop3A_301, %parallel_loop3A_316 : i32
        %parallel_loop3A_318 = arith.index_cast %parallel_loop3A_317 : i32 to index
        %parallel_loop3A_319 = tpu.vector_load %arg9[%parallel_loop3A_318] {strides = array<i32>} : memref<16000xf32, #tpu.memory_space<vmem>>, vector<16xf32>,
        tpu.vector_store %arg9[%parallel_loop3A_318], %parallel_loop3A_315 {strides = array<i32>} : memref<16000xf32, #tpu.memory_space<vmem>>, vector<16xf32>,
        %parallel_loop3A_320 = vector.broadcast %parallel_loop3A_301 : i32 to vector<16xi32>
        %parallel_loop3A_321 = arith.addi %get3A_96, %parallel_loop3A_320 : vector<16xi32>
        %parallel_loop3A_322 = tpu.vector_load_idx %arg7[%parallel_loop3A_321] : memref<16000xf32, #tpu.memory_space<vmem>>[vector<16xi32>], vector<16xf32>,
        %parallel_loop3A_323 = arith.constant -1.000000e+01 : f32
        %parallel_loop3A_324 = vector.broadcast %parallel_loop3A_323 : f32 to vector<16xf32>
        %parallel_loop3A_325 = arith.mulf %parallel_loop3A_322, %parallel_loop3A_324 : vector<16xf32>
        %parallel_loop3A_326 = arith.addf %parallel_loop3A_325, %mul3A_118 : vector<16xf32>
        %parallel_loop3A_327 = math.exp %parallel_loop3A_326 : vector<16xf32>
        %parallel_loop3A_328 = arith.constant 1.000000e+00 : f32
        %parallel_loop3A_329 = vector.broadcast %parallel_loop3A_328 : f32 to vector<16xf32>
        %parallel_loop3A_330 = arith.subf %parallel_loop3A_329, %parallel_loop3A_327 : vector<16xf32>
        %parallel_loop3A_331 = arith.constant 2.000000e-01 : f32
        %parallel_loop3A_332 = vector.broadcast %parallel_loop3A_331 : f32 to vector<16xf32>
        %parallel_loop3A_333 = arith.maximumf %parallel_loop3A_330, %parallel_loop3A_332 : vector<16xf32>
        %parallel_loop3A_334 = arith.constant 16 : i32
        %parallel_loop3A_335 = arith.addi %parallel_loop3A_301, %parallel_loop3A_334 : i32
        %parallel_loop3A_336 = arith.index_cast %parallel_loop3A_335 : i32 to index
        %parallel_loop3A_337 = tpu.vector_load %arg9[%parallel_loop3A_336] {strides = array<i32>} : memref<16000xf32, #tpu.memory_space<vmem>>, vector<16xf32>,
        tpu.vector_store %arg9[%parallel_loop3A_336], %parallel_loop3A_333 {strides = array<i32>} : memref<16000xf32, #tpu.memory_space<vmem>>, vector<16xf32>,
        %parallel_loop3A_338 = vector.broadcast %parallel_loop3A_301 : i32 to vector<16xi32>
        %parallel_loop3A_339 = arith.addi %get3A_98, %parallel_loop3A_338 : vector<16xi32>
        %parallel_loop3A_340 = tpu.vector_load_idx %arg7[%parallel_loop3A_339] : memref<16000xf32, #tpu.memory_space<vmem>>[vector<16xi32>], vector<16xf32>,
        %parallel_loop3A_341 = arith.constant -1.000000e+01 : f32
        %parallel_loop3A_342 = vector.broadcast %parallel_loop3A_341 : f32 to vector<16xf32>
        %parallel_loop3A_343 = arith.mulf %parallel_loop3A_340, %parallel_loop3A_342 : vector<16xf32>
        %parallel_loop3A_344 = arith.addf %parallel_loop3A_343, %mul3A_123 : vector<16xf32>
        %parallel_loop3A_345 = math.exp %parallel_loop3A_344 : vector<16xf32>
        %parallel_loop3A_346 = arith.constant 1.000000e+00 : f32
        %parallel_loop3A_347 = vector.broadcast %parallel_loop3A_346 : f32 to vector<16xf32>
        %parallel_loop3A_348 = arith.subf %parallel_loop3A_347, %parallel_loop3A_345 : vector<16xf32>
        %parallel_loop3A_349 = arith.constant 2.000000e-01 : f32
        %parallel_loop3A_350 = vector.broadcast %parallel_loop3A_349 : f32 to vector<16xf32>
        %parallel_loop3A_351 = arith.maximumf %parallel_loop3A_348, %parallel_loop3A_350 : vector<16xf32>
        %parallel_loop3A_352 = arith.constant 32 : i32
        %parallel_loop3A_353 = arith.addi %parallel_loop3A_301, %parallel_loop3A_352 : i32
        %parallel_loop3A_354 = arith.index_cast %parallel_loop3A_353 : i32 to index
        %parallel_loop3A_355 = tpu.vector_load %arg9[%parallel_loop3A_354] {strides = array<i32>} : memref<16000xf32, #tpu.memory_space<vmem>>, vector<16xf32>,
        tpu.vector_store %arg9[%parallel_loop3A_354], %parallel_loop3A_351 {strides = array<i32>} : memref<16000xf32, #tpu.memory_space<vmem>>, vector<16xf32>,
        %parallel_loop3A_356 = vector.broadcast %parallel_loop3A_301 : i32 to vector<16xi32>
        %parallel_loop3A_357 = arith.addi %get3A_100, %parallel_loop3A_356 : vector<16xi32>
        %parallel_loop3A_358 = tpu.vector_load_idx %arg7[%parallel_loop3A_357] : memref<16000xf32, #tpu.memory_space<vmem>>[vector<16xi32>], vector<16xf32>,
        %parallel_loop3A_359 = arith.constant -1.000000e+01 : f32
        %parallel_loop3A_360 = vector.broadcast %parallel_loop3A_359 : f32 to vector<16xf32>
        %parallel_loop3A_361 = arith.mulf %parallel_loop3A_358, %parallel_loop3A_360 : vector<16xf32>
        %parallel_loop3A_362 = arith.addf %parallel_loop3A_361, %mul3A_128 : vector<16xf32>
        %parallel_loop3A_363 = math.exp %parallel_loop3A_362 : vector<16xf32>
        %parallel_loop3A_364 = arith.constant 1.000000e+00 : f32
        %parallel_loop3A_365 = vector.broadcast %parallel_loop3A_364 : f32 to vector<16xf32>
        %parallel_loop3A_366 = arith.subf %parallel_loop3A_365, %parallel_loop3A_363 : vector<16xf32>
        %parallel_loop3A_367 = arith.constant 2.000000e-01 : f32
        %parallel_loop3A_368 = vector.broadcast %parallel_loop3A_367 : f32 to vector<16xf32>
        %parallel_loop3A_369 = arith.maximumf %parallel_loop3A_366, %parallel_loop3A_368 : vector<16xf32>
        %parallel_loop3A_370 = arith.constant 48 : i32
        %parallel_loop3A_371 = arith.addi %parallel_loop3A_301, %parallel_loop3A_370 : i32
        %parallel_loop3A_372 = arith.index_cast %parallel_loop3A_371 : i32 to index
        %parallel_loop3A_373 = tpu.vector_load %arg9[%parallel_loop3A_372] {strides = array<i32>} : memref<16000xf32, #tpu.memory_space<vmem>>, vector<16xf32>,
        tpu.vector_store %arg9[%parallel_loop3A_372], %parallel_loop3A_369 {strides = array<i32>} : memref<16000xf32, #tpu.memory_space<vmem>>, vector<16xf32>,
        %parallel_loop3A_374 = vector.broadcast %parallel_loop3A_301 : i32 to vector<16xi32>
        %parallel_loop3A_375 = arith.addi %get3A_102, %parallel_loop3A_374 : vector<16xi32>
        %parallel_loop3A_376 = tpu.vector_load_idx %arg7[%parallel_loop3A_375] : memref<16000xf32, #tpu.memory_space<vmem>>[vector<16xi32>], vector<16xf32>,
        %parallel_loop3A_377 = arith.constant -1.000000e+01 : f32
        %parallel_loop3A_378 = vector.broadcast %parallel_loop3A_377 : f32 to vector<16xf32>
        %parallel_loop3A_379 = arith.mulf %parallel_loop3A_376, %parallel_loop3A_378 : vector<16xf32>
        %parallel_loop3A_380 = arith.addf %parallel_loop3A_379, %mul3A_133 : vector<16xf32>
        %parallel_loop3A_381 = math.exp %parallel_loop3A_380 : vector<16xf32>
        %parallel_loop3A_382 = arith.constant 1.000000e+00 : f32
        %parallel_loop3A_383 = vector.broadcast %parallel_loop3A_382 : f32 to vector<16xf32>
        %parallel_loop3A_384 = arith.subf %parallel_loop3A_383, %parallel_loop3A_381 : vector<16xf32>
        %parallel_loop3A_385 = arith.constant 2.000000e-01 : f32
        %parallel_loop3A_386 = vector.broadcast %parallel_loop3A_385 : f32 to vector<16xf32>
        %parallel_loop3A_387 = arith.maximumf %parallel_loop3A_384, %parallel_loop3A_386 : vector<16xf32>
        %parallel_loop3A_388 = arith.constant 64 : i32
        %parallel_loop3A_389 = arith.addi %parallel_loop3A_301, %parallel_loop3A_388 : i32
        %parallel_loop3A_390 = arith.index_cast %parallel_loop3A_389 : i32 to index
        %parallel_loop3A_391 = tpu.vector_load %arg9[%parallel_loop3A_390] {strides = array<i32>} : memref<16000xf32, #tpu.memory_space<vmem>>, vector<16xf32>,
        tpu.vector_store %arg9[%parallel_loop3A_390], %parallel_loop3A_387 {strides = array<i32>} : memref<16000xf32, #tpu.memory_space<vmem>>, vector<16xf32>,
        %parallel_loop3A_392 = vector.broadcast %parallel_loop3A_301 : i32 to vector<16xi32>
        %parallel_loop3A_393 = arith.addi %get3A_104, %parallel_loop3A_392 : vector<16xi32>
        %parallel_loop3A_394 = tpu.vector_load_idx %arg7[%parallel_loop3A_393] : memref<16000xf32, #tpu.memory_space<vmem>>[vector<16xi32>], vector<16xf32>,
        %parallel_loop3A_395 = arith.constant -1.000000e+01 : f32
        %parallel_loop3A_396 = vector.broadcast %parallel_loop3A_395 : f32 to vector<16xf32>
        %parallel_loop3A_397 = arith.mulf %parallel_loop3A_394, %parallel_loop3A_396 : vector<16xf32>
        %parallel_loop3A_398 = arith.addf %parallel_loop3A_397, %mul3A_138 : vector<16xf32>
        %parallel_loop3A_399 = math.exp %parallel_loop3A_398 : vector<16xf32>
        %parallel_loop3A_400 = arith.constant 1.000000e+00 : f32
        %parallel_loop3A_401 = vector.broadcast %parallel_loop3A_400 : f32 to vector<16xf32>
        %parallel_loop3A_402 = arith.subf %parallel_loop3A_401, %parallel_loop3A_399 : vector<16xf32>
        %parallel_loop3A_403 = arith.constant 2.000000e-01 : f32
        %parallel_loop3A_404 = vector.broadcast %parallel_loop3A_403 : f32 to vector<16xf32>
        %parallel_loop3A_405 = arith.maximumf %parallel_loop3A_402, %parallel_loop3A_404 : vector<16xf32>
        %parallel_loop3A_406 = arith.constant 80 : i32
        %parallel_loop3A_407 = arith.addi %parallel_loop3A_301, %parallel_loop3A_406 : i32
        %parallel_loop3A_408 = arith.index_cast %parallel_loop3A_407 : i32 to index
        %parallel_loop3A_409 = tpu.vector_load %arg9[%parallel_loop3A_408] {strides = array<i32>} : memref<16000xf32, #tpu.memory_space<vmem>>, vector<16xf32>,
        tpu.vector_store %arg9[%parallel_loop3A_408], %parallel_loop3A_405 {strides = array<i32>} : memref<16000xf32, #tpu.memory_space<vmem>>, vector<16xf32>,
        %parallel_loop3A_410 = vector.broadcast %parallel_loop3A_301 : i32 to vector<16xi32>
        %parallel_loop3A_411 = arith.addi %get3A_106, %parallel_loop3A_410 : vector<16xi32>
        %parallel_loop3A_412 = tpu.vector_load_idx %arg7[%parallel_loop3A_411] : memref<16000xf32, #tpu.memory_space<vmem>>[vector<16xi32>], vector<16xf32>,
        %parallel_loop3A_413 = arith.constant -1.000000e+01 : f32
        %parallel_loop3A_414 = vector.broadcast %parallel_loop3A_413 : f32 to vector<16xf32>
        %parallel_loop3A_415 = arith.mulf %parallel_loop3A_412, %parallel_loop3A_414 : vector<16xf32>
        %parallel_loop3A_416 = arith.addf %parallel_loop3A_415, %mul3A_143 : vector<16xf32>
        %parallel_loop3A_417 = math.exp %parallel_loop3A_416 : vector<16xf32>
        %parallel_loop3A_418 = arith.constant 1.000000e+00 : f32
        %parallel_loop3A_419 = vector.broadcast %parallel_loop3A_418 : f32 to vector<16xf32>
        %parallel_loop3A_420 = arith.subf %parallel_loop3A_419, %parallel_loop3A_417 : vector<16xf32>
        %parallel_loop3A_421 = arith.constant 2.000000e-01 : f32
        %parallel_loop3A_422 = vector.broadcast %parallel_loop3A_421 : f32 to vector<16xf32>
        %parallel_loop3A_423 = arith.maximumf %parallel_loop3A_420, %parallel_loop3A_422 : vector<16xf32>
        %parallel_loop3A_424 = arith.constant 96 : i32
        %parallel_loop3A_425 = arith.addi %parallel_loop3A_301, %parallel_loop3A_424 : i32
        %parallel_loop3A_426 = arith.index_cast %parallel_loop3A_425 : i32 to index
        %parallel_loop3A_427 = tpu.vector_load %arg9[%parallel_loop3A_426] {strides = array<i32>} : memref<16000xf32, #tpu.memory_space<vmem>>, vector<16xf32>,
        tpu.vector_store %arg9[%parallel_loop3A_426], %parallel_loop3A_423 {strides = array<i32>} : memref<16000xf32, #tpu.memory_space<vmem>>, vector<16xf32>,
        %parallel_loop3A_428 = vector.broadcast %parallel_loop3A_301 : i32 to vector<16xi32>
        %parallel_loop3A_429 = arith.addi %get3A_108, %parallel_loop3A_428 : vector<16xi32>
        %parallel_loop3A_430 = tpu.vector_load_idx %arg7[%parallel_loop3A_429] : memref<16000xf32, #tpu.memory_space<vmem>>[vector<16xi32>], vector<16xf32>,
        %parallel_loop3A_431 = arith.constant -1.000000e+01 : f32
        %parallel_loop3A_432 = vector.broadcast %parallel_loop3A_431 : f32 to vector<16xf32>
        %parallel_loop3A_433 = arith.mulf %parallel_loop3A_430, %parallel_loop3A_432 : vector<16xf32>
        %parallel_loop3A_434 = arith.addf %parallel_loop3A_433, %mul3A_148 : vector<16xf32>
        %parallel_loop3A_435 = math.exp %parallel_loop3A_434 : vector<16xf32>
        %parallel_loop3A_436 = arith.constant 1.000000e+00 : f32
        %parallel_loop3A_437 = vector.broadcast %parallel_loop3A_436 : f32 to vector<16xf32>
        %parallel_loop3A_438 = arith.subf %parallel_loop3A_437, %parallel_loop3A_435 : vector<16xf32>
        %parallel_loop3A_439 = arith.constant 2.000000e-01 : f32
        %parallel_loop3A_440 = vector.broadcast %parallel_loop3A_439 : f32 to vector<16xf32>
        %parallel_loop3A_441 = arith.maximumf %parallel_loop3A_438, %parallel_loop3A_440 : vector<16xf32>
        %parallel_loop3A_442 = arith.constant 112 : i32
        %parallel_loop3A_443 = arith.addi %parallel_loop3A_301, %parallel_loop3A_442 : i32
        %parallel_loop3A_444 = arith.index_cast %parallel_loop3A_443 : i32 to index
        %parallel_loop3A_445 = tpu.vector_load %arg9[%parallel_loop3A_444] {strides = array<i32>} : memref<16000xf32, #tpu.memory_space<vmem>>, vector<16xf32>,
        tpu.vector_store %arg9[%parallel_loop3A_444], %parallel_loop3A_441 {strides = array<i32>} : memref<16000xf32, #tpu.memory_space<vmem>>, vector<16xf32>,
      } {sc.loop_unroll_factor = 4 : i64, sc.parallel_access}
      %mul3A_257 = arith.constant 125 : i32
      %mul3A_258 = arith.muli %mul3A_229, %mul3A_257 : i32
      %add3A_259 = arith.addi %mul3A_2, %mul3A_258 : i32
      %mul3A_260 = arith.constant 128 : i32
      %mul3A_261 = arith.muli %add3A_259, %mul3A_260 : i32
      %dma_start3A_262 = tpu.memref_slice %arg6[%mul3A_261] : memref<12800000xf32, #tpu.memory_space<hbm>> -> memref<16000xf32, #tpu.memory_space<hbm>>
      %dma_start3A_263 = tpu.memref_slice %arg6[%mul3A_261] : memref<12800000xf32, #tpu.memory_space<hbm>> -> memref<16000xf32, #tpu.memory_space<hbm>>
      tpu.enqueue_dma source(%arg9 : memref<16000xf32, #tpu.memory_space<vmem>>) target(%dma_start3A_263 : memref<16000xf32, #tpu.memory_space<hbm>>) target_semaphore(%arg17 : memref<!tpu.dma_semaphore, #tpu.memory_space<semaphore_mem>>)
      %add3A_264 = arith.constant 2 : i32
      %add3A_265 = arith.addi %mul3A_229, %add3A_264 : i32
      %mul3A_266 = arith.constant 125 : i32
      %mul3A_267 = arith.muli %add3A_265, %mul3A_266 : i32
      %add3A_268 = arith.addi %mul3A_2, %mul3A_267 : i32
      %mul3A_269 = arith.constant 128 : i32
      %mul3A_270 = arith.muli %add3A_268, %mul3A_269 : i32
      %dma_start3A_271 = tpu.memref_slice %arg2[%mul3A_270] : memref<12800000xf32, #tpu.memory_space<hbm>> -> memref<16000xf32, #tpu.memory_space<hbm>>
      %dma_start3A_272 = tpu.memref_slice %arg2[%mul3A_270] : memref<12800000xf32, #tpu.memory_space<hbm>> -> memref<16000xf32, #tpu.memory_space<hbm>>
      tpu.enqueue_dma source(%dma_start3A_272 : memref<16000xf32, #tpu.memory_space<hbm>>) target(%arg7 : memref<16000xf32, #tpu.memory_space<vmem>>) target_semaphore(%arg15 : memref<!tpu.dma_semaphore, #tpu.memory_space<semaphore_mem>>)
      %mul3A_273 = arith.constant 125 : i32
      %mul3A_274 = arith.muli %add3A_231, %mul3A_273 : i32
      %add3A_275 = arith.addi %mul3A_2, %mul3A_274 : i32
      %mul3A_276 = arith.constant 128 : i32
      %mul3A_277 = arith.muli %add3A_275, %mul3A_276 : i32
      %dma_wait3A_278 = tpu.memref_slice %arg2[%mul3A_277] : memref<12800000xf32, #tpu.memory_space<hbm>> -> memref<16000xf32, #tpu.memory_space<hbm>>
      %dma_wait3A_279 = tpu.memref_slice %arg2[%mul3A_277] : memref<12800000xf32, #tpu.memory_space<hbm>> -> memref<16000xf32, #tpu.memory_space<hbm>>
      tpu.wait_dma2 semaphore(%arg16 : memref<!tpu.dma_semaphore, #tpu.memory_space<semaphore_mem>>) src(%dma_wait3A_279 : memref<16000xf32, #tpu.memory_space<hbm>>) dst(%arg8 : memref<16000xf32, #tpu.memory_space<vmem>>)
      %sub3A_280 = arith.constant 2 : i32
      %sub3A_281 = arith.subi %add3A_231, %sub3A_280 : i32
      %mul3A_282 = arith.constant 125 : i32
      %mul3A_283 = arith.muli %sub3A_281, %mul3A_282 : i32
      %add3A_284 = arith.addi %mul3A_2, %mul3A_283 : i32
      %mul3A_285 = arith.constant 128 : i32
      %mul3A_286 = arith.muli %add3A_284, %mul3A_285 : i32
      %dma_wait3A_287 = tpu.memref_slice %arg6[%mul3A_286] : memref<12800000xf32, #tpu.memory_space<hbm>> -> memref<16000xf32, #tpu.memory_space<hbm>>
      %dma_wait3A_288 = tpu.memref_slice %arg6[%mul3A_286] : memref<12800000xf32, #tpu.memory_space<hbm>> -> memref<16000xf32, #tpu.memory_space<hbm>>
      tpu.wait_dma2 semaphore(%arg18 : memref<!tpu.dma_semaphore, #tpu.memory_space<semaphore_mem>>) src(%arg10 : memref<16000xf32, #tpu.memory_space<vmem>>) dst(%dma_wait3A_288 : memref<16000xf32, #tpu.memory_space<hbm>>)
      %parallel_loop3A_289 = arith.constant 0 : i32
      %parallel_loop3A_290 = arith.constant 125 : i32
      %parallel_loop3A_291 = arith.constant 1 : i32
      scf.for %parallel_loop3A_299 = %parallel_loop3A_289 to %parallel_loop3A_290 step %parallel_loop3A_291  : i32 {
        %parallel_loop3A_300 = arith.constant 128 : i32
        %parallel_loop3A_301 = arith.muli %parallel_loop3A_299, %parallel_loop3A_300 : i32
        %parallel_loop3A_302 = vector.broadcast %parallel_loop3A_301 : i32 to vector<16xi32>
        %parallel_loop3A_303 = arith.addi %get3A_94, %parallel_loop3A_302 : vector<16xi32>
        %parallel_loop3A_304 = tpu.vector_load_idx %arg8[%parallel_loop3A_303] : memref<16000xf32, #tpu.memory_space<vmem>>[vector<16xi32>], vector<16xf32>,
        %parallel_loop3A_305 = arith.constant -1.000000e+01 : f32
        %parallel_loop3A_306 = vector.broadcast %parallel_loop3A_305 : f32 to vector<16xf32>
        %parallel_loop3A_307 = arith.mulf %parallel_loop3A_304, %parallel_loop3A_306 : vector<16xf32>
        %parallel_loop3A_308 = arith.addf %parallel_loop3A_307, %mul3A_113 : vector<16xf32>
        %parallel_loop3A_309 = math.exp %parallel_loop3A_308 : vector<16xf32>
        %parallel_loop3A_310 = arith.constant 1.000000e+00 : f32
        %parallel_loop3A_311 = vector.broadcast %parallel_loop3A_310 : f32 to vector<16xf32>
        %parallel_loop3A_312 = arith.subf %parallel_loop3A_311, %parallel_loop3A_309 : vector<16xf32>
        %parallel_loop3A_313 = arith.constant 2.000000e-01 : f32
        %parallel_loop3A_314 = vector.broadcast %parallel_loop3A_313 : f32 to vector<16xf32>
        %parallel_loop3A_315 = arith.maximumf %parallel_loop3A_312, %parallel_loop3A_314 : vector<16xf32>
        %parallel_loop3A_316 = arith.constant 0 : i32
        %parallel_loop3A_317 = arith.addi %parallel_loop3A_301, %parallel_loop3A_316 : i32
        %parallel_loop3A_318 = arith.index_cast %parallel_loop3A_317 : i32 to index
        %parallel_loop3A_319 = tpu.vector_load %arg10[%parallel_loop3A_318] {strides = array<i32>} : memref<16000xf32, #tpu.memory_space<vmem>>, vector<16xf32>,
        tpu.vector_store %arg10[%parallel_loop3A_318], %parallel_loop3A_315 {strides = array<i32>} : memref<16000xf32, #tpu.memory_space<vmem>>, vector<16xf32>,
        %parallel_loop3A_320 = vector.broadcast %parallel_loop3A_301 : i32 to vector<16xi32>
        %parallel_loop3A_321 = arith.addi %get3A_96, %parallel_loop3A_320 : vector<16xi32>
        %parallel_loop3A_322 = tpu.vector_load_idx %arg8[%parallel_loop3A_321] : memref<16000xf32, #tpu.memory_space<vmem>>[vector<16xi32>], vector<16xf32>,
        %parallel_loop3A_323 = arith.constant -1.000000e+01 : f32
        %parallel_loop3A_324 = vector.broadcast %parallel_loop3A_323 : f32 to vector<16xf32>
        %parallel_loop3A_325 = arith.mulf %parallel_loop3A_322, %parallel_loop3A_324 : vector<16xf32>
        %parallel_loop3A_326 = arith.addf %parallel_loop3A_325, %mul3A_118 : vector<16xf32>
        %parallel_loop3A_327 = math.exp %parallel_loop3A_326 : vector<16xf32>
        %parallel_loop3A_328 = arith.constant 1.000000e+00 : f32
        %parallel_loop3A_329 = vector.broadcast %parallel_loop3A_328 : f32 to vector<16xf32>
        %parallel_loop3A_330 = arith.subf %parallel_loop3A_329, %parallel_loop3A_327 : vector<16xf32>
        %parallel_loop3A_331 = arith.constant 2.000000e-01 : f32
        %parallel_loop3A_332 = vector.broadcast %parallel_loop3A_331 : f32 to vector<16xf32>
        %parallel_loop3A_333 = arith.maximumf %parallel_loop3A_330, %parallel_loop3A_332 : vector<16xf32>
        %parallel_loop3A_334 = arith.constant 16 : i32
        %parallel_loop3A_335 = arith.addi %parallel_loop3A_301, %parallel_loop3A_334 : i32
        %parallel_loop3A_336 = arith.index_cast %parallel_loop3A_335 : i32 to index
        %parallel_loop3A_337 = tpu.vector_load %arg10[%parallel_loop3A_336] {strides = array<i32>} : memref<16000xf32, #tpu.memory_space<vmem>>, vector<16xf32>,
        tpu.vector_store %arg10[%parallel_loop3A_336], %parallel_loop3A_333 {strides = array<i32>} : memref<16000xf32, #tpu.memory_space<vmem>>, vector<16xf32>,
        %parallel_loop3A_338 = vector.broadcast %parallel_loop3A_301 : i32 to vector<16xi32>
        %parallel_loop3A_339 = arith.addi %get3A_98, %parallel_loop3A_338 : vector<16xi32>
        %parallel_loop3A_340 = tpu.vector_load_idx %arg8[%parallel_loop3A_339] : memref<16000xf32, #tpu.memory_space<vmem>>[vector<16xi32>], vector<16xf32>,
        %parallel_loop3A_341 = arith.constant -1.000000e+01 : f32
        %parallel_loop3A_342 = vector.broadcast %parallel_loop3A_341 : f32 to vector<16xf32>
        %parallel_loop3A_343 = arith.mulf %parallel_loop3A_340, %parallel_loop3A_342 : vector<16xf32>
        %parallel_loop3A_344 = arith.addf %parallel_loop3A_343, %mul3A_123 : vector<16xf32>
        %parallel_loop3A_345 = math.exp %parallel_loop3A_344 : vector<16xf32>
        %parallel_loop3A_346 = arith.constant 1.000000e+00 : f32
        %parallel_loop3A_347 = vector.broadcast %parallel_loop3A_346 : f32 to vector<16xf32>
        %parallel_loop3A_348 = arith.subf %parallel_loop3A_347, %parallel_loop3A_345 : vector<16xf32>
        %parallel_loop3A_349 = arith.constant 2.000000e-01 : f32
        %parallel_loop3A_350 = vector.broadcast %parallel_loop3A_349 : f32 to vector<16xf32>
        %parallel_loop3A_351 = arith.maximumf %parallel_loop3A_348, %parallel_loop3A_350 : vector<16xf32>
        %parallel_loop3A_352 = arith.constant 32 : i32
        %parallel_loop3A_353 = arith.addi %parallel_loop3A_301, %parallel_loop3A_352 : i32
        %parallel_loop3A_354 = arith.index_cast %parallel_loop3A_353 : i32 to index
        %parallel_loop3A_355 = tpu.vector_load %arg10[%parallel_loop3A_354] {strides = array<i32>} : memref<16000xf32, #tpu.memory_space<vmem>>, vector<16xf32>,
        tpu.vector_store %arg10[%parallel_loop3A_354], %parallel_loop3A_351 {strides = array<i32>} : memref<16000xf32, #tpu.memory_space<vmem>>, vector<16xf32>,
        %parallel_loop3A_356 = vector.broadcast %parallel_loop3A_301 : i32 to vector<16xi32>
        %parallel_loop3A_357 = arith.addi %get3A_100, %parallel_loop3A_356 : vector<16xi32>
        %parallel_loop3A_358 = tpu.vector_load_idx %arg8[%parallel_loop3A_357] : memref<16000xf32, #tpu.memory_space<vmem>>[vector<16xi32>], vector<16xf32>,
        %parallel_loop3A_359 = arith.constant -1.000000e+01 : f32
        %parallel_loop3A_360 = vector.broadcast %parallel_loop3A_359 : f32 to vector<16xf32>
        %parallel_loop3A_361 = arith.mulf %parallel_loop3A_358, %parallel_loop3A_360 : vector<16xf32>
        %parallel_loop3A_362 = arith.addf %parallel_loop3A_361, %mul3A_128 : vector<16xf32>
        %parallel_loop3A_363 = math.exp %parallel_loop3A_362 : vector<16xf32>
        %parallel_loop3A_364 = arith.constant 1.000000e+00 : f32
        %parallel_loop3A_365 = vector.broadcast %parallel_loop3A_364 : f32 to vector<16xf32>
        %parallel_loop3A_366 = arith.subf %parallel_loop3A_365, %parallel_loop3A_363 : vector<16xf32>
        %parallel_loop3A_367 = arith.constant 2.000000e-01 : f32
        %parallel_loop3A_368 = vector.broadcast %parallel_loop3A_367 : f32 to vector<16xf32>
        %parallel_loop3A_369 = arith.maximumf %parallel_loop3A_366, %parallel_loop3A_368 : vector<16xf32>
        %parallel_loop3A_370 = arith.constant 48 : i32
        %parallel_loop3A_371 = arith.addi %parallel_loop3A_301, %parallel_loop3A_370 : i32
        %parallel_loop3A_372 = arith.index_cast %parallel_loop3A_371 : i32 to index
        %parallel_loop3A_373 = tpu.vector_load %arg10[%parallel_loop3A_372] {strides = array<i32>} : memref<16000xf32, #tpu.memory_space<vmem>>, vector<16xf32>,
        tpu.vector_store %arg10[%parallel_loop3A_372], %parallel_loop3A_369 {strides = array<i32>} : memref<16000xf32, #tpu.memory_space<vmem>>, vector<16xf32>,
        %parallel_loop3A_374 = vector.broadcast %parallel_loop3A_301 : i32 to vector<16xi32>
        %parallel_loop3A_375 = arith.addi %get3A_102, %parallel_loop3A_374 : vector<16xi32>
        %parallel_loop3A_376 = tpu.vector_load_idx %arg8[%parallel_loop3A_375] : memref<16000xf32, #tpu.memory_space<vmem>>[vector<16xi32>], vector<16xf32>,
        %parallel_loop3A_377 = arith.constant -1.000000e+01 : f32
        %parallel_loop3A_378 = vector.broadcast %parallel_loop3A_377 : f32 to vector<16xf32>
        %parallel_loop3A_379 = arith.mulf %parallel_loop3A_376, %parallel_loop3A_378 : vector<16xf32>
        %parallel_loop3A_380 = arith.addf %parallel_loop3A_379, %mul3A_133 : vector<16xf32>
        %parallel_loop3A_381 = math.exp %parallel_loop3A_380 : vector<16xf32>
        %parallel_loop3A_382 = arith.constant 1.000000e+00 : f32
        %parallel_loop3A_383 = vector.broadcast %parallel_loop3A_382 : f32 to vector<16xf32>
        %parallel_loop3A_384 = arith.subf %parallel_loop3A_383, %parallel_loop3A_381 : vector<16xf32>
        %parallel_loop3A_385 = arith.constant 2.000000e-01 : f32
        %parallel_loop3A_386 = vector.broadcast %parallel_loop3A_385 : f32 to vector<16xf32>
        %parallel_loop3A_387 = arith.maximumf %parallel_loop3A_384, %parallel_loop3A_386 : vector<16xf32>
        %parallel_loop3A_388 = arith.constant 64 : i32
        %parallel_loop3A_389 = arith.addi %parallel_loop3A_301, %parallel_loop3A_388 : i32
        %parallel_loop3A_390 = arith.index_cast %parallel_loop3A_389 : i32 to index
        %parallel_loop3A_391 = tpu.vector_load %arg10[%parallel_loop3A_390] {strides = array<i32>} : memref<16000xf32, #tpu.memory_space<vmem>>, vector<16xf32>,
        tpu.vector_store %arg10[%parallel_loop3A_390], %parallel_loop3A_387 {strides = array<i32>} : memref<16000xf32, #tpu.memory_space<vmem>>, vector<16xf32>,
        %parallel_loop3A_392 = vector.broadcast %parallel_loop3A_301 : i32 to vector<16xi32>
        %parallel_loop3A_393 = arith.addi %get3A_104, %parallel_loop3A_392 : vector<16xi32>
        %parallel_loop3A_394 = tpu.vector_load_idx %arg8[%parallel_loop3A_393] : memref<16000xf32, #tpu.memory_space<vmem>>[vector<16xi32>], vector<16xf32>,
        %parallel_loop3A_395 = arith.constant -1.000000e+01 : f32
        %parallel_loop3A_396 = vector.broadcast %parallel_loop3A_395 : f32 to vector<16xf32>
        %parallel_loop3A_397 = arith.mulf %parallel_loop3A_394, %parallel_loop3A_396 : vector<16xf32>
        %parallel_loop3A_398 = arith.addf %parallel_loop3A_397, %mul3A_138 : vector<16xf32>
        %parallel_loop3A_399 = math.exp %parallel_loop3A_398 : vector<16xf32>
        %parallel_loop3A_400 = arith.constant 1.000000e+00 : f32
        %parallel_loop3A_401 = vector.broadcast %parallel_loop3A_400 : f32 to vector<16xf32>
        %parallel_loop3A_402 = arith.subf %parallel_loop3A_401, %parallel_loop3A_399 : vector<16xf32>
        %parallel_loop3A_403 = arith.constant 2.000000e-01 : f32
        %parallel_loop3A_404 = vector.broadcast %parallel_loop3A_403 : f32 to vector<16xf32>
        %parallel_loop3A_405 = arith.maximumf %parallel_loop3A_402, %parallel_loop3A_404 : vector<16xf32>
        %parallel_loop3A_406 = arith.constant 80 : i32
        %parallel_loop3A_407 = arith.addi %parallel_loop3A_301, %parallel_loop3A_406 : i32
        %parallel_loop3A_408 = arith.index_cast %parallel_loop3A_407 : i32 to index
        %parallel_loop3A_409 = tpu.vector_load %arg10[%parallel_loop3A_408] {strides = array<i32>} : memref<16000xf32, #tpu.memory_space<vmem>>, vector<16xf32>,
        tpu.vector_store %arg10[%parallel_loop3A_408], %parallel_loop3A_405 {strides = array<i32>} : memref<16000xf32, #tpu.memory_space<vmem>>, vector<16xf32>,
        %parallel_loop3A_410 = vector.broadcast %parallel_loop3A_301 : i32 to vector<16xi32>
        %parallel_loop3A_411 = arith.addi %get3A_106, %parallel_loop3A_410 : vector<16xi32>
        %parallel_loop3A_412 = tpu.vector_load_idx %arg8[%parallel_loop3A_411] : memref<16000xf32, #tpu.memory_space<vmem>>[vector<16xi32>], vector<16xf32>,
        %parallel_loop3A_413 = arith.constant -1.000000e+01 : f32
        %parallel_loop3A_414 = vector.broadcast %parallel_loop3A_413 : f32 to vector<16xf32>
        %parallel_loop3A_415 = arith.mulf %parallel_loop3A_412, %parallel_loop3A_414 : vector<16xf32>
        %parallel_loop3A_416 = arith.addf %parallel_loop3A_415, %mul3A_143 : vector<16xf32>
        %parallel_loop3A_417 = math.exp %parallel_loop3A_416 : vector<16xf32>
        %parallel_loop3A_418 = arith.constant 1.000000e+00 : f32
        %parallel_loop3A_419 = vector.broadcast %parallel_loop3A_418 : f32 to vector<16xf32>
        %parallel_loop3A_420 = arith.subf %parallel_loop3A_419, %parallel_loop3A_417 : vector<16xf32>
        %parallel_loop3A_421 = arith.constant 2.000000e-01 : f32
        %parallel_loop3A_422 = vector.broadcast %parallel_loop3A_421 : f32 to vector<16xf32>
        %parallel_loop3A_423 = arith.maximumf %parallel_loop3A_420, %parallel_loop3A_422 : vector<16xf32>
        %parallel_loop3A_424 = arith.constant 96 : i32
        %parallel_loop3A_425 = arith.addi %parallel_loop3A_301, %parallel_loop3A_424 : i32
        %parallel_loop3A_426 = arith.index_cast %parallel_loop3A_425 : i32 to index
        %parallel_loop3A_427 = tpu.vector_load %arg10[%parallel_loop3A_426] {strides = array<i32>} : memref<16000xf32, #tpu.memory_space<vmem>>, vector<16xf32>,
        tpu.vector_store %arg10[%parallel_loop3A_426], %parallel_loop3A_423 {strides = array<i32>} : memref<16000xf32, #tpu.memory_space<vmem>>, vector<16xf32>,
        %parallel_loop3A_428 = vector.broadcast %parallel_loop3A_301 : i32 to vector<16xi32>
        %parallel_loop3A_429 = arith.addi %get3A_108, %parallel_loop3A_428 : vector<16xi32>
        %parallel_loop3A_430 = tpu.vector_load_idx %arg8[%parallel_loop3A_429] : memref<16000xf32, #tpu.memory_space<vmem>>[vector<16xi32>], vector<16xf32>,
        %parallel_loop3A_431 = arith.constant -1.000000e+01 : f32
        %parallel_loop3A_432 = vector.broadcast %parallel_loop3A_431 : f32 to vector<16xf32>
        %parallel_loop3A_433 = arith.mulf %parallel_loop3A_430, %parallel_loop3A_432 : vector<16xf32>
        %parallel_loop3A_434 = arith.addf %parallel_loop3A_433, %mul3A_148 : vector<16xf32>
        %parallel_loop3A_435 = math.exp %parallel_loop3A_434 : vector<16xf32>
        %parallel_loop3A_436 = arith.constant 1.000000e+00 : f32
        %parallel_loop3A_437 = vector.broadcast %parallel_loop3A_436 : f32 to vector<16xf32>
        %parallel_loop3A_438 = arith.subf %parallel_loop3A_437, %parallel_loop3A_435 : vector<16xf32>
        %parallel_loop3A_439 = arith.constant 2.000000e-01 : f32
        %parallel_loop3A_440 = vector.broadcast %parallel_loop3A_439 : f32 to vector<16xf32>
        %parallel_loop3A_441 = arith.maximumf %parallel_loop3A_438, %parallel_loop3A_440 : vector<16xf32>
        %parallel_loop3A_442 = arith.constant 112 : i32
        %parallel_loop3A_443 = arith.addi %parallel_loop3A_301, %parallel_loop3A_442 : i32
        %parallel_loop3A_444 = arith.index_cast %parallel_loop3A_443 : i32 to index
        %parallel_loop3A_445 = tpu.vector_load %arg10[%parallel_loop3A_444] {strides = array<i32>} : memref<16000xf32, #tpu.memory_space<vmem>>, vector<16xf32>,
        tpu.vector_store %arg10[%parallel_loop3A_444], %parallel_loop3A_441 {strides = array<i32>} : memref<16000xf32, #tpu.memory_space<vmem>>, vector<16xf32>,
      } {sc.loop_unroll_factor = 4 : i64, sc.parallel_access}
      %mul3A_292 = arith.constant 125 : i32
      %mul3A_293 = arith.muli %add3A_231, %mul3A_292 : i32
      %add3A_294 = arith.addi %mul3A_2, %mul3A_293 : i32
      %mul3A_295 = arith.constant 128 : i32
      %mul3A_296 = arith.muli %add3A_294, %mul3A_295 : i32
      %dma_start3A_297 = tpu.memref_slice %arg6[%mul3A_296] : memref<12800000xf32, #tpu.memory_space<hbm>> -> memref<16000xf32, #tpu.memory_space<hbm>>
      %dma_start3A_298 = tpu.memref_slice %arg6[%mul3A_296] : memref<12800000xf32, #tpu.memory_space<hbm>> -> memref<16000xf32, #tpu.memory_space<hbm>>
      tpu.enqueue_dma source(%arg10 : memref<16000xf32, #tpu.memory_space<vmem>>) target(%dma_start3A_298 : memref<16000xf32, #tpu.memory_space<hbm>>) target_semaphore(%arg18 : memref<!tpu.dma_semaphore, #tpu.memory_space<semaphore_mem>>)
    }
    %scan3A_193 = arith.constant 11 : i32
    %add3A_194 = arith.constant 3000 : i32
    %add3A_195 = arith.addi %mul3A_2, %add3A_194 : i32
    %mul3A_196 = arith.constant 128 : i32
    %mul3A_197 = arith.muli %add3A_195, %mul3A_196 : i32
    %dma_wait3A_198 = tpu.memref_slice %arg2[%mul3A_197] : memref<12800000xf32, #tpu.memory_space<hbm>> -> memref<16000xf32, #tpu.memory_space<hbm>>
    %dma_wait3A_199 = tpu.memref_slice %arg2[%mul3A_197] : memref<12800000xf32, #tpu.memory_space<hbm>> -> memref<16000xf32, #tpu.memory_space<hbm>>
    tpu.wait_dma2 semaphore(%arg15 : memref<!tpu.dma_semaphore, #tpu.memory_space<semaphore_mem>>) src(%dma_wait3A_199 : memref<16000xf32, #tpu.memory_space<hbm>>) dst(%arg7 : memref<16000xf32, #tpu.memory_space<vmem>>)
    %add3A_200 = arith.constant 2750 : i32
    %add3A_201 = arith.addi %mul3A_2, %add3A_200 : i32
    %mul3A_202 = arith.constant 128 : i32
    %mul3A_203 = arith.muli %add3A_201, %mul3A_202 : i32
    %dma_wait3A_204 = tpu.memref_slice %arg6[%mul3A_203] : memref<12800000xf32, #tpu.memory_space<hbm>> -> memref<16000xf32, #tpu.memory_space<hbm>>
    %dma_wait3A_205 = tpu.memref_slice %arg6[%mul3A_203] : memref<12800000xf32, #tpu.memory_space<hbm>> -> memref<16000xf32, #tpu.memory_space<hbm>>
    tpu.wait_dma2 semaphore(%arg17 : memref<!tpu.dma_semaphore, #tpu.memory_space<semaphore_mem>>) src(%arg9 : memref<16000xf32, #tpu.memory_space<vmem>>) dst(%dma_wait3A_205 : memref<16000xf32, #tpu.memory_space<hbm>>)
    %parallel_loop3A_206 = arith.constant 0 : i32
    %parallel_loop3A_207 = arith.constant 125 : i32
    %parallel_loop3A_208 = arith.constant 1 : i32
    scf.for %parallel_loop3A_227 = %parallel_loop3A_206 to %parallel_loop3A_207 step %parallel_loop3A_208  : i32 {
      %parallel_loop3A_228 = arith.constant 128 : i32
      %parallel_loop3A_229 = arith.muli %parallel_loop3A_227, %parallel_loop3A_228 : i32
      %parallel_loop3A_230 = vector.broadcast %parallel_loop3A_229 : i32 to vector<16xi32>
      %parallel_loop3A_231 = arith.addi %get3A_94, %parallel_loop3A_230 : vector<16xi32>
      %parallel_loop3A_232 = tpu.vector_load_idx %arg7[%parallel_loop3A_231] : memref<16000xf32, #tpu.memory_space<vmem>>[vector<16xi32>], vector<16xf32>,
      %parallel_loop3A_233 = arith.constant -1.000000e+01 : f32
      %parallel_loop3A_234 = vector.broadcast %parallel_loop3A_233 : f32 to vector<16xf32>
      %parallel_loop3A_235 = arith.mulf %parallel_loop3A_232, %parallel_loop3A_234 : vector<16xf32>
      %parallel_loop3A_236 = arith.addf %parallel_loop3A_235, %mul3A_113 : vector<16xf32>
      %parallel_loop3A_237 = math.exp %parallel_loop3A_236 : vector<16xf32>
      %parallel_loop3A_238 = arith.constant 1.000000e+00 : f32
      %parallel_loop3A_239 = vector.broadcast %parallel_loop3A_238 : f32 to vector<16xf32>
      %parallel_loop3A_240 = arith.subf %parallel_loop3A_239, %parallel_loop3A_237 : vector<16xf32>
      %parallel_loop3A_241 = arith.constant 2.000000e-01 : f32
      %parallel_loop3A_242 = vector.broadcast %parallel_loop3A_241 : f32 to vector<16xf32>
      %parallel_loop3A_243 = arith.maximumf %parallel_loop3A_240, %parallel_loop3A_242 : vector<16xf32>
      %parallel_loop3A_244 = arith.constant 0 : i32
      %parallel_loop3A_245 = arith.addi %parallel_loop3A_229, %parallel_loop3A_244 : i32
      %parallel_loop3A_246 = arith.index_cast %parallel_loop3A_245 : i32 to index
      %parallel_loop3A_247 = tpu.vector_load %arg9[%parallel_loop3A_246] {strides = array<i32>} : memref<16000xf32, #tpu.memory_space<vmem>>, vector<16xf32>,
      tpu.vector_store %arg9[%parallel_loop3A_246], %parallel_loop3A_243 {strides = array<i32>} : memref<16000xf32, #tpu.memory_space<vmem>>, vector<16xf32>,
      %parallel_loop3A_248 = vector.broadcast %parallel_loop3A_229 : i32 to vector<16xi32>
      %parallel_loop3A_249 = arith.addi %get3A_96, %parallel_loop3A_248 : vector<16xi32>
      %parallel_loop3A_250 = tpu.vector_load_idx %arg7[%parallel_loop3A_249] : memref<16000xf32, #tpu.memory_space<vmem>>[vector<16xi32>], vector<16xf32>,
      %parallel_loop3A_251 = arith.constant -1.000000e+01 : f32
      %parallel_loop3A_252 = vector.broadcast %parallel_loop3A_251 : f32 to vector<16xf32>
      %parallel_loop3A_253 = arith.mulf %parallel_loop3A_250, %parallel_loop3A_252 : vector<16xf32>
      %parallel_loop3A_254 = arith.addf %parallel_loop3A_253, %mul3A_118 : vector<16xf32>
      %parallel_loop3A_255 = math.exp %parallel_loop3A_254 : vector<16xf32>
      %parallel_loop3A_256 = arith.constant 1.000000e+00 : f32
      %parallel_loop3A_257 = vector.broadcast %parallel_loop3A_256 : f32 to vector<16xf32>
      %parallel_loop3A_258 = arith.subf %parallel_loop3A_257, %parallel_loop3A_255 : vector<16xf32>
      %parallel_loop3A_259 = arith.constant 2.000000e-01 : f32
      %parallel_loop3A_260 = vector.broadcast %parallel_loop3A_259 : f32 to vector<16xf32>
      %parallel_loop3A_261 = arith.maximumf %parallel_loop3A_258, %parallel_loop3A_260 : vector<16xf32>
      %parallel_loop3A_262 = arith.constant 16 : i32
      %parallel_loop3A_263 = arith.addi %parallel_loop3A_229, %parallel_loop3A_262 : i32
      %parallel_loop3A_264 = arith.index_cast %parallel_loop3A_263 : i32 to index
      %parallel_loop3A_265 = tpu.vector_load %arg9[%parallel_loop3A_264] {strides = array<i32>} : memref<16000xf32, #tpu.memory_space<vmem>>, vector<16xf32>,
      tpu.vector_store %arg9[%parallel_loop3A_264], %parallel_loop3A_261 {strides = array<i32>} : memref<16000xf32, #tpu.memory_space<vmem>>, vector<16xf32>,
      %parallel_loop3A_266 = vector.broadcast %parallel_loop3A_229 : i32 to vector<16xi32>
      %parallel_loop3A_267 = arith.addi %get3A_98, %parallel_loop3A_266 : vector<16xi32>
      %parallel_loop3A_268 = tpu.vector_load_idx %arg7[%parallel_loop3A_267] : memref<16000xf32, #tpu.memory_space<vmem>>[vector<16xi32>], vector<16xf32>,
      %parallel_loop3A_269 = arith.constant -1.000000e+01 : f32
      %parallel_loop3A_270 = vector.broadcast %parallel_loop3A_269 : f32 to vector<16xf32>
      %parallel_loop3A_271 = arith.mulf %parallel_loop3A_268, %parallel_loop3A_270 : vector<16xf32>
      %parallel_loop3A_272 = arith.addf %parallel_loop3A_271, %mul3A_123 : vector<16xf32>
      %parallel_loop3A_273 = math.exp %parallel_loop3A_272 : vector<16xf32>
      %parallel_loop3A_274 = arith.constant 1.000000e+00 : f32
      %parallel_loop3A_275 = vector.broadcast %parallel_loop3A_274 : f32 to vector<16xf32>
      %parallel_loop3A_276 = arith.subf %parallel_loop3A_275, %parallel_loop3A_273 : vector<16xf32>
      %parallel_loop3A_277 = arith.constant 2.000000e-01 : f32
      %parallel_loop3A_278 = vector.broadcast %parallel_loop3A_277 : f32 to vector<16xf32>
      %parallel_loop3A_279 = arith.maximumf %parallel_loop3A_276, %parallel_loop3A_278 : vector<16xf32>
      %parallel_loop3A_280 = arith.constant 32 : i32
      %parallel_loop3A_281 = arith.addi %parallel_loop3A_229, %parallel_loop3A_280 : i32
      %parallel_loop3A_282 = arith.index_cast %parallel_loop3A_281 : i32 to index
      %parallel_loop3A_283 = tpu.vector_load %arg9[%parallel_loop3A_282] {strides = array<i32>} : memref<16000xf32, #tpu.memory_space<vmem>>, vector<16xf32>,
      tpu.vector_store %arg9[%parallel_loop3A_282], %parallel_loop3A_279 {strides = array<i32>} : memref<16000xf32, #tpu.memory_space<vmem>>, vector<16xf32>,
      %parallel_loop3A_284 = vector.broadcast %parallel_loop3A_229 : i32 to vector<16xi32>
      %parallel_loop3A_285 = arith.addi %get3A_100, %parallel_loop3A_284 : vector<16xi32>
      %parallel_loop3A_286 = tpu.vector_load_idx %arg7[%parallel_loop3A_285] : memref<16000xf32, #tpu.memory_space<vmem>>[vector<16xi32>], vector<16xf32>,
      %parallel_loop3A_287 = arith.constant -1.000000e+01 : f32
      %parallel_loop3A_288 = vector.broadcast %parallel_loop3A_287 : f32 to vector<16xf32>
      %parallel_loop3A_289 = arith.mulf %parallel_loop3A_286, %parallel_loop3A_288 : vector<16xf32>
      %parallel_loop3A_290 = arith.addf %parallel_loop3A_289, %mul3A_128 : vector<16xf32>
      %parallel_loop3A_291 = math.exp %parallel_loop3A_290 : vector<16xf32>
      %parallel_loop3A_292 = arith.constant 1.000000e+00 : f32
      %parallel_loop3A_293 = vector.broadcast %parallel_loop3A_292 : f32 to vector<16xf32>
      %parallel_loop3A_294 = arith.subf %parallel_loop3A_293, %parallel_loop3A_291 : vector<16xf32>
      %parallel_loop3A_295 = arith.constant 2.000000e-01 : f32
      %parallel_loop3A_296 = vector.broadcast %parallel_loop3A_295 : f32 to vector<16xf32>
      %parallel_loop3A_297 = arith.maximumf %parallel_loop3A_294, %parallel_loop3A_296 : vector<16xf32>
      %parallel_loop3A_298 = arith.constant 48 : i32
      %parallel_loop3A_299 = arith.addi %parallel_loop3A_229, %parallel_loop3A_298 : i32
      %parallel_loop3A_300 = arith.index_cast %parallel_loop3A_299 : i32 to index
      %parallel_loop3A_301 = tpu.vector_load %arg9[%parallel_loop3A_300] {strides = array<i32>} : memref<16000xf32, #tpu.memory_space<vmem>>, vector<16xf32>,
      tpu.vector_store %arg9[%parallel_loop3A_300], %parallel_loop3A_297 {strides = array<i32>} : memref<16000xf32, #tpu.memory_space<vmem>>, vector<16xf32>,
      %parallel_loop3A_302 = vector.broadcast %parallel_loop3A_229 : i32 to vector<16xi32>
      %parallel_loop3A_303 = arith.addi %get3A_102, %parallel_loop3A_302 : vector<16xi32>
      %parallel_loop3A_304 = tpu.vector_load_idx %arg7[%parallel_loop3A_303] : memref<16000xf32, #tpu.memory_space<vmem>>[vector<16xi32>], vector<16xf32>,
      %parallel_loop3A_305 = arith.constant -1.000000e+01 : f32
      %parallel_loop3A_306 = vector.broadcast %parallel_loop3A_305 : f32 to vector<16xf32>
      %parallel_loop3A_307 = arith.mulf %parallel_loop3A_304, %parallel_loop3A_306 : vector<16xf32>
      %parallel_loop3A_308 = arith.addf %parallel_loop3A_307, %mul3A_133 : vector<16xf32>
      %parallel_loop3A_309 = math.exp %parallel_loop3A_308 : vector<16xf32>
      %parallel_loop3A_310 = arith.constant 1.000000e+00 : f32
      %parallel_loop3A_311 = vector.broadcast %parallel_loop3A_310 : f32 to vector<16xf32>
      %parallel_loop3A_312 = arith.subf %parallel_loop3A_311, %parallel_loop3A_309 : vector<16xf32>
      %parallel_loop3A_313 = arith.constant 2.000000e-01 : f32
      %parallel_loop3A_314 = vector.broadcast %parallel_loop3A_313 : f32 to vector<16xf32>
      %parallel_loop3A_315 = arith.maximumf %parallel_loop3A_312, %parallel_loop3A_314 : vector<16xf32>
      %parallel_loop3A_316 = arith.constant 64 : i32
      %parallel_loop3A_317 = arith.addi %parallel_loop3A_229, %parallel_loop3A_316 : i32
      %parallel_loop3A_318 = arith.index_cast %parallel_loop3A_317 : i32 to index
      %parallel_loop3A_319 = tpu.vector_load %arg9[%parallel_loop3A_318] {strides = array<i32>} : memref<16000xf32, #tpu.memory_space<vmem>>, vector<16xf32>,
      tpu.vector_store %arg9[%parallel_loop3A_318], %parallel_loop3A_315 {strides = array<i32>} : memref<16000xf32, #tpu.memory_space<vmem>>, vector<16xf32>,
      %parallel_loop3A_320 = vector.broadcast %parallel_loop3A_229 : i32 to vector<16xi32>
      %parallel_loop3A_321 = arith.addi %get3A_104, %parallel_loop3A_320 : vector<16xi32>
      %parallel_loop3A_322 = tpu.vector_load_idx %arg7[%parallel_loop3A_321] : memref<16000xf32, #tpu.memory_space<vmem>>[vector<16xi32>], vector<16xf32>,
      %parallel_loop3A_323 = arith.constant -1.000000e+01 : f32
      %parallel_loop3A_324 = vector.broadcast %parallel_loop3A_323 : f32 to vector<16xf32>
      %parallel_loop3A_325 = arith.mulf %parallel_loop3A_322, %parallel_loop3A_324 : vector<16xf32>
      %parallel_loop3A_326 = arith.addf %parallel_loop3A_325, %mul3A_138 : vector<16xf32>
      %parallel_loop3A_327 = math.exp %parallel_loop3A_326 : vector<16xf32>
      %parallel_loop3A_328 = arith.constant 1.000000e+00 : f32
      %parallel_loop3A_329 = vector.broadcast %parallel_loop3A_328 : f32 to vector<16xf32>
      %parallel_loop3A_330 = arith.subf %parallel_loop3A_329, %parallel_loop3A_327 : vector<16xf32>
      %parallel_loop3A_331 = arith.constant 2.000000e-01 : f32
      %parallel_loop3A_332 = vector.broadcast %parallel_loop3A_331 : f32 to vector<16xf32>
      %parallel_loop3A_333 = arith.maximumf %parallel_loop3A_330, %parallel_loop3A_332 : vector<16xf32>
      %parallel_loop3A_334 = arith.constant 80 : i32
      %parallel_loop3A_335 = arith.addi %parallel_loop3A_229, %parallel_loop3A_334 : i32
      %parallel_loop3A_336 = arith.index_cast %parallel_loop3A_335 : i32 to index
      %parallel_loop3A_337 = tpu.vector_load %arg9[%parallel_loop3A_336] {strides = array<i32>} : memref<16000xf32, #tpu.memory_space<vmem>>, vector<16xf32>,
      tpu.vector_store %arg9[%parallel_loop3A_336], %parallel_loop3A_333 {strides = array<i32>} : memref<16000xf32, #tpu.memory_space<vmem>>, vector<16xf32>,
      %parallel_loop3A_338 = vector.broadcast %parallel_loop3A_229 : i32 to vector<16xi32>
      %parallel_loop3A_339 = arith.addi %get3A_106, %parallel_loop3A_338 : vector<16xi32>
      %parallel_loop3A_340 = tpu.vector_load_idx %arg7[%parallel_loop3A_339] : memref<16000xf32, #tpu.memory_space<vmem>>[vector<16xi32>], vector<16xf32>,
      %parallel_loop3A_341 = arith.constant -1.000000e+01 : f32
      %parallel_loop3A_342 = vector.broadcast %parallel_loop3A_341 : f32 to vector<16xf32>
      %parallel_loop3A_343 = arith.mulf %parallel_loop3A_340, %parallel_loop3A_342 : vector<16xf32>
      %parallel_loop3A_344 = arith.addf %parallel_loop3A_343, %mul3A_143 : vector<16xf32>
      %parallel_loop3A_345 = math.exp %parallel_loop3A_344 : vector<16xf32>
      %parallel_loop3A_346 = arith.constant 1.000000e+00 : f32
      %parallel_loop3A_347 = vector.broadcast %parallel_loop3A_346 : f32 to vector<16xf32>
      %parallel_loop3A_348 = arith.subf %parallel_loop3A_347, %parallel_loop3A_345 : vector<16xf32>
      %parallel_loop3A_349 = arith.constant 2.000000e-01 : f32
      %parallel_loop3A_350 = vector.broadcast %parallel_loop3A_349 : f32 to vector<16xf32>
      %parallel_loop3A_351 = arith.maximumf %parallel_loop3A_348, %parallel_loop3A_350 : vector<16xf32>
      %parallel_loop3A_352 = arith.constant 96 : i32
      %parallel_loop3A_353 = arith.addi %parallel_loop3A_229, %parallel_loop3A_352 : i32
      %parallel_loop3A_354 = arith.index_cast %parallel_loop3A_353 : i32 to index
      %parallel_loop3A_355 = tpu.vector_load %arg9[%parallel_loop3A_354] {strides = array<i32>} : memref<16000xf32, #tpu.memory_space<vmem>>, vector<16xf32>,
      tpu.vector_store %arg9[%parallel_loop3A_354], %parallel_loop3A_351 {strides = array<i32>} : memref<16000xf32, #tpu.memory_space<vmem>>, vector<16xf32>,
      %parallel_loop3A_356 = vector.broadcast %parallel_loop3A_229 : i32 to vector<16xi32>
      %parallel_loop3A_357 = arith.addi %get3A_108, %parallel_loop3A_356 : vector<16xi32>
      %parallel_loop3A_358 = tpu.vector_load_idx %arg7[%parallel_loop3A_357] : memref<16000xf32, #tpu.memory_space<vmem>>[vector<16xi32>], vector<16xf32>,
      %parallel_loop3A_359 = arith.constant -1.000000e+01 : f32
      %parallel_loop3A_360 = vector.broadcast %parallel_loop3A_359 : f32 to vector<16xf32>
      %parallel_loop3A_361 = arith.mulf %parallel_loop3A_358, %parallel_loop3A_360 : vector<16xf32>
      %parallel_loop3A_362 = arith.addf %parallel_loop3A_361, %mul3A_148 : vector<16xf32>
      %parallel_loop3A_363 = math.exp %parallel_loop3A_362 : vector<16xf32>
      %parallel_loop3A_364 = arith.constant 1.000000e+00 : f32
      %parallel_loop3A_365 = vector.broadcast %parallel_loop3A_364 : f32 to vector<16xf32>
      %parallel_loop3A_366 = arith.subf %parallel_loop3A_365, %parallel_loop3A_363 : vector<16xf32>
      %parallel_loop3A_367 = arith.constant 2.000000e-01 : f32
      %parallel_loop3A_368 = vector.broadcast %parallel_loop3A_367 : f32 to vector<16xf32>
      %parallel_loop3A_369 = arith.maximumf %parallel_loop3A_366, %parallel_loop3A_368 : vector<16xf32>
      %parallel_loop3A_370 = arith.constant 112 : i32
      %parallel_loop3A_371 = arith.addi %parallel_loop3A_229, %parallel_loop3A_370 : i32
      %parallel_loop3A_372 = arith.index_cast %parallel_loop3A_371 : i32 to index
      %parallel_loop3A_373 = tpu.vector_load %arg9[%parallel_loop3A_372] {strides = array<i32>} : memref<16000xf32, #tpu.memory_space<vmem>>, vector<16xf32>,
      tpu.vector_store %arg9[%parallel_loop3A_372], %parallel_loop3A_369 {strides = array<i32>} : memref<16000xf32, #tpu.memory_space<vmem>>, vector<16xf32>,
    } {sc.loop_unroll_factor = 4 : i64, sc.parallel_access}
    %add3A_209 = arith.constant 3000 : i32
    %add3A_210 = arith.addi %mul3A_2, %add3A_209 : i32
    %mul3A_211 = arith.constant 128 : i32
    %mul3A_212 = arith.muli %add3A_210, %mul3A_211 : i32
    %dma_start3A_213 = tpu.memref_slice %arg6[%mul3A_212] : memref<12800000xf32, #tpu.memory_space<hbm>> -> memref<16000xf32, #tpu.memory_space<hbm>>
    %dma_start3A_214 = tpu.memref_slice %arg6[%mul3A_212] : memref<12800000xf32, #tpu.memory_space<hbm>> -> memref<16000xf32, #tpu.memory_space<hbm>>
    tpu.enqueue_dma source(%arg9 : memref<16000xf32, #tpu.memory_space<vmem>>) target(%dma_start3A_214 : memref<16000xf32, #tpu.memory_space<hbm>>) target_semaphore(%arg17 : memref<!tpu.dma_semaphore, #tpu.memory_space<semaphore_mem>>)
    %add3A_215 = arith.constant 2875 : i32
    %add3A_216 = arith.addi %mul3A_2, %add3A_215 : i32
    %mul3A_217 = arith.constant 128 : i32
    %mul3A_218 = arith.muli %add3A_216, %mul3A_217 : i32
    %dma_wait3A_219 = tpu.memref_slice %arg6[%mul3A_218] : memref<12800000xf32, #tpu.memory_space<hbm>> -> memref<16000xf32, #tpu.memory_space<hbm>>
    %dma_wait3A_220 = tpu.memref_slice %arg6[%mul3A_218] : memref<12800000xf32, #tpu.memory_space<hbm>> -> memref<16000xf32, #tpu.memory_space<hbm>>
    tpu.wait_dma2 semaphore(%arg18 : memref<!tpu.dma_semaphore, #tpu.memory_space<semaphore_mem>>) src(%arg10 : memref<16000xf32, #tpu.memory_space<vmem>>) dst(%dma_wait3A_220 : memref<16000xf32, #tpu.memory_space<hbm>>)
    %add3A_221 = arith.constant 3000 : i32
    %add3A_222 = arith.addi %mul3A_2, %add3A_221 : i32
    %mul3A_223 = arith.constant 128 : i32
    %mul3A_224 = arith.muli %add3A_222, %mul3A_223 : i32
    %dma_wait3A_225 = tpu.memref_slice %arg6[%mul3A_224] : memref<12800000xf32, #tpu.memory_space<hbm>> -> memref<16000xf32, #tpu.memory_space<hbm>>
    %dma_wait3A_226 = tpu.memref_slice %arg6[%mul3A_224] : memref<12800000xf32, #tpu.memory_space<hbm>> -> memref<16000xf32, #tpu.memory_space<hbm>>
    tpu.wait_dma2 semaphore(%arg17 : memref<!tpu.dma_semaphore, #tpu.memory_space<semaphore_mem>>) src(%arg9 : memref<16000xf32, #tpu.memory_space<vmem>>) dst(%dma_wait3A_226 : memref<16000xf32, #tpu.memory_space<hbm>>)
    return
  }
}

</mosaic_0001>

<sc_bundles>
// kernel: _fe_model.3.cloned.1.call-start
scs
__scs_entry_jumppad:
0x0: {  	(pc) =	sbr.rel $0x88, $3  }
0x1: {  	(tag) =	ssettag $0x0;
	lr =	simm.s32 $0x1  }
0x2: {  	[smem:$0x3F9D] =	sst lr;
	_ =	strace $0xD0000000  }
0x3: {  	_ = 	snop  }
0x4: {  	_ = 	snop  }
0x5: {  	_ = 	snop  }
0x6: {  	_ = 	snop  }
0x7: {  	_ = 	snop  }
__scs_overlays_trampoline_lowered:
0x8: {  	[smem:$0x3FAC] =	sst s0  }
0x9: {  	[smem:$0x3FAD] =	sst s1  }
0xa: {  	[smem:$0x3FAE] =	sst s2  }
0xb: {  	[smem:$0x3FAF] =	sst s3  }
0xc: {  	[smem:$0x3FB0] =	sst s4  }
0xd: {  	[smem:$0x3FB1] =	sst s5  }
0xe: {  	[smem:$0x3FB2] =	sst s6  }
0xf: {  	[smem:$0x3FB3] =	sst s7  }
0x10: {  	[smem:$0x3FB4] =	sst s8  }
0x11: {  	[smem:$0x3FB5] =	sst s9;
	s0 =	simm.s32 @!p0 $0x0  }
0x12: {  	s1 =	sld [smem:$0x3F9B];
	s0 =	simm.s32 @p0 $0x1  }
0x13: {  	[smem:$0x3FB6] =	sst s0;
	s0 =	simm.s32 @!p1 $0x0  }
0x14: {  	s2 =	sld [smem:$0x3F9A];
	s0 =	simm.s32 @p1 $0x1  }
0x15: {  	[smem:$0x3FB7] =	sst s0;
	s0 =	simm.s32 @!p2 $0x0  }
0x16: {  	s3 =	sld [smem:$0x3FDB];
	s0 =	simm.s32 @p2 $0x1  }
0x17: {  	s4 =	simm.s32 $0x1BF5;
	[smem:$0x3FB9] =	sst s0  }
0x18: {  	s0 =	sld [smem:$0x3F9C];
	_ =	swait.ge [sflag:s4], $0x0  }
0x19: {  	s7 =	sld [smem:$0x3F9D]  }
0x1a: {  	s8 =	sadd.s32 $0xFFFFE003, lr  }
0x1b: {  	s9 =	sadd.s32 $0xFFFFFEF7, lr;
	s5 =	simm.s32 $0xFFFFFFFF;
	p2 =	slt.u32 s8, $0xFFFFF086  }
0x1c: {  	p1 =	slt.u32 s9, $0xF7A;
	s5 =	simm.s32 @!p2 $0x0  }
0x1d: {  	s5 =	simm.s32 @p1 $0x1;
	p0 =	seq.s32 s7, s2  }
0x1e: {  	s7 =	smul.u32 @!p0 $0xF7A, s2;
	p2 =	seq.s32 @!p0 s5, $0x0  }
0x1f: {  	s9 =	smul.u32 $0xF7A, s1;
	s8 =	simm.s32 @!p0 $0x1BF5;
	p2 =	por !p2, p0  }
0x20: {  	[sflag:s8] =	ssyncset.s32 @!p0 $0xFFFFF086;
	s6 =	sadd.s32 @!p0 s3, s7;
	s7 =	simm.s32 @!p0 $0x108  }
0x21: {  	s3 =	sadd.s32 s3, s9;
	s6 =	sadd.s32 @!p0 $0x88, s6;
	s7 =	simm.s32 @p2 $0x1082  }
0x22: {  	[simem:s7], [sflag:s8] =	dma.local @!p0 [hbm:s6], $0xF7A  }
0x23: {  	s9 =	sor.u32 $0xD0000000, s2;
	s6 =	simm.s32 $0x108;
	_ =	swait.ge @!p0 [sflag:s8], $0x0  }
0x24: {  	s3 =	sadd.s32 $0x88, s3;
	s6 =	simm.s32 @!p1 $0x1082;
	[sflag:s4] =	ssyncset.s32 $0xFFFFF086  }
0x25: {  	[simem:s6], [sflag:s4] =	dma.local [hbm:s3], $0xF7A  }
0x26: {  	[smem:$0x3F9D] =	sst s1;
	(tag) =	ssettag s2;
	_ =	strace s9  }
0x27: {  	s1 =	sld [smem:$0x3FAD]  }
0x28: {  	s2 =	sld [smem:$0x3FAE]  }
0x29: {  	s4 =	sld [smem:$0x3FB0]  }
0x2a: {  	p0 =	seq.s32 s5, $0x0;
	s5 =	sld [smem:$0x3FB1]  }
0x2b: {  	s6 =	sld [smem:$0x3FB2]  }
0x2c: {  	s7 =	sld [smem:$0x3FB3]  }
0x2d: {  	s3 =	simm.s32 $0x108;
	s8 =	sld [smem:$0x3FB4]  }
0x2e: {  	s3 =	simm.s32 @!p0 $0x1082;
	s9 =	sld [smem:$0x3FB5]  }
0x2f: {  	lr =	sadd.s32 s0, s3;
	s0 =	sld [smem:$0x3FAC]  }
0x30: {  	s3 =	sld [smem:$0x3FAF]  }
0x31: {  	[smem:$0x3FB8] =	sst s10  }
0x32: {  	s10 =	sld [smem:$0x3FB6];
	_ =	sdelay $0x3  }
0x33: {  	p0 =	seq.s32 s10, $0x1;
	s10 =	sld [smem:$0x3FB8];
	_ =	sdelay $0x3  }
0x34: {  	[smem:$0x3FB8] =	sst s10  }
0x35: {  	s10 =	sld [smem:$0x3FB7];
	_ =	sdelay $0x3  }
0x36: {  	p1 =	seq.s32 s10, $0x1;
	s10 =	sld [smem:$0x3FB8];
	_ =	sdelay $0x3  }
0x37: {  	[smem:$0x3FB8] =	sst s10  }
0x38: {  	s10 =	sld [smem:$0x3FB9]  }
0x39: {  	_ = 	snop;
	(pc) =	sbr.ind lr, $3  }
0x3a: {  	_ = 	snop  }
0x3b: {  	_ = 	snop  }
0x3c: {  	p2 =	seq.s32 s10, $0x1;
	s10 =	sld [smem:$0x3FB8]  }
0x3d: {  	_ =	shalt  }
0x3e: {  	_ =	shalt  }
0x3f: {  	_ =	shalt  }
0x40: {  	_ =	shalt  }
0x41: {  	_ =	shalt  }
0x42: {  	_ =	shalt  }
0x43: {  	_ =	shalt  }
0x44: {  	_ =	shalt  }
0x45: {  	_ =	shalt  }
0x46: {  	_ =	shalt  }
0x47: {  	_ =	shalt  }
0x48: {  	_ =	shalt  }
0x49: {  	_ =	shalt  }
0x4a: {  	_ =	shalt  }
0x4b: {  	_ =	shalt  }
0x4c: {  	_ =	shalt  }
0x4d: {  	_ =	shalt  }
0x4e: {  	_ =	shalt  }
0x4f: {  	_ =	shalt  }
0x50: {  	_ =	shalt  }
0x51: {  	_ =	shalt  }
0x52: {  	_ =	shalt  }
0x53: {  	_ =	shalt  }
0x54: {  	_ =	shalt  }
0x55: {  	_ =	shalt  }
0x56: {  	_ =	shalt  }
0x57: {  	_ =	shalt  }
0x58: {  	_ =	shalt  }
0x59: {  	_ =	shalt  }
0x5a: {  	_ =	shalt  }
0x5b: {  	_ =	shalt  }
0x5c: {  	_ =	shalt  }
0x5d: {  	_ =	shalt  }
0x5e: {  	_ =	shalt  }
0x5f: {  	_ =	shalt  }
0x60: {  	_ =	shalt  }
0x61: {  	_ =	shalt  }
0x62: {  	_ =	shalt  }
0x63: {  	_ =	shalt  }
0x64: {  	_ =	shalt  }
0x65: {  	_ =	shalt  }
0x66: {  	_ =	shalt  }
0x67: {  	_ =	shalt  }
0x68: {  	_ =	shalt  }
0x69: {  	_ =	shalt  }
0x6a: {  	_ =	shalt  }
0x6b: {  	_ =	shalt  }
0x6c: {  	_ =	shalt  }
0x6d: {  	_ =	shalt  }
0x6e: {  	_ =	shalt  }
0x6f: {  	_ =	shalt  }
0x70: {  	_ =	shalt  }
0x71: {  	_ =	shalt  }
0x72: {  	_ =	shalt  }
0x73: {  	_ =	shalt  }
0x74: {  	_ =	shalt  }
0x75: {  	_ =	shalt  }
0x76: {  	_ =	shalt  }
0x77: {  	_ =	shalt  }
0x78: {  	_ =	shalt  }
0x79: {  	_ =	shalt  }
0x7a: {  	_ =	shalt  }
0x7b: {  	_ =	shalt  }
0x7c: {  	_ =	shalt  }
0x7d: {  	_ =	shalt  }
0x7e: {  	_ =	shalt  }
0x7f: {  	_ =	shalt  }
0x80: {  	_ =	shalt  }
0x81: {  	_ =	shalt  }
0x82: {  	_ =	shalt  }
0x83: {  	_ =	shalt  }
0x84: {  	_ =	shalt  }
0x85: {  	_ =	shalt  }
0x86: {  	_ =	shalt  }
0x87: {  	_ =	shalt  }
.Lfunc_end0:
.L_simem_size_0:
called_computation_lowered:
.L_overlay_start_0:
0x88: {  	s2 =	sld [smem:$0x3FD9]  }
0x89: {  	s3 =	sld [smem:$0x3FFE];
	_ =	sdelay $0x1  }
0x8a: {  	s1 =	srdreg.scid  }
0x8b: {  	s0 =	sand.u32 $0x1, s1  }
0x8c: {  	s18 =	sshll.u32 s0, $0xA;
	s2 =	sadd.s32 s3, s2  }
0x8d: {  	s2 =	sadd.s32 s2, s18  }
0x8e: {  	[smem:$0x3FC4] =	sst s2  }
0x8f: {  	_ = 	snop  }
0x90: {  	s2 =	sld [smem:$0x3FC9]  }
0x91: {  	s19 =	sld [smem:$0x3FC8]  }
0x92: {  	s4 =	sld [smem:$0x3FC7]  }
0x93: {  	s5 =	sld [smem:$0x3FC6]  }
0x94: {  	s6 =	sld [smem:$0x3FD0];
	(tm) =	ssettm $0x1  }
0x95: {  	s7 =	sld [smem:$0x3FFB];
	_ =	sdelay $0x3  }
0x96: {  	_ =	strace s7  }
0x97: {  	s7 =	sld [smem:$0x3FFC];
	_ =	sdelay $0x3  }
0x98: {  	_ =	strace s7  }
0x99: {  	s7 =	sld [smem:$0x3FFD];
	_ =	sdelay $0x3  }
0x9a: {  	_ =	strace s7  }
0x9b: {  	_ =	strace $0x8FFFFFFF  }
0x9c: {  	s20 =	sld [smem:$0x3FDB];
	_ =	sdelay $0x1  }
0x9d: {  	s8 =	simm.s32 $_scs_section_size  }
0x9e: {  	s9 =	simm.s32 $_size__tile_overlayer_lowered;
	s10 =	simm.s32 $_tile_overlayer_lowered  }
0x9f: {  	s23 =	simm.s32 $0x1BFF;
	s22 =	sshll.u32 s10, $0x1;
	s7 =	sadd.s32 s8, s20  }
0xa0: {  	s11 =	simm.s32 $0x0;
	s21 =	sshll.u32 s9, $0x1;
	s9 =	sadd.s32 s22, s7  }
0xa1: {  	[timem:s11], [sflag:s23] =	dma.local [hbm:s9], s21  }
0xa2: {  	_ =	swait.ge [sflag:s23], s21  }
0xa3: {  	s8 =	ssub.s32 $0x0, s21;
	[sflag:s23] =	ssyncset.done $0x0  }
0xa4: {  	[sflag:s23] =	ssyncadd.s32 s8;
	_ =	sdelay $0x1  }
0xa5: {  	s24 =	simm.s32 $0x1B8B  }
0xa6: {  	_ =	swait.ge [sflag:s24], $0x1  }
0xa7: {  	[sflag:s24] =	ssyncset.done $0x0  }
0xa8: {  	s25 =	simm.s32 $0x1B8E;
	[sflag:s24] =	ssyncadd.s32 $0xFFFFFFFF  }
0xa9: {  	s26 =	simm.s32 $execute0_lowered;
	[smem:$0x3FD2] =	sst s25  }
0xaa: {  	s8 =	sshll.u32 s26, $0x1;
	_ =	strace $0x80000046;
	[dreg:$0x1] =	wrdreg $0xFFFFFFFF  }
0xab: {  	s28 =	simm.s32 $_size_execute0_lowered;
	s7 =	sadd.s32 s7, s8;
	[dreg:$0x0] =	wrdreg $0x0  }
0xac: {  	s8 =	sshll.u32 s28, $0x1;
	[dreg:$0x2] =	wrdreg s7  }
0xad: {  	[dreg:$0x3] =	wrdreg s8  }
0xae: {  	[dreg:$0x4] =	wrdreg $0xC0  }
0xaf: {  	_ =	task [dreg:s11], $0x5FFFF  }
0xb0: {  	[dreg:$0x1] =	wrdreg $0xFFFFFFFF  }
0xb1: {  	[dreg:$0x0] =	wrdreg $0x60  }
0xb2: {  	[dreg:$0x2] =	wrdreg s2  }
0xb3: {  	[dreg:$0x3] =	wrdreg s19  }
0xb4: {  	[dreg:$0x4] =	wrdreg s4  }
0xb5: {  	[dreg:$0x5] =	wrdreg s5  }
0xb6: {  	[dreg:$0x6] =	wrdreg s6  }
0xb7: {  	[dreg:$0x7] =	wrdreg $0x9  }
0xb8: {  	_ =	task.clear_ibuf [dreg:s11], $0x8FFFF;
	_ =	strace $0x90000046  }
0xb9: {  	s29 =	simm.s32 $0x9;
	_ =	strace $0x80000048  }
0xba: {  	_ =	swait.ge [sflag:s29], $0x1  }
0xbb: {  	[sflag:s29] =	ssyncadd.s32 $0xFFFFFFFF  }
0xbc: {  	_ =	strace $0x90000048  }
0xbd: {  	_ =	sfence  }
0xbe: {  	s30 =	sld [smem:$0x0];
	_ =	sdelay $0x2  }
0xbf: {  	s31 =	sshll.u32 s1, $0xD;
	s1 =	sshrl.u32 s1, $0x2  }
0xc0: {  	s3 =	sand.u32 $0x4000, s31;
	s1 =	sadd.s32 s1, s30  }
0xc1: {  	s0 =	sor.u32 s3, s0;
	s1 =	sshll.u32 s1, $0x11  }
0xc2: {  	s0 =	sor.u32 s1, s0  }
0xc3: {  	s0 =	sadd.s32 $0x8F2B, s0  }
0xc4: {  	[sflag:s0] =	ssyncadd.remote.s32 $0x1  }
0xc5: {  	_ =	sfence.sel $0xFFFF  }
0xc6: {  	[dreg:$0x0] =	wrdreg $0xFFFFFFFF;
	(pc) =	sbr.abs _section_cstart, $3  }
0xc7: {  	[dreg:$0x1] =	wrdreg $0xFFFFFFFF  }
0xc8: {  	_ =	task.clear_ibuf [dreg:s11], $0x2FFFF;
	_ =	strace $0x9FFFFFFF  }
0xc9: {  	(tm) =	ssettm $0x7FFFFFFF  }
tec
execute0_lowered:
.L_overlay_start_1:
0x0: {  	(tag) =	ssettag $0x1  }
0x1: {  	s0 =	rddreg [dreg:$0x0];
	s1 =	srdreg.scid  }
0x2: {  	s2 =	stileid.u32;
	s6 =	rddreg [dreg:$0x4]  }
0x3: {  	s7 =	simm.s32 $0x0;
	s22 =	simm.s32 $0x3E80;
	s23 =	simm.s32 $0x1  }
0x4: {  	s24 =	simm.s32 $0x7D00;
	s1 =	sand.u32 $0x1, s1;
	s2 =	sshll.u32 s2, $0x1  }
0x5: {  	s28 =	simm.s32 $0x3;
	s29 =	simm.s32 $0x4;
	s2 =	sor.u32 s1, s2  }
0x6: {  	[smem:$0x7FF] =	sst s7;
	s1 =	ssub.s32 $0x2, s1;
	s5 =	smul.u32 $0xC350, s2  }
0x7: {  	_ =	strace $0x80000047;
	s3 =	smul.u32 $0x61A80, s2;
	s4 =	sshrl.u32 s1, $0x1  }
0x8: {  	s8 =	smul.u32 $0xC35, s2;
	s1 =	ssub.s32 s1, s4;
	s26 =	sadd.s32 s0, s5  }
0x9: {  	s25 =	sshrl.u32 s3, $0x3;
	s5 =	sadd.s32 s6, s5;
	[dreg:$0x6] =	wrdreg s26  }
0xa: {  	s1 =	smax.u32 s1, $0x1;
	s30 =	sadd.s32 $0x7D0, s25;
	[dreg:$0x8] =	wrdreg s5  }
0xb: {  	s31 =	sadd.s32 s0, s25;
	[dreg:$0xc] =	wrdreg s1;
	s9 =	sadd.s32 s0, s30  }
0xc: {  	s14 =	sadd.s32 $0x7D, s8;
	s4 =	sadd.s32 $0xFA0, s31;
	[dreg:$0x7] =	wrdreg s9  }
0xd: {  	s2 =	sadd.s32 s6, s25;
	s3 =	sadd.s32 s6, s30;
	[dreg:$0x9] =	wrdreg s4  }
0xe: {  	s15 =	sadd.s32 $0xFA, s8;
	s2 =	sadd.s32 $0xBB80, s2;
	[dreg:$0xa] =	wrdreg s3  }
0xf: {  	s25 =	simm.s32 $0x2;
	[dreg:$0xb] =	wrdreg s2;
	s2 =	simm.s32 $0x0  }
.LBB2_1:
0x10: {  	[dreg:$0xd] =	wrdreg s2  }
0x11: {  	s1 =	rddreg [dreg:$0x6]  }
0x12: {  	[tilespmem:s7], [sflag:$0x1] =	stream.linear.gather [hbm4b:s1+s7], $0x3E80, $0x38;
	[tilespmem:$0x13B80] =	vst v63  }
0x13: {  	s18 =	rddreg [dreg:$0x3];
	s19 =	simm.s32 $0xFA00;
	s20 =	simm.s32 $0x5  }
0x14: {  	[tilespmem:s19], [sflag:$0x5] =	stream.linear.gather [hbm4b:s18+s7], $0x80, $0x38;
	[tilespmem:$0x13B80] =	vst v63  }
0x15: {  	_ =	swait.ge [sflag:s20], $0x80  }
0x16: {  	[sflag:s20] =	ssyncset.done $0x0  }
0x17: {  	[sflag:s20] =	ssyncadd.s32 $0xFFFFFF80  }
0x18: {  	s3 =	simm.s32 $0xFA80;
	s21 =	rddreg [dreg:$0x2]  }
0x19: {  	[tilespmem:s3], [sflag:$0x5] =	stream.linear.gather [hbm4b:s21+s7], $0x80, $0x38;
	[tilespmem:$0x13B80] =	vst v63  }
0x1a: {  	_ =	swait.ge [sflag:s20], $0x80  }
0x1b: {  	[sflag:s20] =	ssyncset.done $0x0  }
0x1c: {  	[sflag:s20] =	ssyncadd.s32 $0xFFFFFF80  }
0x1d: {  	s30 =	simm.s32 $0xFB80;
	s26 =	rddreg [dreg:$0x1]  }
0x1e: {  	[tilespmem:s30], [sflag:$0x5] =	stream.linear.gather [hbm4b:s26+s7], $0x4000, $0x38;
	[tilespmem:$0x13B80] =	vst v63  }
0x1f: {  	_ =	swait.ge [sflag:s20], $0x4000  }
0x20: {  	[sflag:s20] =	ssyncset.done $0x0  }
0x21: {  	[sflag:s20] =	ssyncadd.s32 $0xFFFFC000  }
0x22: {  	v0 =	vld [tilespmem:$0xFA80]  }
0x23: {  	v1 =	vld [tilespmem:$0xFA00];
	_ =	sdelay $0x3  }
0x24: {  	v0 =	vshll.u32 v0, $0x7  }
0x25: {  	v0 =	vadd.s32 v0, v1;
	v1 =	vld [tilespmem:$0xFA90]  }
0x26: {  	v2 =	vld [tilespmem:$0xFA10];
	_ =	sdelay $0x3  }
0x27: {  	v0 =	vld.idx.msk [tilespmem:v0+s30+$0x0], $0xffff;
	v1 =	vshll.u32 v1, $0x7  }
0x28: {  	v1 =	vadd.s32 v1, v2;
	v2 =	vld [tilespmem:$0xFAA0]  }
0x29: {  	v3 =	vld [tilespmem:$0xFA20];
	_ =	sdelay $0x2  }
0x2a: {  	[tilespmem:$0xFB00] =	vst v0  }
0x2b: {  	v1 =	vld.idx.msk [tilespmem:v1+s30+$0x0], $0xffff;
	v2 =	vshll.u32 v2, $0x7  }
0x2c: {  	v2 =	vadd.s32 v2, v3;
	v3 =	vld [tilespmem:$0xFAB0]  }
0x2d: {  	v4 =	vld [tilespmem:$0xFA30];
	_ =	sdelay $0x2  }
0x2e: {  	[tilespmem:$0xFB10] =	vst v1  }
0x2f: {  	v16 =	vld.idx.msk [tilespmem:v2+s30+$0x0], $0xffff;
	v2 =	vshll.u32 v3, $0x7  }
0x30: {  	v3 =	vld [tilespmem:$0xFAC0];
	v2 =	vadd.s32 v2, v4  }
0x31: {  	v4 =	vld [tilespmem:$0xFA40];
	_ =	sdelay $0x2  }
0x32: {  	[tilespmem:$0xFB20] =	vst v16  }
0x33: {  	v5 =	vld.idx.msk [tilespmem:v2+s30+$0x0], $0xffff;
	v2 =	vshll.u32 v3, $0x7  }
0x34: {  	v3 =	vld [tilespmem:$0xFAD0];
	v2 =	vadd.s32 v2, v4  }
0x35: {  	v4 =	vld [tilespmem:$0xFA50];
	_ =	sdelay $0x2  }
0x36: {  	[tilespmem:$0xFB30] =	vst v5  }
0x37: {  	v7 =	vld.idx.msk [tilespmem:v2+s30+$0x0], $0xffff;
	v2 =	vshll.u32 v3, $0x7  }
0x38: {  	v3 =	vld [tilespmem:$0xFAE0];
	v2 =	vadd.s32 v2, v4  }
0x39: {  	v4 =	vld [tilespmem:$0xFA60];
	_ =	sdelay $0x2  }
0x3a: {  	[tilespmem:$0xFB40] =	vst v7  }
0x3b: {  	v9 =	vld.idx.msk [tilespmem:v2+s30+$0x0], $0xffff;
	v2 =	vshll.u32 v3, $0x7  }
0x3c: {  	v3 =	vld [tilespmem:$0xFAF0];
	v2 =	vadd.s32 v2, v4  }
0x3d: {  	v4 =	vld [tilespmem:$0xFA70];
	_ =	sdelay $0x2  }
0x3e: {  	[tilespmem:$0xFB50] =	vst v9  }
0x3f: {  	v12 =	vld.idx.msk [tilespmem:v2+s30+$0x0], $0xffff;
	v2 =	vshll.u32 v3, $0x7  }
0x40: {  	v2 =	vadd.s32 v2, v4;
	_ =	sdelay $0x2  }
0x41: {  	v13 =	vld [tilespmem:$0xFA00]  }
0x42: {  	v14 =	vld [tilespmem:$0xFA10];
	[tilespmem:$0xFB60] =	vst v12  }
0x43: {  	v11 =	vld.idx.msk [tilespmem:v2+s30+$0x0], $0xffff  }
0x44: {  	v15 =	vld [tilespmem:$0xFA20]  }
0x45: {  	v10 =	vld [tilespmem:$0xFA30]  }
0x46: {  	v8 =	vld [tilespmem:$0xFA40]  }
0x47: {  	v6 =	vld [tilespmem:$0xFA50]  }
0x48: {  	s12 =	simm.s32 $0x80;
	s31 =	rddreg [dreg:$0x7];
	v4 =	vld [tilespmem:$0xFA60];
	[tilespmem:$0xFB70] =	vst v11  }
0x49: {  	v3 =	vadd.s32 s12, v13;
	v2 =	vld [tilespmem:$0xFA70];
	[tilespmem:s22], [sflag:$0x2] =	stream.linear.gather [hbm4b:s31+s7], $0x3E80, $0x38  }
0x4a: {  	s16 =	simm.s32 $0x100;
	_ =	swait.ge [sflag:s23], $0x3E80  }
0x4b: {  	v17 =	vadd.s32 s16, v13;
	[sflag:s23] =	ssyncset.done $0x0  }
0x4c: {  	[sflag:s23] =	ssyncadd.s32 $0xFFFFC180  }
0x4d: {  	v18 =	vld.idx.msk [tilespmem:v13+s7+$0x0], $0xffff  }
0x4e: {  	v3 =	vld.idx.msk [tilespmem:v3+s7+$0x0], $0xffff;
	_ =	sdelay $0x1  }
0x4f: {  	v17 =	vld.idx.msk [tilespmem:v17+s7+$0x0], $0xffff;
	_ =	sdelay $0x1  }
0x50: {  	v0 =	vmul.f32 $1.000000000e+01, v0;
	v18 =	vmul.f32 $1.000000000e+01, v18  }
0x51: {  	v3 =	vmul.f32 $1.000000000e+01, v3  }
0x52: {  	s13 =	simm.s32 $0x180;
	v18 =	vsub.f32 v0, v18  }
0x53: {  	v19 =	vadd.s32 s13, v13;
	v17 =	vmul.f32 $1.000000000e+01, v17;
	v3 =	vsub.f32 v0, v3  }
0x54: {  	v18 =	vmul.f32 $1.442695020e+00, v18  }
0x55: {  	v17 =	vsub.f32 v0, v17;
	v3 =	vmul.f32 $1.442695020e+00, v3  }
0x56: {  	(erf) = vpow2.f32 v18  }
0x57: {  	v17 =	vmul.f32 $1.442695020e+00, v17;
	(erf) = vpow2.f32 v3  }
0x58: {  	v3 =	vld.idx.msk [tilespmem:v19+s7+$0x0], $0xffff  }
0x59: {  	(erf) = vpow2.f32 v17;
	_ =	sdelay $0x3  }
0x5a: {  	v3 =	vmul.f32 $1.000000000e+01, v3;
	_ =	sdelay $0x1  }
0x5b: {  	v3 =	vsub.f32 v0, v3;
	v17 =	vpop (erf)  }
0x5c: {  	v18 =	vadd.s32 s12, v14;
	v17 =	vsub.f32 $1.000000000e+00, v17;
	v19 =	vpop (erf)  }
0x5d: {  	v3 =	vmul.f32 $1.442695020e+00, v3;
	v19 =	vsub.f32 $1.000000000e+00, v19  }
0x5e: {  	s1 =	simm.s32 $0x7E00;
	v21 =	vadd.s32 s16, v14;
	v20 =	vpop (erf);
	v17 =	vmax.f32 v17, $2.000000030e-01  }
0x5f: {  	v20 =	vsub.f32 $1.000000000e+00, v20;
	(erf) = vpow2.f32 v3;
	[tilespmem:s1+$0xFFFFFF00] =	vst v17;
	v3 =	vmax.f32 v19, $2.000000030e-01  }
0x60: {  	v17 =	vld.idx.msk [tilespmem:v14+s7+$0x0], $0xffff;
	[tilespmem:s1+$0xFFFFFF80] =	vst v3  }
0x61: {  	v3 =	vmax.f32 v20, $2.000000030e-01;
	v18 =	vld.idx.msk [tilespmem:v18+s7+$0x0], $0xffff  }
0x62: {  	[tilespmem:s1+$0x0] =	vst v3  }
0x63: {  	v3 =	vld.idx.msk [tilespmem:v21+s7+$0x0], $0xffff;
	_ =	sdelay $0x1  }
0x64: {  	v1 =	vmul.f32 $1.000000000e+01, v1;
	v17 =	vmul.f32 $1.000000000e+01, v17  }
0x65: {  	v18 =	vmul.f32 $1.000000000e+01, v18  }
0x66: {  	v17 =	vsub.f32 v1, v17  }
0x67: {  	v20 =	vadd.s32 s13, v14;
	v3 =	vmul.f32 $1.000000000e+01, v3;
	v19 =	vpop (erf);
	v18 =	vsub.f32 v1, v18  }
0x68: {  	v19 =	vsub.f32 $1.000000000e+00, v19;
	v17 =	vmul.f32 $1.442695020e+00, v17  }
0x69: {  	v3 =	vsub.f32 v1, v3;
	v18 =	vmul.f32 $1.442695020e+00, v18  }
0x6a: {  	v19 =	vmax.f32 v19, $2.000000030e-01;
	(erf) = vpow2.f32 v17  }
0x6b: {  	v3 =	vmul.f32 $1.442695020e+00, v3;
	[tilespmem:s1+$0x80] =	vst v19;
	(erf) = vpow2.f32 v18  }
0x6c: {  	v17 =	vld.idx.msk [tilespmem:v20+s7+$0x0], $0xffff  }
0x6d: {  	(erf) = vpow2.f32 v3;
	_ =	sdelay $0x3  }
0x6e: {  	v3 =	vmul.f32 $1.000000000e+01, v17;
	_ =	sdelay $0x1  }
0x6f: {  	v3 =	vsub.f32 v1, v3;
	v17 =	vpop (erf)  }
0x70: {  	v18 =	vadd.s32 s12, v15;
	v19 =	vpop (erf)  }
0x71: {  	v3 =	vmul.f32 $1.442695020e+00, v3;
	v19 =	vsub.f32 $1.000000000e+00, v19  }
0x72: {  	v20 =	vadd.s32 s16, v15;
	v21 =	vpop (erf)  }
0x73: {  	v21 =	vsub.f32 $1.000000000e+00, v21;
	(erf) = vpow2.f32 v3;
	v3 =	vmax.f32 v19, $2.000000030e-01  }
0x74: {  	[tilespmem:s1+$0xFFFFFF90] =	vst v3  }
0x75: {  	v3 =	vmax.f32 v21, $2.000000030e-01;
	v18 =	vld.idx.msk [tilespmem:v18+s7+$0x0], $0xffff  }
0x76: {  	v17 =	vsub.f32 $1.000000000e+00, v17;
	[tilespmem:s1+$0x10] =	vst v3  }
0x77: {  	v19 =	vld.idx.msk [tilespmem:v20+s7+$0x0], $0xffff  }
0x78: {  	v3 =	vmax.f32 v17, $2.000000030e-01  }
0x79: {  	[tilespmem:s1+$0xFFFFFF10] =	vst v3  }
0x7a: {  	v3 =	vmul.f32 $1.000000000e+01, v16;
	v20 =	vld.idx.msk [tilespmem:v15+s7+$0x0], $0xffff;
	v16 =	vmul.f32 $1.000000000e+01, v18;
	_ =	sdelay $0x1  }
0x7b: {  	v18 =	vadd.s32 s13, v15;
	v17 =	vmul.f32 $1.000000000e+01, v19;
	v19 =	vpop (erf);
	v16 =	vsub.f32 v3, v16  }
0x7c: {  	v19 =	vsub.f32 $1.000000000e+00, v19  }
0x7d: {  	v16 =	vmul.f32 $1.442695020e+00, v16  }
0x7e: {  	v20 =	vmul.f32 $1.000000000e+01, v20;
	v19 =	vmax.f32 v19, $2.000000030e-01  }
0x7f: {  	v21 =	vsub.f32 v3, v17;
	v17 =	vadd.s32 $0x200, v13;
	[tilespmem:s1+$0x90] =	vst v19;
	(erf) = vpow2.f32 v16  }
0x80: {  	s3 =	simm.s32 $0x280;
	v22 =	vadd.s32 s7, v17;
	v18 =	vld.idx.msk [tilespmem:v18+s7+$0x0], $0xffff  }
0x81: {  	v20 =	vsub.f32 v3, v20;
	v21 =	vmul.f32 $1.442695020e+00, v21;
	v16 =	vadd.s32 s3, v13;
	_ =	sdelay $0x1  }
0x82: {  	s18 =	simm.s32 $0x300;
	v19 =	vmul.f32 $1.442695020e+00, v20;
	(erf) = vpow2.f32 v21  }
0x83: {  	v20 =	vadd.s32 s18, v13  }
0x84: {  	(erf) = vpow2.f32 v19;
	v21 =	vld.idx.msk [tilespmem:v22+s7+$0x0], $0xffff;
	v18 =	vmul.f32 $1.000000000e+01, v18  }
0x85: {  	v16 =	vld.idx.msk [tilespmem:v16+s7+$0x0], $0xffff  }
0x86: {  	s4 =	simm.s32 $0x380;
	v18 =	vsub.f32 v3, v18  }
0x87: {  	v19 =	vadd.s32 s4, v13;
	v24 =	vpop (erf)  }
0x88: {  	v20 =	vld.idx.msk [tilespmem:v20+s7+$0x0], $0xffff;
	v18 =	vmul.f32 $1.442695020e+00, v18;
	v24 =	vsub.f32 $1.000000000e+00, v24  }
0x89: {  	v23 =	vadd.s32 s12, v10;
	v21 =	vmul.f32 $1.000000000e+01, v21  }
0x8a: {  	v16 =	vmul.f32 $1.000000000e+01, v16;
	(erf) = vpow2.f32 v18;
	v18 =	vmax.f32 v24, $2.000000030e-01  }
0x8b: {  	v22 =	vadd.s32 s16, v10;
	v25 =	vpop (erf);
	v21 =	vsub.f32 v0, v21  }
0x8c: {  	v19 =	vld.idx.msk [tilespmem:v19+s7+$0x0], $0xffff;
	v25 =	vsub.f32 $1.000000000e+00, v25;
	v16 =	vsub.f32 v0, v16  }
0x8d: {  	v20 =	vmul.f32 $1.000000000e+01, v20;
	v21 =	vmul.f32 $1.442695020e+00, v21;
	[tilespmem:s1+$0xFFFFFFA0] =	vst v18;
	v18 =	vpop (erf)  }
0x8e: {  	v24 =	vmax.f32 v25, $2.000000030e-01;
	v16 =	vmul.f32 $1.442695020e+00, v16;
	v18 =	vsub.f32 $1.000000000e+00, v18  }
0x8f: {  	v20 =	vsub.f32 v0, v20;
	v23 =	vld.idx.msk [tilespmem:v23+s7+$0x0], $0xffff;
	[tilespmem:s1+$0x20] =	vst v24;
	(erf) = vpow2.f32 v21  }
0x90: {  	v22 =	vld.idx.msk [tilespmem:v22+s7+$0x0], $0xffff;
	(erf) = vpow2.f32 v16;
	v18 =	vmax.f32 v18, $2.000000030e-01  }
0x91: {  	v16 =	vmul.f32 $1.442695020e+00, v20;
	[tilespmem:s1+$0xFFFFFF20] =	vst v18;
	v18 =	vmul.f32 $1.000000000e+01, v19;
	_ =	sdelay $0x1  }
0x92: {  	(erf) = vpow2.f32 v16;
	v16 =	vsub.f32 v0, v18  }
0x93: {  	v5 =	vmul.f32 $1.000000000e+01, v5;
	v21 =	vmul.f32 $1.000000000e+01, v23;
	v19 =	vld.idx.msk [tilespmem:v10+s7+$0x0], $0xffff  }
0x94: {  	v23 =	vadd.s32 s13, v10;
	v18 =	vmul.f32 $1.000000000e+01, v22;
	v22 =	vpop (erf);
	v16 =	vmul.f32 $1.442695020e+00, v16  }
0x95: {  	v21 =	vsub.f32 v5, v21;
	v22 =	vsub.f32 $1.000000000e+00, v22;
	_ =	sdelay $0x1  }
0x96: {  	v18 =	vsub.f32 v5, v18;
	v21 =	vmul.f32 $1.442695020e+00, v21;
	v22 =	vmax.f32 v22, $2.000000030e-01  }
0x97: {  	v20 =	vadd.s32 $0x200, v14;
	v19 =	vmul.f32 $1.000000000e+01, v19;
	(erf) = vpow2.f32 v16;
	[tilespmem:s1+$0xA0] =	vst v22;
	v16 =	vpop (erf)  }
0x98: {  	v24 =	vadd.s32 s7, v20;
	v18 =	vmul.f32 $1.442695020e+00, v18;
	v23 =	vld.idx.msk [tilespmem:v23+s7+$0x0], $0xffff;
	v16 =	vsub.f32 $1.000000000e+00, v16  }
0x99: {  	(erf) = vpow2.f32 v21;
	v19 =	vsub.f32 v5, v19  }
0x9a: {  	v21 =	vadd.s32 s3, v14;
	(erf) = vpow2.f32 v18;
	v22 =	vpop (erf);
	v16 =	vmax.f32 v16, $2.000000030e-01  }
0x9b: {  	s2 =	simm.s32 $0x8000;
	v18 =	vsub.f32 $1.000000000e+00, v22;
	v19 =	vmul.f32 $1.442695020e+00, v19  }
0x9c: {  	v22 =	vadd.s32 s18, v14;
	[tilespmem:s2+$0xFFFFFF00] =	vst v16  }
0x9d: {  	v18 =	vmax.f32 v18, $2.000000030e-01;
	(erf) = vpow2.f32 v19;
	v19 =	vmul.f32 $1.000000000e+01, v23;
	v24 =	vld.idx.msk [tilespmem:v24+s7+$0x0], $0xffff;
	v16 =	vpop (erf)  }
0x9e: {  	[tilespmem:s2+$0xFFFFFF80] =	vst v18;
	v16 =	vsub.f32 $1.000000000e+00, v16  }
0x9f: {  	v18 =	vld.idx.msk [tilespmem:v21+s7+$0x0], $0xffff  }
0xa0: {  	v16 =	vmax.f32 v16, $2.000000030e-01  }
0xa1: {  	[tilespmem:s2+$0x0] =	vst v16;
	v16 =	vsub.f32 v5, v19;
	v19 =	vpop (erf)  }
0xa2: {  	v23 =	vmul.f32 $1.000000000e+01, v24;
	v21 =	vld.idx.msk [tilespmem:v22+s7+$0x0], $0xffff;
	v22 =	vadd.s32 s4, v14;
	v24 =	vpop (erf)  }
0xa3: {  	v27 =	vadd.s32 s12, v8;
	v25 =	vadd.s32 s16, v8;
	v19 =	vsub.f32 $1.000000000e+00, v19;
	v26 =	vpop (erf)  }
0xa4: {  	v18 =	vmul.f32 $1.000000000e+01, v18;
	v23 =	vsub.f32 v1, v23;
	v26 =	vsub.f32 $1.000000000e+00, v26  }
0xa5: {  	v16 =	vmul.f32 $1.442695020e+00, v16;
	v24 =	vsub.f32 $1.000000000e+00, v24;
	v19 =	vmax.f32 v19, $2.000000030e-01  }
0xa6: {  	v18 =	vsub.f32 v1, v18;
	[tilespmem:s2+$0x80] =	vst v19;
	v19 =	vmul.f32 $1.442695020e+00, v23;
	v23 =	vmax.f32 v26, $2.000000030e-01  }
0xa7: {  	(erf) = vpow2.f32 v16;
	v21 =	vmul.f32 $1.000000000e+01, v21;
	v16 =	vld.idx.msk [tilespmem:v22+s7+$0x0], $0xffff;
	v22 =	vmax.f32 v24, $2.000000030e-01;
	[tilespmem:s1+$0x30] =	vst v23  }
0xa8: {  	(erf) = vpow2.f32 v19;
	[tilespmem:s1+$0xFFFFFFB0] =	vst v22;
	v19 =	vld.idx.msk [tilespmem:v25+s7+$0x0], $0xffff  }
0xa9: {  	v18 =	vmul.f32 $1.442695020e+00, v18;
	v26 =	vpop (erf);
	v21 =	vsub.f32 v1, v21;
	v22 =	vld.idx.msk [tilespmem:v27+s7+$0x0], $0xffff  }
0xaa: {  	v23 =	vsub.f32 $1.000000000e+00, v26  }
0xab: {  	(erf) = vpow2.f32 v18;
	v21 =	vmul.f32 $1.442695020e+00, v21  }
0xac: {  	v7 =	vmul.f32 $1.000000000e+01, v7;
	v18 =	vmax.f32 v23, $2.000000030e-01;
	v16 =	vmul.f32 $1.000000000e+01, v16  }
0xad: {  	[tilespmem:s1+$0xFFFFFF30] =	vst v18;
	(erf) = vpow2.f32 v21;
	v19 =	vmul.f32 $1.000000000e+01, v19  }
0xae: {  	v18 =	vld.idx.msk [tilespmem:v8+s7+$0x0], $0xffff;
	v21 =	vmul.f32 $1.000000000e+01, v22;
	v16 =	vsub.f32 v1, v16  }
0xaf: {  	v19 =	vsub.f32 v7, v19  }
0xb0: {  	v24 =	vpop (erf);
	v16 =	vmul.f32 $1.442695020e+00, v16;
	v21 =	vsub.f32 v7, v21  }
0xb1: {  	v24 =	vsub.f32 $1.000000000e+00, v24;
	v19 =	vmul.f32 $1.442695020e+00, v19  }
0xb2: {  	v22 =	vadd.s32 s13, v8;
	(erf) = vpow2.f32 v16;
	v21 =	vmul.f32 $1.442695020e+00, v21  }
0xb3: {  	v27 =	vpop (erf);
	v24 =	vmax.f32 v24, $2.000000030e-01;
	v18 =	vmul.f32 $1.000000000e+01, v18;
	(erf) = vpow2.f32 v19  }
0xb4: {  	v26 =	vadd.s32 s3, v15;
	v23 =	vadd.s32 $0x200, v15;
	v16 =	vpop (erf);
	(erf) = vpow2.f32 v21  }
0xb5: {  	v25 =	vadd.s32 s7, v23;
	v18 =	vsub.f32 v7, v18;
	v16 =	vsub.f32 $1.000000000e+00, v16  }
0xb6: {  	[tilespmem:s1+$0xB0] =	vst v24;
	v19 =	vsub.f32 $1.000000000e+00, v27;
	v21 =	vadd.s32 s18, v15;
	v24 =	vpop (erf)  }
0xb7: {  	v18 =	vmul.f32 $1.442695020e+00, v18;
	v16 =	vmax.f32 v16, $2.000000030e-01;
	v24 =	vsub.f32 $1.000000000e+00, v24  }
0xb8: {  	v19 =	vmax.f32 v19, $2.000000030e-01;
	[tilespmem:s2+$0xFFFFFF90] =	vst v16;
	v16 =	vld.idx.msk [tilespmem:v22+s7+$0x0], $0xffff  }
0xb9: {  	s20 =	simm.s32 $0x580;
	[tilespmem:s2+$0xFFFFFF10] =	vst v19;
	(erf) = vpow2.f32 v18;
	v19 =	vld.idx.msk [tilespmem:v26+s7+$0x0], $0xffff;
	v22 =	vmax.f32 v24, $2.000000030e-01  }
0xba: {  	v30 =	vadd.s32 s20, v13;
	v18 =	vld.idx.msk [tilespmem:v25+s7+$0x0], $0xffff;
	[tilespmem:s2+$0x10] =	vst v22  }
0xbb: {  	s5 =	simm.s32 $0x200;
	s10 =	simm.s32 $0x500;
	v31 =	vadd.s32 s13, v6;
	v32 =	vadd.s32 s18, v10;
	v33 =	vadd.s32 s3, v10;
	v21 =	vld.idx.msk [tilespmem:v21+s7+$0x0], $0xffff;
	v25 =	vpop (erf)  }
0xbc: {  	v52 =	vadd.s32 s4, v10;
	v59 =	vadd.s32 s10, v14;
	v29 =	vadd.s32 s5, v17;
	v27 =	vpop (erf)  }
0xbd: {  	v24 =	vadd.s32 s16, v6;
	v26 =	vadd.s32 s4, v15;
	v16 =	vmul.f32 $1.000000000e+01, v16;
	v28 =	vpop (erf)  }
0xbe: {  	v25 =	vsub.f32 $1.000000000e+00, v25;
	v19 =	vmul.f32 $1.000000000e+01, v19;
	v28 =	vsub.f32 $1.000000000e+00, v28  }
0xbf: {  	v22 =	vadd.s32 s12, v6;
	v27 =	vsub.f32 $1.000000000e+00, v27;
	v16 =	vsub.f32 v7, v16  }
0xc0: {  	v25 =	vmax.f32 v25, $2.000000030e-01;
	v19 =	vsub.f32 v3, v19;
	v21 =	vmul.f32 $1.000000000e+01, v21  }
0xc1: {  	v18 =	vmul.f32 $1.000000000e+01, v18;
	[tilespmem:s2+$0x90] =	vst v25;
	v25 =	vmax.f32 v27, $2.000000030e-01;
	v16 =	vmul.f32 $1.442695020e+00, v16  }
0xc2: {  	v27 =	vmax.f32 v28, $2.000000030e-01;
	v26 =	vld.idx.msk [tilespmem:v26+s7+$0x0], $0xffff;
	v19 =	vmul.f32 $1.442695020e+00, v19;
	v28 =	vpop (erf);
	v21 =	vsub.f32 v3, v21  }
0xc3: {  	v29 =	vld.idx.msk [tilespmem:v29+s7+$0x0], $0xffff;
	[tilespmem:s1+$0x40] =	vst v25;
	v25 =	vsub.f32 $1.000000000e+00, v28;
	(erf) = vpow2.f32 v16;
	v16 =	vsub.f32 v3, v18  }
0xc4: {  	v37 =	vadd.s32 s20, v14;
	v44 =	vadd.s32 s3, v8;
	[tilespmem:s1+$0xFFFFFFC0] =	vst v27;
	v18 =	vld.idx.msk [tilespmem:v24+s7+$0x0], $0xffff;
	v27 =	vmul.f32 $1.442695020e+00, v21  }
0xc5: {  	(erf) = vpow2.f32 v19;
	v19 =	vmax.f32 v25, $2.000000030e-01;
	v25 =	vmul.f32 $1.442695020e+00, v16  }
0xc6: {  	s9 =	simm.s32 $0x480;
	v40 =	vadd.s32 s18, v8;
	v9 =	vmul.f32 $1.000000000e+01, v9;
	v22 =	vld.idx.msk [tilespmem:v22+s7+$0x0], $0xffff;
	[tilespmem:s1+$0xFFFFFF40] =	vst v19;
	(erf) = vpow2.f32 v27  }
0xc7: {  	v28 =	vadd.s32 s9, v13;
	v27 =	vld.idx.msk [tilespmem:v6+s7+$0x0], $0xffff;
	(erf) = vpow2.f32 v25;
	v25 =	vmul.f32 $1.000000000e+01, v26  }
0xc8: {  	v12 =	vmul.f32 $1.000000000e+01, v12;
	v29 =	vmul.f32 $1.000000000e+01, v29;
	v26 =	vadd.s32 s10, v13  }
0xc9: {  	v60 =	vadd.s32 s12, v4;
	v18 =	vmul.f32 $1.000000000e+01, v18;
	v25 =	vsub.f32 v3, v25  }
0xca: {  	v62 =	vadd.s32 s13, v4;
	v11 =	vmul.f32 $1.000000000e+01, v11;
	v29 =	vsub.f32 v0, v29  }
0xcb: {  	v22 =	vmul.f32 $1.000000000e+01, v22;
	v18 =	vsub.f32 v9, v18;
	v25 =	vmul.f32 $1.442695020e+00, v25  }
0xcc: {  	v29 =	vmul.f32 $1.442695020e+00, v29;
	v24 =	vadd.s32 $0x200, v10;
	v28 =	vld.idx.msk [tilespmem:v28+s7+$0x0], $0xffff;
	v27 =	vmul.f32 $1.000000000e+01, v27  }
0xcd: {  	v22 =	vsub.f32 v9, v22;
	v34 =	vpop (erf);
	v18 =	vmul.f32 $1.442695020e+00, v18;
	v26 =	vld.idx.msk [tilespmem:v26+s7+$0x0], $0xffff;
	(erf) = vpow2.f32 v25  }
0xce: {  	v30 =	vld.idx.msk [tilespmem:v30+s7+$0x0], $0xffff;
	v36 =	vadd.s32 s7, v24;
	v35 =	vpop (erf);
	v34 =	vsub.f32 $1.000000000e+00, v34;
	v27 =	vsub.f32 v9, v27  }
0xcf: {  	v22 =	vmul.f32 $1.442695020e+00, v22;
	v35 =	vsub.f32 $1.000000000e+00, v35;
	(erf) = vpow2.f32 v18;
	v50 =	vpop (erf)  }
0xd0: {  	v25 =	vmax.f32 v34, $2.000000030e-01;
	v18 =	vmul.f32 $1.442695020e+00, v27;
	v27 =	vsub.f32 $1.000000000e+00, v50;
	v51 =	vpop (erf)  }
0xd1: {  	v28 =	vmul.f32 $1.000000000e+01, v28;
	v49 =	vmax.f32 v35, $2.000000030e-01;
	[tilespmem:s1+$0xC0] =	vst v25;
	v25 =	vsub.f32 $1.000000000e+00, v51  }
0xd2: {  	[tilespmem:s2+$0xFFFFFFA0] =	vst v49;
	v26 =	vmul.f32 $1.000000000e+01, v26;
	(erf) = vpow2.f32 v18;
	v18 =	vmax.f32 v27, $2.000000030e-01;
	v27 =	vld.idx.msk [tilespmem:v31+s7+$0x0], $0xffff  }
0xd3: {  	v30 =	vmul.f32 $1.000000000e+01, v30;
	v21 =	vadd.s32 $0x200, v8;
	v31 =	vld.idx.msk [tilespmem:v33+s7+$0x0], $0xffff;
	[tilespmem:s2+$0x20] =	vst v18;
	v18 =	vmax.f32 v25, $2.000000030e-01  }
0xd4: {  	v25 =	vsub.f32 v0, v28;
	(erf) = vpow2.f32 v29;
	[tilespmem:s2+$0xFFFFFF20] =	vst v18;
	v18 =	vsub.f32 v0, v26  }
0xd5: {  	v16 =	vadd.s32 $0x200, v4;
	v28 =	vld.idx.msk [tilespmem:v32+s7+$0x0], $0xffff;
	v26 =	vsub.f32 v0, v30;
	(erf) = vpow2.f32 v22  }
0xd6: {  	v38 =	vadd.s32 s7, v21;
	v29 =	vld.idx.msk [tilespmem:v36+s7+$0x0], $0xffff;
	v25 =	vmul.f32 $1.442695020e+00, v25;
	v18 =	vmul.f32 $1.442695020e+00, v18;
	v22 =	vpop (erf)  }
0xd7: {  	v26 =	vmul.f32 $1.442695020e+00, v26;
	v27 =	vmul.f32 $1.000000000e+01, v27;
	v22 =	vsub.f32 $1.000000000e+00, v22  }
0xd8: {  	v30 =	vadd.s32 s16, v4;
	(erf) = vpow2.f32 v25;
	v25 =	vmul.f32 $1.000000000e+01, v31  }
0xd9: {  	(erf) = vpow2.f32 v18;
	v22 =	vmax.f32 v22, $2.000000030e-01;
	v27 =	vsub.f32 v9, v27  }
0xda: {  	v53 =	vpop (erf);
	v18 =	vmul.f32 $1.000000000e+01, v28;
	v25 =	vsub.f32 v5, v25;
	(erf) = vpow2.f32 v26  }
0xdb: {  	v31 =	vsub.f32 $1.000000000e+00, v53;
	v28 =	vmul.f32 $1.000000000e+01, v29;
	v27 =	vmul.f32 $1.442695020e+00, v27  }
0xdc: {  	v29 =	vadd.s32 s5, v20;
	[tilespmem:s2+$0xA0] =	vst v22;
	v18 =	vsub.f32 v5, v18;
	v25 =	vmul.f32 $1.442695020e+00, v25;
	v22 =	vpop (erf)  }
0xdd: {  	v26 =	vld.idx.msk [tilespmem:v52+s7+$0x0], $0xffff;
	v28 =	vsub.f32 v5, v28;
	v54 =	vpop (erf);
	(erf) = vpow2.f32 v27;
	v27 =	vmax.f32 v31, $2.000000030e-01  }
0xde: {  	v55 =	vmul.f32 $1.442695020e+00, v18;
	v32 =	vsub.f32 $1.000000000e+00, v54;
	(erf) = vpow2.f32 v25  }
0xdf: {  	v19 =	vadd.s32 $0x200, v6;
	v51 =	vadd.s32 s4, v8;
	v53 =	vadd.s32 s9, v15;
	[tilespmem:s1+$0x50] =	vst v27  }
0xe0: {  	s11 =	simm.s32 $0x8200;
	v28 =	vmul.f32 $1.442695020e+00, v28;
	v30 =	vld.idx.msk [tilespmem:v30+s7+$0x0], $0xffff;
	v31 =	vmax.f32 v32, $2.000000030e-01;
	v27 =	vpop (erf);
	(erf) = vpow2.f32 v55  }
0xe1: {  	v52 =	vadd.s32 s5, v23;
	[tilespmem:s11+$0xFFFFFF00] =	vst v31;
	v31 =	vadd.s32 s9, v14;
	v56 =	vpop (erf);
	v27 =	vsub.f32 $1.000000000e+00, v27  }
0xe2: {  	v26 =	vmul.f32 $1.000000000e+01, v26;
	(erf) = vpow2.f32 v28;
	v28 =	vld.idx.msk [tilespmem:v29+s7+$0x0], $0xffff;
	v29 =	vsub.f32 $1.000000000e+00, v56;
	v57 =	vpop (erf)  }
0xe3: {  	v18 =	vadd.s32 $0x200, v2;
	v32 =	vsub.f32 $1.000000000e+00, v57;
	v27 =	vmax.f32 v27, $2.000000030e-01  }
0xe4: {  	v25 =	vsub.f32 $1.000000000e+00, v22;
	v26 =	vsub.f32 v5, v26;
	v29 =	vmax.f32 v29, $2.000000030e-01;
	[tilespmem:s1+$0xFFFFFFD0] =	vst v27  }
0xe5: {  	v22 =	vadd.s32 s7, v18;
	v61 =	vpop (erf);
	v30 =	vmul.f32 $1.000000000e+01, v30;
	v32 =	vmax.f32 v32, $2.000000030e-01;
	[tilespmem:s11+$0xFFFFFF80] =	vst v29;
	v35 =	vld.idx.msk [tilespmem:v60+s7+$0x0], $0xffff  }
0xe6: {  	v58 =	vmax.f32 v25, $2.000000030e-01;
	v25 =	vadd.s32 s7, v16;
	v26 =	vmul.f32 $1.442695020e+00, v26;
	v31 =	vld.idx.msk [tilespmem:v31+s7+$0x0], $0xffff;
	v63 =	vpop (erf);
	[tilespmem:s11+$0x0] =	vst v32  }
0xe7: {  	v29 =	vsub.f32 $1.000000000e+00, v61;
	v60 =	vadd.s32 s13, v2;
	v28 =	vmul.f32 $1.000000000e+01, v28;
	v34 =	vld.idx.msk [tilespmem:v59+s7+$0x0], $0xffff;
	v41 =	vpop (erf)  }
0xe8: {  	[tilespmem:s1+$0xFFFFFF50] =	vst v58;
	(erf) = vpow2.f32 v26;
	v36 =	vsub.f32 $1.000000000e+00, v63;
	v41 =	vsub.f32 $1.000000000e+00, v41  }
0xe9: {  	v39 =	vld.idx.msk [tilespmem:v4+s7+$0x0], $0xffff;
	v27 =	vsub.f32 v1, v28;
	v28 =	vmax.f32 v29, $2.000000030e-01;
	v29 =	vsub.f32 v12, v30;
	v30 =	vpop (erf)  }
0xea: {  	v26 =	vmax.f32 v36, $2.000000030e-01;
	[tilespmem:s11+$0x80] =	vst v28;
	v30 =	vsub.f32 $1.000000000e+00, v30;
	v48 =	vmul.f32 $1.000000000e+01, v35  }
0xeb: {  	v46 =	vmax.f32 v41, $2.000000030e-01;
	[tilespmem:s1+$0xD0] =	vst v26;
	v27 =	vmul.f32 $1.442695020e+00, v27;
	v45 =	vld.idx.msk [tilespmem:v37+s7+$0x0], $0xffff;
	v31 =	vmul.f32 $1.000000000e+01, v31  }
0xec: {  	v29 =	vmul.f32 $1.442695020e+00, v29;
	v26 =	vmax.f32 v30, $2.000000030e-01;
	v30 =	vld.idx.msk [tilespmem:v62+s7+$0x0], $0xffff;
	v47 =	vmul.f32 $1.000000000e+01, v34  }
0xed: {  	[tilespmem:s2+$0xFFFFFFB0] =	vst v46;
	v32 =	vsub.f32 v12, v48;
	(erf) = vpow2.f32 v27;
	v31 =	vsub.f32 v1, v31  }
0xee: {  	v28 =	vpop (erf);
	v27 =	vmul.f32 $1.000000000e+01, v39;
	[tilespmem:s2+$0x30] =	vst v26;
	(erf) = vpow2.f32 v29;
	v29 =	vld.idx.msk [tilespmem:v44+s7+$0x0], $0xffff;
	v33 =	vsub.f32 v1, v47  }
0xef: {  	v28 =	vsub.f32 $1.000000000e+00, v28;
	v49 =	vld.idx.msk [tilespmem:v40+s7+$0x0], $0xffff;
	v32 =	vmul.f32 $1.442695020e+00, v32;
	v31 =	vmul.f32 $1.442695020e+00, v31  }
0xf0: {  	v27 =	vsub.f32 v12, v27;
	v50 =	vmul.f32 $1.000000000e+01, v45;
	v33 =	vmul.f32 $1.442695020e+00, v33  }
0xf1: {  	v28 =	vmax.f32 v28, $2.000000030e-01;
	(erf) = vpow2.f32 v31;
	v30 =	vmul.f32 $1.000000000e+01, v30  }
0xf2: {  	v63 =	vadd.s32 s12, v2;
	v27 =	vmul.f32 $1.442695020e+00, v27;
	(erf) = vpow2.f32 v33  }
0xf3: {  	[tilespmem:s2+$0xFFFFFF30] =	vst v28;
	v31 =	vadd.s32 s16, v2;
	v29 =	vmul.f32 $1.000000000e+01, v29;
	v30 =	vsub.f32 v12, v30  }
0xf4: {  	v28 =	vpop (erf);
	v35 =	vsub.f32 v1, v50;
	v34 =	vmul.f32 $1.000000000e+01, v49;
	(erf) = vpow2.f32 v27;
	v27 =	vld.idx.msk [tilespmem:v38+s7+$0x0], $0xffff  }
0xf5: {  	v28 =	vsub.f32 $1.000000000e+00, v28;
	(erf) = vpow2.f32 v32;
	v30 =	vmul.f32 $1.442695020e+00, v30  }
0xf6: {  	v35 =	vmul.f32 $1.442695020e+00, v35;
	v34 =	vsub.f32 v7, v34;
	v29 =	vsub.f32 v7, v29;
	v54 =	vpop (erf)  }
0xf7: {  	v28 =	vmax.f32 v28, $2.000000030e-01;
	v55 =	vsub.f32 $1.000000000e+00, v54;
	v56 =	vpop (erf);
	(erf) = vpow2.f32 v30  }
0xf8: {  	[tilespmem:s2+$0xB0] =	vst v28;
	v30 =	vmul.f32 $1.442695020e+00, v34;
	v29 =	vmul.f32 $1.442695020e+00, v29;
	v38 =	vsub.f32 $1.000000000e+00, v56  }
0xf9: {  	v39 =	vadd.s32 s18, v6;
	v46 =	vld.idx.msk [tilespmem:v51+s7+$0x0], $0xffff;
	(erf) = vpow2.f32 v35;
	v27 =	vmul.f32 $1.000000000e+01, v27  }
0xfa: {  	v32 =	vmax.f32 v55, $2.000000030e-01;
	v57 =	vmax.f32 v38, $2.000000030e-01;
	v58 =	vpop (erf);
	(erf) = vpow2.f32 v30  }
0xfb: {  	v27 =	vsub.f32 v7, v27;
	[tilespmem:s1+$0x60] =	vst v57;
	v59 =	vsub.f32 $1.000000000e+00, v58;
	v61 =	vpop (erf);
	(erf) = vpow2.f32 v29  }
0xfc: {  	v26 =	vadd.s32 s7, v19;
	v40 =	vadd.s32 s3, v6;
	[tilespmem:s11+$0xFFFFFF10] =	vst v32;
	v30 =	vld.idx.msk [tilespmem:v31+s7+$0x0], $0xffff;
	v31 =	vadd.s32 s10, v15  }
0xfd: {  	v29 =	vld.idx.msk [tilespmem:v52+s7+$0x0], $0xffff;
	v32 =	vsub.f32 $1.000000000e+00, v61;
	v44 =	vpop (erf);
	v28 =	vmul.f32 $1.442695020e+00, v27;
	v62 =	vmax.f32 v59, $2.000000030e-01  }
0xfe: {  	v50 =	vadd.s32 s20, v15;
	v33 =	vmul.f32 $1.000000000e+01, v46;
	v38 =	vsub.f32 $1.000000000e+00, v44;
	v45 =	vpop (erf);
	[tilespmem:s11+$0xFFFFFF90] =	vst v62  }
0xff: {  	v32 =	vmax.f32 v32, $2.000000030e-01;
	v47 =	vsub.f32 $1.000000000e+00, v45;
	(erf) = vpow2.f32 v28;
	v37 =	vld.idx.msk [tilespmem:v53+s7+$0x0], $0xffff  }
0x100: {  	v27 =	vadd.s32 s4, v6;
	v28 =	vadd.s32 s10, v10;
	v33 =	vsub.f32 v7, v33;
	[tilespmem:s11+$0x10] =	vst v32  }
0x101: {  	v38 =	vmax.f32 v38, $2.000000030e-01;
	v48 =	vmax.f32 v47, $2.000000030e-01;
	v49 =	vmul.f32 $1.000000000e+01, v30;
	v30 =	vpop (erf);
	v31 =	vld.idx.msk [tilespmem:v31+s7+$0x0], $0xffff  }
0x102: {  	s12 =	simm.s32 $0x400;
	v29 =	vmul.f32 $1.000000000e+01, v29;
	v33 =	vmul.f32 $1.442695020e+00, v33;
	[tilespmem:s1+$0xFFFFFFE0] =	vst v48;
	v42 =	vpop (erf);
	v43 =	vsub.f32 $1.000000000e+00, v30  }
0x103: {  	v30 =	vadd.s32 s12, v17;
	v34 =	vld.idx.msk [tilespmem:v63+s7+$0x0], $0xffff;
	v51 =	vsub.f32 $1.000000000e+00, v42;
	v36 =	vsub.f32 v11, v49;
	v52 =	vpop (erf)  }
0x104: {  	[tilespmem:s1+$0xFFFFFF60] =	vst v38;
	v43 =	vmax.f32 v43, $2.000000030e-01;
	v37 =	vmul.f32 $1.000000000e+01, v37;
	v53 =	vsub.f32 $1.000000000e+00, v52;
	v54 =	vpop (erf)  }
0x105: {  	v44 =	vld.idx.msk [tilespmem:v2+s7+$0x0], $0xffff;
	v32 =	vmax.f32 v51, $2.000000030e-01;
	[tilespmem:s1+$0xE0] =	vst v43;
	v42 =	vsub.f32 $1.000000000e+00, v54;
	v36 =	vmul.f32 $1.442695020e+00, v36  }
0x106: {  	v29 =	vsub.f32 v3, v29;
	[tilespmem:s11+$0x90] =	vst v32;
	v55 =	vld.idx.msk [tilespmem:v60+s7+$0x0], $0xffff;
	v56 =	vsub.f32 v3, v37;
	v31 =	vmul.f32 $1.000000000e+01, v31  }
0x107: {  	v57 =	vmax.f32 v53, $2.000000030e-01;
	v58 =	vld.idx.msk [tilespmem:v50+s7+$0x0], $0xffff;
	v59 =	vmax.f32 v42, $2.000000030e-01;
	(erf) = vpow2.f32 v36  }
0x108: {  	v61 =	vpop (erf);
	v34 =	vmul.f32 $1.000000000e+01, v34;
	v35 =	vmul.f32 $1.442695020e+00, v56;
	v60 =	vsub.f32 v3, v31  }
0x109: {  	v31 =	vmul.f32 $1.442695020e+00, v29;
	v29 =	vsub.f32 $1.000000000e+00, v61;
	(erf) = vpow2.f32 v33;
	[tilespmem:s2+$0xFFFFFFC0] =	vst v59  }
0x10a: {  	v62 =	vmul.f32 $1.000000000e+01, v44;
	[tilespmem:s2+$0x40] =	vst v57;
	v63 =	vsub.f32 v11, v34;
	v32 =	vld.idx.msk [tilespmem:v40+s7+$0x0], $0xffff;
	(erf) = vpow2.f32 v35  }
0x10b: {  	v33 =	vld.idx.msk [tilespmem:v39+s7+$0x0], $0xffff;
	v35 =	vmul.f32 $1.442695020e+00, v60;
	v29 =	vmax.f32 v29, $2.000000030e-01;
	v36 =	vmul.f32 $1.000000000e+01, v55  }
0x10c: {  	s13 =	simm.s32 $0x8;
	s16 =	simm.s32 $0x600;
	[tilespmem:s2+$0xFFFFFF40] =	vst v29;
	v29 =	vsub.f32 v11, v62;
	v37 =	vmul.f32 $1.442695020e+00, v63;
	v34 =	vmul.f32 $1.000000000e+01, v58  }
.LBB2_2:
0x10d: {  	s17 =	sadd.s32 $0x80, s16;
	s21 =	sadd.s32 $0x100, s16;
	s19 =	sadd.s32 $0x180, s16;
	v38 =	vadd.s32 s9, v10;
	(erf) = vpow2.f32 v35;
	v26 =	vld.idx.msk [tilespmem:v26+s7+$0x0], $0xffff;
	v40 =	vsub.f32 v11, v36  }
0x10e: {  	s13 =	sadd.s32 $0x4, s13;
	v30 =	vld.idx.msk [tilespmem:v30+s7+$0x0], $0xffff;
	v36 =	vadd.s32 s17, v13;
	v39 =	vadd.s32 s21, v13;
	(erf) = vpow2.f32 v37  }
0x10f: {  	v37 =	vadd.s32 s19, v13;
	p0 =	slt.u32 s13, $0x78;
	(erf) = vpow2.f32 v31;
	v31 =	vmul.f32 $1.000000000e+01, v32  }
0x110: {  	v33 =	vmul.f32 $1.000000000e+01, v33;
	v32 =	vsub.f32 v3, v34;
	v34 =	vmul.f32 $1.442695020e+00, v40;
	v35 =	vpop (erf)  }
0x111: {  	v29 =	vmul.f32 $1.442695020e+00, v29;
	v31 =	vsub.f32 v9, v31;
	v35 =	vsub.f32 $1.000000000e+00, v35  }
0x112: {  	v33 =	vsub.f32 v9, v33;
	v32 =	vmul.f32 $1.442695020e+00, v32;
	v40 =	vpop (erf);
	(erf) = vpow2.f32 v34  }
0x113: {  	v26 =	vmul.f32 $1.000000000e+01, v26;
	v34 =	vld.idx.msk [tilespmem:v36+s7+$0x0], $0xffff;
	v36 =	vpop (erf);
	v40 =	vsub.f32 $1.000000000e+00, v40;
	v35 =	vmax.f32 v35, $2.000000030e-01  }
0x114: {  	v37 =	vld.idx.msk [tilespmem:v37+s7+$0x0], $0xffff;
	v36 =	vsub.f32 $1.000000000e+00, v36;
	(erf) = vpow2.f32 v32;
	v32 =	vmul.f32 $1.442695020e+00, v33;
	[tilespmem:s1+$0x70] =	vst v35  }
0x115: {  	v30 =	vmul.f32 $1.000000000e+01, v30;
	v26 =	vsub.f32 v9, v26;
	v33 =	vld.idx.msk [tilespmem:v39+s7+$0x0], $0xffff;
	v40 =	vmax.f32 v40, $2.000000030e-01  }
0x116: {  	v31 =	vmul.f32 $1.442695020e+00, v31;
	v36 =	vmax.f32 v36, $2.000000030e-01;
	v39 =	vpop (erf);
	[tilespmem:s2+$0xC0] =	vst v40;
	(erf) = vpow2.f32 v32  }
0x117: {  	v30 =	vsub.f32 v0, v30;
	v26 =	vmul.f32 $1.442695020e+00, v26;
	[tilespmem:s11+$0xFFFFFFA0] =	vst v36;
	v32 =	vsub.f32 $1.000000000e+00, v39;
	v35 =	vpop (erf)  }
0x118: {  	v39 =	vadd.s32 s5, v24;
	v36 =	vld.idx.msk [tilespmem:v38+s7+$0x0], $0xffff;
	v38 =	vpop (erf);
	v35 =	vsub.f32 $1.000000000e+00, v35;
	(erf) = vpow2.f32 v29  }
0x119: {  	v29 =	vmul.f32 $1.442695020e+00, v30;
	v30 =	vsub.f32 $1.000000000e+00, v38;
	v32 =	vmax.f32 v32, $2.000000030e-01  }
0x11a: {  	v34 =	vmul.f32 $1.000000000e+01, v34;
	[tilespmem:s11+$0x20] =	vst v32;
	v27 =	vld.idx.msk [tilespmem:v27+s7+$0x0], $0xffff;
	(erf) = vpow2.f32 v26;
	v35 =	vmax.f32 v35, $2.000000030e-01  }
0x11b: {  	v37 =	vmul.f32 $1.000000000e+01, v37;
	v32 =	vmul.f32 $1.000000000e+01, v33;
	v30 =	vmax.f32 v30, $2.000000030e-01;
	v28 =	vld.idx.msk [tilespmem:v28+s7+$0x0], $0xffff;
	[tilespmem:s1+$0xFFFFFFF0] =	vst v35;
	v26 =	vpop (erf)  }
0x11c: {  	v34 =	vsub.f32 v0, v34;
	(erf) = vpow2.f32 v29;
	[tilespmem:s11+$0xFFFFFF20] =	vst v30;
	v26 =	vsub.f32 $1.000000000e+00, v26  }
0x11d: {  	v35 =	vadd.s32 s18, v4;
	v29 =	vsub.f32 v0, v32;
	v30 =	vsub.f32 v0, v37;
	v32 =	vld.idx.msk [tilespmem:v39+s7+$0x0], $0xffff;
	v33 =	vpop (erf)  }
0x11e: {  	v37 =	vadd.s32 s20, v10;
	v39 =	vmul.f32 $1.442695020e+00, v34;
	v33 =	vsub.f32 $1.000000000e+00, v33  }
0x11f: {  	v29 =	vmul.f32 $1.442695020e+00, v29;
	v26 =	vmax.f32 v26, $2.000000030e-01;
	(erf) = vpow2.f32 v31;
	v31 =	vpop (erf)  }
0x120: {  	v38 =	vadd.s32 s12, v20;
	v30 =	vmul.f32 $1.442695020e+00, v30;
	v27 =	vmul.f32 $1.000000000e+01, v27;
	[tilespmem:s1+$0xF0] =	vst v26  }
0x121: {  	v26 =	vmul.f32 $1.000000000e+01, v36;
	v31 =	vsub.f32 $1.000000000e+00, v31;
	(erf) = vpow2.f32 v39;
	v34 =	vpop (erf)  }
0x122: {  	v28 =	vmul.f32 $1.000000000e+01, v28;
	v33 =	vmax.f32 v33, $2.000000030e-01;
	(erf) = vpow2.f32 v29  }
0x123: {  	v27 =	vsub.f32 v9, v27;
	v32 =	vmul.f32 $1.000000000e+01, v32;
	[tilespmem:s11+$0xA0] =	vst v33;
	v29 =	vpop (erf);
	v33 =	vsub.f32 $1.000000000e+00, v34  }
0x124: {  	v26 =	vsub.f32 v5, v26;
	v28 =	vsub.f32 v5, v28;
	(erf) = vpow2.f32 v30;
	v30 =	vld.idx.msk [tilespmem:v37+s7+$0x0], $0xffff  }
0x125: {  	v27 =	vmul.f32 $1.442695020e+00, v27;
	v32 =	vsub.f32 v5, v32;
	v34 =	vpop (erf);
	v33 =	vmax.f32 v33, $2.000000030e-01  }
0x126: {  	v26 =	vmul.f32 $1.442695020e+00, v26;
	v28 =	vmul.f32 $1.442695020e+00, v28;
	v34 =	vsub.f32 $1.000000000e+00, v34;
	[tilespmem:s1+$0xFFFFFF70] =	vst v33;
	s1 =	smov.u32 s2;
	s2 =	smov.u32 s11;
	s11 =	sadd.s32 $0x200, s11  }
0x127: {  	v32 =	vmul.f32 $1.442695020e+00, v32;
	v33 =	vmax.f32 v31, $2.000000030e-01;
	(erf) = vpow2.f32 v27  }
0x128: {  	v27 =	vmax.f32 v34, $2.000000030e-01;
	(erf) = vpow2.f32 v26;
	v26 =	vsub.f32 $1.000000000e+00, v29;
	[tilespmem:s1+$0x50] =	vst v33;
	v31 =	vpop (erf)  }
0x129: {  	v29 =	vadd.s32 s5, v18;
	[tilespmem:s11+$0xFFFFFF00] =	vst v27;
	(erf) = vpow2.f32 v28;
	v27 =	vld.idx.msk [tilespmem:v35+s7+$0x0], $0xffff  }
0x12a: {  	v33 =	vadd.s32 s17, v14;
	v30 =	vmul.f32 $1.000000000e+01, v30;
	v28 =	vld.idx.msk [tilespmem:v38+s7+$0x0], $0xffff;
	v34 =	vpop (erf);
	(erf) = vpow2.f32 v32  }
0x12b: {  	v35 =	vadd.s32 s5, v16;
	v26 =	vmax.f32 v26, $2.000000030e-01;
	v37 =	vsub.f32 $1.000000000e+00, v34;
	v34 =	vpop (erf)  }
0x12c: {  	v36 =	vadd.s32 s21, v14;
	v30 =	vsub.f32 v5, v30;
	v34 =	vsub.f32 $1.000000000e+00, v34;
	[tilespmem:s1+$0xFFFFFF50] =	vst v26  }
0x12d: {  	v31 =	vsub.f32 $1.000000000e+00, v31;
	v38 =	vadd.s32 s3, v4;
	v26 =	vmax.f32 v37, $2.000000030e-01;
	v32 =	vpop (erf);
	v37 =	vld.idx.msk [tilespmem:v25+s7+$0x0], $0xffff  }
0x12e: {  	v39 =	vadd.s32 s5, v21;
	v25 =	vmovc v35;
	[tilespmem:s11+$0xFFFFFF80] =	vst v26;
	v26 =	vmax.f32 v34, $2.000000030e-01;
	v34 =	vadd.s32 s19, v14  }
0x12f: {  	v31 =	vmax.f32 v31, $2.000000030e-01;
	v30 =	vmul.f32 $1.442695020e+00, v30;
	v32 =	vsub.f32 $1.000000000e+00, v32;
	v33 =	vld.idx.msk [tilespmem:v33+s7+$0x0], $0xffff  }
0x130: {  	v28 =	vmul.f32 $1.000000000e+01, v28;
	[tilespmem:s11+$0x0] =	vst v26;
	v26 =	vmul.f32 $1.000000000e+01, v27;
	v27 =	vadd.s32 s4, v4;
	v35 =	vpop (erf)  }
0x131: {  	v41 =	vadd.s32 s10, v8;
	v40 =	vadd.s32 s9, v8;
	v36 =	vld.idx.msk [tilespmem:v36+s7+$0x0], $0xffff;
	v42 =	vpop (erf);
	[tilespmem:s1+$0xFFFFFFD0] =	vst v31;
	v31 =	vsub.f32 $1.000000000e+00, v35  }
0x132: {  	v32 =	vmax.f32 v32, $2.000000030e-01;
	v28 =	vsub.f32 v1, v28;
	v35 =	vpop (erf);
	v38 =	vld.idx.msk [tilespmem:v38+s7+$0x0], $0xffff;
	v26 =	vsub.f32 v12, v26  }
0x133: {  	[tilespmem:s11+$0x80] =	vst v32;
	v32 =	vsub.f32 $1.000000000e+00, v42;
	v42 =	vpop (erf);
	(erf) = vpow2.f32 v30;
	v30 =	vmax.f32 v31, $2.000000030e-01  }
0x134: {  	v28 =	vmul.f32 $1.442695020e+00, v28;
	v31 =	vld.idx.msk [tilespmem:v34+s7+$0x0], $0xffff;
	v34 =	vsub.f32 $1.000000000e+00, v35;
	v26 =	vmul.f32 $1.442695020e+00, v26;
	[tilespmem:s1+$0xD0] =	vst v30  }
0x135: {  	v30 =	vmul.f32 $1.000000000e+01, v33;
	v33 =	vsub.f32 $1.000000000e+00, v42;
	v32 =	vmax.f32 v32, $2.000000030e-01;
	v27 =	vld.idx.msk [tilespmem:v27+s7+$0x0], $0xffff  }
0x136: {  	(erf) = vpow2.f32 v28;
	[tilespmem:s2+$0xFFFFFFB0] =	vst v32;
	v28 =	vmax.f32 v34, $2.000000030e-01;
	v32 =	vmul.f32 $1.000000000e+01, v37  }
0x137: {  	v30 =	vsub.f32 v1, v30;
	v34 =	vmul.f32 $1.000000000e+01, v36;
	v35 =	vld.idx.msk [tilespmem:v40+s7+$0x0], $0xffff;
	[tilespmem:s2+$0x30] =	vst v28;
	(erf) = vpow2.f32 v26  }
0x138: {  	v26 =	vmax.f32 v33, $2.000000030e-01;
	v33 =	vmul.f32 $1.000000000e+01, v38;
	v28 =	vld.idx.msk [tilespmem:v41+s7+$0x0], $0xffff;
	v32 =	vsub.f32 v12, v32  }
0x139: {  	v30 =	vmul.f32 $1.442695020e+00, v30;
	v34 =	vsub.f32 v1, v34;
	[tilespmem:s2+$0xFFFFFF30] =	vst v26;
	v26 =	vadd.s32 s5, v19;
	s5 =	smov.u32 s12;
	s12 =	smov.u32 s16  }
0x13a: {  	v31 =	vmul.f32 $1.000000000e+01, v31;
	v33 =	vsub.f32 v12, v33;
	v32 =	vmul.f32 $1.442695020e+00, v32  }
0x13b: {  	v34 =	vmul.f32 $1.442695020e+00, v34;
	(erf) = vpow2.f32 v30;
	v30 =	vadd.s32 s18, v2;
	s18 =	smov.u32 s10;
	s10 =	smov.u32 s21  }
0x13c: {  	v36 =	vadd.s32 s20, v8;
	v27 =	vmul.f32 $1.000000000e+01, v27;
	v33 =	vmul.f32 $1.442695020e+00, v33;
	v37 =	vpop (erf)  }
0x13d: {  	v35 =	vmul.f32 $1.000000000e+01, v35;
	(erf) = vpow2.f32 v34;
	v34 =	vadd.s32 s5, v23  }
0x13e: {  	v27 =	vsub.f32 v12, v27;
	v28 =	vmul.f32 $1.000000000e+01, v28;
	v38 =	vld.idx.msk [tilespmem:v39+s7+$0x0], $0xffff;
	(erf) = vpow2.f32 v32  }
0x13f: {  	v31 =	vsub.f32 v1, v31;
	v32 =	vadd.s32 s17, v15;
	v39 =	vpop (erf);
	(erf) = vpow2.f32 v33  }
0x140: {  	v37 =	vsub.f32 $1.000000000e+00, v37;
	v27 =	vmul.f32 $1.442695020e+00, v27;
	v33 =	vsub.f32 $1.000000000e+00, v39;
	v39 =	vpop (erf)  }
0x141: {  	v31 =	vmul.f32 $1.442695020e+00, v31;
	v28 =	vsub.f32 v7, v28;
	v39 =	vsub.f32 $1.000000000e+00, v39  }
0x142: {  	v35 =	vsub.f32 v7, v35;
	v37 =	vmax.f32 v37, $2.000000030e-01;
	(erf) = vpow2.f32 v27  }
0x143: {  	v40 =	vmul.f32 $1.442695020e+00, v28;
	(erf) = vpow2.f32 v31;
	[tilespmem:s2+$0xB0] =	vst v37;
	v28 =	vmax.f32 v39, $2.000000030e-01  }
0x144: {  	v35 =	vmul.f32 $1.442695020e+00, v35;
	v31 =	vmax.f32 v33, $2.000000030e-01;
	v37 =	vmul.f32 $1.000000000e+01, v38;
	v33 =	vpop (erf);
	[tilespmem:s1+$0x60] =	vst v28  }
0x145: {  	[tilespmem:s11+$0xFFFFFF10] =	vst v31;
	v28 =	vsub.f32 $1.000000000e+00, v33;
	(erf) = vpow2.f32 v40;
	v30 =	vld.idx.msk [tilespmem:v30+s7+$0x0], $0xffff;
	v31 =	vadd.s32 s4, v2;
	s4 =	smov.u32 s20;
	s20 =	smov.u32 s19  }
0x146: {  	v37 =	vsub.f32 v7, v37;
	v33 =	vld.idx.msk [tilespmem:v34+s7+$0x0], $0xffff;
	v34 =	vadd.s32 s10, v15;
	v27 =	vpop (erf);
	(erf) = vpow2.f32 v35  }
0x147: {  	v38 =	vadd.s32 s3, v2;
	s3 =	smov.u32 s9;
	s9 =	smov.u32 s17;
	v28 =	vmax.f32 v28, $2.000000030e-01;
	v35 =	vsub.f32 $1.000000000e+00, v27;
	v39 =	vpop (erf)  }
0x148: {  	v27 =	vadd.s32 s4, v6;
	[tilespmem:s11+$0xFFFFFF90] =	vst v28;
	v28 =	vmul.f32 $1.442695020e+00, v37;
	v36 =	vld.idx.msk [tilespmem:v36+s7+$0x0], $0xffff;
	v37 =	vsub.f32 $1.000000000e+00, v39;
	v39 =	vpop (erf)  }
0x149: {  	v40 =	vadd.s32 s3, v6;
	v32 =	vld.idx.msk [tilespmem:v32+s7+$0x0], $0xffff;
	v35 =	vmax.f32 v35, $2.000000030e-01;
	v39 =	vsub.f32 $1.000000000e+00, v39  }
0x14a: {  	[tilespmem:s11+$0x10] =	vst v35;
	v35 =	vadd.s32 s18, v6;
	(erf) = vpow2.f32 v28;
	v37 =	vmax.f32 v37, $2.000000030e-01  }
0x14b: {  	v28 =	vadd.s32 s10, v10;
	v34 =	vld.idx.msk [tilespmem:v34+s7+$0x0], $0xffff;
	[tilespmem:s1+$0xFFFFFF60] =	vst v37;
	v37 =	vmax.f32 v39, $2.000000030e-01;
	v39 =	vmul.f32 $1.000000000e+01, v30;
	v30 =	vpop (erf)  }
0x14c: {  	v41 =	vadd.s32 s20, v15;
	v33 =	vmul.f32 $1.000000000e+01, v33;
	v42 =	vpop (erf);
	v43 =	vld.idx.msk [tilespmem:v22+s7+$0x0], $0xffff;
	[tilespmem:s1+$0xFFFFFFE0] =	vst v37;
	v37 =	vsub.f32 $1.000000000e+00, v30  }
0x14d: {  	v30 =	vadd.s32 s16, v17;
	v22 =	vmovc v29;
	v42 =	vsub.f32 $1.000000000e+00, v42;
	v38 =	vld.idx.msk [tilespmem:v38+s7+$0x0], $0xffff;
	v39 =	vsub.f32 v11, v39  }
0x14e: {  	v29 =	vsub.f32 v3, v33;
	v33 =	vmul.f32 $1.000000000e+01, v36;
	v36 =	vpop (erf);
	v37 =	vmax.f32 v37, $2.000000030e-01  }
0x14f: {  	v32 =	vmul.f32 $1.000000000e+01, v32;
	v42 =	vmax.f32 v42, $2.000000030e-01;
	v36 =	vsub.f32 $1.000000000e+00, v36;
	v44 =	vpop (erf);
	[tilespmem:s1+$0xE0] =	vst v37  }
0x150: {  	v33 =	vsub.f32 v7, v33;
	v39 =	vmul.f32 $1.442695020e+00, v39;
	[tilespmem:s11+$0x90] =	vst v42;
	v37 =	vsub.f32 $1.000000000e+00, v44;
	v42 =	vld.idx.msk [tilespmem:v31+s7+$0x0], $0xffff  }
0x151: {  	v31 =	vsub.f32 v3, v32;
	v44 =	vmul.f32 $1.000000000e+01, v34;
	v34 =	vld.idx.msk [tilespmem:v41+s7+$0x0], $0xffff;
	v36 =	vmax.f32 v36, $2.000000030e-01  }
0x152: {  	v37 =	vmax.f32 v37, $2.000000030e-01;
	[tilespmem:s2+$0x40] =	vst v36;
	v36 =	vmul.f32 $1.442695020e+00, v33;
	(erf) = vpow2.f32 v39  }
.Ltmp0:
0x153: {  	v39 =	vmul.f32 $1.442695020e+00, v31;
	v41 =	vsub.f32 v3, v44;
	[tilespmem:s2+$0xFFFFFFC0] =	vst v37;
	v33 =	vld.idx.msk [tilespmem:v35+s7+$0x0], $0xffff;
	v32 =	vpop (erf);
	v35 =	vmul.f32 $1.000000000e+01, v38;
	(pc) =	sbr.rel @p0 .LBB2_2-.Ltmp0, $4  }
0x154: {  	v31 =	vmul.f32 $1.442695020e+00, v29;
	v29 =	vsub.f32 $1.000000000e+00, v32;
	v32 =	vld.idx.msk [tilespmem:v40+s7+$0x0], $0xffff;
	(erf) = vpow2.f32 v36  }
0x155: {  	v37 =	vmul.f32 $1.000000000e+01, v43;
	(erf) = vpow2.f32 v39;
	v38 =	vsub.f32 v11, v35  }
0x156: {  	v35 =	vmul.f32 $1.442695020e+00, v41;
	v36 =	vmul.f32 $1.000000000e+01, v42;
	v29 =	vmax.f32 v29, $2.000000030e-01  }
0x157: {  	s16 =	sadd.s32 $0x200, s16;
	v34 =	vmul.f32 $1.000000000e+01, v34;
	[tilespmem:s2+$0xFFFFFF40] =	vst v29;
	v29 =	vsub.f32 v11, v37;
	v37 =	vmul.f32 $1.442695020e+00, v38  }
0x158: {  	v17 =	vsub.f32 v11, v36;
	v20 =	vmul.f32 $1.000000000e+01, v33  }
0x159: {  	(erf) = vpow2.f32 v35;
	v23 =	vsub.f32 v3, v34  }
0x15a: {  	(erf) = vpow2.f32 v37;
	v17 =	vmul.f32 $1.442695020e+00, v17;
	v20 =	vsub.f32 v9, v20  }
0x15b: {  	(erf) = vpow2.f32 v31;
	v23 =	vmul.f32 $1.442695020e+00, v23  }
0x15c: {  	(erf) = vpow2.f32 v17;
	v17 =	vmul.f32 $1.442695020e+00, v20;
	_ =	sdelay $0x1  }
0x15d: {  	(erf) = vpow2.f32 v23  }
0x15e: {  	(erf) = vpow2.f32 v17  }
0x15f: {  	v17 =	vpop (erf)  }
0x160: {  	v20 =	vpop (erf)  }
0x161: {  	v23 =	vpop (erf)  }
0x162: {  	v30 =	vpop (erf)  }
0x163: {  	v26 =	vld.idx.msk [tilespmem:v26+s7+$0x0], $0xffff;
	v31 =	vadd.s32 s9, v10;
	v56 =	vsub.f32 $1.000000000e+00, v20;
	v20 =	vpop (erf)  }
0x164: {  	v24 =	vadd.s32 s5, v24;
	v57 =	vsub.f32 $1.000000000e+00, v23;
	v58 =	vpop (erf)  }
0x165: {  	v61 =	vadd.s32 s20, v10;
	v33 =	vmax.f32 v56, $2.000000030e-01;
	v30 =	vsub.f32 $1.000000000e+00, v30;
	v23 =	vpop (erf)  }
0x166: {  	v62 =	vadd.s32 s18, v4;
	v34 =	vmax.f32 v57, $2.000000030e-01;
	[tilespmem:s2+$0xC0] =	vst v33;
	v59 =	vsub.f32 $1.000000000e+00, v58;
	v60 =	vpop (erf)  }
0x167: {  	v32 =	vmul.f32 $1.000000000e+01, v32;
	[tilespmem:s11+$0xFFFFFFA0] =	vst v34;
	v30 =	vmax.f32 v30, $2.000000030e-01;
	v27 =	vld.idx.msk [tilespmem:v27+s7+$0x0], $0xffff;
	v35 =	vsub.f32 $1.000000000e+00, v60;
	v63 =	vpop (erf)  }
0x168: {  	v26 =	vmul.f32 $1.000000000e+01, v26;
	v31 =	vld.idx.msk [tilespmem:v31+s7+$0x0], $0xffff;
	[tilespmem:s11+$0x20] =	vst v30;
	v30 =	vmax.f32 v59, $2.000000030e-01;
	v40 =	vsub.f32 $1.000000000e+00, v63  }
0x169: {  	v32 =	vsub.f32 v9, v32;
	v28 =	vld.idx.msk [tilespmem:v28+s7+$0x0], $0xffff;
	[tilespmem:s11+$0xFFFFFF20] =	vst v30;
	v30 =	vmax.f32 v35, $2.000000030e-01  }
0x16a: {  	v26 =	vsub.f32 v9, v26;
	v24 =	vld.idx.msk [tilespmem:v24+s7+$0x0], $0xffff;
	[tilespmem:s11+$0xA0] =	vst v30;
	v30 =	vmax.f32 v40, $2.000000030e-01  }
0x16b: {  	v29 =	vmul.f32 $1.442695020e+00, v29;
	v32 =	vmul.f32 $1.442695020e+00, v32;
	v41 =	vld.idx.msk [tilespmem:v61+s7+$0x0], $0xffff;
	[tilespmem:s2+$0x50] =	vst v30  }
0x16c: {  	v26 =	vmul.f32 $1.442695020e+00, v26;
	v27 =	vmul.f32 $1.000000000e+01, v27;
	v30 =	vld.idx.msk [tilespmem:v62+s7+$0x0], $0xffff  }
0x16d: {  	(erf) = vpow2.f32 v29;
	v29 =	vmul.f32 $1.000000000e+01, v31  }
0x16e: {  	(erf) = vpow2.f32 v26;
	v26 =	vmul.f32 $1.000000000e+01, v28;
	v27 =	vsub.f32 v9, v27  }
0x16f: {  	(erf) = vpow2.f32 v32;
	v28 =	vsub.f32 v5, v29;
	v24 =	vmul.f32 $1.000000000e+01, v24  }
0x170: {  	v26 =	vsub.f32 v5, v26;
	v27 =	vmul.f32 $1.442695020e+00, v27;
	v29 =	vmul.f32 $1.000000000e+01, v41  }
0x171: {  	v28 =	vmul.f32 $1.442695020e+00, v28;
	v24 =	vsub.f32 v5, v24;
	v30 =	vmul.f32 $1.000000000e+01, v30  }
0x172: {  	v26 =	vmul.f32 $1.442695020e+00, v26;
	(erf) = vpow2.f32 v27;
	v27 =	vsub.f32 v5, v29  }
0x173: {  	(erf) = vpow2.f32 v28;
	v24 =	vmul.f32 $1.442695020e+00, v24;
	v28 =	vsub.f32 v12, v30  }
0x174: {  	(erf) = vpow2.f32 v26;
	v26 =	vmul.f32 $1.442695020e+00, v27  }
0x175: {  	(erf) = vpow2.f32 v24;
	v27 =	vmul.f32 $1.442695020e+00, v28  }
0x176: {  	(erf) = vpow2.f32 v26  }
0x177: {  	v24 =	vpop (erf);
	(erf) = vpow2.f32 v27  }
0x178: {  	v26 =	vpop (erf)  }
0x179: {  	v28 =	vadd.s32 s3, v4;
	v26 =	vsub.f32 $1.000000000e+00, v26;
	v27 =	vpop (erf)  }
0x17a: {  	v27 =	vsub.f32 $1.000000000e+00, v27  }
0x17b: {  	v29 =	vpop (erf);
	v26 =	vmax.f32 v26, $2.000000030e-01  }
0x17c: {  	v30 =	vpop (erf);
	[tilespmem:s2+$0xFFFFFF50] =	vst v26;
	v26 =	vmax.f32 v27, $2.000000030e-01;
	v27 =	vadd.s32 s4, v4  }
0x17d: {  	v31 =	vadd.s32 s10, v8;
	v25 =	vld.idx.msk [tilespmem:v25+s7+$0x0], $0xffff;
	[tilespmem:s2+$0xFFFFFFD0] =	vst v26;
	v26 =	vsub.f32 $1.000000000e+00, v29;
	v29 =	vpop (erf)  }
0x17e: {  	v42 =	vadd.s32 s9, v8;
	v28 =	vld.idx.msk [tilespmem:v28+s7+$0x0], $0xffff;
	v43 =	vpop (erf);
	v29 =	vsub.f32 $1.000000000e+00, v29  }
0x17f: {  	v21 =	vadd.s32 s5, v21;
	v30 =	vsub.f32 $1.000000000e+00, v30;
	v26 =	vmax.f32 v26, $2.000000030e-01;
	v44 =	vpop (erf)  }
0x180: {  	v45 =	vadd.s32 s18, v2;
	[tilespmem:s2+$0xD0] =	vst v26;
	v26 =	vsub.f32 $1.000000000e+00, v43;
	v29 =	vmax.f32 v29, $2.000000030e-01;
	v46 =	vpop (erf)  }
0x181: {  	v30 =	vmax.f32 v30, $2.000000030e-01;
	v27 =	vld.idx.msk [tilespmem:v27+s7+$0x0], $0xffff;
	[tilespmem:s11+$0x30] =	vst v29;
	v29 =	vadd.s32 s20, v8;
	v35 =	vsub.f32 $1.000000000e+00, v46  }
0x182: {  	[tilespmem:s11+$0xFFFFFFB0] =	vst v30;
	v25 =	vmul.f32 $1.000000000e+01, v25;
	v26 =	vmax.f32 v26, $2.000000030e-01;
	v30 =	vld.idx.msk [tilespmem:v31+s7+$0x0], $0xffff;
	v31 =	vsub.f32 $1.000000000e+00, v44  }
0x183: {  	v32 =	vld.idx.msk [tilespmem:v42+s7+$0x0], $0xffff;
	v28 =	vmul.f32 $1.000000000e+01, v28;
	[tilespmem:s11+$0xFFFFFF30] =	vst v26;
	v26 =	vmax.f32 v35, $2.000000030e-01  }
0x184: {  	v25 =	vsub.f32 v12, v25;
	v21 =	vld.idx.msk [tilespmem:v21+s7+$0x0], $0xffff;
	v31 =	vmax.f32 v31, $2.000000030e-01;
	[tilespmem:s2+$0x60] =	vst v26  }
0x185: {  	v26 =	vsub.f32 v12, v28;
	[tilespmem:s11+$0xB0] =	vst v31;
	v28 =	vld.idx.msk [tilespmem:v45+s7+$0x0], $0xffff  }
0x186: {  	v25 =	vmul.f32 $1.442695020e+00, v25;
	v27 =	vmul.f32 $1.000000000e+01, v27;
	v29 =	vld.idx.msk [tilespmem:v29+s7+$0x0], $0xffff  }
0x187: {  	v26 =	vmul.f32 $1.442695020e+00, v26;
	v30 =	vmul.f32 $1.000000000e+01, v30  }
0x188: {  	v31 =	vmul.f32 $1.000000000e+01, v32;
	v27 =	vsub.f32 v12, v27;
	(erf) = vpow2.f32 v25  }
0x189: {  	(erf) = vpow2.f32 v26;
	v25 =	vsub.f32 v7, v30;
	v21 =	vmul.f32 $1.000000000e+01, v21  }
0x18a: {  	v26 =	vmul.f32 $1.442695020e+00, v27;
	v27 =	vsub.f32 v7, v31;
	v28 =	vmul.f32 $1.000000000e+01, v28  }
0x18b: {  	v25 =	vmul.f32 $1.442695020e+00, v25;
	v29 =	vmul.f32 $1.000000000e+01, v29  }
0x18c: {  	(erf) = vpow2.f32 v26;
	v26 =	vmul.f32 $1.442695020e+00, v27;
	v27 =	vsub.f32 v11, v28  }
0x18d: {  	v21 =	vsub.f32 v7, v21;
	(erf) = vpow2.f32 v25;
	v25 =	vsub.f32 v7, v29  }
0x18e: {  	(erf) = vpow2.f32 v26;
	v26 =	vmul.f32 $1.442695020e+00, v27  }
0x18f: {  	v21 =	vmul.f32 $1.442695020e+00, v21;
	_ =	sdelay $0x1  }
0x190: {  	(erf) = vpow2.f32 v21;
	v21 =	vmul.f32 $1.442695020e+00, v25;
	v25 =	vpop (erf)  }
0x191: {  	(erf) = vpow2.f32 v26;
	v26 =	vpop (erf)  }
0x192: {  	(erf) = vpow2.f32 v21;
	v26 =	vsub.f32 $1.000000000e+00, v26  }
0x193: {  	v21 =	vadd.s32 s3, v2  }
0x194: {  	v26 =	vmax.f32 v26, $2.000000030e-01;
	v28 =	vpop (erf)  }
0x195: {  	[tilespmem:s2+$0xFFFFFFE0] =	vst v26;
	v26 =	vsub.f32 $1.000000000e+00, v28;
	v28 =	vpop (erf)  }
0x196: {  	v27 =	vadd.s32 s4, v2;
	v28 =	vsub.f32 $1.000000000e+00, v28  }
0x197: {  	v31 =	vadd.s32 s5, v19;
	v29 =	vadd.s32 s10, v6;
	v19 =	vmax.f32 v26, $2.000000030e-01  }
0x198: {  	v21 =	vld.idx.msk [tilespmem:v21+s7+$0x0], $0xffff;
	v30 =	vpop (erf);
	v28 =	vmax.f32 v28, $2.000000030e-01  }
0x199: {  	v25 =	vsub.f32 $1.000000000e+00, v25;
	v26 =	vpop (erf)  }
0x19a: {  	v47 =	vadd.s32 s9, v6;
	[tilespmem:s2+$0xE0] =	vst v19;
	v26 =	vsub.f32 $1.000000000e+00, v26;
	v19 =	vpop (erf)  }
0x19b: {  	v48 =	vadd.s32 s20, v6;
	v25 =	vmax.f32 v25, $2.000000030e-01;
	v30 =	vsub.f32 $1.000000000e+00, v30;
	v27 =	vld.idx.msk [tilespmem:v27+s7+$0x0], $0xffff;
	[tilespmem:s11+$0x40] =	vst v28;
	v28 =	vpop (erf)  }
0x19c: {  	[tilespmem:s2+$0xFFFFFF60] =	vst v25;
	v25 =	vld.idx.msk [tilespmem:v29+s7+$0x0], $0xffff;
	v26 =	vmax.f32 v26, $2.000000030e-01;
	v28 =	vsub.f32 $1.000000000e+00, v28  }
0x19d: {  	v22 =	vld.idx.msk [tilespmem:v22+s7+$0x0], $0xffff;
	v29 =	vmax.f32 v30, $2.000000030e-01;
	v21 =	vmul.f32 $1.000000000e+01, v21;
	[tilespmem:s11+$0xFFFFFF40] =	vst v26  }
0x19e: {  	[tilespmem:s11+$0xFFFFFFC0] =	vst v29;
	v26 =	vld.idx.msk [tilespmem:v31+s7+$0x0], $0xffff;
	v28 =	vmax.f32 v28, $2.000000030e-01  }
0x19f: {  	v29 =	vld.idx.msk [tilespmem:v47+s7+$0x0], $0xffff;
	v21 =	vsub.f32 v11, v21;
	[tilespmem:s11+$0xC0] =	vst v28  }
0x1a0: {  	v27 =	vmul.f32 $1.000000000e+01, v27;
	v28 =	vld.idx.msk [tilespmem:v48+s7+$0x0], $0xffff  }
0x1a1: {  	v21 =	vmul.f32 $1.442695020e+00, v21;
	v25 =	vmul.f32 $1.000000000e+01, v25  }
0x1a2: {  	v22 =	vmul.f32 $1.000000000e+01, v22;
	v27 =	vsub.f32 v11, v27  }
0x1a3: {  	(erf) = vpow2.f32 v21;
	v21 =	vsub.f32 v9, v25;
	v25 =	vmul.f32 $1.000000000e+01, v26  }
0x1a4: {  	v22 =	vsub.f32 v11, v22;
	v27 =	vmul.f32 $1.442695020e+00, v27;
	v26 =	vmul.f32 $1.000000000e+01, v29  }
0x1a5: {  	v21 =	vmul.f32 $1.442695020e+00, v21;
	v25 =	vsub.f32 v9, v25;
	v28 =	vmul.f32 $1.000000000e+01, v28  }
0x1a6: {  	v22 =	vmul.f32 $1.442695020e+00, v22;
	(erf) = vpow2.f32 v27;
	v26 =	vsub.f32 v9, v26  }
0x1a7: {  	(erf) = vpow2.f32 v21;
	v21 =	vmul.f32 $1.442695020e+00, v25;
	v25 =	vsub.f32 v9, v28  }
0x1a8: {  	(erf) = vpow2.f32 v22;
	v26 =	vmul.f32 $1.442695020e+00, v26  }
0x1a9: {  	(erf) = vpow2.f32 v21;
	v21 =	vmul.f32 $1.442695020e+00, v25  }
0x1aa: {  	(erf) = vpow2.f32 v26  }
0x1ab: {  	(erf) = vpow2.f32 v21;
	_ =	sdelay $0x2  }
0x1ac: {  	v21 =	vpop (erf)  }
0x1ad: {  	v22 =	vpop (erf)  }
0x1ae: {  	v25 =	vpop (erf)  }
0x1af: {  	v26 =	vadd.s32 s10, v4;
	v27 =	vpop (erf)  }
0x1b0: {  	v16 =	vadd.s32 s5, v16;
	v25 =	vsub.f32 $1.000000000e+00, v25;
	v28 =	vpop (erf)  }
0x1b1: {  	v30 =	vadd.s32 s9, v4;
	v28 =	vsub.f32 $1.000000000e+00, v28;
	v29 =	vpop (erf)  }
0x1b2: {  	v31 =	vadd.s32 s20, v4;
	v25 =	vmax.f32 v25, $2.000000030e-01;
	v29 =	vsub.f32 $1.000000000e+00, v29;
	v49 =	vpop (erf)  }
0x1b3: {  	[tilespmem:s11+$0x50] =	vst v25;
	v25 =	vmax.f32 v28, $2.000000030e-01;
	v28 =	vsub.f32 $1.000000000e+00, v49  }
0x1b4: {  	v26 =	vld.idx.msk [tilespmem:v26+s7+$0x0], $0xffff;
	[tilespmem:s11+$0xFFFFFF50] =	vst v25;
	v25 =	vmax.f32 v29, $2.000000030e-01  }
0x1b5: {  	v16 =	vld.idx.msk [tilespmem:v16+s7+$0x0], $0xffff;
	[tilespmem:s11+$0xFFFFFFD0] =	vst v25;
	v25 =	vmax.f32 v28, $2.000000030e-01  }
0x1b6: {  	v28 =	vld.idx.msk [tilespmem:v30+s7+$0x0], $0xffff;
	[tilespmem:s11+$0xD0] =	vst v25  }
0x1b7: {  	v25 =	vld.idx.msk [tilespmem:v31+s7+$0x0], $0xffff;
	_ =	sdelay $0x1  }
0x1b8: {  	v26 =	vmul.f32 $1.000000000e+01, v26  }
0x1b9: {  	v16 =	vmul.f32 $1.000000000e+01, v16  }
0x1ba: {  	v26 =	vsub.f32 v12, v26;
	v28 =	vmul.f32 $1.000000000e+01, v28  }
0x1bb: {  	v16 =	vsub.f32 v12, v16;
	v25 =	vmul.f32 $1.000000000e+01, v25  }
0x1bc: {  	v26 =	vmul.f32 $1.442695020e+00, v26;
	v28 =	vsub.f32 v12, v28  }
0x1bd: {  	v16 =	vmul.f32 $1.442695020e+00, v16;
	v25 =	vsub.f32 v12, v25  }
0x1be: {  	(erf) = vpow2.f32 v26;
	v26 =	vmul.f32 $1.442695020e+00, v28  }
0x1bf: {  	(erf) = vpow2.f32 v16;
	v16 =	vmul.f32 $1.442695020e+00, v25  }
0x1c0: {  	(erf) = vpow2.f32 v26  }
0x1c1: {  	(erf) = vpow2.f32 v16;
	_ =	sdelay $0x5  }
0x1c2: {  	v16 =	vpop (erf)  }
0x1c3: {  	v25 =	vadd.s32 s10, v2;
	v26 =	vpop (erf)  }
0x1c4: {  	v28 =	vadd.s32 s9, v2;
	v16 =	vsub.f32 $1.000000000e+00, v16;
	v29 =	vpop (erf)  }
0x1c5: {  	v30 =	vadd.s32 s20, v2;
	v29 =	vsub.f32 $1.000000000e+00, v29;
	v31 =	vpop (erf)  }
0x1c6: {  	v18 =	vadd.s32 s5, v18;
	v16 =	vmax.f32 v16, $2.000000030e-01;
	v31 =	vsub.f32 $1.000000000e+00, v31  }
0x1c7: {  	[tilespmem:s11+$0x60] =	vst v16;
	v16 =	vsub.f32 $1.000000000e+00, v26;
	v26 =	vmax.f32 v29, $2.000000030e-01  }
0x1c8: {  	v25 =	vld.idx.msk [tilespmem:v25+s7+$0x0], $0xffff;
	[tilespmem:s11+$0xFFFFFFE0] =	vst v26;
	v26 =	vmax.f32 v31, $2.000000030e-01  }
0x1c9: {  	v16 =	vmax.f32 v16, $2.000000030e-01;
	v28 =	vld.idx.msk [tilespmem:v28+s7+$0x0], $0xffff;
	[tilespmem:s11+$0xE0] =	vst v26  }
0x1ca: {  	[tilespmem:s11+$0xFFFFFF60] =	vst v16;
	v16 =	vld.idx.msk [tilespmem:v30+s7+$0x0], $0xffff  }
0x1cb: {  	v18 =	vld.idx.msk [tilespmem:v18+s7+$0x0], $0xffff;
	_ =	sdelay $0x1  }
0x1cc: {  	v25 =	vmul.f32 $1.000000000e+01, v25  }
0x1cd: {  	v26 =	vmul.f32 $1.000000000e+01, v28  }
0x1ce: {  	v25 =	vsub.f32 v11, v25;
	v16 =	vmul.f32 $1.000000000e+01, v16  }
0x1cf: {  	v18 =	vmul.f32 $1.000000000e+01, v18;
	v26 =	vsub.f32 v11, v26  }
0x1d0: {  	v25 =	vmul.f32 $1.442695020e+00, v25;
	v16 =	vsub.f32 v11, v16  }
0x1d1: {  	v18 =	vsub.f32 v11, v18;
	v26 =	vmul.f32 $1.442695020e+00, v26  }
0x1d2: {  	(erf) = vpow2.f32 v25;
	v16 =	vmul.f32 $1.442695020e+00, v16  }
0x1d3: {  	v18 =	vmul.f32 $1.442695020e+00, v18;
	(erf) = vpow2.f32 v26  }
0x1d4: {  	v17 =	vsub.f32 $1.000000000e+00, v17;
	(erf) = vpow2.f32 v16  }
0x1d5: {  	v16 =	vsub.f32 $1.000000000e+00, v20;
	(erf) = vpow2.f32 v18  }
0x1d6: {  	v17 =	vmax.f32 v17, $2.000000030e-01;
	v18 =	vsub.f32 $1.000000000e+00, v23  }
0x1d7: {  	[tilespmem:s1+$0x70] =	vst v17;
	v17 =	vsub.f32 $1.000000000e+00, v24;
	v16 =	vmax.f32 v16, $2.000000030e-01  }
0x1d8: {  	[tilespmem:s1+$0xFFFFFFF0] =	vst v16;
	v16 =	vmax.f32 v18, $2.000000030e-01;
	v18 =	vsub.f32 $1.000000000e+00, v19  }
0x1d9: {  	[tilespmem:s1+$0xF0] =	vst v16;
	v16 =	vmax.f32 v17, $2.000000030e-01;
	v17 =	vsub.f32 $1.000000000e+00, v21  }
0x1da: {  	[tilespmem:s1+$0xFFFFFF70] =	vst v16;
	v16 =	vmax.f32 v18, $2.000000030e-01;
	v18 =	vsub.f32 $1.000000000e+00, v22  }
0x1db: {  	v19 =	vpop (erf);
	[tilespmem:s2+$0x70] =	vst v16;
	v16 =	vmax.f32 v17, $2.000000030e-01;
	v17 =	vsub.f32 $1.000000000e+00, v27  }
0x1dc: {  	[tilespmem:s2+$0xFFFFFFF0] =	vst v16;
	v16 =	vmax.f32 v18, $2.000000030e-01;
	v18 =	vsub.f32 $1.000000000e+00, v19;
	v19 =	vpop (erf)  }
0x1dd: {  	[tilespmem:s2+$0xF0] =	vst v16;
	v16 =	vmax.f32 v17, $2.000000030e-01;
	v17 =	vsub.f32 $1.000000000e+00, v19;
	v19 =	vpop (erf)  }
0x1de: {  	[tilespmem:s2+$0xFFFFFF70] =	vst v16;
	v18 =	vmax.f32 v18, $2.000000030e-01;
	v16 =	vadd.s32 $0x3E00, v13;
	v19 =	vsub.f32 $1.000000000e+00, v19;
	v20 =	vpop (erf)  }
0x1df: {  	[tilespmem:s11+$0x70] =	vst v18;
	v17 =	vmax.f32 v17, $2.000000030e-01;
	v18 =	vsub.f32 $1.000000000e+00, v20  }
0x1e0: {  	[tilespmem:s11+$0xFFFFFFF0] =	vst v17;
	v17 =	vmax.f32 v19, $2.000000030e-01  }
0x1e1: {  	[tilespmem:s11+$0xF0] =	vst v17;
	v17 =	vmax.f32 v18, $2.000000030e-01  }
0x1e2: {  	s12 =	simm.s32 $0x0;
	[tilespmem:s11+$0xFFFFFF70] =	vst v17  }
0x1e3: {  	v17 =	vld.idx.msk [tilespmem:v16+s12+$0x0], $0xffff;
	_ =	sdelay $0x4  }
0x1e4: {  	v17 =	vmul.f32 $1.000000000e+01, v17;
	_ =	sdelay $0x1  }
0x1e5: {  	v17 =	vsub.f32 v0, v17;
	_ =	sdelay $0x1  }
0x1e6: {  	v17 =	vmul.f32 $1.442695020e+00, v17;
	_ =	sdelay $0x1  }
0x1e7: {  	(erf) = vpow2.f32 v17;
	_ =	sdelay $0x8  }
0x1e8: {  	v17 =	vadd.s32 $0x3E00, v14;
	v18 =	vpop (erf)  }
0x1e9: {  	v18 =	vsub.f32 $1.000000000e+00, v18;
	_ =	sdelay $0x1  }
0x1ea: {  	v18 =	vmax.f32 v18, $2.000000030e-01  }
0x1eb: {  	[tilespmem:$0xBB00] =	vst v18  }
0x1ec: {  	v18 =	vld.idx.msk [tilespmem:v17+s12+$0x0], $0xffff;
	_ =	sdelay $0x4  }
0x1ed: {  	v18 =	vmul.f32 $1.000000000e+01, v18;
	_ =	sdelay $0x1  }
0x1ee: {  	v18 =	vsub.f32 v1, v18;
	_ =	sdelay $0x1  }
0x1ef: {  	v18 =	vmul.f32 $1.442695020e+00, v18;
	_ =	sdelay $0x1  }
0x1f0: {  	(erf) = vpow2.f32 v18;
	_ =	sdelay $0x8  }
0x1f1: {  	v18 =	vadd.s32 $0x3E00, v15;
	v19 =	vpop (erf)  }
0x1f2: {  	v19 =	vsub.f32 $1.000000000e+00, v19;
	_ =	sdelay $0x1  }
0x1f3: {  	v19 =	vmax.f32 v19, $2.000000030e-01  }
0x1f4: {  	[tilespmem:$0xBB10] =	vst v19  }
0x1f5: {  	v19 =	vld.idx.msk [tilespmem:v18+s12+$0x0], $0xffff;
	_ =	sdelay $0x4  }
0x1f6: {  	v19 =	vmul.f32 $1.000000000e+01, v19;
	_ =	sdelay $0x1  }
0x1f7: {  	v19 =	vsub.f32 v3, v19;
	_ =	sdelay $0x1  }
0x1f8: {  	v19 =	vmul.f32 $1.442695020e+00, v19;
	_ =	sdelay $0x1  }
0x1f9: {  	(erf) = vpow2.f32 v19;
	_ =	sdelay $0x8  }
0x1fa: {  	v19 =	vadd.s32 $0x3E00, v10;
	v20 =	vpop (erf)  }
0x1fb: {  	v20 =	vsub.f32 $1.000000000e+00, v20;
	_ =	sdelay $0x1  }
0x1fc: {  	v20 =	vmax.f32 v20, $2.000000030e-01  }
0x1fd: {  	[tilespmem:$0xBB20] =	vst v20  }
0x1fe: {  	v20 =	vld.idx.msk [tilespmem:v19+s12+$0x0], $0xffff;
	_ =	sdelay $0x4  }
0x1ff: {  	v20 =	vmul.f32 $1.000000000e+01, v20;
	_ =	sdelay $0x1  }
0x200: {  	v20 =	vsub.f32 v5, v20;
	_ =	sdelay $0x1  }
0x201: {  	v20 =	vmul.f32 $1.442695020e+00, v20;
	_ =	sdelay $0x1  }
0x202: {  	(erf) = vpow2.f32 v20;
	_ =	sdelay $0x8  }
0x203: {  	v20 =	vadd.s32 $0x3E00, v8;
	v21 =	vpop (erf)  }
0x204: {  	v21 =	vsub.f32 $1.000000000e+00, v21;
	_ =	sdelay $0x1  }
0x205: {  	v21 =	vmax.f32 v21, $2.000000030e-01  }
0x206: {  	[tilespmem:$0xBB30] =	vst v21  }
0x207: {  	v21 =	vld.idx.msk [tilespmem:v20+s12+$0x0], $0xffff;
	_ =	sdelay $0x4  }
0x208: {  	v21 =	vmul.f32 $1.000000000e+01, v21;
	_ =	sdelay $0x1  }
0x209: {  	v21 =	vsub.f32 v7, v21;
	_ =	sdelay $0x1  }
0x20a: {  	v21 =	vmul.f32 $1.442695020e+00, v21;
	_ =	sdelay $0x1  }
0x20b: {  	(erf) = vpow2.f32 v21;
	_ =	sdelay $0x8  }
0x20c: {  	v21 =	vadd.s32 $0x3E00, v6;
	v22 =	vpop (erf)  }
0x20d: {  	v22 =	vsub.f32 $1.000000000e+00, v22;
	_ =	sdelay $0x1  }
0x20e: {  	v22 =	vmax.f32 v22, $2.000000030e-01  }
0x20f: {  	[tilespmem:$0xBB40] =	vst v22  }
0x210: {  	v22 =	vld.idx.msk [tilespmem:v21+s12+$0x0], $0xffff;
	_ =	sdelay $0x4  }
0x211: {  	v22 =	vmul.f32 $1.000000000e+01, v22;
	_ =	sdelay $0x1  }
0x212: {  	v22 =	vsub.f32 v9, v22;
	_ =	sdelay $0x1  }
0x213: {  	v22 =	vmul.f32 $1.442695020e+00, v22;
	_ =	sdelay $0x1  }
0x214: {  	(erf) = vpow2.f32 v22;
	_ =	sdelay $0x8  }
0x215: {  	v22 =	vadd.s32 $0x3E00, v4;
	v23 =	vpop (erf)  }
0x216: {  	v23 =	vsub.f32 $1.000000000e+00, v23;
	_ =	sdelay $0x1  }
0x217: {  	v23 =	vmax.f32 v23, $2.000000030e-01  }
0x218: {  	[tilespmem:$0xBB50] =	vst v23  }
0x219: {  	v23 =	vld.idx.msk [tilespmem:v22+s12+$0x0], $0xffff;
	_ =	sdelay $0x4  }
0x21a: {  	v23 =	vmul.f32 $1.000000000e+01, v23;
	_ =	sdelay $0x1  }
0x21b: {  	v23 =	vsub.f32 v12, v23;
	_ =	sdelay $0x1  }
0x21c: {  	v23 =	vmul.f32 $1.442695020e+00, v23;
	_ =	sdelay $0x1  }
0x21d: {  	(erf) = vpow2.f32 v23;
	_ =	sdelay $0x8  }
0x21e: {  	v23 =	vadd.s32 $0x3E00, v2;
	v24 =	vpop (erf)  }
0x21f: {  	v24 =	vsub.f32 $1.000000000e+00, v24;
	_ =	sdelay $0x1  }
0x220: {  	v24 =	vmax.f32 v24, $2.000000030e-01  }
0x221: {  	[tilespmem:$0xBB60] =	vst v24  }
0x222: {  	v24 =	vld.idx.msk [tilespmem:v23+s12+$0x0], $0xffff;
	_ =	sdelay $0x4  }
0x223: {  	v24 =	vmul.f32 $1.000000000e+01, v24;
	_ =	sdelay $0x1  }
0x224: {  	v24 =	vsub.f32 v11, v24;
	_ =	sdelay $0x1  }
0x225: {  	v24 =	vmul.f32 $1.442695020e+00, v24;
	_ =	sdelay $0x1  }
0x226: {  	(erf) = vpow2.f32 v24;
	_ =	sdelay $0x8  }
0x227: {  	v24 =	vpop (erf)  }
0x228: {  	v24 =	vsub.f32 $1.000000000e+00, v24;
	_ =	sdelay $0x1  }
0x229: {  	v24 =	vmax.f32 v24, $2.000000030e-01  }
0x22a: {  	s19 =	simm.s32 $0x180;
	s1 =	rddreg [dreg:$0x8];
	[tilespmem:$0xBB70] =	vst v24  }
0x22b: {  	[hbm4b:s1+s12] =	stream.linear.scatter [tilespmem:s24], [sflag:$0x3], $0x3E80, $0x38;
	[tilespmem:$0x13B80] =	vst v63  }
0x22c: {  	s16 =	simm.s32 $0x100;
	s31 =	rddreg [dreg:$0x9];
	v24 =	vadd.s32 s19, v13  }
0x22d: {  	v25 =	vadd.s32 s16, v13;
	[tilespmem:s12], [sflag:$0x1] =	stream.linear.gather [hbm4b:s31+s12], $0x3E80, $0x38;
	[tilespmem:$0x13B80] =	vst v63  }
0x22e: {  	_ =	swait.ge [sflag:s25], $0x3E80  }
0x22f: {  	[sflag:s25] =	ssyncset.done $0x0  }
0x230: {  	[sflag:s25] =	ssyncadd.s32 $0xFFFFC180  }
0x231: {  	v24 =	vld.idx.msk [tilespmem:v24+s22+$0x0], $0xffff  }
0x232: {  	s17 =	simm.s32 $0x80;
	v25 =	vld.idx.msk [tilespmem:v25+s22+$0x0], $0xffff  }
0x233: {  	v26 =	vadd.s32 s17, v13;
	_ =	sdelay $0x2  }
0x234: {  	v24 =	vmul.f32 $1.000000000e+01, v24  }
0x235: {  	v27 =	vadd.s32 s12, v13;
	v25 =	vmul.f32 $1.000000000e+01, v25  }
0x236: {  	v26 =	vld.idx.msk [tilespmem:v26+s22+$0x0], $0xffff;
	v24 =	vsub.f32 v0, v24  }
0x237: {  	v25 =	vsub.f32 v0, v25  }
0x238: {  	v24 =	vmul.f32 $1.442695020e+00, v24  }
0x239: {  	v25 =	vmul.f32 $1.442695020e+00, v25  }
0x23a: {  	v27 =	vld.idx.msk [tilespmem:v27+s22+$0x0], $0xffff;
	(erf) = vpow2.f32 v24  }
0x23b: {  	v24 =	vmul.f32 $1.000000000e+01, v26;
	(erf) = vpow2.f32 v25;
	_ =	sdelay $0x1  }
0x23c: {  	v24 =	vsub.f32 v0, v24;
	_ =	sdelay $0x1  }
0x23d: {  	v25 =	vmul.f32 $1.000000000e+01, v27;
	v24 =	vmul.f32 $1.442695020e+00, v24;
	_ =	sdelay $0x1  }
0x23e: {  	v25 =	vsub.f32 v0, v25;
	(erf) = vpow2.f32 v24;
	_ =	sdelay $0x1  }
0x23f: {  	v25 =	vmul.f32 $1.442695020e+00, v25;
	v24 =	vadd.s32 s19, v14;
	v26 =	vpop (erf)  }
0x240: {  	v27 =	vadd.s32 s16, v14;
	v26 =	vsub.f32 $1.000000000e+00, v26;
	v28 =	vpop (erf)  }
0x241: {  	(erf) = vpow2.f32 v25;
	v25 =	vsub.f32 $1.000000000e+00, v28  }
0x242: {  	s1 =	simm.s32 $0xBC80;
	v26 =	vmax.f32 v26, $2.000000030e-01  }
0x243: {  	v25 =	vmax.f32 v25, $2.000000030e-01;
	[tilespmem:s1+$0x80] =	vst v26  }
0x244: {  	[tilespmem:s1+$0x0] =	vst v25;
	v24 =	vld.idx.msk [tilespmem:v24+s22+$0x0], $0xffff  }
0x245: {  	v25 =	vld.idx.msk [tilespmem:v27+s22+$0x0], $0xffff  }
0x246: {  	v26 =	vadd.s32 s17, v14;
	v27 =	vpop (erf)  }
0x247: {  	v27 =	vsub.f32 $1.000000000e+00, v27;
	_ =	sdelay $0x1  }
0x248: {  	v27 =	vmax.f32 v27, $2.000000030e-01;
	v24 =	vmul.f32 $1.000000000e+01, v24  }
0x249: {  	v28 =	vadd.s32 s12, v14;
	v29 =	vpop (erf);
	[tilespmem:s1+$0xFFFFFF80] =	vst v27;
	v25 =	vmul.f32 $1.000000000e+01, v25  }
0x24a: {  	v29 =	vsub.f32 $1.000000000e+00, v29;
	v26 =	vld.idx.msk [tilespmem:v26+s22+$0x0], $0xffff;
	v24 =	vsub.f32 v1, v24  }
0x24b: {  	v25 =	vsub.f32 v1, v25  }
0x24c: {  	v27 =	vmax.f32 v29, $2.000000030e-01;
	v24 =	vmul.f32 $1.442695020e+00, v24  }
0x24d: {  	[tilespmem:s1+$0xFFFFFF00] =	vst v27;
	v25 =	vmul.f32 $1.442695020e+00, v25  }
0x24e: {  	v27 =	vld.idx.msk [tilespmem:v28+s22+$0x0], $0xffff;
	(erf) = vpow2.f32 v24  }
0x24f: {  	v24 =	vmul.f32 $1.000000000e+01, v26;
	(erf) = vpow2.f32 v25;
	_ =	sdelay $0x1  }
0x250: {  	v24 =	vsub.f32 v1, v24;
	_ =	sdelay $0x1  }
0x251: {  	v25 =	vmul.f32 $1.000000000e+01, v27;
	v24 =	vmul.f32 $1.442695020e+00, v24;
	_ =	sdelay $0x1  }
0x252: {  	v25 =	vsub.f32 v1, v25;
	(erf) = vpow2.f32 v24;
	_ =	sdelay $0x1  }
0x253: {  	v25 =	vmul.f32 $1.442695020e+00, v25;
	v24 =	vadd.s32 s19, v15;
	v26 =	vpop (erf)  }
0x254: {  	v27 =	vadd.s32 s16, v15;
	v26 =	vsub.f32 $1.000000000e+00, v26;
	v28 =	vpop (erf)  }
0x255: {  	(erf) = vpow2.f32 v25;
	v25 =	vsub.f32 $1.000000000e+00, v28  }
0x256: {  	v26 =	vmax.f32 v26, $2.000000030e-01  }
0x257: {  	v25 =	vmax.f32 v25, $2.000000030e-01;
	[tilespmem:s1+$0x90] =	vst v26  }
0x258: {  	[tilespmem:s1+$0x10] =	vst v25;
	v24 =	vld.idx.msk [tilespmem:v24+s22+$0x0], $0xffff  }
0x259: {  	v25 =	vld.idx.msk [tilespmem:v27+s22+$0x0], $0xffff  }
0x25a: {  	v26 =	vpop (erf);
	v27 =	vadd.s32 s17, v15  }
0x25b: {  	v26 =	vsub.f32 $1.000000000e+00, v26;
	_ =	sdelay $0x1  }
0x25c: {  	v26 =	vmax.f32 v26, $2.000000030e-01;
	v24 =	vmul.f32 $1.000000000e+01, v24  }
0x25d: {  	v28 =	vadd.s32 s12, v15;
	v29 =	vpop (erf);
	[tilespmem:s1+$0xFFFFFF90] =	vst v26;
	v25 =	vmul.f32 $1.000000000e+01, v25  }
0x25e: {  	v29 =	vsub.f32 $1.000000000e+00, v29;
	v27 =	vld.idx.msk [tilespmem:v27+s22+$0x0], $0xffff;
	v24 =	vsub.f32 v3, v24  }
0x25f: {  	v25 =	vsub.f32 v3, v25  }
0x260: {  	v26 =	vmax.f32 v29, $2.000000030e-01;
	v24 =	vmul.f32 $1.442695020e+00, v24  }
0x261: {  	[tilespmem:s1+$0xFFFFFF10] =	vst v26;
	v25 =	vmul.f32 $1.442695020e+00, v25  }
0x262: {  	v26 =	vld.idx.msk [tilespmem:v28+s22+$0x0], $0xffff;
	(erf) = vpow2.f32 v24  }
0x263: {  	s5 =	simm.s32 $0x380;
	v27 =	vmul.f32 $1.000000000e+01, v27;
	(erf) = vpow2.f32 v25  }
0x264: {  	v24 =	vadd.s32 s5, v13  }
0x265: {  	v27 =	vsub.f32 v3, v27  }
0x266: {  	s4 =	simm.s32 $0x300  }
0x267: {  	v25 =	vadd.s32 s4, v13;
	v26 =	vmul.f32 $1.000000000e+01, v26;
	v27 =	vmul.f32 $1.442695020e+00, v27;
	_ =	sdelay $0x1  }
0x268: {  	s3 =	simm.s32 $0x280;
	v26 =	vsub.f32 v3, v26;
	v24 =	vld.idx.msk [tilespmem:v24+s22+$0x0], $0xffff  }
0x269: {  	v28 =	vadd.s32 s3, v13  }
0x26a: {  	v26 =	vmul.f32 $1.442695020e+00, v26;
	(erf) = vpow2.f32 v27;
	v27 =	vpop (erf)  }
0x26b: {  	v29 =	vadd.s32 s16, v10;
	v25 =	vld.idx.msk [tilespmem:v25+s22+$0x0], $0xffff;
	v30 =	vpop (erf)  }
0x26c: {  	(erf) = vpow2.f32 v26;
	v26 =	vsub.f32 $1.000000000e+00, v30  }
0x26d: {  	v24 =	vmul.f32 $1.000000000e+01, v24  }
0x26e: {  	s11 =	simm.s32 $0x200;
	v28 =	vld.idx.msk [tilespmem:v28+s22+$0x0], $0xffff;
	v30 =	vadd.s32 s19, v10;
	v26 =	vmax.f32 v26, $2.000000030e-01  }
0x26f: {  	v27 =	vsub.f32 $1.000000000e+00, v27;
	v24 =	vsub.f32 v0, v24;
	[tilespmem:s1+$0x20] =	vst v26;
	v26 =	vadd.s32 s11, v13  }
0x270: {  	v25 =	vmul.f32 $1.000000000e+01, v25;
	v29 =	vld.idx.msk [tilespmem:v29+s22+$0x0], $0xffff  }
0x271: {  	v27 =	vmax.f32 v27, $2.000000030e-01;
	v24 =	vmul.f32 $1.442695020e+00, v24  }
0x272: {  	v25 =	vsub.f32 v0, v25;
	[tilespmem:s1+$0xA0] =	vst v27  }
0x273: {  	v28 =	vmul.f32 $1.000000000e+01, v28;
	(erf) = vpow2.f32 v24;
	v24 =	vld.idx.msk [tilespmem:v30+s22+$0x0], $0xffff  }
0x274: {  	v25 =	vmul.f32 $1.442695020e+00, v25;
	v26 =	vld.idx.msk [tilespmem:v26+s22+$0x0], $0xffff  }
0x275: {  	v28 =	vsub.f32 v0, v28;
	v27 =	vadd.s32 s17, v10;
	v30 =	vpop (erf);
	v29 =	vmul.f32 $1.000000000e+01, v29  }
0x276: {  	(erf) = vpow2.f32 v25;
	v25 =	vadd.s32 s12, v10;
	v30 =	vsub.f32 $1.000000000e+00, v30;
	v31 =	vpop (erf)  }
0x277: {  	v31 =	vsub.f32 $1.000000000e+00, v31;
	v29 =	vsub.f32 v5, v29  }
0x278: {  	v28 =	vmul.f32 $1.442695020e+00, v28;
	v30 =	vmax.f32 v30, $2.000000030e-01;
	v24 =	vmul.f32 $1.000000000e+01, v24  }
0x279: {  	[tilespmem:s1+$0xFFFFFFA0] =	vst v30;
	v30 =	vmax.f32 v31, $2.000000030e-01;
	v29 =	vmul.f32 $1.442695020e+00, v29;
	v26 =	vmul.f32 $1.000000000e+01, v26  }
0x27a: {  	v27 =	vld.idx.msk [tilespmem:v27+s22+$0x0], $0xffff;
	[tilespmem:s1+$0xFFFFFF20] =	vst v30;
	v24 =	vsub.f32 v5, v24  }
0x27b: {  	(erf) = vpow2.f32 v28;
	v25 =	vld.idx.msk [tilespmem:v25+s22+$0x0], $0xffff;
	v26 =	vsub.f32 v0, v26  }
0x27c: {  	v24 =	vmul.f32 $1.442695020e+00, v24;
	(erf) = vpow2.f32 v29  }
0x27d: {  	v28 =	vadd.s32 s5, v14;
	v29 =	vpop (erf);
	v26 =	vmul.f32 $1.442695020e+00, v26  }
0x27e: {  	(erf) = vpow2.f32 v24;
	v29 =	vsub.f32 $1.000000000e+00, v29  }
0x27f: {  	v30 =	vadd.s32 s4, v14;
	v27 =	vmul.f32 $1.000000000e+01, v27;
	v31 =	vpop (erf);
	(erf) = vpow2.f32 v26  }
0x280: {  	s2 =	simm.s32 $0xBE80;
	v25 =	vmul.f32 $1.000000000e+01, v25;
	v31 =	vsub.f32 $1.000000000e+00, v31;
	v24 =	vmax.f32 v29, $2.000000030e-01  }
0x281: {  	v26 =	vsub.f32 v5, v27;
	[tilespmem:s2+$0x80] =	vst v24  }
0x282: {  	v25 =	vsub.f32 v5, v25;
	v27 =	vmax.f32 v31, $2.000000030e-01;
	v24 =	vld.idx.msk [tilespmem:v28+s22+$0x0], $0xffff  }
0x283: {  	v26 =	vmul.f32 $1.442695020e+00, v26;
	[tilespmem:s2+$0x0] =	vst v27  }
0x284: {  	v25 =	vmul.f32 $1.442695020e+00, v25;
	v28 =	vpop (erf);
	v27 =	vld.idx.msk [tilespmem:v30+s22+$0x0], $0xffff  }
0x285: {  	(erf) = vpow2.f32 v26;
	v28 =	vsub.f32 $1.000000000e+00, v28;
	v29 =	vpop (erf)  }
0x286: {  	v26 =	vadd.s32 s3, v14;
	(erf) = vpow2.f32 v25;
	v29 =	vsub.f32 $1.000000000e+00, v29  }
0x287: {  	v25 =	vadd.s32 s16, v8;
	v28 =	vmax.f32 v28, $2.000000030e-01;
	v31 =	vpop (erf);
	v24 =	vmul.f32 $1.000000000e+01, v24  }
0x288: {  	v30 =	vadd.s32 s19, v8;
	[tilespmem:s2+$0xFFFFFF80] =	vst v28;
	v28 =	vsub.f32 $1.000000000e+00, v31;
	v29 =	vmax.f32 v29, $2.000000030e-01;
	v50 =	vpop (erf)  }
0x289: {  	v27 =	vmul.f32 $1.000000000e+01, v27;
	[tilespmem:s1+$0x30] =	vst v29;
	v24 =	vsub.f32 v1, v24;
	v29 =	vsub.f32 $1.000000000e+00, v50  }
0x28a: {  	v31 =	vadd.s32 s11, v14;
	v28 =	vmax.f32 v28, $2.000000030e-01  }
0x28b: {  	v26 =	vld.idx.msk [tilespmem:v26+s22+$0x0], $0xffff;
	[tilespmem:s1+$0xB0] =	vst v28;
	v27 =	vsub.f32 v1, v27;
	v24 =	vmul.f32 $1.442695020e+00, v24;
	v28 =	vmax.f32 v29, $2.000000030e-01  }
0x28c: {  	v25 =	vld.idx.msk [tilespmem:v25+s22+$0x0], $0xffff  }
0x28d: {  	v27 =	vmul.f32 $1.442695020e+00, v27;
	(erf) = vpow2.f32 v24  }
0x28e: {  	v29 =	vadd.s32 s17, v8;
	[tilespmem:s2+$0xFFFFFF00] =	vst v28;
	v24 =	vld.idx.msk [tilespmem:v30+s22+$0x0], $0xffff;
	v28 =	vpop (erf)  }
0x28f: {  	(erf) = vpow2.f32 v27;
	v27 =	vld.idx.msk [tilespmem:v31+s22+$0x0], $0xffff;
	v28 =	vsub.f32 $1.000000000e+00, v28  }
0x290: {  	v30 =	vadd.s32 s12, v8;
	v26 =	vmul.f32 $1.000000000e+01, v26;
	v31 =	vpop (erf)  }
0x291: {  	v25 =	vmul.f32 $1.000000000e+01, v25;
	v31 =	vsub.f32 $1.000000000e+00, v31;
	v28 =	vmax.f32 v28, $2.000000030e-01  }
0x292: {  	v26 =	vsub.f32 v1, v26;
	[tilespmem:s1+$0xFFFFFFB0] =	vst v28  }
0x293: {  	v25 =	vsub.f32 v7, v25;
	v28 =	vmax.f32 v31, $2.000000030e-01;
	v24 =	vmul.f32 $1.000000000e+01, v24;
	v29 =	vld.idx.msk [tilespmem:v29+s22+$0x0], $0xffff  }
0x294: {  	v26 =	vmul.f32 $1.442695020e+00, v26;
	[tilespmem:s1+$0xFFFFFF30] =	vst v28;
	v27 =	vmul.f32 $1.000000000e+01, v27  }
0x295: {  	v25 =	vmul.f32 $1.442695020e+00, v25;
	v28 =	vld.idx.msk [tilespmem:v30+s22+$0x0], $0xffff;
	v24 =	vsub.f32 v7, v24  }
0x296: {  	(erf) = vpow2.f32 v26;
	v26 =	vadd.s32 s5, v15;
	v27 =	vsub.f32 v1, v27;
	v31 =	vpop (erf)  }
0x297: {  	(erf) = vpow2.f32 v25;
	v24 =	vmul.f32 $1.442695020e+00, v24;
	v25 =	vsub.f32 $1.000000000e+00, v31  }
0x298: {  	v30 =	vadd.s32 s4, v15;
	v31 =	vpop (erf);
	v27 =	vmul.f32 $1.442695020e+00, v27;
	v29 =	vmul.f32 $1.000000000e+01, v29  }
0x299: {  	v31 =	vsub.f32 $1.000000000e+00, v31;
	(erf) = vpow2.f32 v24;
	v24 =	vmax.f32 v25, $2.000000030e-01  }
0x29a: {  	v25 =	vmul.f32 $1.000000000e+01, v28;
	(erf) = vpow2.f32 v27;
	v27 =	vsub.f32 v7, v29  }
0x29b: {  	[tilespmem:s2+$0x90] =	vst v24  }
0x29c: {  	v28 =	vmax.f32 v31, $2.000000030e-01;
	v24 =	vld.idx.msk [tilespmem:v26+s22+$0x0], $0xffff;
	v25 =	vsub.f32 v7, v25;
	v27 =	vmul.f32 $1.442695020e+00, v27  }
0x29d: {  	[tilespmem:s2+$0x10] =	vst v28  }
0x29e: {  	v26 =	vld.idx.msk [tilespmem:v30+s22+$0x0], $0xffff;
	v25 =	vmul.f32 $1.442695020e+00, v25  }
0x29f: {  	(erf) = vpow2.f32 v27  }
0x2a0: {  	v27 =	vpop (erf);
	(erf) = vpow2.f32 v25  }
0x2a1: {  	v24 =	vmul.f32 $1.000000000e+01, v24;
	v25 =	vsub.f32 $1.000000000e+00, v27;
	v27 =	vadd.s32 s3, v15;
	v28 =	vpop (erf)  }
0x2a2: {  	v29 =	vadd.s32 s19, v6;
	v30 =	vpop (erf)  }
0x2a3: {  	v26 =	vmul.f32 $1.000000000e+01, v26;
	v24 =	vsub.f32 v3, v24;
	v25 =	vmax.f32 v25, $2.000000030e-01;
	v51 =	vpop (erf)  }
0x2a4: {  	v31 =	vadd.s32 s11, v15;
	v30 =	vsub.f32 $1.000000000e+00, v30;
	[tilespmem:s2+$0xFFFFFF90] =	vst v25;
	v25 =	vsub.f32 $1.000000000e+00, v51  }
0x2a5: {  	v26 =	vsub.f32 v3, v26  }
0x2a6: {  	v24 =	vmul.f32 $1.442695020e+00, v24;
	v30 =	vmax.f32 v30, $2.000000030e-01;
	v27 =	vld.idx.msk [tilespmem:v27+s22+$0x0], $0xffff;
	v25 =	vmax.f32 v25, $2.000000030e-01  }
0x2a7: {  	v26 =	vmul.f32 $1.442695020e+00, v26;
	[tilespmem:s1+$0xC0] =	vst v30  }
0x2a8: {  	(erf) = vpow2.f32 v24;
	[tilespmem:s2+$0xFFFFFF10] =	vst v25;
	v24 =	vld.idx.msk [tilespmem:v29+s22+$0x0], $0xffff  }
0x2a9: {  	s10 =	simm.s32 $0x580;
	v28 =	vsub.f32 $1.000000000e+00, v28;
	v25 =	vpop (erf);
	(erf) = vpow2.f32 v26;
	v26 =	vld.idx.msk [tilespmem:v31+s22+$0x0], $0xffff  }
0x2aa: {  	v54 =	vadd.s32 s10, v13;
	v29 =	vadd.s32 s12, v6;
	v30 =	vpop (erf)  }
0x2ab: {  	s18 =	simm.s32 $0x500;
	v28 =	vmax.f32 v28, $2.000000030e-01;
	v30 =	vsub.f32 $1.000000000e+00, v30;
	v27 =	vmul.f32 $1.000000000e+01, v27  }
0x2ac: {  	v52 =	vadd.s32 s18, v13;
	v53 =	vadd.s32 s17, v6;
	[tilespmem:s1+$0x40] =	vst v28;
	v28 =	vsub.f32 $1.000000000e+00, v25  }
0x2ad: {  	s9 =	simm.s32 $0x480;
	v24 =	vmul.f32 $1.000000000e+01, v24;
	v30 =	vmax.f32 v30, $2.000000030e-01;
	v27 =	vsub.f32 v3, v27  }
0x2ae: {  	v31 =	vadd.s32 s16, v6;
	[tilespmem:s1+$0xFFFFFF40] =	vst v30;
	v30 =	vadd.s32 s9, v13;
	v26 =	vmul.f32 $1.000000000e+01, v26  }
0x2af: {  	s13 =	simm.s32 $0x400;
	v28 =	vmax.f32 v28, $2.000000030e-01;
	v24 =	vsub.f32 v9, v24;
	v29 =	vld.idx.msk [tilespmem:v29+s22+$0x0], $0xffff;
	v27 =	vmul.f32 $1.442695020e+00, v27  }
0x2b0: {  	v60 =	vadd.s32 s13, v13;
	v40 =	vadd.s32 s19, v4;
	[tilespmem:s1+$0xFFFFFFC0] =	vst v28;
	v28 =	vld.idx.msk [tilespmem:v54+s22+$0x0], $0xffff;
	v26 =	vsub.f32 v3, v26  }
0x2b1: {  	v45 =	vadd.s32 s18, v14;
	v32 =	vld.idx.msk [tilespmem:v52+s22+$0x0], $0xffff;
	v56 =	vpop (erf);
	v24 =	vmul.f32 $1.442695020e+00, v24;
	(erf) = vpow2.f32 v27  }
0x2b2: {  	v55 =	vadd.s32 s5, v10;
	v57 =	vadd.s32 s4, v10;
	v58 =	vpop (erf);
	v26 =	vmul.f32 $1.442695020e+00, v26  }
0x2b3: {  	v38 =	vadd.s32 s3, v10;
	(erf) = vpow2.f32 v24;
	v27 =	vsub.f32 $1.000000000e+00, v58;
	v30 =	vld.idx.msk [tilespmem:v30+s22+$0x0], $0xffff  }
0x2b4: {  	v31 =	vld.idx.msk [tilespmem:v31+s22+$0x0], $0xffff;
	v36 =	vsub.f32 $1.000000000e+00, v56;
	v29 =	vmul.f32 $1.000000000e+01, v29;
	(erf) = vpow2.f32 v26  }
0x2b5: {  	v49 =	vadd.s32 s4, v8;
	v33 =	vld.idx.msk [tilespmem:v53+s22+$0x0], $0xffff;
	v28 =	vmul.f32 $1.000000000e+01, v28;
	v59 =	vmax.f32 v27, $2.000000030e-01  }
0x2b6: {  	v32 =	vmul.f32 $1.000000000e+01, v32;
	v24 =	vmax.f32 v36, $2.000000030e-01;
	v29 =	vsub.f32 v9, v29;
	[tilespmem:s2+$0x20] =	vst v59  }
0x2b7: {  	v48 =	vadd.s32 s9, v14;
	v61 =	vadd.s32 s11, v10;
	[tilespmem:s2+$0xA0] =	vst v24;
	v28 =	vsub.f32 v0, v28;
	v34 =	vld.idx.msk [tilespmem:v57+s22+$0x0], $0xffff  }
0x2b8: {  	v32 =	vsub.f32 v0, v32;
	v35 =	vld.idx.msk [tilespmem:v55+s22+$0x0], $0xffff;
	v29 =	vmul.f32 $1.442695020e+00, v29;
	v30 =	vmul.f32 $1.000000000e+01, v30  }
0x2b9: {  	v54 =	vadd.s32 s5, v8;
	v31 =	vmul.f32 $1.000000000e+01, v31;
	v28 =	vmul.f32 $1.442695020e+00, v28  }
0x2ba: {  	v36 =	vld.idx.msk [tilespmem:v60+s22+$0x0], $0xffff;
	v33 =	vmul.f32 $1.000000000e+01, v33;
	(erf) = vpow2.f32 v29;
	v29 =	vsub.f32 v0, v30;
	v62 =	vpop (erf)  }
0x2bb: {  	v30 =	vmul.f32 $1.442695020e+00, v32;
	v32 =	vsub.f32 $1.000000000e+00, v62;
	(erf) = vpow2.f32 v28  }
0x2bc: {  	v31 =	vsub.f32 v9, v31;
	v39 =	vpop (erf);
	v34 =	vmul.f32 $1.000000000e+01, v34;
	v29 =	vmul.f32 $1.442695020e+00, v29  }
0x2bd: {  	v35 =	vmul.f32 $1.000000000e+01, v35;
	(erf) = vpow2.f32 v30;
	v63 =	vpop (erf);
	v32 =	vmax.f32 v32, $2.000000030e-01  }
0x2be: {  	v30 =	vsub.f32 v5, v34;
	(erf) = vpow2.f32 v29;
	v29 =	vsub.f32 $1.000000000e+00, v63  }
0x2bf: {  	v60 =	vadd.s32 s3, v8;
	v31 =	vmul.f32 $1.442695020e+00, v31;
	v36 =	vmul.f32 $1.000000000e+01, v36;
	[tilespmem:s2+$0xFFFFFFA0] =	vst v32  }
0x2c0: {  	v28 =	vsub.f32 v5, v35;
	v32 =	vld.idx.msk [tilespmem:v38+s22+$0x0], $0xffff;
	v30 =	vmul.f32 $1.442695020e+00, v30;
	v29 =	vmax.f32 v29, $2.000000030e-01  }
0x2c1: {  	v26 =	vadd.s32 s12, v2;
	v33 =	vsub.f32 v9, v33;
	v41 =	vsub.f32 $1.000000000e+00, v39;
	[tilespmem:s2+$0xFFFFFF20] =	vst v29  }
0x2c2: {  	v36 =	vsub.f32 v0, v36;
	v28 =	vmul.f32 $1.442695020e+00, v28;
	(erf) = vpow2.f32 v30;
	v42 =	vld.idx.msk [tilespmem:v61+s22+$0x0], $0xffff  }
0x2c3: {  	v35 =	vmax.f32 v41, $2.000000030e-01;
	v29 =	vadd.s32 s12, v4;
	(erf) = vpow2.f32 v31;
	v31 =	vpop (erf)  }
0x2c4: {  	[tilespmem:s1+$0xD0] =	vst v35;
	v30 =	vmul.f32 $1.442695020e+00, v33;
	(erf) = vpow2.f32 v28;
	v28 =	vsub.f32 $1.000000000e+00, v31  }
0x2c5: {  	v43 =	vmul.f32 $1.442695020e+00, v36;
	v34 =	vld.idx.msk [tilespmem:v40+s22+$0x0], $0xffff;
	v31 =	vadd.s32 s10, v14;
	v44 =	vpop (erf);
	v32 =	vmul.f32 $1.000000000e+01, v32  }
0x2c6: {  	(erf) = vpow2.f32 v30;
	v36 =	vsub.f32 $1.000000000e+00, v44;
	v46 =	vpop (erf);
	v28 =	vmax.f32 v28, $2.000000030e-01  }
0x2c7: {  	(erf) = vpow2.f32 v43;
	[tilespmem:s1+$0xFFFFFF50] =	vst v28;
	v28 =	vsub.f32 $1.000000000e+00, v46;
	v33 =	vmul.f32 $1.000000000e+01, v42  }
0x2c8: {  	v27 =	vadd.s32 s17, v4;
	s12 =	simm.s32 $0xC080;
	v32 =	vsub.f32 v5, v32;
	v47 =	vpop (erf);
	v36 =	vmax.f32 v36, $2.000000030e-01  }
0x2c9: {  	v29 =	vld.idx.msk [tilespmem:v29+s22+$0x0], $0xffff;
	v35 =	vsub.f32 $1.000000000e+00, v47;
	[tilespmem:s12+$0x80] =	vst v36;
	v28 =	vmax.f32 v28, $2.000000030e-01;
	v33 =	vsub.f32 v5, v33  }
0x2ca: {  	v57 =	vadd.s32 s13, v14;
	v32 =	vmul.f32 $1.442695020e+00, v32;
	[tilespmem:s12+$0x0] =	vst v28;
	v28 =	vld.idx.msk [tilespmem:v31+s22+$0x0], $0xffff;
	v31 =	vmul.f32 $1.000000000e+01, v34  }
0x2cb: {  	v63 =	vadd.s32 s19, v2;
	v35 =	vmax.f32 v35, $2.000000030e-01;
	v50 =	vpop (erf);
	v33 =	vmul.f32 $1.442695020e+00, v33  }
0x2cc: {  	v30 =	vadd.s32 s16, v4;
	(erf) = vpow2.f32 v32;
	[tilespmem:s12+$0xFFFFFF80] =	vst v35;
	v53 =	vld.idx.msk [tilespmem:v45+s22+$0x0], $0xffff;
	v52 =	vpop (erf);
	v31 =	vsub.f32 v12, v31  }
0x2cd: {  	v51 =	vsub.f32 $1.000000000e+00, v50;
	v38 =	vld.idx.msk [tilespmem:v48+s22+$0x0], $0xffff;
	v55 =	vpop (erf);
	v32 =	vsub.f32 $1.000000000e+00, v52;
	(erf) = vpow2.f32 v33  }
0x2ce: {  	v29 =	vmul.f32 $1.000000000e+01, v29;
	v39 =	vsub.f32 $1.000000000e+00, v55;
	v31 =	vmul.f32 $1.442695020e+00, v31  }
0x2cf: {  	v34 =	vmax.f32 v51, $2.000000030e-01;
	v56 =	vpop (erf);
	v32 =	vmax.f32 v32, $2.000000030e-01;
	v28 =	vmul.f32 $1.000000000e+01, v28  }
0x2d0: {  	v29 =	vsub.f32 v12, v29;
	v40 =	vpop (erf);
	v39 =	vmax.f32 v39, $2.000000030e-01;
	[tilespmem:s1+$0x50] =	vst v32;
	(erf) = vpow2.f32 v31  }
0x2d1: {  	[tilespmem:s2+$0x30] =	vst v34;
	v31 =	vsub.f32 $1.000000000e+00, v40;
	v35 =	vmul.f32 $1.000000000e+01, v53;
	v30 =	vld.idx.msk [tilespmem:v30+s22+$0x0], $0xffff;
	v28 =	vsub.f32 v1, v28  }
0x2d2: {  	v33 =	vsub.f32 $1.000000000e+00, v56;
	v36 =	vld.idx.msk [tilespmem:v49+s22+$0x0], $0xffff;
	[tilespmem:s2+$0xB0] =	vst v39;
	v29 =	vmul.f32 $1.442695020e+00, v29;
	v59 =	vmul.f32 $1.000000000e+01, v38  }
0x2d3: {  	v58 =	vld.idx.msk [tilespmem:v54+s22+$0x0], $0xffff;
	v31 =	vmax.f32 v31, $2.000000030e-01;
	v35 =	vsub.f32 v1, v35;
	v28 =	vmul.f32 $1.442695020e+00, v28  }
0x2d4: {  	v42 =	vadd.s32 s18, v15;
	v33 =	vmax.f32 v33, $2.000000030e-01;
	(erf) = vpow2.f32 v29;
	[tilespmem:s12+$0xFFFFFF00] =	vst v31  }
0x2d5: {  	v29 =	vsub.f32 v1, v59;
	v61 =	vpop (erf);
	v31 =	vmul.f32 $1.442695020e+00, v35;
	v32 =	vld.idx.msk [tilespmem:v57+s22+$0x0], $0xffff;
	(erf) = vpow2.f32 v28  }
0x2d6: {  	[tilespmem:s1+$0xFFFFFFD0] =	vst v33;
	v62 =	vsub.f32 $1.000000000e+00, v61;
	v28 =	vmul.f32 $1.000000000e+01, v30;
	v30 =	vadd.s32 s11, v8;
	v40 =	vpop (erf)  }
0x2d7: {  	v27 =	vld.idx.msk [tilespmem:v27+s22+$0x0], $0xffff;
	v29 =	vmul.f32 $1.442695020e+00, v29;
	(erf) = vpow2.f32 v31;
	v34 =	vsub.f32 $1.000000000e+00, v40  }
0x2d8: {  	v46 =	vadd.s32 s10, v15;
	v41 =	vmul.f32 $1.000000000e+01, v36;
	v31 =	vmul.f32 $1.000000000e+01, v58  }
0x2d9: {  	v39 =	vmax.f32 v62, $2.000000030e-01;
	v28 =	vsub.f32 v12, v28;
	v34 =	vmax.f32 v34, $2.000000030e-01  }
0x2da: {  	(erf) = vpow2.f32 v29;
	v29 =	vsub.f32 v7, v41;
	v32 =	vmul.f32 $1.000000000e+01, v32;
	[tilespmem:s2+$0xFFFFFF30] =	vst v34  }
0x2db: {  	v52 =	vadd.s32 s17, v2;
	[tilespmem:s2+$0xFFFFFFB0] =	vst v39;
	v31 =	vsub.f32 v7, v31;
	v28 =	vmul.f32 $1.442695020e+00, v28;
	v30 =	vld.idx.msk [tilespmem:v30+s22+$0x0], $0xffff  }
0x2dc: {  	v27 =	vmul.f32 $1.000000000e+01, v27;
	v43 =	vld.idx.msk [tilespmem:v60+s22+$0x0], $0xffff;
	v44 =	vpop (erf);
	v29 =	vmul.f32 $1.442695020e+00, v29;
	v32 =	vsub.f32 v1, v32  }
0x2dd: {  	v45 =	vsub.f32 $1.000000000e+00, v44;
	v47 =	vpop (erf);
	(erf) = vpow2.f32 v28;
	v28 =	vmul.f32 $1.442695020e+00, v31  }
0x2de: {  	(erf) = vpow2.f32 v29;
	v29 =	vsub.f32 $1.000000000e+00, v47;
	v31 =	vmul.f32 $1.442695020e+00, v32;
	v48 =	vpop (erf)  }
0x2df: {  	v27 =	vsub.f32 v12, v27;
	(erf) = vpow2.f32 v28;
	v32 =	vsub.f32 $1.000000000e+00, v48  }
0x2e0: {  	v49 =	vpop (erf);
	v28 =	vmax.f32 v29, $2.000000030e-01;
	(erf) = vpow2.f32 v31;
	v30 =	vmul.f32 $1.000000000e+01, v30  }
0x2e1: {  	v34 =	vmax.f32 v45, $2.000000030e-01;
	v36 =	vmul.f32 $1.000000000e+01, v43;
	v29 =	vsub.f32 $1.000000000e+00, v49;
	[tilespmem:s1+$0xFFFFFF60] =	vst v28  }
0x2e2: {  	v27 =	vmul.f32 $1.442695020e+00, v27;
	[tilespmem:s1+$0xE0] =	vst v34;
	v31 =	vmax.f32 v32, $2.000000030e-01;
	v26 =	vld.idx.msk [tilespmem:v26+s22+$0x0], $0xffff;
	v30 =	vsub.f32 v7, v30  }
0x2e3: {  	v28 =	vld.idx.msk [tilespmem:v63+s22+$0x0], $0xffff;
	v50 =	vsub.f32 v7, v36;
	v51 =	vpop (erf);
	v29 =	vmax.f32 v29, $2.000000030e-01;
	[tilespmem:s12+$0x90] =	vst v31;
	v31 =	vadd.s32 s9, v15  }
0x2e4: {  	(erf) = vpow2.f32 v27;
	v27 =	vsub.f32 $1.000000000e+00, v51;
	[tilespmem:s12+$0x10] =	vst v29;
	v29 =	vld.idx.msk [tilespmem:v46+s22+$0x0], $0xffff;
	v30 =	vmul.f32 $1.442695020e+00, v30  }
0x2e5: {  	v53 =	vadd.s32 s5, v6;
	v54 =	vadd.s32 s16, v2;
	v32 =	vmul.f32 $1.442695020e+00, v50;
	v33 =	vld.idx.msk [tilespmem:v42+s22+$0x0], $0xffff  }
0x2e6: {  	v59 =	vadd.s32 s13, v15;
	v57 =	vadd.s32 s4, v6;
	v27 =	vmax.f32 v27, $2.000000030e-01;
	v55 =	vpop (erf)  }
0x2e7: {  	[tilespmem:s12+$0xFFFFFF90] =	vst v27;
	(erf) = vpow2.f32 v32;
	v56 =	vsub.f32 $1.000000000e+00, v55;
	v58 =	vpop (erf);
	v26 =	vmul.f32 $1.000000000e+01, v26  }
0x2e8: {  	v28 =	vmul.f32 $1.000000000e+01, v28;
	(erf) = vpow2.f32 v30;
	v27 =	vsub.f32 $1.000000000e+00, v58;
	v31 =	vld.idx.msk [tilespmem:v31+s22+$0x0], $0xffff;
	v30 =	vpop (erf)  }
0x2e9: {  	v32 =	vmax.f32 v56, $2.000000030e-01;
	v29 =	vmul.f32 $1.000000000e+01, v29;
	v26 =	vsub.f32 v11, v26;
	v60 =	vpop (erf)  }
0x2ea: {  	v27 =	vmax.f32 v27, $2.000000030e-01;
	[tilespmem:s1+$0x60] =	vst v32;
	v33 =	vmul.f32 $1.000000000e+01, v33;
	v61 =	vsub.f32 $1.000000000e+00, v60  }
0x2eb: {  	v28 =	vsub.f32 v11, v28;
	[tilespmem:s2+$0x40] =	vst v27;
	v27 =	vsub.f32 $1.000000000e+00, v30;
	v26 =	vmul.f32 $1.442695020e+00, v26  }
0x2ec: {  	v35 =	vld.idx.msk [tilespmem:v54+s22+$0x0], $0xffff;
	v29 =	vsub.f32 v3, v29;
	v33 =	vsub.f32 v3, v33;
	v32 =	vmax.f32 v61, $2.000000030e-01  }
0x2ed: {  	v30 =	vpop (erf);
	v37 =	vld.idx.msk [tilespmem:v57+s22+$0x0], $0xffff;
	(erf) = vpow2.f32 v26;
	v26 =	vmax.f32 v27, $2.000000030e-01;
	v27 =	vmul.f32 $1.000000000e+01, v31  }
0x2ee: {  	v25 =	vadd.s32 s3, v6;
	v28 =	vmul.f32 $1.442695020e+00, v28;
	v30 =	vsub.f32 $1.000000000e+00, v30  }
0x2ef: {  	v24 =	vadd.s32 s9, v6;
	v29 =	vmul.f32 $1.442695020e+00, v29;
	v31 =	vmul.f32 $1.442695020e+00, v33;
	[tilespmem:s12+$0xFFFFFF10] =	vst v32  }
0x2f0: {  	v62 =	vmax.f32 v30, $2.000000030e-01;
	v30 =	vadd.s32 s11, v6;
	(erf) = vpow2.f32 v28;
	[tilespmem:s2+$0xC0] =	vst v26;
	v28 =	vld.idx.msk [tilespmem:v59+s22+$0x0], $0xffff;
	v32 =	vpop (erf)  }
0x2f1: {  	v26 =	vsub.f32 v3, v27;
	(erf) = vpow2.f32 v29;
	v29 =	vld.idx.msk [tilespmem:v53+s22+$0x0], $0xffff;
	[tilespmem:s1+$0xFFFFFFE0] =	vst v62;
	v63 =	vmul.f32 $1.000000000e+01, v35;
	v27 =	vpop (erf)  }
0x2f2: {  	(erf) = vpow2.f32 v31;
	v35 =	vld.idx.msk [tilespmem:v52+s22+$0x0], $0xffff;
	v31 =	vmul.f32 $1.000000000e+01, v37;
	v34 =	vsub.f32 $1.000000000e+00, v27  }
0x2f3: {  	s17 =	simm.s32 $0x600;
	s16 =	simm.s32 $0x8;
	v33 =	vmul.f32 $1.442695020e+00, v26;
	v26 =	vadd.s32 s11, v2;
	v36 =	vsub.f32 v11, v63  }
.LBB2_4:
0x2f4: {  	s20 =	sadd.s32 $0x80, s17;
	s19 =	sadd.s32 $0x100, s17;
	s21 =	sadd.s32 $0x180, s17;
	v34 =	vmax.f32 v34, $2.000000030e-01;
	v32 =	vsub.f32 $1.000000000e+00, v32;
	v27 =	vadd.s32 s3, v4  }
0x2f5: {  	s16 =	sadd.s32 $0x4, s16;
	v37 =	vadd.s32 s20, v13;
	v38 =	vadd.s32 s19, v13;
	[tilespmem:s2+$0xFFFFFF40] =	vst v34;
	v34 =	vmul.f32 $1.442695020e+00, v36  }
0x2f6: {  	v28 =	vmul.f32 $1.000000000e+01, v28;
	v36 =	vadd.s32 s21, v13;
	p0 =	slt.u32 s16, $0x78;
	v29 =	vmul.f32 $1.000000000e+01, v29;
	v30 =	vld.idx.msk [tilespmem:v30+s22+$0x0], $0xffff  }
0x2f7: {  	v32 =	vmax.f32 v32, $2.000000030e-01;
	v41 =	vmul.f32 $1.000000000e+01, v35;
	v39 =	vpop (erf);
	(erf) = vpow2.f32 v34  }
0x2f8: {  	v28 =	vsub.f32 v3, v28;
	v34 =	vadd.s32 s20, v6;
	v29 =	vsub.f32 v9, v29;
	[tilespmem:s2+$0xFFFFFFC0] =	vst v32  }
0x2f9: {  	v32 =	vadd.s32 s10, v10;
	v44 =	vsub.f32 v11, v41;
	(erf) = vpow2.f32 v33;
	v33 =	vld.idx.msk [tilespmem:v25+s22+$0x0], $0xffff;
	v35 =	vpop (erf)  }
0x2fa: {  	v28 =	vmul.f32 $1.442695020e+00, v28;
	v29 =	vmul.f32 $1.442695020e+00, v29;
	v38 =	vld.idx.msk [tilespmem:v38+s22+$0x0], $0xffff;
	v40 =	vpop (erf);
	v35 =	vsub.f32 $1.000000000e+00, v35  }
0x2fb: {  	v41 =	vadd.s32 s18, v10;
	v43 =	vmul.f32 $1.442695020e+00, v44;
	v36 =	vld.idx.msk [tilespmem:v36+s22+$0x0], $0xffff;
	v40 =	vsub.f32 $1.000000000e+00, v40;
	v42 =	vpop (erf)  }
0x2fc: {  	v25 =	vmovc v24;
	v24 =	vmovc v34;
	v30 =	vmul.f32 $1.000000000e+01, v30;
	v37 =	vld.idx.msk [tilespmem:v37+s22+$0x0], $0xffff;
	v42 =	vsub.f32 $1.000000000e+00, v42;
	(erf) = vpow2.f32 v29  }
0x2fd: {  	v34 =	vmax.f32 v35, $2.000000030e-01;
	v29 =	vmax.f32 v40, $2.000000030e-01;
	(erf) = vpow2.f32 v43  }
0x2fe: {  	v35 =	vmax.f32 v42, $2.000000030e-01;
	[tilespmem:s12+$0xA0] =	vst v29;
	(erf) = vpow2.f32 v28;
	v28 =	vsub.f32 v9, v30  }
0x2ff: {  	v30 =	vmul.f32 $1.000000000e+01, v33;
	v33 =	vsub.f32 $1.000000000e+00, v39;
	[tilespmem:s12+$0x20] =	vst v35;
	v29 =	vld.idx.msk [tilespmem:v32+s22+$0x0], $0xffff;
	v32 =	vadd.s32 s5, v4  }
0x300: {  	v35 =	vmul.f32 $1.000000000e+01, v38;
	v38 =	vadd.s32 s13, v10;
	v39 =	vld.idx.msk [tilespmem:v41+s22+$0x0], $0xffff;
	v28 =	vmul.f32 $1.442695020e+00, v28;
	[tilespmem:s1+$0xF0] =	vst v34;
	v34 =	vpop (erf)  }
0x301: {  	v40 =	vadd.s32 s17, v13;
	v36 =	vmul.f32 $1.000000000e+01, v36;
	v34 =	vsub.f32 $1.000000000e+00, v34  }
0x302: {  	v41 =	vadd.s32 s9, v10;
	v37 =	vmul.f32 $1.000000000e+01, v37;
	v35 =	vsub.f32 v0, v35;
	v42 =	vpop (erf)  }
0x303: {  	v43 =	vsub.f32 v0, v36;
	(erf) = vpow2.f32 v28;
	v28 =	vmax.f32 v33, $2.000000030e-01  }
0x304: {  	v31 =	vsub.f32 v9, v31;
	v33 =	vsub.f32 v0, v37;
	v35 =	vmul.f32 $1.442695020e+00, v35;
	[tilespmem:s1+$0xFFFFFF70] =	vst v28  }
0x305: {  	v28 =	vmul.f32 $1.442695020e+00, v43;
	v44 =	vmul.f32 $1.000000000e+01, v29;
	v43 =	vmax.f32 v34, $2.000000030e-01;
	v36 =	vpop (erf)  }
0x306: {  	v33 =	vmul.f32 $1.442695020e+00, v33;
	v39 =	vmul.f32 $1.000000000e+01, v39;
	v37 =	vld.idx.msk [tilespmem:v40+s22+$0x0], $0xffff;
	v40 =	vsub.f32 $1.000000000e+00, v42;
	[tilespmem:s1+$0x70] =	vst v43;
	v34 =	vpop (erf)  }
0x307: {  	(erf) = vpow2.f32 v28;
	v28 =	vsub.f32 v5, v44;
	v29 =	vpop (erf);
	v34 =	vsub.f32 $1.000000000e+00, v34  }
0x308: {  	v39 =	vsub.f32 v5, v39;
	(erf) = vpow2.f32 v35;
	v35 =	vmax.f32 v40, $2.000000030e-01  }
0x309: {  	v29 =	vsub.f32 $1.000000000e+00, v29;
	(erf) = vpow2.f32 v33;
	[tilespmem:s12+$0xFFFFFFA0] =	vst v35;
	v33 =	vmax.f32 v34, $2.000000030e-01  }
0x30a: {  	v30 =	vsub.f32 v9, v30;
	v39 =	vmul.f32 $1.442695020e+00, v39;
	v28 =	vmul.f32 $1.442695020e+00, v28;
	v34 =	vld.idx.msk [tilespmem:v41+s22+$0x0], $0xffff;
	[tilespmem:s1+$0xFFFFFFF0] =	vst v33;
	s1 =	smov.u32 s2;
	s2 =	smov.u32 s12  }
0x30b: {  	v31 =	vmul.f32 $1.442695020e+00, v31;
	v29 =	vmax.f32 v29, $2.000000030e-01;
	v33 =	vsub.f32 $1.000000000e+00, v36  }
0x30c: {  	v36 =	vmul.f32 $1.000000000e+01, v37;
	[tilespmem:s12+$0xFFFFFF20] =	vst v29;
	(erf) = vpow2.f32 v39;
	v29 =	vadd.s32 s11, v4;
	v35 =	vpop (erf);
	s11 =	smov.u32 s13;
	s13 =	smov.u32 s17  }
0x30d: {  	v30 =	vmul.f32 $1.442695020e+00, v30;
	v33 =	vmax.f32 v33, $2.000000030e-01;
	v37 =	vld.idx.msk [tilespmem:v38+s22+$0x0], $0xffff;
	(erf) = vpow2.f32 v31  }
0x30e: {  	v36 =	vsub.f32 v0, v36;
	(erf) = vpow2.f32 v28;
	v28 =	vsub.f32 $1.000000000e+00, v35;
	[tilespmem:s1+$0xD0] =	vst v33  }
0x30f: {  	v33 =	vadd.s32 s21, v14;
	v35 =	vadd.s32 s4, v4;
	v32 =	vld.idx.msk [tilespmem:v32+s22+$0x0], $0xffff;
	(erf) = vpow2.f32 v30  }
0x310: {  	v40 =	vmul.f32 $1.442695020e+00, v36;
	v34 =	vmul.f32 $1.000000000e+01, v34;
	v31 =	vpop (erf);
	v28 =	vmax.f32 v28, $2.000000030e-01  }
0x311: {  	v38 =	vadd.s32 s19, v14;
	v36 =	vadd.s32 s20, v14;
	v31 =	vsub.f32 $1.000000000e+00, v31;
	v39 =	vpop (erf);
	[tilespmem:s1+$0xFFFFFF50] =	vst v28  }
0x312: {  	v34 =	vsub.f32 v5, v34;
	v28 =	vsub.f32 $1.000000000e+00, v39;
	(erf) = vpow2.f32 v40;
	v30 =	vpop (erf);
	v29 =	vld.idx.msk [tilespmem:v29+s22+$0x0], $0xffff  }
0x313: {  	s12 =	sadd.s32 $0x200, s12;
	v39 =	vmul.f32 $1.000000000e+01, v37;
	v30 =	vsub.f32 $1.000000000e+00, v30;
	v31 =	vmax.f32 v31, $2.000000030e-01  }
0x314: {  	v40 =	vmul.f32 $1.442695020e+00, v34;
	v34 =	vadd.s32 s18, v8;
	v28 =	vmax.f32 v28, $2.000000030e-01;
	[tilespmem:s12+$0x80] =	vst v31  }
0x315: {  	v32 =	vmul.f32 $1.000000000e+01, v32;
	v30 =	vmax.f32 v30, $2.000000030e-01;
	[tilespmem:s12+$0x0] =	vst v28;
	v28 =	vld.idx.msk [tilespmem:v33+s22+$0x0], $0xffff;
	v33 =	vsub.f32 v5, v39;
	v37 =	vpop (erf)  }
0x316: {  	[tilespmem:s12+$0xFFFFFF80] =	vst v30;
	v30 =	vld.idx.msk [tilespmem:v38+s22+$0x0], $0xffff;
	v37 =	vsub.f32 $1.000000000e+00, v37;
	v38 =	vadd.s32 s10, v8;
	(erf) = vpow2.f32 v40;
	v31 =	vpop (erf)  }
0x317: {  	v32 =	vsub.f32 v12, v32;
	v36 =	vld.idx.msk [tilespmem:v36+s22+$0x0], $0xffff;
	v33 =	vmul.f32 $1.442695020e+00, v33;
	v39 =	vpop (erf);
	v31 =	vsub.f32 $1.000000000e+00, v31  }
0x318: {  	v29 =	vmul.f32 $1.000000000e+01, v29;
	v37 =	vmax.f32 v37, $2.000000030e-01;
	v41 =	vsub.f32 $1.000000000e+00, v39;
	v40 =	vpop (erf)  }
0x319: {  	v32 =	vmul.f32 $1.442695020e+00, v32;
	[tilespmem:s2+$0x30] =	vst v37;
	(erf) = vpow2.f32 v33;
	v31 =	vmax.f32 v31, $2.000000030e-01  }
0x31a: {  	v29 =	vsub.f32 v12, v29;
	v37 =	vsub.f32 $1.000000000e+00, v40;
	v33 =	vmax.f32 v41, $2.000000030e-01;
	[tilespmem:s1+$0x50] =	vst v31  }
0x31b: {  	v31 =	vadd.s32 s17, v14;
	v28 =	vmul.f32 $1.000000000e+01, v28;
	v39 =	vpop (erf);
	[tilespmem:s2+$0xB0] =	vst v33;
	v33 =	vld.idx.msk [tilespmem:v35+s22+$0x0], $0xffff;
	(erf) = vpow2.f32 v32  }
0x31c: {  	v30 =	vmul.f32 $1.000000000e+01, v30;
	v29 =	vmul.f32 $1.442695020e+00, v29;
	v32 =	vsub.f32 $1.000000000e+00, v39;
	v35 =	vld.idx.msk [tilespmem:v38+s22+$0x0], $0xffff  }
0x31d: {  	v37 =	vmax.f32 v37, $2.000000030e-01;
	v39 =	vmul.f32 $1.000000000e+01, v36;
	v28 =	vsub.f32 v1, v28;
	v34 =	vld.idx.msk [tilespmem:v34+s22+$0x0], $0xffff  }
0x31e: {  	v38 =	vadd.s32 s9, v8;
	v30 =	vsub.f32 v1, v30;
	v32 =	vmax.f32 v32, $2.000000030e-01;
	[tilespmem:s1+$0xFFFFFFD0] =	vst v37  }
0x31f: {  	v28 =	vmul.f32 $1.442695020e+00, v28;
	[tilespmem:s12+$0xFFFFFF00] =	vst v32;
	v32 =	vsub.f32 v1, v39;
	v36 =	vpop (erf);
	v27 =	vld.idx.msk [tilespmem:v27+s22+$0x0], $0xffff;
	(erf) = vpow2.f32 v29  }
0x320: {  	v30 =	vmul.f32 $1.442695020e+00, v30;
	v29 =	vld.idx.msk [tilespmem:v31+s22+$0x0], $0xffff;
	v31 =	vsub.f32 $1.000000000e+00, v36;
	v36 =	vadd.s32 s5, v2;
	s5 =	smov.u32 s10;
	s10 =	smov.u32 s21  }
0x321: {  	v33 =	vmul.f32 $1.000000000e+01, v33;
	(erf) = vpow2.f32 v28;
	v28 =	vadd.s32 s11, v8  }
0x322: {  	(erf) = vpow2.f32 v30;
	v30 =	vmax.f32 v31, $2.000000030e-01;
	v31 =	vmul.f32 $1.000000000e+01, v35;
	v35 =	vpop (erf)  }
0x323: {  	v32 =	vmul.f32 $1.442695020e+00, v32;
	v35 =	vsub.f32 $1.000000000e+00, v35;
	[tilespmem:s2+$0xFFFFFFB0] =	vst v30;
	v30 =	vmul.f32 $1.000000000e+01, v34  }
0x324: {  	v33 =	vsub.f32 v12, v33;
	v34 =	vadd.s32 s19, v15;
	v37 =	vld.idx.msk [tilespmem:v38+s22+$0x0], $0xffff;
	v31 =	vsub.f32 v7, v31;
	v38 =	vpop (erf)  }
0x325: {  	(erf) = vpow2.f32 v32;
	v32 =	vmax.f32 v35, $2.000000030e-01;
	v30 =	vsub.f32 v7, v30  }
0x326: {  	v29 =	vmul.f32 $1.000000000e+01, v29;
	[tilespmem:s2+$0xFFFFFF30] =	vst v32;
	v32 =	vmul.f32 $1.442695020e+00, v33;
	v33 =	vsub.f32 $1.000000000e+00, v38  }
0x327: {  	v27 =	vmul.f32 $1.000000000e+01, v27;
	v35 =	vadd.s32 s10, v15;
	v28 =	vld.idx.msk [tilespmem:v28+s22+$0x0], $0xffff;
	v30 =	vmul.f32 $1.442695020e+00, v30  }
0x328: {  	v31 =	vmul.f32 $1.442695020e+00, v31;
	v29 =	vsub.f32 v1, v29;
	v38 =	vpop (erf);
	(erf) = vpow2.f32 v32  }
0x329: {  	v27 =	vsub.f32 v12, v27;
	(erf) = vpow2.f32 v30;
	v30 =	vsub.f32 $1.000000000e+00, v38  }
0x32a: {  	v33 =	vmax.f32 v33, $2.000000030e-01;
	v29 =	vmul.f32 $1.442695020e+00, v29;
	v37 =	vmul.f32 $1.000000000e+01, v37;
	v32 =	vpop (erf)  }
0x32b: {  	v32 =	vsub.f32 $1.000000000e+00, v32;
	v38 =	vpop (erf);
	(erf) = vpow2.f32 v31;
	v30 =	vmax.f32 v30, $2.000000030e-01;
	[tilespmem:s1+$0xE0] =	vst v33  }
0x32c: {  	v27 =	vmul.f32 $1.442695020e+00, v27;
	v31 =	vsub.f32 $1.000000000e+00, v38;
	(erf) = vpow2.f32 v29;
	[tilespmem:s1+$0xFFFFFF60] =	vst v30;
	v29 =	vld.idx.msk [tilespmem:v36+s22+$0x0], $0xffff  }
0x32d: {  	v28 =	vmul.f32 $1.000000000e+01, v28;
	v33 =	vmax.f32 v32, $2.000000030e-01;
	v32 =	vsub.f32 v7, v37;
	v26 =	vld.idx.msk [tilespmem:v26+s22+$0x0], $0xffff  }
0x32e: {  	v31 =	vmax.f32 v31, $2.000000030e-01;
	[tilespmem:s12+$0x90] =	vst v33;
	v30 =	vpop (erf);
	v33 =	vadd.s32 s3, v2;
	(erf) = vpow2.f32 v27;
	s3 =	smov.u32 s9;
	s9 =	smov.u32 s20  }
0x32f: {  	v28 =	vsub.f32 v7, v28;
	v27 =	vsub.f32 $1.000000000e+00, v30;
	v30 =	vadd.s32 s9, v15;
	[tilespmem:s12+$0x10] =	vst v31;
	v31 =	vld.idx.msk [tilespmem:v35+s22+$0x0], $0xffff  }
0x330: {  	v36 =	vadd.s32 s4, v2;
	s4 =	smov.u32 s18;
	s18 =	smov.u32 s19;
	v39 =	vmul.f32 $1.442695020e+00, v32;
	v35 =	vadd.s32 s5, v6;
	v34 =	vld.idx.msk [tilespmem:v34+s22+$0x0], $0xffff  }
0x331: {  	v37 =	vadd.s32 s4, v6;
	v28 =	vmul.f32 $1.442695020e+00, v28;
	v27 =	vmax.f32 v27, $2.000000030e-01;
	v38 =	vpop (erf)  }
0x332: {  	v29 =	vmul.f32 $1.000000000e+01, v29;
	(erf) = vpow2.f32 v39;
	v32 =	vpop (erf);
	v38 =	vsub.f32 $1.000000000e+00, v38  }
0x333: {  	v26 =	vmul.f32 $1.000000000e+01, v26;
	[tilespmem:s12+$0xFFFFFF90] =	vst v27;
	v27 =	vsub.f32 $1.000000000e+00, v32;
	(erf) = vpow2.f32 v28  }
0x334: {  	v28 =	vadd.s32 s17, v15;
	v40 =	vsub.f32 v11, v29;
	v30 =	vld.idx.msk [tilespmem:v30+s22+$0x0], $0xffff;
	v32 =	vpop (erf);
	v38 =	vmax.f32 v38, $2.000000030e-01  }
0x335: {  	v31 =	vmul.f32 $1.000000000e+01, v31;
	v26 =	vsub.f32 v11, v26;
	v39 =	vpop (erf)  }
0x336: {  	v27 =	vmax.f32 v27, $2.000000030e-01;
	[tilespmem:s1+$0x60] =	vst v38;
	v34 =	vmul.f32 $1.000000000e+01, v34;
	v38 =	vsub.f32 $1.000000000e+00, v39  }
0x337: {  	[tilespmem:s2+$0x40] =	vst v27;
	v27 =	vsub.f32 $1.000000000e+00, v32;
	v36 =	vld.idx.msk [tilespmem:v36+s22+$0x0], $0xffff;
	v31 =	vsub.f32 v3, v31  }
0x338: {  	v26 =	vmul.f32 $1.442695020e+00, v26;
	v39 =	vmul.f32 $1.442695020e+00, v40;
	v37 =	vld.idx.msk [tilespmem:v37+s22+$0x0], $0xffff;
	v29 =	vpop (erf);
	v34 =	vsub.f32 v3, v34  }
0x339: {  	v32 =	vmax.f32 v38, $2.000000030e-01;
	v29 =	vsub.f32 $1.000000000e+00, v29;
	v31 =	vmul.f32 $1.442695020e+00, v31  }
0x33a: {  	v27 =	vmax.f32 v27, $2.000000030e-01;
	[tilespmem:s12+$0xFFFFFF10] =	vst v32;
	(erf) = vpow2.f32 v26;
	v26 =	vmul.f32 $1.000000000e+01, v30  }
.Ltmp1:
0x33b: {  	v34 =	vmul.f32 $1.442695020e+00, v34;
	v28 =	vld.idx.msk [tilespmem:v28+s22+$0x0], $0xffff;
	[tilespmem:s2+$0xC0] =	vst v27;
	v38 =	vmax.f32 v29, $2.000000030e-01;
	(pc) =	sbr.rel @p0 .LBB2_4-.Ltmp1, $4  }
0x33c: {  	v30 =	vadd.s32 s11, v6;
	v29 =	vld.idx.msk [tilespmem:v35+s22+$0x0], $0xffff;
	v32 =	vpop (erf);
	[tilespmem:s1+$0xFFFFFFE0] =	vst v38;
	(erf) = vpow2.f32 v39  }
0x33d: {  	v26 =	vsub.f32 v3, v26;
	v36 =	vmul.f32 $1.000000000e+01, v36;
	(erf) = vpow2.f32 v31;
	v27 =	vpop (erf);
	v35 =	vld.idx.msk [tilespmem:v33+s22+$0x0], $0xffff  }
0x33e: {  	v31 =	vmul.f32 $1.000000000e+01, v37;
	(erf) = vpow2.f32 v34;
	v34 =	vsub.f32 $1.000000000e+00, v27  }
0x33f: {  	s17 =	sadd.s32 $0x200, s17;
	v33 =	vmul.f32 $1.442695020e+00, v26;
	v26 =	vadd.s32 s11, v2;
	v36 =	vsub.f32 v11, v36  }
0x340: {  	_ = 	snop  }
0x341: {  	v28 =	vmul.f32 $1.000000000e+01, v28;
	v27 =	vmul.f32 $1.000000000e+01, v29  }
0x342: {  	v39 =	vmul.f32 $1.442695020e+00, v36;
	v38 =	vmul.f32 $1.000000000e+01, v35  }
0x343: {  	v27 =	vsub.f32 v9, v27  }
0x344: {  	v28 =	vsub.f32 v3, v28;
	(erf) = vpow2.f32 v39;
	v29 =	vsub.f32 v11, v38  }
0x345: {  	(erf) = vpow2.f32 v33;
	v27 =	vmul.f32 $1.442695020e+00, v27  }
0x346: {  	v28 =	vmul.f32 $1.442695020e+00, v28;
	v29 =	vmul.f32 $1.442695020e+00, v29  }
0x347: {  	(erf) = vpow2.f32 v27  }
0x348: {  	(erf) = vpow2.f32 v29  }
0x349: {  	v27 =	vpop (erf);
	(erf) = vpow2.f32 v28  }
0x34a: {  	v28 =	vpop (erf)  }
0x34b: {  	v40 =	vpop (erf)  }
0x34c: {  	v41 =	vadd.s32 s18, v10;
	v42 =	vpop (erf)  }
0x34d: {  	v34 =	vmax.f32 v34, $2.000000030e-01;
	v43 =	vsub.f32 $1.000000000e+00, v42  }
0x34e: {  	[tilespmem:s2+$0xFFFFFF40] =	vst v34;
	v29 =	vpop (erf)  }
0x34f: {  	v32 =	vsub.f32 $1.000000000e+00, v32;
	v37 =	vadd.s32 s10, v10;
	v34 =	vld.idx.msk [tilespmem:v30+s22+$0x0], $0xffff;
	v45 =	vpop (erf);
	v44 =	vmax.f32 v43, $2.000000030e-01  }
0x350: {  	v33 =	vsub.f32 $1.000000000e+00, v40;
	[tilespmem:s12+$0x20] =	vst v44;
	v38 =	vpop (erf)  }
0x351: {  	v32 =	vmax.f32 v32, $2.000000030e-01;
	v39 =	vadd.s32 s9, v10;
	v35 =	vld.idx.msk [tilespmem:v41+s22+$0x0], $0xffff;
	v30 =	vpop (erf)  }
0x352: {  	v47 =	vadd.s32 s13, v10;
	[tilespmem:s2+$0xFFFFFFC0] =	vst v32;
	v46 =	vmax.f32 v33, $2.000000030e-01;
	v36 =	vsub.f32 $1.000000000e+00, v45;
	v40 =	vpop (erf)  }
0x353: {  	v25 =	vld.idx.msk [tilespmem:v25+s22+$0x0], $0xffff;
	[tilespmem:s12+$0xA0] =	vst v46;
	v48 =	vsub.f32 $1.000000000e+00, v40  }
0x354: {  	v34 =	vmul.f32 $1.000000000e+01, v34;
	v37 =	vld.idx.msk [tilespmem:v37+s22+$0x0], $0xffff;
	v36 =	vmax.f32 v36, $2.000000030e-01  }
0x355: {  	[tilespmem:s12+$0xFFFFFFA0] =	vst v36;
	v32 =	vmax.f32 v48, $2.000000030e-01  }
0x356: {  	v34 =	vsub.f32 v9, v34;
	v36 =	vld.idx.msk [tilespmem:v39+s22+$0x0], $0xffff;
	v35 =	vmul.f32 $1.000000000e+01, v35;
	[tilespmem:s12+$0xFFFFFF20] =	vst v32  }
0x357: {  	v32 =	vld.idx.msk [tilespmem:v47+s22+$0x0], $0xffff  }
0x358: {  	v49 =	vmul.f32 $1.442695020e+00, v34;
	v50 =	vsub.f32 v5, v35  }
0x359: {  	v31 =	vsub.f32 v9, v31;
	v25 =	vmul.f32 $1.000000000e+01, v25;
	v51 =	vmul.f32 $1.000000000e+01, v37  }
0x35a: {  	(erf) = vpow2.f32 v49;
	v52 =	vmul.f32 $1.442695020e+00, v50  }
0x35b: {  	v31 =	vmul.f32 $1.442695020e+00, v31;
	v53 =	vsub.f32 v5, v51;
	v54 =	vmul.f32 $1.000000000e+01, v36  }
0x35c: {  	v25 =	vsub.f32 v9, v25;
	(erf) = vpow2.f32 v52;
	v32 =	vmul.f32 $1.000000000e+01, v32  }
0x35d: {  	v55 =	vmul.f32 $1.442695020e+00, v53;
	v56 =	vsub.f32 v5, v54;
	(erf) = vpow2.f32 v31  }
0x35e: {  	v25 =	vmul.f32 $1.442695020e+00, v25;
	v32 =	vsub.f32 v5, v32  }
0x35f: {  	v31 =	vmul.f32 $1.442695020e+00, v56;
	(erf) = vpow2.f32 v55  }
0x360: {  	(erf) = vpow2.f32 v25;
	v57 =	vmul.f32 $1.442695020e+00, v32  }
0x361: {  	(erf) = vpow2.f32 v31  }
0x362: {  	v58 =	vadd.s32 s5, v4;
	(erf) = vpow2.f32 v57  }
0x363: {  	v60 =	vadd.s32 s11, v4;
	v59 =	vsub.f32 $1.000000000e+00, v38;
	v61 =	vpop (erf)  }
0x364: {  	v33 =	vsub.f32 $1.000000000e+00, v61  }
0x365: {  	v25 =	vmax.f32 v59, $2.000000030e-01;
	v62 =	vpop (erf)  }
0x366: {  	v63 =	vadd.s32 s4, v4;
	v33 =	vmax.f32 v33, $2.000000030e-01;
	[tilespmem:s2+$0xD0] =	vst v25;
	v43 =	vpop (erf)  }
0x367: {  	v44 =	vadd.s32 s18, v8;
	[tilespmem:s2+$0xFFFFFF50] =	vst v33;
	v31 =	vld.idx.msk [tilespmem:v58+s22+$0x0], $0xffff;
	v35 =	vsub.f32 $1.000000000e+00, v43  }
0x368: {  	v45 =	vadd.s32 s10, v8;
	v32 =	vld.idx.msk [tilespmem:v60+s22+$0x0], $0xffff;
	v34 =	vsub.f32 $1.000000000e+00, v62;
	v46 =	vpop (erf)  }
0x369: {  	v47 =	vadd.s32 s3, v4;
	v37 =	vsub.f32 $1.000000000e+00, v46;
	v48 =	vpop (erf);
	v35 =	vmax.f32 v35, $2.000000030e-01  }
0x36a: {  	v49 =	vadd.s32 s9, v8;
	v34 =	vmax.f32 v34, $2.000000030e-01;
	v39 =	vsub.f32 $1.000000000e+00, v48;
	v50 =	vpop (erf);
	[tilespmem:s2+$0x50] =	vst v35  }
0x36b: {  	v53 =	vadd.s32 s13, v8;
	[tilespmem:s12+$0x30] =	vst v34;
	v51 =	vmax.f32 v37, $2.000000030e-01;
	v52 =	vsub.f32 $1.000000000e+00, v50;
	v25 =	vld.idx.msk [tilespmem:v63+s22+$0x0], $0xffff;
	v41 =	vpop (erf)  }
0x36c: {  	v31 =	vmul.f32 $1.000000000e+01, v31;
	v33 =	vld.idx.msk [tilespmem:v44+s22+$0x0], $0xffff;
	[tilespmem:s12+$0xB0] =	vst v51;
	v54 =	vmax.f32 v39, $2.000000030e-01;
	v55 =	vsub.f32 $1.000000000e+00, v41  }
0x36d: {  	v32 =	vmul.f32 $1.000000000e+01, v32;
	[tilespmem:s2+$0xFFFFFFD0] =	vst v54;
	v56 =	vld.idx.msk [tilespmem:v45+s22+$0x0], $0xffff;
	v57 =	vmax.f32 v52, $2.000000030e-01  }
0x36e: {  	v31 =	vsub.f32 v12, v31;
	v58 =	vld.idx.msk [tilespmem:v47+s22+$0x0], $0xffff;
	[tilespmem:s12+$0xFFFFFFB0] =	vst v57;
	v59 =	vmax.f32 v55, $2.000000030e-01  }
0x36f: {  	v32 =	vsub.f32 v12, v32;
	v35 =	vld.idx.msk [tilespmem:v49+s22+$0x0], $0xffff;
	[tilespmem:s12+$0xFFFFFF30] =	vst v59  }
0x370: {  	v31 =	vmul.f32 $1.442695020e+00, v31;
	v25 =	vmul.f32 $1.000000000e+01, v25;
	v36 =	vld.idx.msk [tilespmem:v53+s22+$0x0], $0xffff  }
0x371: {  	v32 =	vmul.f32 $1.442695020e+00, v32;
	v33 =	vmul.f32 $1.000000000e+01, v33  }
0x372: {  	(erf) = vpow2.f32 v31;
	v60 =	vmul.f32 $1.000000000e+01, v56;
	v25 =	vsub.f32 v12, v25  }
0x373: {  	(erf) = vpow2.f32 v32;
	v61 =	vsub.f32 v7, v33;
	v62 =	vmul.f32 $1.000000000e+01, v58  }
0x374: {  	v31 =	vsub.f32 v7, v60;
	v63 =	vmul.f32 $1.000000000e+01, v35;
	v25 =	vmul.f32 $1.442695020e+00, v25  }
0x375: {  	v32 =	vmul.f32 $1.442695020e+00, v61;
	v33 =	vsub.f32 v12, v62;
	v37 =	vmul.f32 $1.000000000e+01, v36  }
0x376: {  	v31 =	vmul.f32 $1.442695020e+00, v31;
	v38 =	vsub.f32 v7, v63;
	(erf) = vpow2.f32 v25  }
0x377: {  	v39 =	vmul.f32 $1.442695020e+00, v33;
	(erf) = vpow2.f32 v32;
	v40 =	vsub.f32 v7, v37  }
0x378: {  	v25 =	vmul.f32 $1.442695020e+00, v38;
	(erf) = vpow2.f32 v31  }
0x379: {  	(erf) = vpow2.f32 v39;
	v41 =	vmul.f32 $1.442695020e+00, v40  }
0x37a: {  	(erf) = vpow2.f32 v25  }
0x37b: {  	(erf) = vpow2.f32 v41  }
0x37c: {  	v42 =	vpop (erf)  }
0x37d: {  	v43 =	vpop (erf)  }
0x37e: {  	v44 =	vadd.s32 s5, v2;
	v31 =	vsub.f32 $1.000000000e+00, v43  }
0x37f: {  	v25 =	vsub.f32 $1.000000000e+00, v42;
	v45 =	vpop (erf)  }
0x380: {  	v31 =	vmax.f32 v31, $2.000000030e-01;
	v47 =	vpop (erf)  }
0x381: {  	v46 =	vadd.s32 s4, v2;
	[tilespmem:s2+$0xFFFFFF60] =	vst v31;
	v25 =	vmax.f32 v25, $2.000000030e-01;
	v49 =	vpop (erf)  }
0x382: {  	v48 =	vadd.s32 s10, v6;
	v50 =	vld.idx.msk [tilespmem:v26+s22+$0x0], $0xffff;
	[tilespmem:s2+$0xE0] =	vst v25;
	v33 =	vsub.f32 $1.000000000e+00, v45;
	v52 =	vpop (erf)  }
0x383: {  	v53 =	vadd.s32 s3, v2;
	v32 =	vld.idx.msk [tilespmem:v44+s22+$0x0], $0xffff;
	v51 =	vsub.f32 $1.000000000e+00, v49;
	v54 =	vpop (erf)  }
0x384: {  	v56 =	vadd.s32 s13, v6;
	v33 =	vmax.f32 v33, $2.000000030e-01;
	v55 =	vsub.f32 $1.000000000e+00, v52;
	v57 =	vpop (erf)  }
0x385: {  	v59 =	vadd.s32 s18, v6;
	[tilespmem:s2+$0x60] =	vst v33;
	v26 =	vmax.f32 v51, $2.000000030e-01;
	v58 =	vsub.f32 $1.000000000e+00, v57  }
0x386: {  	v60 =	vsub.f32 $1.000000000e+00, v47;
	v34 =	vld.idx.msk [tilespmem:v46+s22+$0x0], $0xffff;
	[tilespmem:s12+$0xC0] =	vst v26;
	v33 =	vmax.f32 v55, $2.000000030e-01  }
0x387: {  	v25 =	vmul.f32 $1.000000000e+01, v50;
	v63 =	vsub.f32 $1.000000000e+00, v54;
	v31 =	vld.idx.msk [tilespmem:v48+s22+$0x0], $0xffff;
	[tilespmem:s2+$0xFFFFFFE0] =	vst v33;
	v26 =	vmax.f32 v58, $2.000000030e-01  }
0x388: {  	v32 =	vmul.f32 $1.000000000e+01, v32;
	v62 =	vmax.f32 v60, $2.000000030e-01;
	v61 =	vld.idx.msk [tilespmem:v53+s22+$0x0], $0xffff;
	[tilespmem:s12+$0xFFFFFF40] =	vst v26  }
0x389: {  	v25 =	vsub.f32 v11, v25;
	[tilespmem:s12+$0x40] =	vst v62;
	v33 =	vmax.f32 v63, $2.000000030e-01;
	v36 =	vld.idx.msk [tilespmem:v56+s22+$0x0], $0xffff  }
0x38a: {  	v32 =	vsub.f32 v11, v32;
	v40 =	vld.idx.msk [tilespmem:v59+s22+$0x0], $0xffff;
	[tilespmem:s12+$0xFFFFFFC0] =	vst v33  }
0x38b: {  	v25 =	vmul.f32 $1.442695020e+00, v25;
	v24 =	vld.idx.msk [tilespmem:v24+s22+$0x0], $0xffff;
	v38 =	vmul.f32 $1.000000000e+01, v34  }
0x38c: {  	v32 =	vmul.f32 $1.442695020e+00, v32;
	v31 =	vmul.f32 $1.000000000e+01, v31  }
0x38d: {  	(erf) = vpow2.f32 v25;
	v26 =	vsub.f32 v11, v38;
	v41 =	vmul.f32 $1.000000000e+01, v61  }
0x38e: {  	(erf) = vpow2.f32 v32;
	v31 =	vsub.f32 v9, v31;
	v42 =	vmul.f32 $1.000000000e+01, v36  }
0x38f: {  	v43 =	vmul.f32 $1.000000000e+01, v40;
	v26 =	vmul.f32 $1.442695020e+00, v26;
	v25 =	vsub.f32 v11, v41  }
0x390: {  	v24 =	vmul.f32 $1.000000000e+01, v24;
	v31 =	vmul.f32 $1.442695020e+00, v31;
	v44 =	vsub.f32 v9, v42  }
0x391: {  	v45 =	vsub.f32 v9, v43;
	(erf) = vpow2.f32 v26;
	v25 =	vmul.f32 $1.442695020e+00, v25  }
0x392: {  	(erf) = vpow2.f32 v31;
	v26 =	vmul.f32 $1.442695020e+00, v44  }
0x393: {  	v24 =	vsub.f32 v9, v24;
	(erf) = vpow2.f32 v25;
	v25 =	vmul.f32 $1.442695020e+00, v45  }
0x394: {  	(erf) = vpow2.f32 v26  }
0x395: {  	v24 =	vmul.f32 $1.442695020e+00, v24  }
0x396: {  	(erf) = vpow2.f32 v25  }
0x397: {  	v25 =	vpop (erf);
	(erf) = vpow2.f32 v24;
	_ =	sdelay $0x1  }
0x398: {  	v24 =	vpop (erf)  }
0x399: {  	v26 =	vpop (erf)  }
0x39a: {  	v31 =	vpop (erf)  }
0x39b: {  	v46 =	vadd.s32 s10, v4;
	v33 =	vpop (erf)  }
0x39c: {  	v47 =	vadd.s32 s13, v4;
	v31 =	vsub.f32 $1.000000000e+00, v31;
	v48 =	vpop (erf)  }
0x39d: {  	v35 =	vsub.f32 $1.000000000e+00, v48  }
0x39e: {  	v49 =	vadd.s32 s18, v4;
	v31 =	vmax.f32 v31, $2.000000030e-01;
	v50 =	vpop (erf)  }
0x39f: {  	v51 =	vadd.s32 s9, v4;
	[tilespmem:s12+$0xD0] =	vst v31;
	v52 =	vsub.f32 $1.000000000e+00, v50;
	v53 =	vpop (erf);
	v35 =	vmax.f32 v35, $2.000000030e-01  }
0x3a0: {  	v32 =	vld.idx.msk [tilespmem:v46+s22+$0x0], $0xffff;
	v36 =	vsub.f32 $1.000000000e+00, v53;
	[tilespmem:s12+$0xFFFFFF50] =	vst v35  }
0x3a1: {  	v35 =	vmax.f32 v52, $2.000000030e-01;
	v34 =	vld.idx.msk [tilespmem:v47+s22+$0x0], $0xffff  }
0x3a2: {  	[tilespmem:s12+$0x50] =	vst v35;
	v54 =	vmax.f32 v36, $2.000000030e-01  }
0x3a3: {  	v31 =	vld.idx.msk [tilespmem:v49+s22+$0x0], $0xffff;
	[tilespmem:s12+$0xFFFFFFD0] =	vst v54  }
0x3a4: {  	v35 =	vld.idx.msk [tilespmem:v51+s22+$0x0], $0xffff  }
0x3a5: {  	v32 =	vmul.f32 $1.000000000e+01, v32  }
0x3a6: {  	v34 =	vmul.f32 $1.000000000e+01, v34  }
0x3a7: {  	v32 =	vsub.f32 v12, v32  }
0x3a8: {  	v31 =	vmul.f32 $1.000000000e+01, v31;
	v34 =	vsub.f32 v12, v34  }
0x3a9: {  	v32 =	vmul.f32 $1.442695020e+00, v32;
	v35 =	vmul.f32 $1.000000000e+01, v35  }
0x3aa: {  	v31 =	vsub.f32 v12, v31;
	v34 =	vmul.f32 $1.442695020e+00, v34  }
0x3ab: {  	(erf) = vpow2.f32 v32;
	v55 =	vsub.f32 v12, v35  }
0x3ac: {  	v31 =	vmul.f32 $1.442695020e+00, v31;
	(erf) = vpow2.f32 v34  }
0x3ad: {  	v32 =	vmul.f32 $1.442695020e+00, v55  }
0x3ae: {  	(erf) = vpow2.f32 v31  }
0x3af: {  	(erf) = vpow2.f32 v32;
	_ =	sdelay $0x4  }
0x3b0: {  	v56 =	vpop (erf)  }
0x3b1: {  	v57 =	vadd.s32 s13, v2;
	v34 =	vpop (erf)  }
0x3b2: {  	v58 =	vadd.s32 s10, v2;
	v34 =	vsub.f32 $1.000000000e+00, v34  }
0x3b3: {  	v59 =	vadd.s32 s18, v2;
	v31 =	vsub.f32 $1.000000000e+00, v56;
	v60 =	vpop (erf)  }
0x3b4: {  	v61 =	vadd.s32 s9, v2;
	v37 =	vsub.f32 $1.000000000e+00, v60;
	v62 =	vpop (erf);
	v34 =	vmax.f32 v34, $2.000000030e-01  }
0x3b5: {  	v31 =	vmax.f32 v31, $2.000000030e-01;
	v40 =	vsub.f32 $1.000000000e+00, v62;
	[tilespmem:s12+$0xFFFFFF60] =	vst v34  }
0x3b6: {  	[tilespmem:s12+$0xE0] =	vst v31;
	v37 =	vmax.f32 v37, $2.000000030e-01;
	v63 =	vld.idx.msk [tilespmem:v57+s22+$0x0], $0xffff  }
0x3b7: {  	v35 =	vld.idx.msk [tilespmem:v58+s22+$0x0], $0xffff;
	[tilespmem:s12+$0x60] =	vst v37;
	v32 =	vmax.f32 v40, $2.000000030e-01  }
0x3b8: {  	v36 =	vld.idx.msk [tilespmem:v59+s22+$0x0], $0xffff;
	[tilespmem:s12+$0xFFFFFFE0] =	vst v32  }
0x3b9: {  	v32 =	vld.idx.msk [tilespmem:v61+s22+$0x0], $0xffff;
	_ =	sdelay $0x1  }
0x3ba: {  	v31 =	vmul.f32 $1.000000000e+01, v63  }
0x3bb: {  	v41 =	vmul.f32 $1.000000000e+01, v35  }
0x3bc: {  	v42 =	vmul.f32 $1.000000000e+01, v36;
	v31 =	vsub.f32 v11, v31  }
0x3bd: {  	v34 =	vsub.f32 v11, v41;
	v32 =	vmul.f32 $1.000000000e+01, v32  }
0x3be: {  	v35 =	vsub.f32 v11, v42;
	v31 =	vmul.f32 $1.442695020e+00, v31  }
0x3bf: {  	v34 =	vmul.f32 $1.442695020e+00, v34;
	v43 =	vsub.f32 v11, v32  }
0x3c0: {  	v44 =	vmul.f32 $1.442695020e+00, v35;
	(erf) = vpow2.f32 v31  }
0x3c1: {  	v31 =	vmul.f32 $1.442695020e+00, v43;
	(erf) = vpow2.f32 v34  }
0x3c2: {  	v27 =	vsub.f32 $1.000000000e+00, v27;
	(erf) = vpow2.f32 v44  }
0x3c3: {  	v28 =	vsub.f32 $1.000000000e+00, v28;
	(erf) = vpow2.f32 v31  }
0x3c4: {  	v27 =	vmax.f32 v27, $2.000000030e-01;
	v24 =	vsub.f32 $1.000000000e+00, v24  }
0x3c5: {  	v28 =	vmax.f32 v28, $2.000000030e-01;
	[tilespmem:s1+$0xFFFFFF70] =	vst v27;
	v29 =	vsub.f32 $1.000000000e+00, v29  }
0x3c6: {  	[tilespmem:s1+$0xF0] =	vst v28;
	v26 =	vsub.f32 $1.000000000e+00, v26;
	v24 =	vmax.f32 v24, $2.000000030e-01  }
0x3c7: {  	v45 =	vsub.f32 $1.000000000e+00, v30;
	[tilespmem:s2+$0xF0] =	vst v24;
	v46 =	vmax.f32 v29, $2.000000030e-01  }
0x3c8: {  	v25 =	vsub.f32 $1.000000000e+00, v25;
	[tilespmem:s1+$0x70] =	vst v46;
	v52 =	vmax.f32 v26, $2.000000030e-01  }
0x3c9: {  	v50 =	vsub.f32 $1.000000000e+00, v33;
	v47 =	vmax.f32 v45, $2.000000030e-01;
	[tilespmem:s2+$0x70] =	vst v52;
	v48 =	vpop (erf)  }
0x3ca: {  	[tilespmem:s1+$0xFFFFFFF0] =	vst v47;
	v49 =	vmax.f32 v25, $2.000000030e-01;
	v51 =	vpop (erf);
	v55 =	vsub.f32 $1.000000000e+00, v48  }
0x3cb: {  	v54 =	vmax.f32 v50, $2.000000030e-01;
	[tilespmem:s2+$0xFFFFFF70] =	vst v49;
	v53 =	vsub.f32 $1.000000000e+00, v51;
	v56 =	vpop (erf)  }
0x3cc: {  	[tilespmem:s2+$0xFFFFFFF0] =	vst v54;
	v58 =	vsub.f32 $1.000000000e+00, v56;
	v59 =	vpop (erf);
	v60 =	vmax.f32 v55, $2.000000030e-01  }
0x3cd: {  	v57 =	vmax.f32 v53, $2.000000030e-01;
	v61 =	vsub.f32 $1.000000000e+00, v59;
	[tilespmem:s12+$0xFFFFFF70] =	vst v60  }
0x3ce: {  	[tilespmem:s12+$0xF0] =	vst v57;
	v62 =	vmax.f32 v58, $2.000000030e-01  }
0x3cf: {  	[tilespmem:s12+$0x70] =	vst v62;
	v63 =	vmax.f32 v61, $2.000000030e-01  }
0x3d0: {  	[tilespmem:s12+$0xFFFFFFF0] =	vst v63  }
0x3d1: {  	v24 =	vld.idx.msk [tilespmem:v16+s22+$0x0], $0xffff;
	_ =	sdelay $0x4  }
0x3d2: {  	v24 =	vmul.f32 $1.000000000e+01, v24;
	_ =	sdelay $0x1  }
0x3d3: {  	v24 =	vsub.f32 v0, v24;
	_ =	sdelay $0x1  }
0x3d4: {  	v24 =	vmul.f32 $1.442695020e+00, v24;
	_ =	sdelay $0x1  }
0x3d5: {  	(erf) = vpow2.f32 v24;
	_ =	sdelay $0x8  }
0x3d6: {  	v24 =	vpop (erf)  }
0x3d7: {  	v24 =	vsub.f32 $1.000000000e+00, v24;
	_ =	sdelay $0x1  }
0x3d8: {  	v24 =	vmax.f32 v24, $2.000000030e-01  }
0x3d9: {  	[tilespmem:$0xF980] =	vst v24  }
0x3da: {  	v24 =	vld.idx.msk [tilespmem:v17+s22+$0x0], $0xffff;
	_ =	sdelay $0x4  }
0x3db: {  	v24 =	vmul.f32 $1.000000000e+01, v24;
	_ =	sdelay $0x1  }
0x3dc: {  	v24 =	vsub.f32 v1, v24;
	_ =	sdelay $0x1  }
0x3dd: {  	v24 =	vmul.f32 $1.442695020e+00, v24;
	_ =	sdelay $0x1  }
0x3de: {  	(erf) = vpow2.f32 v24;
	_ =	sdelay $0x8  }
0x3df: {  	v24 =	vpop (erf)  }
0x3e0: {  	v24 =	vsub.f32 $1.000000000e+00, v24;
	_ =	sdelay $0x1  }
0x3e1: {  	v24 =	vmax.f32 v24, $2.000000030e-01  }
0x3e2: {  	[tilespmem:$0xF990] =	vst v24  }
0x3e3: {  	v24 =	vld.idx.msk [tilespmem:v18+s22+$0x0], $0xffff;
	_ =	sdelay $0x4  }
0x3e4: {  	v24 =	vmul.f32 $1.000000000e+01, v24;
	_ =	sdelay $0x1  }
0x3e5: {  	v24 =	vsub.f32 v3, v24;
	_ =	sdelay $0x1  }
0x3e6: {  	v24 =	vmul.f32 $1.442695020e+00, v24;
	_ =	sdelay $0x1  }
0x3e7: {  	(erf) = vpow2.f32 v24;
	_ =	sdelay $0x8  }
0x3e8: {  	v24 =	vpop (erf)  }
0x3e9: {  	v24 =	vsub.f32 $1.000000000e+00, v24;
	_ =	sdelay $0x1  }
0x3ea: {  	v24 =	vmax.f32 v24, $2.000000030e-01  }
0x3eb: {  	[tilespmem:$0xF9A0] =	vst v24  }
0x3ec: {  	v24 =	vld.idx.msk [tilespmem:v19+s22+$0x0], $0xffff;
	_ =	sdelay $0x4  }
0x3ed: {  	v24 =	vmul.f32 $1.000000000e+01, v24;
	_ =	sdelay $0x1  }
0x3ee: {  	v24 =	vsub.f32 v5, v24;
	_ =	sdelay $0x1  }
0x3ef: {  	v24 =	vmul.f32 $1.442695020e+00, v24;
	_ =	sdelay $0x1  }
0x3f0: {  	(erf) = vpow2.f32 v24;
	_ =	sdelay $0x8  }
0x3f1: {  	v24 =	vpop (erf)  }
0x3f2: {  	v24 =	vsub.f32 $1.000000000e+00, v24;
	_ =	sdelay $0x1  }
0x3f3: {  	v24 =	vmax.f32 v24, $2.000000030e-01  }
0x3f4: {  	[tilespmem:$0xF9B0] =	vst v24  }
0x3f5: {  	v24 =	vld.idx.msk [tilespmem:v20+s22+$0x0], $0xffff;
	_ =	sdelay $0x4  }
0x3f6: {  	v24 =	vmul.f32 $1.000000000e+01, v24;
	_ =	sdelay $0x1  }
0x3f7: {  	v24 =	vsub.f32 v7, v24;
	_ =	sdelay $0x1  }
0x3f8: {  	v24 =	vmul.f32 $1.442695020e+00, v24;
	_ =	sdelay $0x1  }
0x3f9: {  	(erf) = vpow2.f32 v24;
	_ =	sdelay $0x8  }
0x3fa: {  	v24 =	vpop (erf)  }
0x3fb: {  	v24 =	vsub.f32 $1.000000000e+00, v24;
	_ =	sdelay $0x1  }
0x3fc: {  	v24 =	vmax.f32 v24, $2.000000030e-01  }
0x3fd: {  	[tilespmem:$0xF9C0] =	vst v24  }
0x3fe: {  	v24 =	vld.idx.msk [tilespmem:v21+s22+$0x0], $0xffff;
	_ =	sdelay $0x4  }
0x3ff: {  	v24 =	vmul.f32 $1.000000000e+01, v24;
	_ =	sdelay $0x1  }
0x400: {  	v24 =	vsub.f32 v9, v24;
	_ =	sdelay $0x1  }
0x401: {  	v24 =	vmul.f32 $1.442695020e+00, v24;
	_ =	sdelay $0x1  }
0x402: {  	(erf) = vpow2.f32 v24;
	_ =	sdelay $0x8  }
0x403: {  	v24 =	vpop (erf)  }
0x404: {  	v24 =	vsub.f32 $1.000000000e+00, v24;
	_ =	sdelay $0x1  }
0x405: {  	v24 =	vmax.f32 v24, $2.000000030e-01  }
0x406: {  	[tilespmem:$0xF9D0] =	vst v24  }
0x407: {  	v24 =	vld.idx.msk [tilespmem:v22+s22+$0x0], $0xffff;
	_ =	sdelay $0x4  }
0x408: {  	v24 =	vmul.f32 $1.000000000e+01, v24;
	_ =	sdelay $0x1  }
0x409: {  	v24 =	vsub.f32 v12, v24;
	_ =	sdelay $0x1  }
0x40a: {  	v24 =	vmul.f32 $1.442695020e+00, v24;
	_ =	sdelay $0x1  }
0x40b: {  	(erf) = vpow2.f32 v24;
	_ =	sdelay $0x8  }
0x40c: {  	v24 =	vpop (erf)  }
0x40d: {  	v24 =	vsub.f32 $1.000000000e+00, v24;
	_ =	sdelay $0x1  }
0x40e: {  	v24 =	vmax.f32 v24, $2.000000030e-01  }
0x40f: {  	[tilespmem:$0xF9E0] =	vst v24  }
0x410: {  	v24 =	vld.idx.msk [tilespmem:v23+s22+$0x0], $0xffff;
	_ =	sdelay $0x4  }
0x411: {  	v24 =	vmul.f32 $1.000000000e+01, v24;
	_ =	sdelay $0x1  }
0x412: {  	v24 =	vsub.f32 v11, v24;
	_ =	sdelay $0x1  }
0x413: {  	v24 =	vmul.f32 $1.442695020e+00, v24;
	_ =	sdelay $0x1  }
0x414: {  	(erf) = vpow2.f32 v24;
	_ =	sdelay $0x8  }
0x415: {  	v24 =	vpop (erf)  }
0x416: {  	v24 =	vsub.f32 $1.000000000e+00, v24;
	_ =	sdelay $0x1  }
0x417: {  	v24 =	vmax.f32 v24, $2.000000030e-01  }
0x418: {  	s30 =	simm.s32 $0xBB80;
	s31 =	simm.s32 $0x1;
	s1 =	rddreg [dreg:$0xa];
	[tilespmem:$0xF9F0] =	vst v24  }
0x419: {  	[hbm4b:s1+s7] =	stream.linear.scatter [tilespmem:s30], [sflag:$0x4], $0x3E80, $0x38;
	[tilespmem:$0x13B80] =	vst v63  }
.LBB2_6:
0x41a: {  	s1 =	smul.u32 $0xFA, s31;
	_ =	sdelay $0x1  }
0x41b: {  	s2 =	sadd.s32 s1, s14  }
0x41c: {  	s2 =	sshll.u32 s2, $0x4  }
0x41d: {  	s4 =	sand.u32 $0x1FFFFFF0, s2  }
0x41e: {  	s13 =	simm.s32 $0x0;
	s2 =	sadd.s32 s0, s4  }
0x41f: {  	[tilespmem:s22], [sflag:$0x2] =	stream.linear.gather [hbm4b:s2+s13], $0x3E80, $0x38;
	[tilespmem:$0x13B80] =	vst v63  }
0x420: {  	s21 =	simm.s32 $0x180;
	_ =	swait.ge [sflag:s23], $0x3E80  }
0x421: {  	s17 =	simm.s32 $0x100;
	v24 =	vadd.s32 s21, v13;
	[sflag:s23] =	ssyncset.done $0x0  }
0x422: {  	v25 =	vadd.s32 s17, v13;
	[sflag:s23] =	ssyncadd.s32 $0xFFFFC180  }
0x423: {  	_ =	swait.ge [sflag:s28], $0x3E80  }
0x424: {  	[sflag:s28] =	ssyncset.done $0x0  }
0x425: {  	[sflag:s28] =	ssyncadd.s32 $0xFFFFC180  }
0x426: {  	v24 =	vld.idx.msk [tilespmem:v24+s7+$0x0], $0xffff  }
0x427: {  	s19 =	simm.s32 $0x80;
	v25 =	vld.idx.msk [tilespmem:v25+s7+$0x0], $0xffff  }
0x428: {  	v26 =	vadd.s32 s19, v13;
	_ =	sdelay $0x2  }
0x429: {  	v24 =	vmul.f32 $1.000000000e+01, v24  }
0x42a: {  	v27 =	vadd.s32 s13, v13;
	v25 =	vmul.f32 $1.000000000e+01, v25  }
0x42b: {  	v26 =	vld.idx.msk [tilespmem:v26+s7+$0x0], $0xffff;
	v24 =	vsub.f32 v0, v24  }
0x42c: {  	v25 =	vsub.f32 v0, v25  }
0x42d: {  	v24 =	vmul.f32 $1.442695020e+00, v24  }
0x42e: {  	v25 =	vmul.f32 $1.442695020e+00, v25  }
0x42f: {  	v27 =	vld.idx.msk [tilespmem:v27+s7+$0x0], $0xffff;
	(erf) = vpow2.f32 v24  }
0x430: {  	v24 =	vmul.f32 $1.000000000e+01, v26;
	(erf) = vpow2.f32 v25;
	_ =	sdelay $0x1  }
0x431: {  	v24 =	vsub.f32 v0, v24;
	_ =	sdelay $0x1  }
0x432: {  	v25 =	vmul.f32 $1.000000000e+01, v27;
	v24 =	vmul.f32 $1.442695020e+00, v24;
	_ =	sdelay $0x1  }
0x433: {  	v25 =	vsub.f32 v0, v25;
	(erf) = vpow2.f32 v24;
	_ =	sdelay $0x1  }
0x434: {  	v25 =	vmul.f32 $1.442695020e+00, v25;
	v24 =	vadd.s32 s21, v14;
	v26 =	vpop (erf)  }
0x435: {  	v27 =	vadd.s32 s17, v14;
	v26 =	vsub.f32 $1.000000000e+00, v26;
	v28 =	vpop (erf)  }
0x436: {  	(erf) = vpow2.f32 v25;
	v25 =	vsub.f32 $1.000000000e+00, v28  }
0x437: {  	s2 =	simm.s32 $0x7E00;
	v26 =	vmax.f32 v26, $2.000000030e-01  }
0x438: {  	v25 =	vmax.f32 v25, $2.000000030e-01;
	[tilespmem:s2+$0x80] =	vst v26  }
0x439: {  	[tilespmem:s2+$0x0] =	vst v25;
	v24 =	vld.idx.msk [tilespmem:v24+s7+$0x0], $0xffff  }
0x43a: {  	v25 =	vld.idx.msk [tilespmem:v27+s7+$0x0], $0xffff  }
0x43b: {  	v26 =	vadd.s32 s19, v14;
	v27 =	vpop (erf)  }
0x43c: {  	v27 =	vsub.f32 $1.000000000e+00, v27;
	_ =	sdelay $0x1  }
0x43d: {  	v27 =	vmax.f32 v27, $2.000000030e-01;
	v24 =	vmul.f32 $1.000000000e+01, v24  }
0x43e: {  	v28 =	vadd.s32 s13, v14;
	v29 =	vpop (erf);
	[tilespmem:s2+$0xFFFFFF80] =	vst v27;
	v25 =	vmul.f32 $1.000000000e+01, v25  }
0x43f: {  	v29 =	vsub.f32 $1.000000000e+00, v29;
	v26 =	vld.idx.msk [tilespmem:v26+s7+$0x0], $0xffff;
	v24 =	vsub.f32 v1, v24  }
0x440: {  	v25 =	vsub.f32 v1, v25  }
0x441: {  	v27 =	vmax.f32 v29, $2.000000030e-01;
	v24 =	vmul.f32 $1.442695020e+00, v24  }
0x442: {  	[tilespmem:s2+$0xFFFFFF00] =	vst v27;
	v25 =	vmul.f32 $1.442695020e+00, v25  }
0x443: {  	v27 =	vld.idx.msk [tilespmem:v28+s7+$0x0], $0xffff;
	(erf) = vpow2.f32 v24  }
0x444: {  	v24 =	vmul.f32 $1.000000000e+01, v26;
	(erf) = vpow2.f32 v25;
	_ =	sdelay $0x1  }
0x445: {  	v24 =	vsub.f32 v1, v24;
	_ =	sdelay $0x1  }
0x446: {  	v25 =	vmul.f32 $1.000000000e+01, v27;
	v24 =	vmul.f32 $1.442695020e+00, v24;
	_ =	sdelay $0x1  }
0x447: {  	v25 =	vsub.f32 v1, v25;
	(erf) = vpow2.f32 v24;
	_ =	sdelay $0x1  }
0x448: {  	v25 =	vmul.f32 $1.442695020e+00, v25;
	v24 =	vadd.s32 s21, v15;
	v26 =	vpop (erf)  }
0x449: {  	v27 =	vadd.s32 s17, v15;
	v26 =	vsub.f32 $1.000000000e+00, v26;
	v28 =	vpop (erf)  }
0x44a: {  	(erf) = vpow2.f32 v25;
	v25 =	vsub.f32 $1.000000000e+00, v28  }
0x44b: {  	v26 =	vmax.f32 v26, $2.000000030e-01  }
0x44c: {  	v25 =	vmax.f32 v25, $2.000000030e-01;
	[tilespmem:s2+$0x90] =	vst v26  }
0x44d: {  	[tilespmem:s2+$0x10] =	vst v25;
	v24 =	vld.idx.msk [tilespmem:v24+s7+$0x0], $0xffff  }
0x44e: {  	v25 =	vld.idx.msk [tilespmem:v27+s7+$0x0], $0xffff  }
0x44f: {  	v26 =	vpop (erf);
	v27 =	vadd.s32 s19, v15  }
0x450: {  	v26 =	vsub.f32 $1.000000000e+00, v26;
	_ =	sdelay $0x1  }
0x451: {  	v26 =	vmax.f32 v26, $2.000000030e-01;
	v24 =	vmul.f32 $1.000000000e+01, v24  }
0x452: {  	v28 =	vadd.s32 s13, v15;
	v29 =	vpop (erf);
	[tilespmem:s2+$0xFFFFFF90] =	vst v26;
	v25 =	vmul.f32 $1.000000000e+01, v25  }
0x453: {  	v29 =	vsub.f32 $1.000000000e+00, v29;
	v27 =	vld.idx.msk [tilespmem:v27+s7+$0x0], $0xffff;
	v24 =	vsub.f32 v3, v24  }
0x454: {  	v25 =	vsub.f32 v3, v25  }
0x455: {  	v26 =	vmax.f32 v29, $2.000000030e-01;
	v24 =	vmul.f32 $1.442695020e+00, v24  }
0x456: {  	[tilespmem:s2+$0xFFFFFF10] =	vst v26;
	v25 =	vmul.f32 $1.442695020e+00, v25  }
0x457: {  	v26 =	vld.idx.msk [tilespmem:v28+s7+$0x0], $0xffff;
	(erf) = vpow2.f32 v24  }
0x458: {  	s20 =	simm.s32 $0x380;
	v27 =	vmul.f32 $1.000000000e+01, v27;
	(erf) = vpow2.f32 v25  }
0x459: {  	v24 =	vadd.s32 s20, v13  }
0x45a: {  	v27 =	vsub.f32 v3, v27  }
0x45b: {  	s18 =	simm.s32 $0x300  }
0x45c: {  	v25 =	vadd.s32 s18, v13;
	v26 =	vmul.f32 $1.000000000e+01, v26;
	v27 =	vmul.f32 $1.442695020e+00, v27;
	_ =	sdelay $0x1  }
0x45d: {  	v26 =	vsub.f32 v3, v26;
	v24 =	vld.idx.msk [tilespmem:v24+s7+$0x0], $0xffff;
	_ =	sdelay $0x1  }
0x45e: {  	s5 =	simm.s32 $0x280;
	v26 =	vmul.f32 $1.442695020e+00, v26;
	(erf) = vpow2.f32 v27;
	v27 =	vpop (erf)  }
0x45f: {  	v28 =	vadd.s32 s5, v13;
	v25 =	vld.idx.msk [tilespmem:v25+s7+$0x0], $0xffff;
	v30 =	vpop (erf)  }
0x460: {  	v29 =	vadd.s32 s17, v10;
	(erf) = vpow2.f32 v26;
	v26 =	vsub.f32 $1.000000000e+00, v30  }
0x461: {  	v24 =	vmul.f32 $1.000000000e+01, v24  }
0x462: {  	s12 =	simm.s32 $0x200;
	v30 =	vadd.s32 s21, v10;
	v26 =	vmax.f32 v26, $2.000000030e-01  }
0x463: {  	v27 =	vsub.f32 $1.000000000e+00, v27;
	v24 =	vsub.f32 v0, v24;
	[tilespmem:s2+$0x20] =	vst v26;
	v26 =	vadd.s32 s12, v13  }
0x464: {  	v28 =	vld.idx.msk [tilespmem:v28+s7+$0x0], $0xffff;
	v25 =	vmul.f32 $1.000000000e+01, v25  }
0x465: {  	v27 =	vmax.f32 v27, $2.000000030e-01;
	v24 =	vmul.f32 $1.442695020e+00, v24;
	v29 =	vld.idx.msk [tilespmem:v29+s7+$0x0], $0xffff  }
0x466: {  	v25 =	vsub.f32 v0, v25;
	[tilespmem:s2+$0xA0] =	vst v27  }
0x467: {  	(erf) = vpow2.f32 v24;
	v24 =	vld.idx.msk [tilespmem:v30+s7+$0x0], $0xffff  }
0x468: {  	v25 =	vmul.f32 $1.442695020e+00, v25;
	v26 =	vld.idx.msk [tilespmem:v26+s7+$0x0], $0xffff  }
0x469: {  	v28 =	vmul.f32 $1.000000000e+01, v28;
	v27 =	vadd.s32 s19, v10;
	v30 =	vpop (erf)  }
0x46a: {  	(erf) = vpow2.f32 v25;
	v30 =	vsub.f32 $1.000000000e+00, v30;
	v31 =	vpop (erf);
	v29 =	vmul.f32 $1.000000000e+01, v29  }
0x46b: {  	v28 =	vsub.f32 v0, v28;
	v25 =	vadd.s32 s13, v10;
	v31 =	vsub.f32 $1.000000000e+00, v31  }
0x46c: {  	v30 =	vmax.f32 v30, $2.000000030e-01;
	v24 =	vmul.f32 $1.000000000e+01, v24;
	v29 =	vsub.f32 v5, v29  }
0x46d: {  	v28 =	vmul.f32 $1.442695020e+00, v28;
	[tilespmem:s2+$0xFFFFFFA0] =	vst v30;
	v26 =	vmul.f32 $1.000000000e+01, v26  }
0x46e: {  	v30 =	vmax.f32 v31, $2.000000030e-01;
	v27 =	vld.idx.msk [tilespmem:v27+s7+$0x0], $0xffff;
	v24 =	vsub.f32 v5, v24;
	v29 =	vmul.f32 $1.442695020e+00, v29  }
0x46f: {  	(erf) = vpow2.f32 v28;
	[tilespmem:s2+$0xFFFFFF20] =	vst v30;
	v26 =	vsub.f32 v0, v26  }
0x470: {  	v25 =	vld.idx.msk [tilespmem:v25+s7+$0x0], $0xffff;
	v24 =	vmul.f32 $1.442695020e+00, v24;
	(erf) = vpow2.f32 v29  }
0x471: {  	v26 =	vmul.f32 $1.442695020e+00, v26  }
0x472: {  	v28 =	vadd.s32 s20, v14;
	v30 =	vadd.s32 s18, v14;
	(erf) = vpow2.f32 v24;
	v29 =	vpop (erf)  }
0x473: {  	v27 =	vmul.f32 $1.000000000e+01, v27;
	v29 =	vsub.f32 $1.000000000e+00, v29;
	v31 =	vpop (erf);
	(erf) = vpow2.f32 v26  }
0x474: {  	v31 =	vsub.f32 $1.000000000e+00, v31  }
0x475: {  	s3 =	simm.s32 $0x8000;
	v25 =	vmul.f32 $1.000000000e+01, v25;
	v26 =	vsub.f32 v5, v27;
	v24 =	vmax.f32 v29, $2.000000030e-01  }
0x476: {  	v27 =	vmax.f32 v31, $2.000000030e-01;
	[tilespmem:s3+$0x80] =	vst v24  }
0x477: {  	v25 =	vsub.f32 v5, v25;
	v26 =	vmul.f32 $1.442695020e+00, v26;
	[tilespmem:s3+$0x0] =	vst v27;
	v24 =	vld.idx.msk [tilespmem:v28+s7+$0x0], $0xffff  }
0x478: {  	v28 =	vpop (erf);
	v27 =	vld.idx.msk [tilespmem:v30+s7+$0x0], $0xffff  }
0x479: {  	v25 =	vmul.f32 $1.442695020e+00, v25;
	(erf) = vpow2.f32 v26;
	v28 =	vsub.f32 $1.000000000e+00, v28;
	v29 =	vpop (erf)  }
0x47a: {  	v26 =	vadd.s32 s5, v14;
	v29 =	vsub.f32 $1.000000000e+00, v29  }
0x47b: {  	(erf) = vpow2.f32 v25;
	v25 =	vadd.s32 s17, v8;
	v28 =	vmax.f32 v28, $2.000000030e-01;
	v31 =	vpop (erf)  }
0x47c: {  	[tilespmem:s3+$0xFFFFFF80] =	vst v28;
	v28 =	vsub.f32 $1.000000000e+00, v31;
	v24 =	vmul.f32 $1.000000000e+01, v24;
	v29 =	vmax.f32 v29, $2.000000030e-01;
	v32 =	vpop (erf)  }
0x47d: {  	v30 =	vadd.s32 s21, v8;
	v27 =	vmul.f32 $1.000000000e+01, v27;
	[tilespmem:s2+$0x30] =	vst v29;
	v29 =	vsub.f32 $1.000000000e+00, v32  }
0x47e: {  	v31 =	vadd.s32 s12, v14;
	v28 =	vmax.f32 v28, $2.000000030e-01;
	v24 =	vsub.f32 v1, v24  }
0x47f: {  	v26 =	vld.idx.msk [tilespmem:v26+s7+$0x0], $0xffff;
	[tilespmem:s2+$0xB0] =	vst v28;
	v27 =	vsub.f32 v1, v27;
	v28 =	vmax.f32 v29, $2.000000030e-01  }
0x480: {  	v25 =	vld.idx.msk [tilespmem:v25+s7+$0x0], $0xffff;
	v24 =	vmul.f32 $1.442695020e+00, v24  }
0x481: {  	v27 =	vmul.f32 $1.442695020e+00, v27  }
0x482: {  	v29 =	vadd.s32 s19, v8;
	[tilespmem:s3+$0xFFFFFF00] =	vst v28;
	(erf) = vpow2.f32 v24;
	v24 =	vld.idx.msk [tilespmem:v30+s7+$0x0], $0xffff;
	v28 =	vpop (erf)  }
0x483: {  	(erf) = vpow2.f32 v27;
	v27 =	vld.idx.msk [tilespmem:v31+s7+$0x0], $0xffff;
	v28 =	vsub.f32 $1.000000000e+00, v28  }
0x484: {  	v26 =	vmul.f32 $1.000000000e+01, v26  }
0x485: {  	v30 =	vadd.s32 s13, v8;
	v25 =	vmul.f32 $1.000000000e+01, v25;
	v31 =	vpop (erf);
	v28 =	vmax.f32 v28, $2.000000030e-01  }
0x486: {  	v26 =	vsub.f32 v1, v26;
	v31 =	vsub.f32 $1.000000000e+00, v31;
	[tilespmem:s2+$0xFFFFFFB0] =	vst v28  }
0x487: {  	v25 =	vsub.f32 v7, v25;
	v24 =	vmul.f32 $1.000000000e+01, v24;
	v29 =	vld.idx.msk [tilespmem:v29+s7+$0x0], $0xffff  }
0x488: {  	v26 =	vmul.f32 $1.442695020e+00, v26;
	v28 =	vmax.f32 v31, $2.000000030e-01;
	v27 =	vmul.f32 $1.000000000e+01, v27  }
0x489: {  	v25 =	vmul.f32 $1.442695020e+00, v25;
	[tilespmem:s2+$0xFFFFFF30] =	vst v28;
	v24 =	vsub.f32 v7, v24  }
0x48a: {  	(erf) = vpow2.f32 v26;
	v26 =	vadd.s32 s20, v15;
	v28 =	vld.idx.msk [tilespmem:v30+s7+$0x0], $0xffff;
	v27 =	vsub.f32 v1, v27  }
0x48b: {  	v30 =	vadd.s32 s18, v15;
	(erf) = vpow2.f32 v25;
	v31 =	vpop (erf);
	v24 =	vmul.f32 $1.442695020e+00, v24  }
0x48c: {  	v25 =	vsub.f32 $1.000000000e+00, v31;
	v31 =	vpop (erf);
	v27 =	vmul.f32 $1.442695020e+00, v27;
	v29 =	vmul.f32 $1.000000000e+01, v29  }
0x48d: {  	v31 =	vsub.f32 $1.000000000e+00, v31;
	(erf) = vpow2.f32 v24  }
0x48e: {  	v24 =	vmax.f32 v25, $2.000000030e-01;
	(erf) = vpow2.f32 v27;
	v27 =	vsub.f32 v7, v29  }
0x48f: {  	v25 =	vmul.f32 $1.000000000e+01, v28;
	v28 =	vmax.f32 v31, $2.000000030e-01;
	[tilespmem:s3+$0x90] =	vst v24  }
0x490: {  	[tilespmem:s3+$0x10] =	vst v28;
	v24 =	vld.idx.msk [tilespmem:v26+s7+$0x0], $0xffff;
	v27 =	vmul.f32 $1.442695020e+00, v27  }
0x491: {  	v25 =	vsub.f32 v7, v25;
	v26 =	vld.idx.msk [tilespmem:v30+s7+$0x0], $0xffff;
	_ =	sdelay $0x1  }
0x492: {  	v25 =	vmul.f32 $1.442695020e+00, v25  }
0x493: {  	(erf) = vpow2.f32 v27;
	v27 =	vpop (erf)  }
0x494: {  	(erf) = vpow2.f32 v25;
	v24 =	vmul.f32 $1.000000000e+01, v24;
	v25 =	vsub.f32 $1.000000000e+00, v27;
	v28 =	vpop (erf)  }
0x495: {  	v29 =	vadd.s32 s21, v6;
	v27 =	vadd.s32 s5, v15;
	v26 =	vmul.f32 $1.000000000e+01, v26;
	v30 =	vpop (erf)  }
0x496: {  	v24 =	vsub.f32 v3, v24;
	v25 =	vmax.f32 v25, $2.000000030e-01;
	v56 =	vpop (erf);
	v30 =	vsub.f32 $1.000000000e+00, v30  }
0x497: {  	v31 =	vadd.s32 s12, v15;
	v26 =	vsub.f32 v3, v26;
	[tilespmem:s3+$0xFFFFFF90] =	vst v25;
	v25 =	vsub.f32 $1.000000000e+00, v56  }
0x498: {  	v24 =	vmul.f32 $1.442695020e+00, v24  }
0x499: {  	v30 =	vmax.f32 v30, $2.000000030e-01;
	v26 =	vmul.f32 $1.442695020e+00, v26;
	v25 =	vmax.f32 v25, $2.000000030e-01  }
0x49a: {  	v27 =	vld.idx.msk [tilespmem:v27+s7+$0x0], $0xffff;
	[tilespmem:s2+$0xC0] =	vst v30;
	(erf) = vpow2.f32 v24  }
0x49b: {  	[tilespmem:s3+$0xFFFFFF10] =	vst v25;
	v24 =	vld.idx.msk [tilespmem:v29+s7+$0x0], $0xffff;
	(erf) = vpow2.f32 v26  }
0x49c: {  	s9 =	simm.s32 $0x500;
	v26 =	vld.idx.msk [tilespmem:v31+s7+$0x0], $0xffff;
	v25 =	vpop (erf)  }
0x49d: {  	s11 =	simm.s32 $0x580;
	v57 =	vadd.s32 s9, v13;
	v28 =	vsub.f32 $1.000000000e+00, v28;
	v29 =	vadd.s32 s13, v6;
	v30 =	vpop (erf)  }
0x49e: {  	v33 =	vadd.s32 s19, v6;
	v34 =	vadd.s32 s11, v13;
	v30 =	vsub.f32 $1.000000000e+00, v30  }
0x49f: {  	v28 =	vmax.f32 v28, $2.000000030e-01;
	v31 =	vadd.s32 s17, v6;
	v27 =	vmul.f32 $1.000000000e+01, v27  }
0x4a0: {  	s10 =	simm.s32 $0x480;
	[tilespmem:s2+$0x40] =	vst v28;
	v28 =	vsub.f32 $1.000000000e+00, v25;
	v24 =	vmul.f32 $1.000000000e+01, v24;
	v30 =	vmax.f32 v30, $2.000000030e-01  }
0x4a1: {  	v27 =	vsub.f32 v3, v27;
	v26 =	vmul.f32 $1.000000000e+01, v26;
	[tilespmem:s2+$0xFFFFFF40] =	vst v30;
	v30 =	vadd.s32 s10, v13  }
0x4a2: {  	v35 =	vadd.s32 s20, v10;
	v28 =	vmax.f32 v28, $2.000000030e-01;
	v24 =	vsub.f32 v9, v24;
	v29 =	vld.idx.msk [tilespmem:v29+s7+$0x0], $0xffff  }
0x4a3: {  	s16 =	simm.s32 $0x400;
	v58 =	vadd.s32 s18, v10;
	[tilespmem:s2+$0xFFFFFFC0] =	vst v28;
	v28 =	vld.idx.msk [tilespmem:v34+s7+$0x0], $0xffff;
	v27 =	vmul.f32 $1.442695020e+00, v27;
	v26 =	vsub.f32 v3, v26;
	v36 =	vpop (erf)  }
0x4a4: {  	v60 =	vadd.s32 s16, v13;
	v32 =	vld.idx.msk [tilespmem:v57+s7+$0x0], $0xffff;
	v24 =	vmul.f32 $1.442695020e+00, v24;
	v36 =	vsub.f32 $1.000000000e+00, v36;
	v37 =	vpop (erf)  }
0x4a5: {  	v31 =	vld.idx.msk [tilespmem:v31+s7+$0x0], $0xffff;
	(erf) = vpow2.f32 v27;
	v26 =	vmul.f32 $1.442695020e+00, v26;
	v27 =	vsub.f32 $1.000000000e+00, v37  }
0x4a6: {  	v61 =	vadd.s32 s12, v10;
	(erf) = vpow2.f32 v24;
	v24 =	vmax.f32 v36, $2.000000030e-01;
	v30 =	vld.idx.msk [tilespmem:v30+s7+$0x0], $0xffff  }
0x4a7: {  	v33 =	vld.idx.msk [tilespmem:v33+s7+$0x0], $0xffff;
	v59 =	vmax.f32 v27, $2.000000030e-01;
	[tilespmem:s3+$0xA0] =	vst v24;
	(erf) = vpow2.f32 v26;
	v29 =	vmul.f32 $1.000000000e+01, v29  }
0x4a8: {  	v38 =	vadd.s32 s5, v10;
	v40 =	vadd.s32 s21, v4;
	v28 =	vmul.f32 $1.000000000e+01, v28;
	[tilespmem:s3+$0x20] =	vst v59;
	v35 =	vld.idx.msk [tilespmem:v35+s7+$0x0], $0xffff  }
0x4a9: {  	v45 =	vadd.s32 s9, v14;
	v48 =	vadd.s32 s10, v14;
	v34 =	vld.idx.msk [tilespmem:v58+s7+$0x0], $0xffff;
	v29 =	vsub.f32 v9, v29  }
0x4aa: {  	v32 =	vmul.f32 $1.000000000e+01, v32;
	v31 =	vmul.f32 $1.000000000e+01, v31;
	v28 =	vsub.f32 v0, v28  }
0x4ab: {  	v49 =	vadd.s32 s18, v8;
	v29 =	vmul.f32 $1.442695020e+00, v29;
	v30 =	vmul.f32 $1.000000000e+01, v30  }
0x4ac: {  	v32 =	vsub.f32 v0, v32;
	v33 =	vmul.f32 $1.000000000e+01, v33;
	v28 =	vmul.f32 $1.442695020e+00, v28  }
0x4ad: {  	v35 =	vmul.f32 $1.000000000e+01, v35;
	(erf) = vpow2.f32 v29;
	v29 =	vsub.f32 v0, v30  }
0x4ae: {  	v54 =	vadd.s32 s20, v8;
	v36 =	vld.idx.msk [tilespmem:v60+s7+$0x0], $0xffff;
	v30 =	vmul.f32 $1.442695020e+00, v32;
	v62 =	vpop (erf);
	v34 =	vmul.f32 $1.000000000e+01, v34  }
0x4af: {  	v31 =	vsub.f32 v9, v31;
	v39 =	vpop (erf);
	(erf) = vpow2.f32 v28;
	v29 =	vmul.f32 $1.442695020e+00, v29  }
0x4b0: {  	v32 =	vsub.f32 $1.000000000e+00, v62;
	v63 =	vpop (erf);
	(erf) = vpow2.f32 v30;
	v30 =	vsub.f32 v5, v34  }
0x4b1: {  	v31 =	vmul.f32 $1.442695020e+00, v31;
	(erf) = vpow2.f32 v29;
	v29 =	vsub.f32 $1.000000000e+00, v63  }
0x4b2: {  	v28 =	vsub.f32 v5, v35;
	v32 =	vmax.f32 v32, $2.000000030e-01;
	v30 =	vmul.f32 $1.442695020e+00, v30  }
0x4b3: {  	v33 =	vsub.f32 v9, v33;
	v36 =	vmul.f32 $1.000000000e+01, v36;
	[tilespmem:s3+$0xFFFFFFA0] =	vst v32;
	v29 =	vmax.f32 v29, $2.000000030e-01  }
0x4b4: {  	v41 =	vsub.f32 $1.000000000e+00, v39;
	v28 =	vmul.f32 $1.442695020e+00, v28;
	v32 =	vld.idx.msk [tilespmem:v38+s7+$0x0], $0xffff;
	(erf) = vpow2.f32 v30;
	[tilespmem:s3+$0xFFFFFF20] =	vst v29  }
0x4b5: {  	v57 =	vadd.s32 s16, v14;
	v36 =	vsub.f32 v0, v36;
	(erf) = vpow2.f32 v31;
	v42 =	vld.idx.msk [tilespmem:v61+s7+$0x0], $0xffff  }
0x4b6: {  	v35 =	vmax.f32 v41, $2.000000030e-01;
	v30 =	vmul.f32 $1.442695020e+00, v33;
	(erf) = vpow2.f32 v28;
	v31 =	vpop (erf)  }
0x4b7: {  	v60 =	vadd.s32 s5, v8;
	[tilespmem:s2+$0xD0] =	vst v35;
	v29 =	vadd.s32 s13, v4;
	v28 =	vsub.f32 $1.000000000e+00, v31  }
0x4b8: {  	v43 =	vmul.f32 $1.442695020e+00, v36;
	v34 =	vld.idx.msk [tilespmem:v40+s7+$0x0], $0xffff;
	(erf) = vpow2.f32 v30;
	v31 =	vadd.s32 s11, v14;
	v44 =	vpop (erf)  }
0x4b9: {  	v32 =	vmul.f32 $1.000000000e+01, v32;
	v36 =	vsub.f32 $1.000000000e+00, v44;
	v46 =	vpop (erf);
	v28 =	vmax.f32 v28, $2.000000030e-01  }
0x4ba: {  	(erf) = vpow2.f32 v43;
	[tilespmem:s2+$0xFFFFFF50] =	vst v28;
	v28 =	vsub.f32 $1.000000000e+00, v46;
	v33 =	vmul.f32 $1.000000000e+01, v42  }
0x4bb: {  	v26 =	vadd.s32 s13, v2;
	s13 =	simm.s32 $0x8200;
	v32 =	vsub.f32 v5, v32;
	v47 =	vpop (erf);
	v36 =	vmax.f32 v36, $2.000000030e-01  }
0x4bc: {  	v29 =	vld.idx.msk [tilespmem:v29+s7+$0x0], $0xffff;
	v35 =	vsub.f32 $1.000000000e+00, v47;
	[tilespmem:s13+$0x80] =	vst v36;
	v28 =	vmax.f32 v28, $2.000000030e-01;
	v33 =	vsub.f32 v5, v33  }
0x4bd: {  	v27 =	vadd.s32 s19, v4;
	v32 =	vmul.f32 $1.442695020e+00, v32;
	v50 =	vpop (erf);
	[tilespmem:s13+$0x0] =	vst v28;
	v28 =	vld.idx.msk [tilespmem:v31+s7+$0x0], $0xffff;
	v31 =	vmul.f32 $1.000000000e+01, v34  }
0x4be: {  	v30 =	vadd.s32 s17, v4;
	v35 =	vmax.f32 v35, $2.000000030e-01;
	v52 =	vpop (erf);
	v33 =	vmul.f32 $1.442695020e+00, v33  }
0x4bf: {  	v51 =	vsub.f32 $1.000000000e+00, v50;
	(erf) = vpow2.f32 v32;
	[tilespmem:s13+$0xFFFFFF80] =	vst v35;
	v53 =	vld.idx.msk [tilespmem:v45+s7+$0x0], $0xffff;
	v55 =	vpop (erf);
	v31 =	vsub.f32 v12, v31  }
0x4c0: {  	v32 =	vsub.f32 $1.000000000e+00, v52;
	v38 =	vld.idx.msk [tilespmem:v48+s7+$0x0], $0xffff;
	v39 =	vsub.f32 $1.000000000e+00, v55;
	(erf) = vpow2.f32 v33  }
0x4c1: {  	v34 =	vmax.f32 v51, $2.000000030e-01;
	v29 =	vmul.f32 $1.000000000e+01, v29;
	v31 =	vmul.f32 $1.442695020e+00, v31  }
0x4c2: {  	v63 =	vadd.s32 s21, v2;
	v56 =	vpop (erf);
	v32 =	vmax.f32 v32, $2.000000030e-01;
	[tilespmem:s3+$0x30] =	vst v34;
	v28 =	vmul.f32 $1.000000000e+01, v28  }
0x4c3: {  	v39 =	vmax.f32 v39, $2.000000030e-01;
	[tilespmem:s2+$0x50] =	vst v32;
	v40 =	vpop (erf);
	v36 =	vld.idx.msk [tilespmem:v49+s7+$0x0], $0xffff;
	v29 =	vsub.f32 v12, v29;
	(erf) = vpow2.f32 v31  }
0x4c4: {  	v30 =	vld.idx.msk [tilespmem:v30+s7+$0x0], $0xffff;
	v31 =	vsub.f32 $1.000000000e+00, v40;
	v35 =	vmul.f32 $1.000000000e+01, v53;
	v28 =	vsub.f32 v1, v28  }
0x4c5: {  	v33 =	vsub.f32 $1.000000000e+00, v56;
	[tilespmem:s3+$0xB0] =	vst v39;
	v29 =	vmul.f32 $1.442695020e+00, v29;
	v59 =	vmul.f32 $1.000000000e+01, v38  }
0x4c6: {  	v58 =	vld.idx.msk [tilespmem:v54+s7+$0x0], $0xffff;
	v31 =	vmax.f32 v31, $2.000000030e-01;
	v35 =	vsub.f32 v1, v35;
	v28 =	vmul.f32 $1.442695020e+00, v28  }
0x4c7: {  	v42 =	vadd.s32 s9, v15;
	v33 =	vmax.f32 v33, $2.000000030e-01;
	(erf) = vpow2.f32 v29;
	[tilespmem:s13+$0xFFFFFF00] =	vst v31  }
0x4c8: {  	[tilespmem:s2+$0xFFFFFFD0] =	vst v33;
	v61 =	vpop (erf);
	v29 =	vsub.f32 v1, v59;
	v31 =	vmul.f32 $1.442695020e+00, v35;
	v32 =	vld.idx.msk [tilespmem:v57+s7+$0x0], $0xffff;
	(erf) = vpow2.f32 v28  }
0x4c9: {  	v27 =	vld.idx.msk [tilespmem:v27+s7+$0x0], $0xffff;
	v41 =	vmul.f32 $1.000000000e+01, v36;
	v28 =	vmul.f32 $1.000000000e+01, v30;
	v30 =	vadd.s32 s12, v8;
	v40 =	vpop (erf)  }
0x4ca: {  	v62 =	vsub.f32 $1.000000000e+00, v61;
	(erf) = vpow2.f32 v31;
	v34 =	vsub.f32 $1.000000000e+00, v40  }
0x4cb: {  	v46 =	vadd.s32 s11, v15;
	v29 =	vmul.f32 $1.442695020e+00, v29;
	v31 =	vmul.f32 $1.000000000e+01, v58  }
0x4cc: {  	v39 =	vmax.f32 v62, $2.000000030e-01;
	v28 =	vsub.f32 v12, v28;
	v34 =	vmax.f32 v34, $2.000000030e-01  }
0x4cd: {  	(erf) = vpow2.f32 v29;
	v29 =	vsub.f32 v7, v41;
	v32 =	vmul.f32 $1.000000000e+01, v32;
	[tilespmem:s3+$0xFFFFFF30] =	vst v34  }
0x4ce: {  	v27 =	vmul.f32 $1.000000000e+01, v27;
	[tilespmem:s3+$0xFFFFFFB0] =	vst v39;
	v31 =	vsub.f32 v7, v31;
	v28 =	vmul.f32 $1.442695020e+00, v28;
	v30 =	vld.idx.msk [tilespmem:v30+s7+$0x0], $0xffff  }
0x4cf: {  	v52 =	vadd.s32 s19, v2;
	v43 =	vld.idx.msk [tilespmem:v60+s7+$0x0], $0xffff;
	v44 =	vpop (erf);
	v29 =	vmul.f32 $1.442695020e+00, v29;
	v32 =	vsub.f32 v1, v32  }
0x4d0: {  	v27 =	vsub.f32 v12, v27;
	(erf) = vpow2.f32 v28;
	v28 =	vmul.f32 $1.442695020e+00, v31;
	v47 =	vpop (erf)  }
0x4d1: {  	(erf) = vpow2.f32 v29;
	v29 =	vsub.f32 $1.000000000e+00, v47;
	v31 =	vmul.f32 $1.442695020e+00, v32;
	v48 =	vpop (erf)  }
0x4d2: {  	v45 =	vsub.f32 $1.000000000e+00, v44;
	(erf) = vpow2.f32 v28;
	v32 =	vsub.f32 $1.000000000e+00, v48  }
0x4d3: {  	v49 =	vpop (erf);
	v28 =	vmax.f32 v29, $2.000000030e-01;
	(erf) = vpow2.f32 v31;
	v30 =	vmul.f32 $1.000000000e+01, v30  }
0x4d4: {  	v34 =	vmax.f32 v45, $2.000000030e-01;
	v36 =	vmul.f32 $1.000000000e+01, v43;
	v29 =	vsub.f32 $1.000000000e+00, v49;
	[tilespmem:s2+$0xFFFFFF60] =	vst v28  }
0x4d5: {  	v27 =	vmul.f32 $1.442695020e+00, v27;
	[tilespmem:s2+$0xE0] =	vst v34;
	v31 =	vmax.f32 v32, $2.000000030e-01;
	v26 =	vld.idx.msk [tilespmem:v26+s7+$0x0], $0xffff;
	v30 =	vsub.f32 v7, v30  }
0x4d6: {  	v50 =	vsub.f32 v7, v36;
	v28 =	vld.idx.msk [tilespmem:v63+s7+$0x0], $0xffff;
	v51 =	vpop (erf);
	v29 =	vmax.f32 v29, $2.000000030e-01;
	[tilespmem:s13+$0x90] =	vst v31;
	v31 =	vadd.s32 s10, v15  }
0x4d7: {  	(erf) = vpow2.f32 v27;
	v27 =	vsub.f32 $1.000000000e+00, v51;
	[tilespmem:s13+$0x10] =	vst v29;
	v29 =	vld.idx.msk [tilespmem:v46+s7+$0x0], $0xffff;
	v30 =	vmul.f32 $1.442695020e+00, v30  }
0x4d8: {  	v53 =	vadd.s32 s20, v6;
	v54 =	vadd.s32 s17, v2;
	v32 =	vmul.f32 $1.442695020e+00, v50;
	v33 =	vld.idx.msk [tilespmem:v42+s7+$0x0], $0xffff  }
0x4d9: {  	v59 =	vadd.s32 s16, v15;
	v57 =	vadd.s32 s18, v6;
	v27 =	vmax.f32 v27, $2.000000030e-01;
	v55 =	vpop (erf)  }
0x4da: {  	(erf) = vpow2.f32 v32;
	[tilespmem:s13+$0xFFFFFF90] =	vst v27;
	v56 =	vsub.f32 $1.000000000e+00, v55;
	v58 =	vpop (erf);
	v26 =	vmul.f32 $1.000000000e+01, v26  }
0x4db: {  	v28 =	vmul.f32 $1.000000000e+01, v28;
	(erf) = vpow2.f32 v30;
	v27 =	vsub.f32 $1.000000000e+00, v58;
	v31 =	vld.idx.msk [tilespmem:v31+s7+$0x0], $0xffff;
	v30 =	vpop (erf)  }
0x4dc: {  	v32 =	vmax.f32 v56, $2.000000030e-01;
	v29 =	vmul.f32 $1.000000000e+01, v29;
	v26 =	vsub.f32 v11, v26;
	v60 =	vpop (erf)  }
0x4dd: {  	v27 =	vmax.f32 v27, $2.000000030e-01;
	[tilespmem:s2+$0x60] =	vst v32;
	v33 =	vmul.f32 $1.000000000e+01, v33;
	v61 =	vsub.f32 $1.000000000e+00, v60  }
0x4de: {  	v28 =	vsub.f32 v11, v28;
	[tilespmem:s3+$0x40] =	vst v27;
	v27 =	vsub.f32 $1.000000000e+00, v30;
	v26 =	vmul.f32 $1.442695020e+00, v26  }
0x4df: {  	v35 =	vld.idx.msk [tilespmem:v54+s7+$0x0], $0xffff;
	v29 =	vsub.f32 v3, v29;
	v33 =	vsub.f32 v3, v33;
	v32 =	vmax.f32 v61, $2.000000030e-01  }
0x4e0: {  	v37 =	vld.idx.msk [tilespmem:v57+s7+$0x0], $0xffff;
	v30 =	vpop (erf);
	(erf) = vpow2.f32 v26;
	v26 =	vmax.f32 v27, $2.000000030e-01;
	v27 =	vmul.f32 $1.000000000e+01, v31  }
0x4e1: {  	v25 =	vadd.s32 s5, v6;
	v28 =	vmul.f32 $1.442695020e+00, v28;
	v30 =	vsub.f32 $1.000000000e+00, v30  }
0x4e2: {  	v24 =	vadd.s32 s10, v6;
	v29 =	vmul.f32 $1.442695020e+00, v29;
	v31 =	vmul.f32 $1.442695020e+00, v33;
	[tilespmem:s13+$0xFFFFFF10] =	vst v32  }
0x4e3: {  	v62 =	vmax.f32 v30, $2.000000030e-01;
	v30 =	vadd.s32 s12, v6;
	(erf) = vpow2.f32 v28;
	[tilespmem:s3+$0xC0] =	vst v26;
	v28 =	vld.idx.msk [tilespmem:v59+s7+$0x0], $0xffff;
	v32 =	vpop (erf)  }
0x4e4: {  	v26 =	vsub.f32 v3, v27;
	(erf) = vpow2.f32 v29;
	v63 =	vmul.f32 $1.000000000e+01, v35;
	v29 =	vld.idx.msk [tilespmem:v53+s7+$0x0], $0xffff;
	[tilespmem:s2+$0xFFFFFFE0] =	vst v62;
	v27 =	vpop (erf)  }
0x4e5: {  	(erf) = vpow2.f32 v31;
	v31 =	vmul.f32 $1.000000000e+01, v37;
	v35 =	vld.idx.msk [tilespmem:v52+s7+$0x0], $0xffff;
	v34 =	vsub.f32 $1.000000000e+00, v27  }
0x4e6: {  	s19 =	simm.s32 $0x600;
	s17 =	simm.s32 $0x8;
	v33 =	vmul.f32 $1.442695020e+00, v26;
	v26 =	vadd.s32 s12, v2;
	v36 =	vsub.f32 v11, v63  }
.LBB2_7:
0x4e7: {  	s30 =	sadd.s32 $0x80, s19;
	s21 =	sadd.s32 $0x100, s19;
	s26 =	sadd.s32 $0x180, s19;
	v34 =	vmax.f32 v34, $2.000000030e-01;
	v32 =	vsub.f32 $1.000000000e+00, v32;
	v27 =	vadd.s32 s5, v4  }
0x4e8: {  	s17 =	sadd.s32 $0x4, s17;
	v37 =	vadd.s32 s30, v13;
	v38 =	vadd.s32 s21, v13;
	[tilespmem:s3+$0xFFFFFF40] =	vst v34;
	v34 =	vmul.f32 $1.442695020e+00, v36  }
0x4e9: {  	v28 =	vmul.f32 $1.000000000e+01, v28;
	v36 =	vadd.s32 s26, v13;
	p0 =	slt.u32 s17, $0x78;
	v29 =	vmul.f32 $1.000000000e+01, v29;
	v30 =	vld.idx.msk [tilespmem:v30+s7+$0x0], $0xffff  }
0x4ea: {  	v32 =	vmax.f32 v32, $2.000000030e-01;
	v41 =	vmul.f32 $1.000000000e+01, v35;
	v39 =	vpop (erf);
	(erf) = vpow2.f32 v34  }
0x4eb: {  	v28 =	vsub.f32 v3, v28;
	v34 =	vadd.s32 s30, v6;
	v29 =	vsub.f32 v9, v29;
	[tilespmem:s3+$0xFFFFFFC0] =	vst v32  }
0x4ec: {  	v32 =	vadd.s32 s11, v10;
	v44 =	vsub.f32 v11, v41;
	(erf) = vpow2.f32 v33;
	v33 =	vld.idx.msk [tilespmem:v25+s7+$0x0], $0xffff;
	v35 =	vpop (erf)  }
0x4ed: {  	v28 =	vmul.f32 $1.442695020e+00, v28;
	v29 =	vmul.f32 $1.442695020e+00, v29;
	v38 =	vld.idx.msk [tilespmem:v38+s7+$0x0], $0xffff;
	v40 =	vpop (erf);
	v35 =	vsub.f32 $1.000000000e+00, v35  }
0x4ee: {  	v41 =	vadd.s32 s9, v10;
	v43 =	vmul.f32 $1.442695020e+00, v44;
	v36 =	vld.idx.msk [tilespmem:v36+s7+$0x0], $0xffff;
	v40 =	vsub.f32 $1.000000000e+00, v40;
	v42 =	vpop (erf)  }
0x4ef: {  	v25 =	vmovc v24;
	v24 =	vmovc v34;
	v30 =	vmul.f32 $1.000000000e+01, v30;
	v37 =	vld.idx.msk [tilespmem:v37+s7+$0x0], $0xffff;
	v42 =	vsub.f32 $1.000000000e+00, v42;
	(erf) = vpow2.f32 v29  }
0x4f0: {  	v34 =	vmax.f32 v35, $2.000000030e-01;
	v29 =	vmax.f32 v40, $2.000000030e-01;
	(erf) = vpow2.f32 v43  }
0x4f1: {  	v35 =	vmax.f32 v42, $2.000000030e-01;
	[tilespmem:s13+$0xA0] =	vst v29;
	(erf) = vpow2.f32 v28;
	v28 =	vsub.f32 v9, v30  }
0x4f2: {  	v30 =	vmul.f32 $1.000000000e+01, v33;
	v33 =	vsub.f32 $1.000000000e+00, v39;
	[tilespmem:s13+$0x20] =	vst v35;
	v29 =	vld.idx.msk [tilespmem:v32+s7+$0x0], $0xffff;
	v32 =	vadd.s32 s20, v4  }
0x4f3: {  	v35 =	vmul.f32 $1.000000000e+01, v38;
	v38 =	vadd.s32 s16, v10;
	v39 =	vld.idx.msk [tilespmem:v41+s7+$0x0], $0xffff;
	v28 =	vmul.f32 $1.442695020e+00, v28;
	[tilespmem:s2+$0xF0] =	vst v34;
	v34 =	vpop (erf)  }
0x4f4: {  	v40 =	vadd.s32 s19, v13;
	v36 =	vmul.f32 $1.000000000e+01, v36;
	v34 =	vsub.f32 $1.000000000e+00, v34  }
0x4f5: {  	v41 =	vadd.s32 s10, v10;
	v37 =	vmul.f32 $1.000000000e+01, v37;
	v35 =	vsub.f32 v0, v35;
	v42 =	vpop (erf)  }
0x4f6: {  	v43 =	vsub.f32 v0, v36;
	(erf) = vpow2.f32 v28;
	v28 =	vmax.f32 v33, $2.000000030e-01  }
0x4f7: {  	v31 =	vsub.f32 v9, v31;
	v33 =	vsub.f32 v0, v37;
	v35 =	vmul.f32 $1.442695020e+00, v35;
	[tilespmem:s2+$0xFFFFFF70] =	vst v28  }
0x4f8: {  	v28 =	vmul.f32 $1.442695020e+00, v43;
	v44 =	vmul.f32 $1.000000000e+01, v29;
	v43 =	vmax.f32 v34, $2.000000030e-01;
	v36 =	vpop (erf)  }
0x4f9: {  	v33 =	vmul.f32 $1.442695020e+00, v33;
	v39 =	vmul.f32 $1.000000000e+01, v39;
	v37 =	vld.idx.msk [tilespmem:v40+s7+$0x0], $0xffff;
	v40 =	vsub.f32 $1.000000000e+00, v42;
	[tilespmem:s2+$0x70] =	vst v43;
	v34 =	vpop (erf)  }
0x4fa: {  	(erf) = vpow2.f32 v28;
	v28 =	vsub.f32 v5, v44;
	v29 =	vpop (erf);
	v34 =	vsub.f32 $1.000000000e+00, v34  }
0x4fb: {  	v39 =	vsub.f32 v5, v39;
	(erf) = vpow2.f32 v35;
	v35 =	vmax.f32 v40, $2.000000030e-01  }
0x4fc: {  	v29 =	vsub.f32 $1.000000000e+00, v29;
	(erf) = vpow2.f32 v33;
	[tilespmem:s13+$0xFFFFFFA0] =	vst v35;
	v33 =	vmax.f32 v34, $2.000000030e-01  }
0x4fd: {  	v30 =	vsub.f32 v9, v30;
	v39 =	vmul.f32 $1.442695020e+00, v39;
	v28 =	vmul.f32 $1.442695020e+00, v28;
	v34 =	vld.idx.msk [tilespmem:v41+s7+$0x0], $0xffff;
	[tilespmem:s2+$0xFFFFFFF0] =	vst v33;
	s2 =	smov.u32 s3;
	s3 =	smov.u32 s13  }
0x4fe: {  	v31 =	vmul.f32 $1.442695020e+00, v31;
	v29 =	vmax.f32 v29, $2.000000030e-01;
	v33 =	vsub.f32 $1.000000000e+00, v36  }
0x4ff: {  	v36 =	vmul.f32 $1.000000000e+01, v37;
	[tilespmem:s13+$0xFFFFFF20] =	vst v29;
	(erf) = vpow2.f32 v39;
	v29 =	vadd.s32 s12, v4;
	v35 =	vpop (erf);
	s12 =	smov.u32 s16;
	s16 =	smov.u32 s19  }
0x500: {  	v30 =	vmul.f32 $1.442695020e+00, v30;
	v33 =	vmax.f32 v33, $2.000000030e-01;
	v37 =	vld.idx.msk [tilespmem:v38+s7+$0x0], $0xffff;
	(erf) = vpow2.f32 v31  }
0x501: {  	v36 =	vsub.f32 v0, v36;
	(erf) = vpow2.f32 v28;
	v28 =	vsub.f32 $1.000000000e+00, v35;
	[tilespmem:s2+$0xD0] =	vst v33  }
0x502: {  	v33 =	vadd.s32 s26, v14;
	v35 =	vadd.s32 s18, v4;
	v32 =	vld.idx.msk [tilespmem:v32+s7+$0x0], $0xffff;
	(erf) = vpow2.f32 v30  }
0x503: {  	v40 =	vmul.f32 $1.442695020e+00, v36;
	v34 =	vmul.f32 $1.000000000e+01, v34;
	v31 =	vpop (erf);
	v28 =	vmax.f32 v28, $2.000000030e-01  }
0x504: {  	v38 =	vadd.s32 s21, v14;
	v36 =	vadd.s32 s30, v14;
	v31 =	vsub.f32 $1.000000000e+00, v31;
	v39 =	vpop (erf);
	[tilespmem:s2+$0xFFFFFF50] =	vst v28  }
0x505: {  	v34 =	vsub.f32 v5, v34;
	v28 =	vsub.f32 $1.000000000e+00, v39;
	(erf) = vpow2.f32 v40;
	v30 =	vpop (erf);
	v29 =	vld.idx.msk [tilespmem:v29+s7+$0x0], $0xffff  }
0x506: {  	s13 =	sadd.s32 $0x200, s13;
	v39 =	vmul.f32 $1.000000000e+01, v37;
	v30 =	vsub.f32 $1.000000000e+00, v30;
	v31 =	vmax.f32 v31, $2.000000030e-01  }
0x507: {  	v40 =	vmul.f32 $1.442695020e+00, v34;
	v34 =	vadd.s32 s9, v8;
	v28 =	vmax.f32 v28, $2.000000030e-01;
	[tilespmem:s13+$0x80] =	vst v31  }
0x508: {  	v32 =	vmul.f32 $1.000000000e+01, v32;
	v30 =	vmax.f32 v30, $2.000000030e-01;
	[tilespmem:s13+$0x0] =	vst v28;
	v28 =	vld.idx.msk [tilespmem:v33+s7+$0x0], $0xffff;
	v33 =	vsub.f32 v5, v39;
	v37 =	vpop (erf)  }
0x509: {  	[tilespmem:s13+$0xFFFFFF80] =	vst v30;
	v30 =	vld.idx.msk [tilespmem:v38+s7+$0x0], $0xffff;
	v37 =	vsub.f32 $1.000000000e+00, v37;
	v38 =	vadd.s32 s11, v8;
	(erf) = vpow2.f32 v40;
	v31 =	vpop (erf)  }
0x50a: {  	v32 =	vsub.f32 v12, v32;
	v36 =	vld.idx.msk [tilespmem:v36+s7+$0x0], $0xffff;
	v33 =	vmul.f32 $1.442695020e+00, v33;
	v39 =	vpop (erf);
	v31 =	vsub.f32 $1.000000000e+00, v31  }
0x50b: {  	v29 =	vmul.f32 $1.000000000e+01, v29;
	v37 =	vmax.f32 v37, $2.000000030e-01;
	v41 =	vsub.f32 $1.000000000e+00, v39;
	v40 =	vpop (erf)  }
0x50c: {  	v32 =	vmul.f32 $1.442695020e+00, v32;
	[tilespmem:s3+$0x30] =	vst v37;
	(erf) = vpow2.f32 v33;
	v31 =	vmax.f32 v31, $2.000000030e-01  }
0x50d: {  	v29 =	vsub.f32 v12, v29;
	v37 =	vsub.f32 $1.000000000e+00, v40;
	v33 =	vmax.f32 v41, $2.000000030e-01;
	[tilespmem:s2+$0x50] =	vst v31  }
0x50e: {  	v31 =	vadd.s32 s19, v14;
	v28 =	vmul.f32 $1.000000000e+01, v28;
	v39 =	vpop (erf);
	[tilespmem:s3+$0xB0] =	vst v33;
	v33 =	vld.idx.msk [tilespmem:v35+s7+$0x0], $0xffff;
	(erf) = vpow2.f32 v32  }
0x50f: {  	v30 =	vmul.f32 $1.000000000e+01, v30;
	v29 =	vmul.f32 $1.442695020e+00, v29;
	v32 =	vsub.f32 $1.000000000e+00, v39;
	v35 =	vld.idx.msk [tilespmem:v38+s7+$0x0], $0xffff  }
0x510: {  	v37 =	vmax.f32 v37, $2.000000030e-01;
	v39 =	vmul.f32 $1.000000000e+01, v36;
	v28 =	vsub.f32 v1, v28;
	v34 =	vld.idx.msk [tilespmem:v34+s7+$0x0], $0xffff  }
0x511: {  	v38 =	vadd.s32 s10, v8;
	v30 =	vsub.f32 v1, v30;
	v32 =	vmax.f32 v32, $2.000000030e-01;
	[tilespmem:s2+$0xFFFFFFD0] =	vst v37  }
0x512: {  	v28 =	vmul.f32 $1.442695020e+00, v28;
	[tilespmem:s13+$0xFFFFFF00] =	vst v32;
	v32 =	vsub.f32 v1, v39;
	v36 =	vpop (erf);
	v27 =	vld.idx.msk [tilespmem:v27+s7+$0x0], $0xffff;
	(erf) = vpow2.f32 v29  }
0x513: {  	v30 =	vmul.f32 $1.442695020e+00, v30;
	v29 =	vld.idx.msk [tilespmem:v31+s7+$0x0], $0xffff;
	v31 =	vsub.f32 $1.000000000e+00, v36;
	v36 =	vadd.s32 s20, v2;
	s20 =	smov.u32 s11;
	s11 =	smov.u32 s26  }
0x514: {  	v33 =	vmul.f32 $1.000000000e+01, v33;
	(erf) = vpow2.f32 v28;
	v28 =	vadd.s32 s12, v8  }
0x515: {  	(erf) = vpow2.f32 v30;
	v30 =	vmax.f32 v31, $2.000000030e-01;
	v31 =	vmul.f32 $1.000000000e+01, v35;
	v35 =	vpop (erf)  }
0x516: {  	v32 =	vmul.f32 $1.442695020e+00, v32;
	v35 =	vsub.f32 $1.000000000e+00, v35;
	[tilespmem:s3+$0xFFFFFFB0] =	vst v30;
	v30 =	vmul.f32 $1.000000000e+01, v34  }
0x517: {  	v33 =	vsub.f32 v12, v33;
	v34 =	vadd.s32 s21, v15;
	v37 =	vld.idx.msk [tilespmem:v38+s7+$0x0], $0xffff;
	v31 =	vsub.f32 v7, v31;
	v38 =	vpop (erf)  }
0x518: {  	(erf) = vpow2.f32 v32;
	v32 =	vmax.f32 v35, $2.000000030e-01;
	v30 =	vsub.f32 v7, v30  }
0x519: {  	v29 =	vmul.f32 $1.000000000e+01, v29;
	[tilespmem:s3+$0xFFFFFF30] =	vst v32;
	v32 =	vmul.f32 $1.442695020e+00, v33;
	v33 =	vsub.f32 $1.000000000e+00, v38  }
0x51a: {  	v27 =	vmul.f32 $1.000000000e+01, v27;
	v35 =	vadd.s32 s11, v15;
	v28 =	vld.idx.msk [tilespmem:v28+s7+$0x0], $0xffff;
	v30 =	vmul.f32 $1.442695020e+00, v30  }
0x51b: {  	v31 =	vmul.f32 $1.442695020e+00, v31;
	v29 =	vsub.f32 v1, v29;
	v38 =	vpop (erf);
	(erf) = vpow2.f32 v32  }
0x51c: {  	v27 =	vsub.f32 v12, v27;
	(erf) = vpow2.f32 v30;
	v30 =	vsub.f32 $1.000000000e+00, v38  }
0x51d: {  	v33 =	vmax.f32 v33, $2.000000030e-01;
	v29 =	vmul.f32 $1.442695020e+00, v29;
	v37 =	vmul.f32 $1.000000000e+01, v37;
	v32 =	vpop (erf)  }
0x51e: {  	v32 =	vsub.f32 $1.000000000e+00, v32;
	v38 =	vpop (erf);
	(erf) = vpow2.f32 v31;
	v30 =	vmax.f32 v30, $2.000000030e-01;
	[tilespmem:s2+$0xE0] =	vst v33  }
0x51f: {  	v27 =	vmul.f32 $1.442695020e+00, v27;
	v31 =	vsub.f32 $1.000000000e+00, v38;
	(erf) = vpow2.f32 v29;
	[tilespmem:s2+$0xFFFFFF60] =	vst v30;
	v29 =	vld.idx.msk [tilespmem:v36+s7+$0x0], $0xffff  }
0x520: {  	v28 =	vmul.f32 $1.000000000e+01, v28;
	v33 =	vmax.f32 v32, $2.000000030e-01;
	v32 =	vsub.f32 v7, v37;
	v26 =	vld.idx.msk [tilespmem:v26+s7+$0x0], $0xffff  }
0x521: {  	v31 =	vmax.f32 v31, $2.000000030e-01;
	[tilespmem:s13+$0x90] =	vst v33;
	v30 =	vpop (erf);
	v33 =	vadd.s32 s5, v2;
	(erf) = vpow2.f32 v27;
	s5 =	smov.u32 s10;
	s10 =	smov.u32 s30  }
0x522: {  	v28 =	vsub.f32 v7, v28;
	v27 =	vsub.f32 $1.000000000e+00, v30;
	v30 =	vadd.s32 s10, v15;
	[tilespmem:s13+$0x10] =	vst v31;
	v31 =	vld.idx.msk [tilespmem:v35+s7+$0x0], $0xffff  }
0x523: {  	v36 =	vadd.s32 s18, v2;
	s18 =	smov.u32 s9;
	s9 =	smov.u32 s21;
	v39 =	vmul.f32 $1.442695020e+00, v32;
	v35 =	vadd.s32 s20, v6;
	v34 =	vld.idx.msk [tilespmem:v34+s7+$0x0], $0xffff  }
0x524: {  	v37 =	vadd.s32 s18, v6;
	v28 =	vmul.f32 $1.442695020e+00, v28;
	v27 =	vmax.f32 v27, $2.000000030e-01;
	v38 =	vpop (erf)  }
0x525: {  	v29 =	vmul.f32 $1.000000000e+01, v29;
	(erf) = vpow2.f32 v39;
	v32 =	vpop (erf);
	v38 =	vsub.f32 $1.000000000e+00, v38  }
0x526: {  	v26 =	vmul.f32 $1.000000000e+01, v26;
	[tilespmem:s13+$0xFFFFFF90] =	vst v27;
	v27 =	vsub.f32 $1.000000000e+00, v32;
	(erf) = vpow2.f32 v28  }
0x527: {  	v28 =	vadd.s32 s19, v15;
	v40 =	vsub.f32 v11, v29;
	v30 =	vld.idx.msk [tilespmem:v30+s7+$0x0], $0xffff;
	v32 =	vpop (erf);
	v38 =	vmax.f32 v38, $2.000000030e-01  }
0x528: {  	v31 =	vmul.f32 $1.000000000e+01, v31;
	v26 =	vsub.f32 v11, v26;
	v39 =	vpop (erf)  }
0x529: {  	v27 =	vmax.f32 v27, $2.000000030e-01;
	[tilespmem:s2+$0x60] =	vst v38;
	v34 =	vmul.f32 $1.000000000e+01, v34;
	v38 =	vsub.f32 $1.000000000e+00, v39  }
0x52a: {  	[tilespmem:s3+$0x40] =	vst v27;
	v27 =	vsub.f32 $1.000000000e+00, v32;
	v36 =	vld.idx.msk [tilespmem:v36+s7+$0x0], $0xffff;
	v31 =	vsub.f32 v3, v31  }
0x52b: {  	v26 =	vmul.f32 $1.442695020e+00, v26;
	v39 =	vmul.f32 $1.442695020e+00, v40;
	v37 =	vld.idx.msk [tilespmem:v37+s7+$0x0], $0xffff;
	v29 =	vpop (erf);
	v34 =	vsub.f32 v3, v34  }
0x52c: {  	v32 =	vmax.f32 v38, $2.000000030e-01;
	v29 =	vsub.f32 $1.000000000e+00, v29;
	v31 =	vmul.f32 $1.442695020e+00, v31  }
0x52d: {  	v27 =	vmax.f32 v27, $2.000000030e-01;
	[tilespmem:s13+$0xFFFFFF10] =	vst v32;
	(erf) = vpow2.f32 v26;
	v26 =	vmul.f32 $1.000000000e+01, v30  }
.Ltmp2:
0x52e: {  	v34 =	vmul.f32 $1.442695020e+00, v34;
	v28 =	vld.idx.msk [tilespmem:v28+s7+$0x0], $0xffff;
	[tilespmem:s3+$0xC0] =	vst v27;
	v38 =	vmax.f32 v29, $2.000000030e-01;
	(pc) =	sbr.rel @p0 .LBB2_7-.Ltmp2, $4  }
0x52f: {  	v30 =	vadd.s32 s12, v6;
	v29 =	vld.idx.msk [tilespmem:v35+s7+$0x0], $0xffff;
	v32 =	vpop (erf);
	[tilespmem:s2+$0xFFFFFFE0] =	vst v38;
	(erf) = vpow2.f32 v39  }
0x530: {  	v26 =	vsub.f32 v3, v26;
	v36 =	vmul.f32 $1.000000000e+01, v36;
	(erf) = vpow2.f32 v31;
	v27 =	vpop (erf);
	v35 =	vld.idx.msk [tilespmem:v33+s7+$0x0], $0xffff  }
0x531: {  	v31 =	vmul.f32 $1.000000000e+01, v37;
	(erf) = vpow2.f32 v34;
	v34 =	vsub.f32 $1.000000000e+00, v27  }
0x532: {  	s19 =	sadd.s32 $0x200, s19;
	v33 =	vmul.f32 $1.442695020e+00, v26;
	v26 =	vadd.s32 s12, v2;
	v36 =	vsub.f32 v11, v36  }
0x533: {  	_ = 	snop  }
0x534: {  	v27 =	vmul.f32 $1.000000000e+01, v29  }
0x535: {  	v28 =	vmul.f32 $1.000000000e+01, v28  }
0x536: {  	v29 =	vmul.f32 $1.000000000e+01, v35;
	v27 =	vsub.f32 v9, v27  }
0x537: {  	v39 =	vmul.f32 $1.442695020e+00, v36;
	v28 =	vsub.f32 v3, v28  }
0x538: {  	v29 =	vsub.f32 v11, v29;
	v27 =	vmul.f32 $1.442695020e+00, v27  }
0x539: {  	(erf) = vpow2.f32 v39;
	v28 =	vmul.f32 $1.442695020e+00, v28  }
0x53a: {  	(erf) = vpow2.f32 v33;
	v29 =	vmul.f32 $1.442695020e+00, v29  }
0x53b: {  	(erf) = vpow2.f32 v27  }
0x53c: {  	(erf) = vpow2.f32 v29;
	v27 =	vpop (erf)  }
0x53d: {  	(erf) = vpow2.f32 v28;
	v28 =	vpop (erf)  }
0x53e: {  	v40 =	vpop (erf)  }
0x53f: {  	v29 =	vpop (erf)  }
0x540: {  	v41 =	vadd.s32 s9, v10;
	v34 =	vmax.f32 v34, $2.000000030e-01;
	v42 =	vsub.f32 $1.000000000e+00, v29  }
0x541: {  	[tilespmem:s3+$0xFFFFFF40] =	vst v34  }
0x542: {  	v34 =	vld.idx.msk [tilespmem:v30+s7+$0x0], $0xffff;
	v29 =	vpop (erf);
	v30 =	vmax.f32 v42, $2.000000030e-01  }
0x543: {  	v32 =	vsub.f32 $1.000000000e+00, v32;
	v37 =	vadd.s32 s11, v10;
	v43 =	vpop (erf)  }
0x544: {  	v33 =	vsub.f32 $1.000000000e+00, v40;
	[tilespmem:s13+$0x20] =	vst v30;
	v38 =	vpop (erf)  }
0x545: {  	v32 =	vmax.f32 v32, $2.000000030e-01;
	v39 =	vadd.s32 s10, v10;
	v35 =	vld.idx.msk [tilespmem:v41+s7+$0x0], $0xffff;
	v30 =	vpop (erf)  }
0x546: {  	v45 =	vadd.s32 s16, v10;
	[tilespmem:s3+$0xFFFFFFC0] =	vst v32;
	v44 =	vmax.f32 v33, $2.000000030e-01;
	v36 =	vsub.f32 $1.000000000e+00, v43;
	v40 =	vpop (erf)  }
0x547: {  	v25 =	vld.idx.msk [tilespmem:v25+s7+$0x0], $0xffff;
	[tilespmem:s13+$0xA0] =	vst v44;
	v46 =	vsub.f32 $1.000000000e+00, v40  }
0x548: {  	v34 =	vmul.f32 $1.000000000e+01, v34;
	v37 =	vld.idx.msk [tilespmem:v37+s7+$0x0], $0xffff;
	v36 =	vmax.f32 v36, $2.000000030e-01  }
0x549: {  	[tilespmem:s13+$0xFFFFFFA0] =	vst v36;
	v32 =	vmax.f32 v46, $2.000000030e-01  }
0x54a: {  	v34 =	vsub.f32 v9, v34;
	v36 =	vld.idx.msk [tilespmem:v39+s7+$0x0], $0xffff;
	v35 =	vmul.f32 $1.000000000e+01, v35;
	[tilespmem:s13+$0xFFFFFF20] =	vst v32  }
0x54b: {  	v32 =	vld.idx.msk [tilespmem:v45+s7+$0x0], $0xffff  }
0x54c: {  	v47 =	vmul.f32 $1.442695020e+00, v34;
	v48 =	vsub.f32 v5, v35  }
0x54d: {  	v31 =	vsub.f32 v9, v31;
	v25 =	vmul.f32 $1.000000000e+01, v25;
	v49 =	vmul.f32 $1.000000000e+01, v37  }
0x54e: {  	(erf) = vpow2.f32 v47;
	v50 =	vmul.f32 $1.442695020e+00, v48  }
0x54f: {  	v31 =	vmul.f32 $1.442695020e+00, v31;
	v51 =	vsub.f32 v5, v49;
	v52 =	vmul.f32 $1.000000000e+01, v36  }
0x550: {  	v25 =	vsub.f32 v9, v25;
	(erf) = vpow2.f32 v50;
	v32 =	vmul.f32 $1.000000000e+01, v32  }
0x551: {  	v53 =	vmul.f32 $1.442695020e+00, v51;
	(erf) = vpow2.f32 v31;
	v31 =	vsub.f32 v5, v52  }
0x552: {  	v25 =	vmul.f32 $1.442695020e+00, v25;
	v32 =	vsub.f32 v5, v32  }
0x553: {  	(erf) = vpow2.f32 v53;
	v31 =	vmul.f32 $1.442695020e+00, v31  }
0x554: {  	(erf) = vpow2.f32 v25;
	v25 =	vmul.f32 $1.442695020e+00, v32  }
0x555: {  	(erf) = vpow2.f32 v31  }
0x556: {  	v31 =	vadd.s32 s20, v4;
	(erf) = vpow2.f32 v25  }
0x557: {  	v54 =	vadd.s32 s12, v4;
	v55 =	vpop (erf);
	v25 =	vsub.f32 $1.000000000e+00, v38  }
0x558: {  	v33 =	vsub.f32 $1.000000000e+00, v55  }
0x559: {  	v25 =	vmax.f32 v25, $2.000000030e-01;
	v56 =	vpop (erf)  }
0x55a: {  	v33 =	vmax.f32 v33, $2.000000030e-01;
	[tilespmem:s3+$0xD0] =	vst v25;
	v25 =	vadd.s32 s18, v4;
	v57 =	vpop (erf)  }
0x55b: {  	v58 =	vadd.s32 s9, v8;
	[tilespmem:s3+$0xFFFFFF50] =	vst v33;
	v31 =	vld.idx.msk [tilespmem:v31+s7+$0x0], $0xffff;
	v35 =	vsub.f32 $1.000000000e+00, v57  }
0x55c: {  	v59 =	vadd.s32 s11, v8;
	v32 =	vld.idx.msk [tilespmem:v54+s7+$0x0], $0xffff;
	v34 =	vsub.f32 $1.000000000e+00, v56;
	v60 =	vpop (erf)  }
0x55d: {  	v61 =	vadd.s32 s5, v4;
	v37 =	vsub.f32 $1.000000000e+00, v60;
	v62 =	vpop (erf);
	v35 =	vmax.f32 v35, $2.000000030e-01  }
0x55e: {  	v63 =	vadd.s32 s10, v8;
	v34 =	vmax.f32 v34, $2.000000030e-01;
	v39 =	vsub.f32 $1.000000000e+00, v62;
	[tilespmem:s3+$0x50] =	vst v35;
	v44 =	vpop (erf)  }
0x55f: {  	v47 =	vadd.s32 s16, v8;
	[tilespmem:s13+$0x30] =	vst v34;
	v45 =	vmax.f32 v37, $2.000000030e-01;
	v25 =	vld.idx.msk [tilespmem:v25+s7+$0x0], $0xffff;
	v46 =	vsub.f32 $1.000000000e+00, v44;
	v41 =	vpop (erf)  }
0x560: {  	v33 =	vld.idx.msk [tilespmem:v58+s7+$0x0], $0xffff;
	[tilespmem:s13+$0xB0] =	vst v45;
	v48 =	vmax.f32 v39, $2.000000030e-01;
	v31 =	vmul.f32 $1.000000000e+01, v31;
	v49 =	vsub.f32 $1.000000000e+00, v41  }
0x561: {  	v32 =	vmul.f32 $1.000000000e+01, v32;
	v36 =	vld.idx.msk [tilespmem:v59+s7+$0x0], $0xffff;
	[tilespmem:s3+$0xFFFFFFD0] =	vst v48;
	v50 =	vmax.f32 v46, $2.000000030e-01  }
0x562: {  	v51 =	vld.idx.msk [tilespmem:v61+s7+$0x0], $0xffff;
	v31 =	vsub.f32 v12, v31;
	[tilespmem:s13+$0xFFFFFFB0] =	vst v50;
	v52 =	vmax.f32 v49, $2.000000030e-01  }
0x563: {  	v32 =	vsub.f32 v12, v32;
	v35 =	vld.idx.msk [tilespmem:v63+s7+$0x0], $0xffff;
	[tilespmem:s13+$0xFFFFFF30] =	vst v52  }
0x564: {  	v31 =	vmul.f32 $1.442695020e+00, v31;
	v25 =	vmul.f32 $1.000000000e+01, v25;
	v34 =	vld.idx.msk [tilespmem:v47+s7+$0x0], $0xffff  }
0x565: {  	v32 =	vmul.f32 $1.442695020e+00, v32;
	v33 =	vmul.f32 $1.000000000e+01, v33  }
0x566: {  	(erf) = vpow2.f32 v31;
	v31 =	vmul.f32 $1.000000000e+01, v36;
	v25 =	vsub.f32 v12, v25  }
0x567: {  	v54 =	vmul.f32 $1.000000000e+01, v51;
	(erf) = vpow2.f32 v32  }
0x568: {  	v53 =	vsub.f32 v7, v33;
	v25 =	vmul.f32 $1.442695020e+00, v25;
	v35 =	vmul.f32 $1.000000000e+01, v35  }
0x569: {  	v31 =	vsub.f32 v7, v31;
	v33 =	vsub.f32 v12, v54;
	v34 =	vmul.f32 $1.000000000e+01, v34  }
0x56a: {  	v32 =	vmul.f32 $1.442695020e+00, v53;
	(erf) = vpow2.f32 v25;
	v25 =	vsub.f32 v7, v35  }
0x56b: {  	v31 =	vmul.f32 $1.442695020e+00, v31;
	v55 =	vmul.f32 $1.442695020e+00, v33;
	v56 =	vsub.f32 v7, v34  }
0x56c: {  	(erf) = vpow2.f32 v32;
	v25 =	vmul.f32 $1.442695020e+00, v25  }
0x56d: {  	(erf) = vpow2.f32 v31;
	v31 =	vmul.f32 $1.442695020e+00, v56  }
0x56e: {  	(erf) = vpow2.f32 v55  }
0x56f: {  	(erf) = vpow2.f32 v25  }
0x570: {  	(erf) = vpow2.f32 v31;
	v25 =	vpop (erf)  }
0x571: {  	v31 =	vpop (erf)  }
0x572: {  	v57 =	vadd.s32 s20, v2;
	v31 =	vsub.f32 $1.000000000e+00, v31  }
0x573: {  	v25 =	vsub.f32 $1.000000000e+00, v25  }
0x574: {  	v59 =	vadd.s32 s18, v2;
	v58 =	vpop (erf);
	v31 =	vmax.f32 v31, $2.000000030e-01  }
0x575: {  	v25 =	vmax.f32 v25, $2.000000030e-01;
	v60 =	vpop (erf);
	v33 =	vsub.f32 $1.000000000e+00, v58;
	[tilespmem:s3+$0xFFFFFF60] =	vst v31  }
0x576: {  	[tilespmem:s3+$0xE0] =	vst v25;
	v61 =	vpop (erf);
	v31 =	vadd.s32 s11, v6;
	v25 =	vld.idx.msk [tilespmem:v26+s7+$0x0], $0xffff  }
0x577: {  	v63 =	vadd.s32 s5, v2;
	v32 =	vld.idx.msk [tilespmem:v57+s7+$0x0], $0xffff;
	v62 =	vpop (erf);
	v33 =	vmax.f32 v33, $2.000000030e-01;
	v26 =	vsub.f32 $1.000000000e+00, v61  }
0x578: {  	v42 =	vpop (erf);
	[tilespmem:s3+$0x60] =	vst v33;
	v43 =	vsub.f32 $1.000000000e+00, v62  }
0x579: {  	v44 =	vadd.s32 s16, v6;
	v34 =	vld.idx.msk [tilespmem:v59+s7+$0x0], $0xffff;
	v26 =	vmax.f32 v26, $2.000000030e-01;
	v45 =	vpop (erf)  }
0x57a: {  	v46 =	vadd.s32 s9, v6;
	v33 =	vmax.f32 v43, $2.000000030e-01;
	[tilespmem:s13+$0xC0] =	vst v26;
	v26 =	vsub.f32 $1.000000000e+00, v45  }
0x57b: {  	v35 =	vsub.f32 $1.000000000e+00, v60;
	[tilespmem:s3+$0xFFFFFFE0] =	vst v33;
	v31 =	vld.idx.msk [tilespmem:v31+s7+$0x0], $0xffff;
	v25 =	vmul.f32 $1.000000000e+01, v25  }
0x57c: {  	v32 =	vmul.f32 $1.000000000e+01, v32;
	v33 =	vld.idx.msk [tilespmem:v63+s7+$0x0], $0xffff;
	v26 =	vmax.f32 v26, $2.000000030e-01  }
0x57d: {  	v47 =	vsub.f32 $1.000000000e+00, v42;
	[tilespmem:s13+$0xFFFFFF40] =	vst v26;
	v26 =	vmax.f32 v35, $2.000000030e-01;
	v25 =	vsub.f32 v11, v25  }
0x57e: {  	v32 =	vsub.f32 v11, v32;
	v36 =	vld.idx.msk [tilespmem:v44+s7+$0x0], $0xffff;
	[tilespmem:s13+$0x40] =	vst v26;
	v26 =	vmul.f32 $1.000000000e+01, v34  }
0x57f: {  	v35 =	vmax.f32 v47, $2.000000030e-01;
	v48 =	vld.idx.msk [tilespmem:v46+s7+$0x0], $0xffff;
	v25 =	vmul.f32 $1.442695020e+00, v25  }
0x580: {  	v32 =	vmul.f32 $1.442695020e+00, v32;
	[tilespmem:s13+$0xFFFFFFC0] =	vst v35;
	v31 =	vmul.f32 $1.000000000e+01, v31;
	v26 =	vsub.f32 v11, v26  }
0x581: {  	v24 =	vld.idx.msk [tilespmem:v24+s7+$0x0], $0xffff;
	(erf) = vpow2.f32 v25;
	v25 =	vmul.f32 $1.000000000e+01, v33  }
0x582: {  	v31 =	vsub.f32 v9, v31;
	v26 =	vmul.f32 $1.442695020e+00, v26  }
0x583: {  	v49 =	vmul.f32 $1.000000000e+01, v36;
	(erf) = vpow2.f32 v32;
	v25 =	vsub.f32 v11, v25  }
0x584: {  	v31 =	vmul.f32 $1.442695020e+00, v31;
	v50 =	vmul.f32 $1.000000000e+01, v48  }
0x585: {  	(erf) = vpow2.f32 v26;
	v26 =	vsub.f32 v9, v49;
	v25 =	vmul.f32 $1.442695020e+00, v25  }
0x586: {  	v24 =	vmul.f32 $1.000000000e+01, v24;
	(erf) = vpow2.f32 v31  }
0x587: {  	v26 =	vmul.f32 $1.442695020e+00, v26;
	(erf) = vpow2.f32 v25;
	v25 =	vsub.f32 v9, v50  }
0x588: {  	v24 =	vsub.f32 v9, v24  }
0x589: {  	(erf) = vpow2.f32 v26;
	v25 =	vmul.f32 $1.442695020e+00, v25  }
0x58a: {  	v24 =	vmul.f32 $1.442695020e+00, v24;
	_ =	sdelay $0x1  }
0x58b: {  	(erf) = vpow2.f32 v25  }
0x58c: {  	v25 =	vpop (erf);
	(erf) = vpow2.f32 v24  }
0x58d: {  	v24 =	vpop (erf)  }
0x58e: {  	v26 =	vpop (erf)  }
0x58f: {  	v31 =	vpop (erf)  }
0x590: {  	v51 =	vadd.s32 s11, v4;
	v52 =	vpop (erf)  }
0x591: {  	v53 =	vadd.s32 s16, v4;
	v31 =	vsub.f32 $1.000000000e+00, v31;
	v54 =	vpop (erf)  }
0x592: {  	v35 =	vsub.f32 $1.000000000e+00, v54  }
0x593: {  	v31 =	vmax.f32 v31, $2.000000030e-01  }
0x594: {  	[tilespmem:s13+$0xD0] =	vst v31;
	v31 =	vadd.s32 s9, v4;
	v55 =	vpop (erf);
	v35 =	vmax.f32 v35, $2.000000030e-01  }
0x595: {  	v56 =	vadd.s32 s10, v4;
	v32 =	vld.idx.msk [tilespmem:v51+s7+$0x0], $0xffff;
	v57 =	vsub.f32 $1.000000000e+00, v55;
	[tilespmem:s13+$0xFFFFFF50] =	vst v35;
	v58 =	vpop (erf)  }
0x596: {  	v34 =	vld.idx.msk [tilespmem:v53+s7+$0x0], $0xffff;
	v36 =	vsub.f32 $1.000000000e+00, v58  }
0x597: {  	v35 =	vmax.f32 v57, $2.000000030e-01  }
0x598: {  	[tilespmem:s13+$0x50] =	vst v35;
	v59 =	vmax.f32 v36, $2.000000030e-01  }
0x599: {  	v31 =	vld.idx.msk [tilespmem:v31+s7+$0x0], $0xffff;
	[tilespmem:s13+$0xFFFFFFD0] =	vst v59  }
0x59a: {  	v32 =	vmul.f32 $1.000000000e+01, v32;
	v35 =	vld.idx.msk [tilespmem:v56+s7+$0x0], $0xffff  }
0x59b: {  	v34 =	vmul.f32 $1.000000000e+01, v34  }
0x59c: {  	v32 =	vsub.f32 v12, v32  }
0x59d: {  	v34 =	vsub.f32 v12, v34  }
0x59e: {  	v32 =	vmul.f32 $1.442695020e+00, v32;
	v31 =	vmul.f32 $1.000000000e+01, v31  }
0x59f: {  	v34 =	vmul.f32 $1.442695020e+00, v34;
	v35 =	vmul.f32 $1.000000000e+01, v35  }
0x5a0: {  	(erf) = vpow2.f32 v32;
	v31 =	vsub.f32 v12, v31  }
0x5a1: {  	(erf) = vpow2.f32 v34;
	v60 =	vsub.f32 v12, v35  }
0x5a2: {  	v31 =	vmul.f32 $1.442695020e+00, v31  }
0x5a3: {  	v32 =	vmul.f32 $1.442695020e+00, v60  }
0x5a4: {  	(erf) = vpow2.f32 v31  }
0x5a5: {  	(erf) = vpow2.f32 v32;
	_ =	sdelay $0x3  }
0x5a6: {  	v31 =	vpop (erf)  }
0x5a7: {  	v61 =	vadd.s32 s16, v2;
	v34 =	vpop (erf)  }
0x5a8: {  	v62 =	vadd.s32 s11, v2;
	v34 =	vsub.f32 $1.000000000e+00, v34  }
0x5a9: {  	v31 =	vsub.f32 $1.000000000e+00, v31  }
0x5aa: {  	v63 =	vadd.s32 s9, v2;
	v40 =	vpop (erf);
	v34 =	vmax.f32 v34, $2.000000030e-01  }
0x5ab: {  	v41 =	vadd.s32 s10, v2;
	v31 =	vmax.f32 v31, $2.000000030e-01;
	v37 =	vsub.f32 $1.000000000e+00, v40;
	[tilespmem:s13+$0xFFFFFF60] =	vst v34;
	v42 =	vpop (erf)  }
0x5ac: {  	[tilespmem:s13+$0xE0] =	vst v31;
	v31 =	vld.idx.msk [tilespmem:v61+s7+$0x0], $0xffff;
	v43 =	vsub.f32 $1.000000000e+00, v42  }
0x5ad: {  	v35 =	vld.idx.msk [tilespmem:v62+s7+$0x0], $0xffff;
	v37 =	vmax.f32 v37, $2.000000030e-01  }
0x5ae: {  	[tilespmem:s13+$0x60] =	vst v37;
	v32 =	vmax.f32 v43, $2.000000030e-01  }
0x5af: {  	v36 =	vld.idx.msk [tilespmem:v63+s7+$0x0], $0xffff;
	[tilespmem:s13+$0xFFFFFFE0] =	vst v32  }
0x5b0: {  	v32 =	vld.idx.msk [tilespmem:v41+s7+$0x0], $0xffff  }
0x5b1: {  	v31 =	vmul.f32 $1.000000000e+01, v31  }
0x5b2: {  	v44 =	vmul.f32 $1.000000000e+01, v35  }
0x5b3: {  	v31 =	vsub.f32 v11, v31  }
0x5b4: {  	v34 =	vsub.f32 v11, v44;
	v45 =	vmul.f32 $1.000000000e+01, v36  }
0x5b5: {  	v31 =	vmul.f32 $1.442695020e+00, v31;
	v32 =	vmul.f32 $1.000000000e+01, v32  }
0x5b6: {  	v34 =	vmul.f32 $1.442695020e+00, v34;
	v35 =	vsub.f32 v11, v45  }
0x5b7: {  	(erf) = vpow2.f32 v31;
	v31 =	vsub.f32 v11, v32  }
0x5b8: {  	v28 =	vsub.f32 $1.000000000e+00, v28;
	v46 =	vmul.f32 $1.442695020e+00, v35;
	(erf) = vpow2.f32 v34  }
0x5b9: {  	v27 =	vsub.f32 $1.000000000e+00, v27;
	v31 =	vmul.f32 $1.442695020e+00, v31  }
0x5ba: {  	v28 =	vmax.f32 v28, $2.000000030e-01;
	v29 =	vsub.f32 $1.000000000e+00, v29;
	(erf) = vpow2.f32 v46  }
0x5bb: {  	v27 =	vmax.f32 v27, $2.000000030e-01;
	[tilespmem:s2+$0xF0] =	vst v28;
	v28 =	vsub.f32 $1.000000000e+00, v30;
	(erf) = vpow2.f32 v31  }
0x5bc: {  	[tilespmem:s2+$0xFFFFFF70] =	vst v27;
	v27 =	vmax.f32 v29, $2.000000030e-01  }
0x5bd: {  	[tilespmem:s2+$0x70] =	vst v27;
	v27 =	vmax.f32 v28, $2.000000030e-01  }
0x5be: {  	v24 =	vsub.f32 $1.000000000e+00, v24  }
0x5bf: {  	v25 =	vsub.f32 $1.000000000e+00, v25  }
0x5c0: {  	[tilespmem:s2+$0xFFFFFFF0] =	vst v27;
	v26 =	vsub.f32 $1.000000000e+00, v26;
	v24 =	vmax.f32 v24, $2.000000030e-01;
	v27 =	vpop (erf)  }
0x5c1: {  	[tilespmem:s3+$0xF0] =	vst v24;
	v24 =	vmax.f32 v25, $2.000000030e-01;
	v25 =	vsub.f32 $1.000000000e+00, v52;
	v28 =	vpop (erf)  }
0x5c2: {  	[tilespmem:s3+$0xFFFFFF70] =	vst v24;
	v24 =	vmax.f32 v26, $2.000000030e-01;
	v26 =	vsub.f32 $1.000000000e+00, v28  }
0x5c3: {  	[tilespmem:s3+$0x70] =	vst v24;
	v24 =	vmax.f32 v25, $2.000000030e-01;
	v25 =	vsub.f32 $1.000000000e+00, v27;
	v27 =	vpop (erf)  }
0x5c4: {  	[tilespmem:s3+$0xFFFFFFF0] =	vst v24;
	v24 =	vmax.f32 v26, $2.000000030e-01;
	v26 =	vsub.f32 $1.000000000e+00, v27;
	v27 =	vpop (erf)  }
0x5c5: {  	[tilespmem:s13+$0xF0] =	vst v24;
	v24 =	vmax.f32 v25, $2.000000030e-01;
	v25 =	vsub.f32 $1.000000000e+00, v27  }
0x5c6: {  	[tilespmem:s13+$0xFFFFFF70] =	vst v24;
	v24 =	vmax.f32 v26, $2.000000030e-01  }
0x5c7: {  	[tilespmem:s13+$0x70] =	vst v24;
	v24 =	vmax.f32 v25, $2.000000030e-01  }
0x5c8: {  	s20 =	simm.s32 $0x0;
	[tilespmem:s13+$0xFFFFFFF0] =	vst v24  }
0x5c9: {  	v24 =	vld.idx.msk [tilespmem:v16+s20+$0x0], $0xffff;
	_ =	sdelay $0x4  }
0x5ca: {  	v24 =	vmul.f32 $1.000000000e+01, v24;
	_ =	sdelay $0x1  }
0x5cb: {  	v24 =	vsub.f32 v0, v24;
	_ =	sdelay $0x1  }
0x5cc: {  	v24 =	vmul.f32 $1.442695020e+00, v24;
	_ =	sdelay $0x1  }
0x5cd: {  	(erf) = vpow2.f32 v24;
	_ =	sdelay $0x8  }
0x5ce: {  	v24 =	vpop (erf)  }
0x5cf: {  	v24 =	vsub.f32 $1.000000000e+00, v24;
	_ =	sdelay $0x1  }
0x5d0: {  	v24 =	vmax.f32 v24, $2.000000030e-01  }
0x5d1: {  	[tilespmem:$0xBB00] =	vst v24  }
0x5d2: {  	v24 =	vld.idx.msk [tilespmem:v17+s20+$0x0], $0xffff;
	_ =	sdelay $0x4  }
0x5d3: {  	v24 =	vmul.f32 $1.000000000e+01, v24;
	_ =	sdelay $0x1  }
0x5d4: {  	v24 =	vsub.f32 v1, v24;
	_ =	sdelay $0x1  }
0x5d5: {  	v24 =	vmul.f32 $1.442695020e+00, v24;
	_ =	sdelay $0x1  }
0x5d6: {  	(erf) = vpow2.f32 v24;
	_ =	sdelay $0x8  }
0x5d7: {  	v24 =	vpop (erf)  }
0x5d8: {  	v24 =	vsub.f32 $1.000000000e+00, v24;
	_ =	sdelay $0x1  }
0x5d9: {  	v24 =	vmax.f32 v24, $2.000000030e-01  }
0x5da: {  	[tilespmem:$0xBB10] =	vst v24  }
0x5db: {  	v24 =	vld.idx.msk [tilespmem:v18+s20+$0x0], $0xffff;
	_ =	sdelay $0x4  }
0x5dc: {  	v24 =	vmul.f32 $1.000000000e+01, v24;
	_ =	sdelay $0x1  }
0x5dd: {  	v24 =	vsub.f32 v3, v24;
	_ =	sdelay $0x1  }
0x5de: {  	v24 =	vmul.f32 $1.442695020e+00, v24;
	_ =	sdelay $0x1  }
0x5df: {  	(erf) = vpow2.f32 v24;
	_ =	sdelay $0x8  }
0x5e0: {  	v24 =	vpop (erf)  }
0x5e1: {  	v24 =	vsub.f32 $1.000000000e+00, v24;
	_ =	sdelay $0x1  }
0x5e2: {  	v24 =	vmax.f32 v24, $2.000000030e-01  }
0x5e3: {  	[tilespmem:$0xBB20] =	vst v24  }
0x5e4: {  	v24 =	vld.idx.msk [tilespmem:v19+s20+$0x0], $0xffff;
	_ =	sdelay $0x4  }
0x5e5: {  	v24 =	vmul.f32 $1.000000000e+01, v24;
	_ =	sdelay $0x1  }
0x5e6: {  	v24 =	vsub.f32 v5, v24;
	_ =	sdelay $0x1  }
0x5e7: {  	v24 =	vmul.f32 $1.442695020e+00, v24;
	_ =	sdelay $0x1  }
0x5e8: {  	(erf) = vpow2.f32 v24;
	_ =	sdelay $0x8  }
0x5e9: {  	v24 =	vpop (erf)  }
0x5ea: {  	v24 =	vsub.f32 $1.000000000e+00, v24;
	_ =	sdelay $0x1  }
0x5eb: {  	v24 =	vmax.f32 v24, $2.000000030e-01  }
0x5ec: {  	[tilespmem:$0xBB30] =	vst v24  }
0x5ed: {  	v24 =	vld.idx.msk [tilespmem:v20+s20+$0x0], $0xffff;
	_ =	sdelay $0x4  }
0x5ee: {  	v24 =	vmul.f32 $1.000000000e+01, v24;
	_ =	sdelay $0x1  }
0x5ef: {  	v24 =	vsub.f32 v7, v24;
	_ =	sdelay $0x1  }
0x5f0: {  	v24 =	vmul.f32 $1.442695020e+00, v24;
	_ =	sdelay $0x1  }
0x5f1: {  	(erf) = vpow2.f32 v24;
	_ =	sdelay $0x8  }
0x5f2: {  	v24 =	vpop (erf)  }
0x5f3: {  	v24 =	vsub.f32 $1.000000000e+00, v24;
	_ =	sdelay $0x1  }
0x5f4: {  	v24 =	vmax.f32 v24, $2.000000030e-01  }
0x5f5: {  	[tilespmem:$0xBB40] =	vst v24  }
0x5f6: {  	v24 =	vld.idx.msk [tilespmem:v21+s20+$0x0], $0xffff;
	_ =	sdelay $0x4  }
0x5f7: {  	v24 =	vmul.f32 $1.000000000e+01, v24;
	_ =	sdelay $0x1  }
0x5f8: {  	v24 =	vsub.f32 v9, v24;
	_ =	sdelay $0x1  }
0x5f9: {  	v24 =	vmul.f32 $1.442695020e+00, v24;
	_ =	sdelay $0x1  }
0x5fa: {  	(erf) = vpow2.f32 v24;
	_ =	sdelay $0x8  }
0x5fb: {  	v24 =	vpop (erf)  }
0x5fc: {  	v24 =	vsub.f32 $1.000000000e+00, v24;
	_ =	sdelay $0x1  }
0x5fd: {  	v24 =	vmax.f32 v24, $2.000000030e-01  }
0x5fe: {  	[tilespmem:$0xBB50] =	vst v24  }
0x5ff: {  	v24 =	vld.idx.msk [tilespmem:v22+s20+$0x0], $0xffff;
	_ =	sdelay $0x4  }
0x600: {  	v24 =	vmul.f32 $1.000000000e+01, v24;
	_ =	sdelay $0x1  }
0x601: {  	v24 =	vsub.f32 v12, v24;
	_ =	sdelay $0x1  }
0x602: {  	v24 =	vmul.f32 $1.442695020e+00, v24;
	_ =	sdelay $0x1  }
0x603: {  	(erf) = vpow2.f32 v24;
	_ =	sdelay $0x8  }
0x604: {  	v24 =	vpop (erf)  }
0x605: {  	v24 =	vsub.f32 $1.000000000e+00, v24;
	_ =	sdelay $0x1  }
0x606: {  	v24 =	vmax.f32 v24, $2.000000030e-01  }
0x607: {  	[tilespmem:$0xBB60] =	vst v24  }
0x608: {  	v24 =	vld.idx.msk [tilespmem:v23+s20+$0x0], $0xffff;
	_ =	sdelay $0x4  }
0x609: {  	v24 =	vmul.f32 $1.000000000e+01, v24;
	_ =	sdelay $0x1  }
0x60a: {  	v24 =	vsub.f32 v11, v24;
	_ =	sdelay $0x1  }
0x60b: {  	v24 =	vmul.f32 $1.442695020e+00, v24;
	_ =	sdelay $0x1  }
0x60c: {  	(erf) = vpow2.f32 v24;
	_ =	sdelay $0x8  }
0x60d: {  	v24 =	vpop (erf)  }
0x60e: {  	s21 =	sadd.s32 s8, s1;
	v24 =	vsub.f32 $1.000000000e+00, v24  }
0x60f: {  	s26 =	sadd.s32 s1, s15;
	s2 =	sshll.u32 s21, $0x4  }
0x610: {  	s1 =	sshll.u32 s26, $0x4;
	s2 =	sand.u32 $0x1FFFFFF0, s2;
	v24 =	vmax.f32 v24, $2.000000030e-01  }
0x611: {  	s1 =	sand.u32 $0x1FFFFFF0, s1;
	s2 =	sadd.s32 s6, s2;
	[tilespmem:$0xBB70] =	vst v24  }
0x612: {  	[hbm4b:s2+s20] =	stream.linear.scatter [tilespmem:s24], [sflag:$0x3], $0x3E80, $0x38;
	[tilespmem:$0x13B80] =	vst v63  }
0x613: {  	s1 =	sadd.s32 s0, s1  }
0x614: {  	[tilespmem:s20], [sflag:$0x1] =	stream.linear.gather [hbm4b:s1+s20], $0x3E80, $0x38;
	[tilespmem:$0x13B80] =	vst v63  }
0x615: {  	s30 =	simm.s32 $0x180;
	_ =	swait.ge [sflag:s25], $0x3E80  }
0x616: {  	s17 =	simm.s32 $0x100;
	v24 =	vadd.s32 s30, v13;
	[sflag:s25] =	ssyncset.done $0x0  }
0x617: {  	v25 =	vadd.s32 s17, v13;
	[sflag:s25] =	ssyncadd.s32 $0xFFFFC180  }
0x618: {  	_ =	swait.ge [sflag:s29], $0x3E80  }
0x619: {  	[sflag:s29] =	ssyncset.done $0x0  }
0x61a: {  	[sflag:s29] =	ssyncadd.s32 $0xFFFFC180  }
0x61b: {  	v24 =	vld.idx.msk [tilespmem:v24+s22+$0x0], $0xffff  }
0x61c: {  	s19 =	simm.s32 $0x80;
	v25 =	vld.idx.msk [tilespmem:v25+s22+$0x0], $0xffff  }
0x61d: {  	v26 =	vadd.s32 s19, v13;
	_ =	sdelay $0x2  }
0x61e: {  	v24 =	vmul.f32 $1.000000000e+01, v24  }
0x61f: {  	v27 =	vadd.s32 s20, v13;
	v25 =	vmul.f32 $1.000000000e+01, v25  }
0x620: {  	v26 =	vld.idx.msk [tilespmem:v26+s22+$0x0], $0xffff;
	v24 =	vsub.f32 v0, v24  }
0x621: {  	v25 =	vsub.f32 v0, v25  }
0x622: {  	v24 =	vmul.f32 $1.442695020e+00, v24  }
0x623: {  	v25 =	vmul.f32 $1.442695020e+00, v25  }
0x624: {  	v27 =	vld.idx.msk [tilespmem:v27+s22+$0x0], $0xffff;
	(erf) = vpow2.f32 v24  }
0x625: {  	v24 =	vmul.f32 $1.000000000e+01, v26;
	(erf) = vpow2.f32 v25;
	_ =	sdelay $0x1  }
0x626: {  	v24 =	vsub.f32 v0, v24;
	_ =	sdelay $0x1  }
0x627: {  	v25 =	vmul.f32 $1.000000000e+01, v27;
	v24 =	vmul.f32 $1.442695020e+00, v24;
	_ =	sdelay $0x1  }
0x628: {  	v25 =	vsub.f32 v0, v25;
	(erf) = vpow2.f32 v24;
	_ =	sdelay $0x1  }
0x629: {  	v25 =	vmul.f32 $1.442695020e+00, v25;
	v24 =	vadd.s32 s30, v14;
	v26 =	vpop (erf)  }
0x62a: {  	v27 =	vadd.s32 s17, v14;
	v26 =	vsub.f32 $1.000000000e+00, v26;
	v28 =	vpop (erf)  }
0x62b: {  	(erf) = vpow2.f32 v25;
	v25 =	vsub.f32 $1.000000000e+00, v28  }
0x62c: {  	s1 =	simm.s32 $0xBC80;
	v26 =	vmax.f32 v26, $2.000000030e-01  }
0x62d: {  	v25 =	vmax.f32 v25, $2.000000030e-01;
	[tilespmem:s1+$0x80] =	vst v26  }
0x62e: {  	[tilespmem:s1+$0x0] =	vst v25;
	v24 =	vld.idx.msk [tilespmem:v24+s22+$0x0], $0xffff  }
0x62f: {  	v25 =	vld.idx.msk [tilespmem:v27+s22+$0x0], $0xffff  }
0x630: {  	v26 =	vadd.s32 s19, v14;
	v27 =	vpop (erf)  }
0x631: {  	v27 =	vsub.f32 $1.000000000e+00, v27;
	_ =	sdelay $0x1  }
0x632: {  	v27 =	vmax.f32 v27, $2.000000030e-01;
	v24 =	vmul.f32 $1.000000000e+01, v24  }
0x633: {  	v28 =	vadd.s32 s20, v14;
	v29 =	vpop (erf);
	[tilespmem:s1+$0xFFFFFF80] =	vst v27;
	v25 =	vmul.f32 $1.000000000e+01, v25  }
0x634: {  	v29 =	vsub.f32 $1.000000000e+00, v29;
	v26 =	vld.idx.msk [tilespmem:v26+s22+$0x0], $0xffff;
	v24 =	vsub.f32 v1, v24  }
0x635: {  	v25 =	vsub.f32 v1, v25  }
0x636: {  	v27 =	vmax.f32 v29, $2.000000030e-01;
	v24 =	vmul.f32 $1.442695020e+00, v24  }
0x637: {  	[tilespmem:s1+$0xFFFFFF00] =	vst v27;
	v25 =	vmul.f32 $1.442695020e+00, v25  }
0x638: {  	v27 =	vld.idx.msk [tilespmem:v28+s22+$0x0], $0xffff;
	(erf) = vpow2.f32 v24  }
0x639: {  	v24 =	vmul.f32 $1.000000000e+01, v26;
	(erf) = vpow2.f32 v25;
	_ =	sdelay $0x1  }
0x63a: {  	v24 =	vsub.f32 v1, v24;
	_ =	sdelay $0x1  }
0x63b: {  	v25 =	vmul.f32 $1.000000000e+01, v27;
	v24 =	vmul.f32 $1.442695020e+00, v24;
	_ =	sdelay $0x1  }
0x63c: {  	v25 =	vsub.f32 v1, v25;
	(erf) = vpow2.f32 v24;
	_ =	sdelay $0x1  }
0x63d: {  	v25 =	vmul.f32 $1.442695020e+00, v25;
	v24 =	vadd.s32 s30, v15;
	v26 =	vpop (erf)  }
0x63e: {  	v27 =	vadd.s32 s17, v15;
	v26 =	vsub.f32 $1.000000000e+00, v26;
	v28 =	vpop (erf)  }
0x63f: {  	(erf) = vpow2.f32 v25;
	v25 =	vsub.f32 $1.000000000e+00, v28  }
0x640: {  	v26 =	vmax.f32 v26, $2.000000030e-01  }
0x641: {  	v25 =	vmax.f32 v25, $2.000000030e-01;
	[tilespmem:s1+$0x90] =	vst v26  }
0x642: {  	[tilespmem:s1+$0x10] =	vst v25;
	v24 =	vld.idx.msk [tilespmem:v24+s22+$0x0], $0xffff  }
0x643: {  	v25 =	vld.idx.msk [tilespmem:v27+s22+$0x0], $0xffff  }
0x644: {  	v26 =	vpop (erf);
	v27 =	vadd.s32 s19, v15  }
0x645: {  	v26 =	vsub.f32 $1.000000000e+00, v26;
	_ =	sdelay $0x1  }
0x646: {  	v26 =	vmax.f32 v26, $2.000000030e-01;
	v24 =	vmul.f32 $1.000000000e+01, v24  }
0x647: {  	v28 =	vadd.s32 s20, v15;
	v29 =	vpop (erf);
	[tilespmem:s1+$0xFFFFFF90] =	vst v26;
	v25 =	vmul.f32 $1.000000000e+01, v25  }
0x648: {  	v29 =	vsub.f32 $1.000000000e+00, v29;
	v27 =	vld.idx.msk [tilespmem:v27+s22+$0x0], $0xffff;
	v24 =	vsub.f32 v3, v24  }
0x649: {  	v25 =	vsub.f32 v3, v25  }
0x64a: {  	v26 =	vmax.f32 v29, $2.000000030e-01;
	v24 =	vmul.f32 $1.442695020e+00, v24  }
0x64b: {  	[tilespmem:s1+$0xFFFFFF10] =	vst v26;
	v25 =	vmul.f32 $1.442695020e+00, v25  }
0x64c: {  	v26 =	vld.idx.msk [tilespmem:v28+s22+$0x0], $0xffff;
	(erf) = vpow2.f32 v24  }
0x64d: {  	s18 =	simm.s32 $0x380;
	v27 =	vmul.f32 $1.000000000e+01, v27;
	(erf) = vpow2.f32 v25  }
0x64e: {  	v24 =	vadd.s32 s18, v13  }
0x64f: {  	v27 =	vsub.f32 v3, v27  }
0x650: {  	s5 =	simm.s32 $0x300  }
0x651: {  	v25 =	vadd.s32 s5, v13;
	v26 =	vmul.f32 $1.000000000e+01, v26;
	v27 =	vmul.f32 $1.442695020e+00, v27;
	_ =	sdelay $0x1  }
0x652: {  	s3 =	simm.s32 $0x280;
	v26 =	vsub.f32 v3, v26;
	v24 =	vld.idx.msk [tilespmem:v24+s22+$0x0], $0xffff  }
0x653: {  	v28 =	vadd.s32 s3, v13  }
0x654: {  	v26 =	vmul.f32 $1.442695020e+00, v26;
	(erf) = vpow2.f32 v27;
	v27 =	vpop (erf)  }
0x655: {  	v29 =	vadd.s32 s17, v10;
	v25 =	vld.idx.msk [tilespmem:v25+s22+$0x0], $0xffff;
	v30 =	vpop (erf)  }
0x656: {  	(erf) = vpow2.f32 v26;
	v26 =	vsub.f32 $1.000000000e+00, v30  }
0x657: {  	v24 =	vmul.f32 $1.000000000e+01, v24  }
0x658: {  	s12 =	simm.s32 $0x200;
	v28 =	vld.idx.msk [tilespmem:v28+s22+$0x0], $0xffff;
	v30 =	vadd.s32 s30, v10;
	v26 =	vmax.f32 v26, $2.000000030e-01  }
0x659: {  	v27 =	vsub.f32 $1.000000000e+00, v27;
	v24 =	vsub.f32 v0, v24;
	[tilespmem:s1+$0x20] =	vst v26;
	v26 =	vadd.s32 s12, v13  }
0x65a: {  	v25 =	vmul.f32 $1.000000000e+01, v25;
	v29 =	vld.idx.msk [tilespmem:v29+s22+$0x0], $0xffff  }
0x65b: {  	v27 =	vmax.f32 v27, $2.000000030e-01;
	v24 =	vmul.f32 $1.442695020e+00, v24  }
0x65c: {  	v25 =	vsub.f32 v0, v25;
	[tilespmem:s1+$0xA0] =	vst v27  }
0x65d: {  	v28 =	vmul.f32 $1.000000000e+01, v28;
	(erf) = vpow2.f32 v24;
	v24 =	vld.idx.msk [tilespmem:v30+s22+$0x0], $0xffff  }
0x65e: {  	v25 =	vmul.f32 $1.442695020e+00, v25;
	v26 =	vld.idx.msk [tilespmem:v26+s22+$0x0], $0xffff  }
0x65f: {  	v28 =	vsub.f32 v0, v28;
	v27 =	vadd.s32 s19, v10;
	v30 =	vpop (erf);
	v29 =	vmul.f32 $1.000000000e+01, v29  }
0x660: {  	(erf) = vpow2.f32 v25;
	v25 =	vadd.s32 s20, v10;
	v30 =	vsub.f32 $1.000000000e+00, v30;
	v31 =	vpop (erf)  }
0x661: {  	v31 =	vsub.f32 $1.000000000e+00, v31;
	v29 =	vsub.f32 v5, v29  }
0x662: {  	v28 =	vmul.f32 $1.442695020e+00, v28;
	v30 =	vmax.f32 v30, $2.000000030e-01;
	v24 =	vmul.f32 $1.000000000e+01, v24  }
0x663: {  	[tilespmem:s1+$0xFFFFFFA0] =	vst v30;
	v30 =	vmax.f32 v31, $2.000000030e-01;
	v29 =	vmul.f32 $1.442695020e+00, v29;
	v26 =	vmul.f32 $1.000000000e+01, v26  }
0x664: {  	v27 =	vld.idx.msk [tilespmem:v27+s22+$0x0], $0xffff;
	[tilespmem:s1+$0xFFFFFF20] =	vst v30;
	v24 =	vsub.f32 v5, v24  }
0x665: {  	(erf) = vpow2.f32 v28;
	v25 =	vld.idx.msk [tilespmem:v25+s22+$0x0], $0xffff;
	v26 =	vsub.f32 v0, v26  }
0x666: {  	v24 =	vmul.f32 $1.442695020e+00, v24;
	(erf) = vpow2.f32 v29  }
0x667: {  	v28 =	vadd.s32 s18, v14;
	v29 =	vpop (erf);
	v26 =	vmul.f32 $1.442695020e+00, v26  }
0x668: {  	(erf) = vpow2.f32 v24;
	v29 =	vsub.f32 $1.000000000e+00, v29  }
0x669: {  	v30 =	vadd.s32 s5, v14;
	v27 =	vmul.f32 $1.000000000e+01, v27;
	v31 =	vpop (erf);
	(erf) = vpow2.f32 v26  }
0x66a: {  	s2 =	simm.s32 $0xBE80;
	v25 =	vmul.f32 $1.000000000e+01, v25;
	v31 =	vsub.f32 $1.000000000e+00, v31;
	v24 =	vmax.f32 v29, $2.000000030e-01  }
0x66b: {  	v26 =	vsub.f32 v5, v27;
	[tilespmem:s2+$0x80] =	vst v24  }
0x66c: {  	v25 =	vsub.f32 v5, v25;
	v27 =	vmax.f32 v31, $2.000000030e-01;
	v24 =	vld.idx.msk [tilespmem:v28+s22+$0x0], $0xffff  }
0x66d: {  	v26 =	vmul.f32 $1.442695020e+00, v26;
	[tilespmem:s2+$0x0] =	vst v27  }
0x66e: {  	v25 =	vmul.f32 $1.442695020e+00, v25;
	v28 =	vpop (erf);
	v27 =	vld.idx.msk [tilespmem:v30+s22+$0x0], $0xffff  }
0x66f: {  	(erf) = vpow2.f32 v26;
	v28 =	vsub.f32 $1.000000000e+00, v28;
	v29 =	vpop (erf)  }
0x670: {  	v26 =	vadd.s32 s3, v14;
	(erf) = vpow2.f32 v25;
	v29 =	vsub.f32 $1.000000000e+00, v29  }
0x671: {  	v25 =	vadd.s32 s17, v8;
	v28 =	vmax.f32 v28, $2.000000030e-01;
	v31 =	vpop (erf);
	v24 =	vmul.f32 $1.000000000e+01, v24  }
0x672: {  	v30 =	vadd.s32 s30, v8;
	[tilespmem:s2+$0xFFFFFF80] =	vst v28;
	v28 =	vsub.f32 $1.000000000e+00, v31;
	v29 =	vmax.f32 v29, $2.000000030e-01;
	v47 =	vpop (erf)  }
0x673: {  	v27 =	vmul.f32 $1.000000000e+01, v27;
	[tilespmem:s1+$0x30] =	vst v29;
	v24 =	vsub.f32 v1, v24;
	v29 =	vsub.f32 $1.000000000e+00, v47  }
0x674: {  	v31 =	vadd.s32 s12, v14;
	v28 =	vmax.f32 v28, $2.000000030e-01  }
0x675: {  	v26 =	vld.idx.msk [tilespmem:v26+s22+$0x0], $0xffff;
	[tilespmem:s1+$0xB0] =	vst v28;
	v27 =	vsub.f32 v1, v27;
	v24 =	vmul.f32 $1.442695020e+00, v24;
	v28 =	vmax.f32 v29, $2.000000030e-01  }
0x676: {  	v25 =	vld.idx.msk [tilespmem:v25+s22+$0x0], $0xffff  }
0x677: {  	v27 =	vmul.f32 $1.442695020e+00, v27;
	(erf) = vpow2.f32 v24  }
0x678: {  	v29 =	vadd.s32 s19, v8;
	[tilespmem:s2+$0xFFFFFF00] =	vst v28;
	v24 =	vld.idx.msk [tilespmem:v30+s22+$0x0], $0xffff;
	v28 =	vpop (erf)  }
0x679: {  	(erf) = vpow2.f32 v27;
	v27 =	vld.idx.msk [tilespmem:v31+s22+$0x0], $0xffff;
	v28 =	vsub.f32 $1.000000000e+00, v28  }
0x67a: {  	v30 =	vadd.s32 s20, v8;
	v26 =	vmul.f32 $1.000000000e+01, v26;
	v31 =	vpop (erf)  }
0x67b: {  	v25 =	vmul.f32 $1.000000000e+01, v25;
	v31 =	vsub.f32 $1.000000000e+00, v31;
	v28 =	vmax.f32 v28, $2.000000030e-01  }
0x67c: {  	v26 =	vsub.f32 v1, v26;
	[tilespmem:s1+$0xFFFFFFB0] =	vst v28  }
0x67d: {  	v25 =	vsub.f32 v7, v25;
	v28 =	vmax.f32 v31, $2.000000030e-01;
	v24 =	vmul.f32 $1.000000000e+01, v24;
	v29 =	vld.idx.msk [tilespmem:v29+s22+$0x0], $0xffff  }
0x67e: {  	v26 =	vmul.f32 $1.442695020e+00, v26;
	[tilespmem:s1+$0xFFFFFF30] =	vst v28;
	v27 =	vmul.f32 $1.000000000e+01, v27  }
0x67f: {  	v25 =	vmul.f32 $1.442695020e+00, v25;
	v28 =	vld.idx.msk [tilespmem:v30+s22+$0x0], $0xffff;
	v24 =	vsub.f32 v7, v24  }
0x680: {  	(erf) = vpow2.f32 v26;
	v26 =	vadd.s32 s18, v15;
	v27 =	vsub.f32 v1, v27;
	v31 =	vpop (erf)  }
0x681: {  	(erf) = vpow2.f32 v25;
	v24 =	vmul.f32 $1.442695020e+00, v24;
	v25 =	vsub.f32 $1.000000000e+00, v31  }
0x682: {  	v30 =	vadd.s32 s5, v15;
	v31 =	vpop (erf);
	v27 =	vmul.f32 $1.442695020e+00, v27;
	v29 =	vmul.f32 $1.000000000e+01, v29  }
0x683: {  	v31 =	vsub.f32 $1.000000000e+00, v31;
	(erf) = vpow2.f32 v24;
	v24 =	vmax.f32 v25, $2.000000030e-01  }
0x684: {  	v25 =	vmul.f32 $1.000000000e+01, v28;
	(erf) = vpow2.f32 v27;
	v27 =	vsub.f32 v7, v29  }
0x685: {  	[tilespmem:s2+$0x90] =	vst v24  }
0x686: {  	v28 =	vmax.f32 v31, $2.000000030e-01;
	v24 =	vld.idx.msk [tilespmem:v26+s22+$0x0], $0xffff;
	v25 =	vsub.f32 v7, v25;
	v27 =	vmul.f32 $1.442695020e+00, v27  }
0x687: {  	[tilespmem:s2+$0x10] =	vst v28  }
0x688: {  	v26 =	vld.idx.msk [tilespmem:v30+s22+$0x0], $0xffff;
	v25 =	vmul.f32 $1.442695020e+00, v25  }
0x689: {  	(erf) = vpow2.f32 v27  }
0x68a: {  	v27 =	vpop (erf);
	(erf) = vpow2.f32 v25  }
0x68b: {  	v24 =	vmul.f32 $1.000000000e+01, v24;
	v25 =	vsub.f32 $1.000000000e+00, v27;
	v27 =	vadd.s32 s3, v15;
	v28 =	vpop (erf)  }
0x68c: {  	v29 =	vadd.s32 s30, v6;
	v30 =	vpop (erf)  }
0x68d: {  	v26 =	vmul.f32 $1.000000000e+01, v26;
	v24 =	vsub.f32 v3, v24;
	v25 =	vmax.f32 v25, $2.000000030e-01;
	v48 =	vpop (erf)  }
0x68e: {  	v31 =	vadd.s32 s12, v15;
	v30 =	vsub.f32 $1.000000000e+00, v30;
	[tilespmem:s2+$0xFFFFFF90] =	vst v25;
	v25 =	vsub.f32 $1.000000000e+00, v48  }
0x68f: {  	v26 =	vsub.f32 v3, v26  }
0x690: {  	v24 =	vmul.f32 $1.442695020e+00, v24;
	v30 =	vmax.f32 v30, $2.000000030e-01;
	v27 =	vld.idx.msk [tilespmem:v27+s22+$0x0], $0xffff;
	v25 =	vmax.f32 v25, $2.000000030e-01  }
0x691: {  	v26 =	vmul.f32 $1.442695020e+00, v26;
	[tilespmem:s1+$0xC0] =	vst v30  }
0x692: {  	s9 =	simm.s32 $0x500;
	(erf) = vpow2.f32 v24;
	[tilespmem:s2+$0xFFFFFF10] =	vst v25;
	v24 =	vld.idx.msk [tilespmem:v29+s22+$0x0], $0xffff  }
0x693: {  	s11 =	simm.s32 $0x580;
	v49 =	vadd.s32 s9, v13;
	v28 =	vsub.f32 $1.000000000e+00, v28;
	v25 =	vpop (erf);
	(erf) = vpow2.f32 v26;
	v26 =	vld.idx.msk [tilespmem:v31+s22+$0x0], $0xffff  }
0x694: {  	v51 =	vadd.s32 s11, v13;
	v29 =	vadd.s32 s20, v6;
	v30 =	vpop (erf)  }
0x695: {  	v28 =	vmax.f32 v28, $2.000000030e-01;
	v30 =	vsub.f32 $1.000000000e+00, v30;
	v27 =	vmul.f32 $1.000000000e+01, v27  }
0x696: {  	v50 =	vadd.s32 s19, v6;
	[tilespmem:s1+$0x40] =	vst v28;
	v28 =	vsub.f32 $1.000000000e+00, v25  }
0x697: {  	s10 =	simm.s32 $0x480;
	v24 =	vmul.f32 $1.000000000e+01, v24;
	v30 =	vmax.f32 v30, $2.000000030e-01;
	v27 =	vsub.f32 v3, v27  }
0x698: {  	v32 =	vld.idx.msk [tilespmem:v49+s22+$0x0], $0xffff;
	v31 =	vadd.s32 s17, v6;
	[tilespmem:s1+$0xFFFFFF40] =	vst v30;
	v30 =	vadd.s32 s10, v13;
	v26 =	vmul.f32 $1.000000000e+01, v26  }
0x699: {  	v28 =	vmax.f32 v28, $2.000000030e-01;
	v24 =	vsub.f32 v9, v24;
	v29 =	vld.idx.msk [tilespmem:v29+s22+$0x0], $0xffff;
	v27 =	vmul.f32 $1.442695020e+00, v27  }
0x69a: {  	s16 =	simm.s32 $0x400;
	v52 =	vadd.s32 s18, v10;
	v54 =	vadd.s32 s5, v10;
	[tilespmem:s1+$0xFFFFFFC0] =	vst v28;
	v28 =	vld.idx.msk [tilespmem:v51+s22+$0x0], $0xffff;
	v26 =	vsub.f32 v3, v26  }
0x69b: {  	v57 =	vadd.s32 s16, v13;
	v53 =	vpop (erf);
	v24 =	vmul.f32 $1.442695020e+00, v24;
	(erf) = vpow2.f32 v27  }
0x69c: {  	v58 =	vadd.s32 s12, v10;
	v59 =	vadd.s32 s3, v10;
	v55 =	vpop (erf);
	v26 =	vmul.f32 $1.442695020e+00, v26  }
0x69d: {  	v63 =	vadd.s32 s30, v4;
	(erf) = vpow2.f32 v24;
	v27 =	vsub.f32 $1.000000000e+00, v55;
	v30 =	vld.idx.msk [tilespmem:v30+s22+$0x0], $0xffff  }
0x69e: {  	v31 =	vld.idx.msk [tilespmem:v31+s22+$0x0], $0xffff;
	v36 =	vsub.f32 $1.000000000e+00, v53;
	v29 =	vmul.f32 $1.000000000e+01, v29;
	(erf) = vpow2.f32 v26  }
0x69f: {  	v32 =	vmul.f32 $1.000000000e+01, v32;
	v33 =	vld.idx.msk [tilespmem:v50+s22+$0x0], $0xffff;
	v28 =	vmul.f32 $1.000000000e+01, v28;
	v56 =	vmax.f32 v27, $2.000000030e-01  }
0x6a0: {  	v44 =	vadd.s32 s9, v14;
	v24 =	vmax.f32 v36, $2.000000030e-01;
	v29 =	vsub.f32 v9, v29;
	[tilespmem:s2+$0x20] =	vst v56  }
0x6a1: {  	v32 =	vsub.f32 v0, v32;
	v47 =	vadd.s32 s10, v14;
	[tilespmem:s2+$0xA0] =	vst v24;
	v28 =	vsub.f32 v0, v28;
	v34 =	vld.idx.msk [tilespmem:v54+s22+$0x0], $0xffff  }
0x6a2: {  	v48 =	vadd.s32 s5, v8;
	v35 =	vld.idx.msk [tilespmem:v52+s22+$0x0], $0xffff;
	v29 =	vmul.f32 $1.442695020e+00, v29;
	v30 =	vmul.f32 $1.000000000e+01, v30  }
0x6a3: {  	v53 =	vadd.s32 s18, v8;
	v31 =	vmul.f32 $1.000000000e+01, v31;
	v28 =	vmul.f32 $1.442695020e+00, v28  }
0x6a4: {  	v36 =	vld.idx.msk [tilespmem:v57+s22+$0x0], $0xffff;
	v33 =	vmul.f32 $1.000000000e+01, v33;
	(erf) = vpow2.f32 v29;
	v29 =	vsub.f32 v0, v30;
	v60 =	vpop (erf)  }
0x6a5: {  	v30 =	vmul.f32 $1.442695020e+00, v32;
	v32 =	vsub.f32 $1.000000000e+00, v60;
	(erf) = vpow2.f32 v28  }
0x6a6: {  	v31 =	vsub.f32 v9, v31;
	v61 =	vpop (erf);
	v34 =	vmul.f32 $1.000000000e+01, v34;
	v29 =	vmul.f32 $1.442695020e+00, v29  }
0x6a7: {  	v35 =	vmul.f32 $1.000000000e+01, v35;
	(erf) = vpow2.f32 v30;
	v62 =	vpop (erf);
	v32 =	vmax.f32 v32, $2.000000030e-01  }
0x6a8: {  	v30 =	vsub.f32 v5, v34;
	(erf) = vpow2.f32 v29;
	v29 =	vsub.f32 $1.000000000e+00, v62  }
0x6a9: {  	v26 =	vadd.s32 s20, v2;
	v31 =	vmul.f32 $1.442695020e+00, v31;
	v36 =	vmul.f32 $1.000000000e+01, v36;
	[tilespmem:s2+$0xFFFFFFA0] =	vst v32  }
0x6aa: {  	v28 =	vsub.f32 v5, v35;
	v32 =	vld.idx.msk [tilespmem:v59+s22+$0x0], $0xffff;
	v30 =	vmul.f32 $1.442695020e+00, v30;
	v29 =	vmax.f32 v29, $2.000000030e-01  }
0x6ab: {  	v27 =	vadd.s32 s19, v4;
	v33 =	vsub.f32 v9, v33;
	v40 =	vsub.f32 $1.000000000e+00, v61;
	[tilespmem:s2+$0xFFFFFF20] =	vst v29  }
0x6ac: {  	v36 =	vsub.f32 v0, v36;
	v28 =	vmul.f32 $1.442695020e+00, v28;
	(erf) = vpow2.f32 v30;
	v41 =	vld.idx.msk [tilespmem:v58+s22+$0x0], $0xffff  }
0x6ad: {  	v35 =	vmax.f32 v40, $2.000000030e-01;
	v29 =	vadd.s32 s20, v4;
	(erf) = vpow2.f32 v31;
	v31 =	vpop (erf)  }
0x6ae: {  	[tilespmem:s1+$0xD0] =	vst v35;
	v30 =	vmul.f32 $1.442695020e+00, v33;
	(erf) = vpow2.f32 v28;
	v28 =	vsub.f32 $1.000000000e+00, v31  }
0x6af: {  	v42 =	vmul.f32 $1.442695020e+00, v36;
	v34 =	vld.idx.msk [tilespmem:v63+s22+$0x0], $0xffff;
	v31 =	vadd.s32 s11, v14;
	v43 =	vpop (erf);
	v32 =	vmul.f32 $1.000000000e+01, v32  }
0x6b0: {  	(erf) = vpow2.f32 v30;
	v36 =	vsub.f32 $1.000000000e+00, v43;
	v45 =	vpop (erf);
	v28 =	vmax.f32 v28, $2.000000030e-01  }
0x6b1: {  	(erf) = vpow2.f32 v42;
	[tilespmem:s1+$0xFFFFFF50] =	vst v28;
	v28 =	vsub.f32 $1.000000000e+00, v45;
	v33 =	vmul.f32 $1.000000000e+01, v41  }
0x6b2: {  	s13 =	simm.s32 $0xC080;
	v56 =	vadd.s32 s16, v14;
	v32 =	vsub.f32 v5, v32;
	v46 =	vpop (erf);
	v36 =	vmax.f32 v36, $2.000000030e-01  }
0x6b3: {  	v29 =	vld.idx.msk [tilespmem:v29+s22+$0x0], $0xffff;
	v35 =	vsub.f32 $1.000000000e+00, v46;
	[tilespmem:s13+$0x80] =	vst v36;
	v28 =	vmax.f32 v28, $2.000000030e-01;
	v33 =	vsub.f32 v5, v33  }
0x6b4: {  	v60 =	vadd.s32 s3, v8;
	v32 =	vmul.f32 $1.442695020e+00, v32;
	[tilespmem:s13+$0x0] =	vst v28;
	v28 =	vld.idx.msk [tilespmem:v31+s22+$0x0], $0xffff;
	v31 =	vmul.f32 $1.000000000e+01, v34  }
0x6b5: {  	v63 =	vadd.s32 s30, v2;
	v35 =	vmax.f32 v35, $2.000000030e-01;
	v49 =	vpop (erf);
	v33 =	vmul.f32 $1.442695020e+00, v33  }
0x6b6: {  	v30 =	vadd.s32 s17, v4;
	(erf) = vpow2.f32 v32;
	[tilespmem:s13+$0xFFFFFF80] =	vst v35;
	v52 =	vld.idx.msk [tilespmem:v44+s22+$0x0], $0xffff;
	v51 =	vpop (erf);
	v31 =	vsub.f32 v12, v31  }
0x6b7: {  	v50 =	vsub.f32 $1.000000000e+00, v49;
	v38 =	vld.idx.msk [tilespmem:v47+s22+$0x0], $0xffff;
	v54 =	vpop (erf);
	v32 =	vsub.f32 $1.000000000e+00, v51;
	(erf) = vpow2.f32 v33  }
0x6b8: {  	v29 =	vmul.f32 $1.000000000e+01, v29;
	v39 =	vsub.f32 $1.000000000e+00, v54;
	v31 =	vmul.f32 $1.442695020e+00, v31  }
0x6b9: {  	v34 =	vmax.f32 v50, $2.000000030e-01;
	v55 =	vpop (erf);
	v32 =	vmax.f32 v32, $2.000000030e-01;
	v28 =	vmul.f32 $1.000000000e+01, v28  }
0x6ba: {  	v29 =	vsub.f32 v12, v29;
	v57 =	vpop (erf);
	v39 =	vmax.f32 v39, $2.000000030e-01;
	[tilespmem:s1+$0x50] =	vst v32;
	(erf) = vpow2.f32 v31  }
0x6bb: {  	[tilespmem:s2+$0x30] =	vst v34;
	v31 =	vsub.f32 $1.000000000e+00, v57;
	v35 =	vmul.f32 $1.000000000e+01, v52;
	v30 =	vld.idx.msk [tilespmem:v30+s22+$0x0], $0xffff;
	v28 =	vsub.f32 v1, v28  }
0x6bc: {  	v33 =	vsub.f32 $1.000000000e+00, v55;
	v36 =	vld.idx.msk [tilespmem:v48+s22+$0x0], $0xffff;
	[tilespmem:s2+$0xB0] =	vst v39;
	v29 =	vmul.f32 $1.442695020e+00, v29;
	v59 =	vmul.f32 $1.000000000e+01, v38  }
0x6bd: {  	v58 =	vld.idx.msk [tilespmem:v53+s22+$0x0], $0xffff;
	v31 =	vmax.f32 v31, $2.000000030e-01;
	v35 =	vsub.f32 v1, v35;
	v28 =	vmul.f32 $1.442695020e+00, v28  }
0x6be: {  	v42 =	vadd.s32 s9, v15;
	v33 =	vmax.f32 v33, $2.000000030e-01;
	(erf) = vpow2.f32 v29;
	[tilespmem:s13+$0xFFFFFF00] =	vst v31  }
0x6bf: {  	v29 =	vsub.f32 v1, v59;
	v61 =	vpop (erf);
	v31 =	vmul.f32 $1.442695020e+00, v35;
	v32 =	vld.idx.msk [tilespmem:v56+s22+$0x0], $0xffff;
	(erf) = vpow2.f32 v28  }
0x6c0: {  	[tilespmem:s1+$0xFFFFFFD0] =	vst v33;
	v62 =	vsub.f32 $1.000000000e+00, v61;
	v28 =	vmul.f32 $1.000000000e+01, v30;
	v30 =	vadd.s32 s12, v8;
	v40 =	vpop (erf)  }
0x6c1: {  	v27 =	vld.idx.msk [tilespmem:v27+s22+$0x0], $0xffff;
	v29 =	vmul.f32 $1.442695020e+00, v29;
	(erf) = vpow2.f32 v31;
	v34 =	vsub.f32 $1.000000000e+00, v40  }
0x6c2: {  	v46 =	vadd.s32 s11, v15;
	v41 =	vmul.f32 $1.000000000e+01, v36;
	v31 =	vmul.f32 $1.000000000e+01, v58  }
0x6c3: {  	v39 =	vmax.f32 v62, $2.000000030e-01;
	v28 =	vsub.f32 v12, v28;
	v34 =	vmax.f32 v34, $2.000000030e-01  }
0x6c4: {  	(erf) = vpow2.f32 v29;
	v29 =	vsub.f32 v7, v41;
	v32 =	vmul.f32 $1.000000000e+01, v32;
	[tilespmem:s2+$0xFFFFFF30] =	vst v34  }
0x6c5: {  	v54 =	vadd.s32 s17, v2;
	[tilespmem:s2+$0xFFFFFFB0] =	vst v39;
	v31 =	vsub.f32 v7, v31;
	v28 =	vmul.f32 $1.442695020e+00, v28;
	v30 =	vld.idx.msk [tilespmem:v30+s22+$0x0], $0xffff  }
0x6c6: {  	v27 =	vmul.f32 $1.000000000e+01, v27;
	v43 =	vld.idx.msk [tilespmem:v60+s22+$0x0], $0xffff;
	v44 =	vpop (erf);
	v29 =	vmul.f32 $1.442695020e+00, v29;
	v32 =	vsub.f32 v1, v32  }
0x6c7: {  	v45 =	vsub.f32 $1.000000000e+00, v44;
	v47 =	vpop (erf);
	(erf) = vpow2.f32 v28;
	v28 =	vmul.f32 $1.442695020e+00, v31  }
0x6c8: {  	(erf) = vpow2.f32 v29;
	v29 =	vsub.f32 $1.000000000e+00, v47;
	v31 =	vmul.f32 $1.442695020e+00, v32;
	v48 =	vpop (erf)  }
0x6c9: {  	v27 =	vsub.f32 v12, v27;
	(erf) = vpow2.f32 v28;
	v32 =	vsub.f32 $1.000000000e+00, v48  }
0x6ca: {  	v49 =	vpop (erf);
	v28 =	vmax.f32 v29, $2.000000030e-01;
	(erf) = vpow2.f32 v31;
	v30 =	vmul.f32 $1.000000000e+01, v30  }
0x6cb: {  	v34 =	vmax.f32 v45, $2.000000030e-01;
	v36 =	vmul.f32 $1.000000000e+01, v43;
	v29 =	vsub.f32 $1.000000000e+00, v49;
	[tilespmem:s1+$0xFFFFFF60] =	vst v28  }
0x6cc: {  	v27 =	vmul.f32 $1.442695020e+00, v27;
	[tilespmem:s1+$0xE0] =	vst v34;
	v31 =	vmax.f32 v32, $2.000000030e-01;
	v26 =	vld.idx.msk [tilespmem:v26+s22+$0x0], $0xffff;
	v30 =	vsub.f32 v7, v30  }
0x6cd: {  	v28 =	vld.idx.msk [tilespmem:v63+s22+$0x0], $0xffff;
	v50 =	vsub.f32 v7, v36;
	v51 =	vpop (erf);
	v29 =	vmax.f32 v29, $2.000000030e-01;
	[tilespmem:s13+$0x90] =	vst v31;
	v31 =	vadd.s32 s10, v15  }
0x6ce: {  	(erf) = vpow2.f32 v27;
	v27 =	vsub.f32 $1.000000000e+00, v51;
	[tilespmem:s13+$0x10] =	vst v29;
	v29 =	vld.idx.msk [tilespmem:v46+s22+$0x0], $0xffff;
	v30 =	vmul.f32 $1.442695020e+00, v30  }
0x6cf: {  	v52 =	vadd.s32 s19, v2;
	v57 =	vadd.s32 s5, v6;
	v32 =	vmul.f32 $1.442695020e+00, v50;
	v33 =	vld.idx.msk [tilespmem:v42+s22+$0x0], $0xffff  }
0x6d0: {  	v53 =	vadd.s32 s18, v6;
	v59 =	vadd.s32 s16, v15;
	v27 =	vmax.f32 v27, $2.000000030e-01;
	v55 =	vpop (erf)  }
0x6d1: {  	[tilespmem:s13+$0xFFFFFF90] =	vst v27;
	(erf) = vpow2.f32 v32;
	v56 =	vsub.f32 $1.000000000e+00, v55;
	v58 =	vpop (erf);
	v26 =	vmul.f32 $1.000000000e+01, v26  }
0x6d2: {  	v28 =	vmul.f32 $1.000000000e+01, v28;
	(erf) = vpow2.f32 v30;
	v27 =	vsub.f32 $1.000000000e+00, v58;
	v31 =	vld.idx.msk [tilespmem:v31+s22+$0x0], $0xffff;
	v30 =	vpop (erf)  }
0x6d3: {  	v32 =	vmax.f32 v56, $2.000000030e-01;
	v29 =	vmul.f32 $1.000000000e+01, v29;
	v26 =	vsub.f32 v11, v26;
	v60 =	vpop (erf)  }
0x6d4: {  	v27 =	vmax.f32 v27, $2.000000030e-01;
	[tilespmem:s1+$0x60] =	vst v32;
	v33 =	vmul.f32 $1.000000000e+01, v33;
	v61 =	vsub.f32 $1.000000000e+00, v60  }
0x6d5: {  	v28 =	vsub.f32 v11, v28;
	[tilespmem:s2+$0x40] =	vst v27;
	v27 =	vsub.f32 $1.000000000e+00, v30;
	v26 =	vmul.f32 $1.442695020e+00, v26  }
0x6d6: {  	v35 =	vld.idx.msk [tilespmem:v54+s22+$0x0], $0xffff;
	v29 =	vsub.f32 v3, v29;
	v33 =	vsub.f32 v3, v33;
	v32 =	vmax.f32 v61, $2.000000030e-01  }
0x6d7: {  	v30 =	vpop (erf);
	v37 =	vld.idx.msk [tilespmem:v57+s22+$0x0], $0xffff;
	(erf) = vpow2.f32 v26;
	v26 =	vmax.f32 v27, $2.000000030e-01;
	v27 =	vmul.f32 $1.000000000e+01, v31  }
0x6d8: {  	v25 =	vadd.s32 s3, v6;
	v28 =	vmul.f32 $1.442695020e+00, v28;
	v30 =	vsub.f32 $1.000000000e+00, v30  }
0x6d9: {  	v24 =	vadd.s32 s10, v6;
	v29 =	vmul.f32 $1.442695020e+00, v29;
	v31 =	vmul.f32 $1.442695020e+00, v33;
	[tilespmem:s13+$0xFFFFFF10] =	vst v32  }
0x6da: {  	v62 =	vmax.f32 v30, $2.000000030e-01;
	v30 =	vadd.s32 s12, v6;
	(erf) = vpow2.f32 v28;
	[tilespmem:s2+$0xC0] =	vst v26;
	v28 =	vld.idx.msk [tilespmem:v59+s22+$0x0], $0xffff;
	v32 =	vpop (erf)  }
0x6db: {  	v26 =	vsub.f32 v3, v27;
	(erf) = vpow2.f32 v29;
	v29 =	vld.idx.msk [tilespmem:v53+s22+$0x0], $0xffff;
	[tilespmem:s1+$0xFFFFFFE0] =	vst v62;
	v63 =	vmul.f32 $1.000000000e+01, v35;
	v27 =	vpop (erf)  }
0x6dc: {  	(erf) = vpow2.f32 v31;
	v35 =	vld.idx.msk [tilespmem:v52+s22+$0x0], $0xffff;
	v31 =	vmul.f32 $1.000000000e+01, v37;
	v34 =	vsub.f32 $1.000000000e+00, v27  }
0x6dd: {  	s17 =	simm.s32 $0x8;
	s19 =	simm.s32 $0x600;
	v33 =	vmul.f32 $1.442695020e+00, v26;
	v26 =	vadd.s32 s12, v2;
	v36 =	vsub.f32 v11, v63  }
.LBB2_9:
0x6de: {  	s21 =	sadd.s32 $0x80, s19;
	s20 =	sadd.s32 $0x100, s19;
	s26 =	sadd.s32 $0x180, s19;
	v34 =	vmax.f32 v34, $2.000000030e-01;
	v32 =	vsub.f32 $1.000000000e+00, v32;
	v27 =	vadd.s32 s3, v4  }
0x6df: {  	s17 =	sadd.s32 $0x4, s17;
	v37 =	vadd.s32 s21, v13;
	v38 =	vadd.s32 s20, v13;
	[tilespmem:s2+$0xFFFFFF40] =	vst v34;
	v34 =	vmul.f32 $1.442695020e+00, v36  }
0x6e0: {  	v28 =	vmul.f32 $1.000000000e+01, v28;
	v36 =	vadd.s32 s26, v13;
	p0 =	slt.u32 s17, $0x78;
	v29 =	vmul.f32 $1.000000000e+01, v29;
	v30 =	vld.idx.msk [tilespmem:v30+s22+$0x0], $0xffff  }
0x6e1: {  	v32 =	vmax.f32 v32, $2.000000030e-01;
	v41 =	vmul.f32 $1.000000000e+01, v35;
	v39 =	vpop (erf);
	(erf) = vpow2.f32 v34  }
0x6e2: {  	v28 =	vsub.f32 v3, v28;
	v34 =	vadd.s32 s21, v6;
	v29 =	vsub.f32 v9, v29;
	[tilespmem:s2+$0xFFFFFFC0] =	vst v32  }
0x6e3: {  	v32 =	vadd.s32 s11, v10;
	v44 =	vsub.f32 v11, v41;
	(erf) = vpow2.f32 v33;
	v33 =	vld.idx.msk [tilespmem:v25+s22+$0x0], $0xffff;
	v35 =	vpop (erf)  }
0x6e4: {  	v28 =	vmul.f32 $1.442695020e+00, v28;
	v29 =	vmul.f32 $1.442695020e+00, v29;
	v38 =	vld.idx.msk [tilespmem:v38+s22+$0x0], $0xffff;
	v40 =	vpop (erf);
	v35 =	vsub.f32 $1.000000000e+00, v35  }
0x6e5: {  	v41 =	vadd.s32 s9, v10;
	v43 =	vmul.f32 $1.442695020e+00, v44;
	v36 =	vld.idx.msk [tilespmem:v36+s22+$0x0], $0xffff;
	v40 =	vsub.f32 $1.000000000e+00, v40;
	v42 =	vpop (erf)  }
0x6e6: {  	v25 =	vmovc v24;
	v24 =	vmovc v34;
	v30 =	vmul.f32 $1.000000000e+01, v30;
	v37 =	vld.idx.msk [tilespmem:v37+s22+$0x0], $0xffff;
	v42 =	vsub.f32 $1.000000000e+00, v42;
	(erf) = vpow2.f32 v29  }
0x6e7: {  	v34 =	vmax.f32 v35, $2.000000030e-01;
	v29 =	vmax.f32 v40, $2.000000030e-01;
	(erf) = vpow2.f32 v43  }
0x6e8: {  	v35 =	vmax.f32 v42, $2.000000030e-01;
	[tilespmem:s13+$0xA0] =	vst v29;
	(erf) = vpow2.f32 v28;
	v28 =	vsub.f32 v9, v30  }
0x6e9: {  	v30 =	vmul.f32 $1.000000000e+01, v33;
	v33 =	vsub.f32 $1.000000000e+00, v39;
	[tilespmem:s13+$0x20] =	vst v35;
	v29 =	vld.idx.msk [tilespmem:v32+s22+$0x0], $0xffff;
	v32 =	vadd.s32 s18, v4  }
0x6ea: {  	v35 =	vmul.f32 $1.000000000e+01, v38;
	v38 =	vadd.s32 s16, v10;
	v39 =	vld.idx.msk [tilespmem:v41+s22+$0x0], $0xffff;
	v28 =	vmul.f32 $1.442695020e+00, v28;
	[tilespmem:s1+$0xF0] =	vst v34;
	v34 =	vpop (erf)  }
0x6eb: {  	v40 =	vadd.s32 s19, v13;
	v36 =	vmul.f32 $1.000000000e+01, v36;
	v34 =	vsub.f32 $1.000000000e+00, v34  }
0x6ec: {  	v41 =	vadd.s32 s10, v10;
	v37 =	vmul.f32 $1.000000000e+01, v37;
	v35 =	vsub.f32 v0, v35;
	v42 =	vpop (erf)  }
0x6ed: {  	v43 =	vsub.f32 v0, v36;
	(erf) = vpow2.f32 v28;
	v28 =	vmax.f32 v33, $2.000000030e-01  }
0x6ee: {  	v31 =	vsub.f32 v9, v31;
	v33 =	vsub.f32 v0, v37;
	v35 =	vmul.f32 $1.442695020e+00, v35;
	[tilespmem:s1+$0xFFFFFF70] =	vst v28  }
0x6ef: {  	v28 =	vmul.f32 $1.442695020e+00, v43;
	v44 =	vmul.f32 $1.000000000e+01, v29;
	v43 =	vmax.f32 v34, $2.000000030e-01;
	v36 =	vpop (erf)  }
0x6f0: {  	v33 =	vmul.f32 $1.442695020e+00, v33;
	v39 =	vmul.f32 $1.000000000e+01, v39;
	v37 =	vld.idx.msk [tilespmem:v40+s22+$0x0], $0xffff;
	v40 =	vsub.f32 $1.000000000e+00, v42;
	[tilespmem:s1+$0x70] =	vst v43;
	v34 =	vpop (erf)  }
0x6f1: {  	(erf) = vpow2.f32 v28;
	v28 =	vsub.f32 v5, v44;
	v29 =	vpop (erf);
	v34 =	vsub.f32 $1.000000000e+00, v34  }
0x6f2: {  	v39 =	vsub.f32 v5, v39;
	(erf) = vpow2.f32 v35;
	v35 =	vmax.f32 v40, $2.000000030e-01  }
0x6f3: {  	v29 =	vsub.f32 $1.000000000e+00, v29;
	(erf) = vpow2.f32 v33;
	[tilespmem:s13+$0xFFFFFFA0] =	vst v35;
	v33 =	vmax.f32 v34, $2.000000030e-01  }
0x6f4: {  	v30 =	vsub.f32 v9, v30;
	v39 =	vmul.f32 $1.442695020e+00, v39;
	v28 =	vmul.f32 $1.442695020e+00, v28;
	v34 =	vld.idx.msk [tilespmem:v41+s22+$0x0], $0xffff;
	[tilespmem:s1+$0xFFFFFFF0] =	vst v33;
	s1 =	smov.u32 s2;
	s2 =	smov.u32 s13  }
0x6f5: {  	v31 =	vmul.f32 $1.442695020e+00, v31;
	v29 =	vmax.f32 v29, $2.000000030e-01;
	v33 =	vsub.f32 $1.000000000e+00, v36  }
0x6f6: {  	v36 =	vmul.f32 $1.000000000e+01, v37;
	[tilespmem:s13+$0xFFFFFF20] =	vst v29;
	(erf) = vpow2.f32 v39;
	v29 =	vadd.s32 s12, v4;
	v35 =	vpop (erf);
	s12 =	smov.u32 s16;
	s16 =	smov.u32 s19  }
0x6f7: {  	v30 =	vmul.f32 $1.442695020e+00, v30;
	v33 =	vmax.f32 v33, $2.000000030e-01;
	v37 =	vld.idx.msk [tilespmem:v38+s22+$0x0], $0xffff;
	(erf) = vpow2.f32 v31  }
0x6f8: {  	v36 =	vsub.f32 v0, v36;
	(erf) = vpow2.f32 v28;
	v28 =	vsub.f32 $1.000000000e+00, v35;
	[tilespmem:s1+$0xD0] =	vst v33  }
0x6f9: {  	v33 =	vadd.s32 s26, v14;
	v35 =	vadd.s32 s5, v4;
	v32 =	vld.idx.msk [tilespmem:v32+s22+$0x0], $0xffff;
	(erf) = vpow2.f32 v30  }
0x6fa: {  	v40 =	vmul.f32 $1.442695020e+00, v36;
	v34 =	vmul.f32 $1.000000000e+01, v34;
	v31 =	vpop (erf);
	v28 =	vmax.f32 v28, $2.000000030e-01  }
0x6fb: {  	v38 =	vadd.s32 s20, v14;
	v36 =	vadd.s32 s21, v14;
	v31 =	vsub.f32 $1.000000000e+00, v31;
	v39 =	vpop (erf);
	[tilespmem:s1+$0xFFFFFF50] =	vst v28  }
0x6fc: {  	v34 =	vsub.f32 v5, v34;
	v28 =	vsub.f32 $1.000000000e+00, v39;
	(erf) = vpow2.f32 v40;
	v30 =	vpop (erf);
	v29 =	vld.idx.msk [tilespmem:v29+s22+$0x0], $0xffff  }
0x6fd: {  	s13 =	sadd.s32 $0x200, s13;
	v39 =	vmul.f32 $1.000000000e+01, v37;
	v30 =	vsub.f32 $1.000000000e+00, v30;
	v31 =	vmax.f32 v31, $2.000000030e-01  }
0x6fe: {  	v40 =	vmul.f32 $1.442695020e+00, v34;
	v34 =	vadd.s32 s9, v8;
	v28 =	vmax.f32 v28, $2.000000030e-01;
	[tilespmem:s13+$0x80] =	vst v31  }
0x6ff: {  	v32 =	vmul.f32 $1.000000000e+01, v32;
	v30 =	vmax.f32 v30, $2.000000030e-01;
	[tilespmem:s13+$0x0] =	vst v28;
	v28 =	vld.idx.msk [tilespmem:v33+s22+$0x0], $0xffff;
	v33 =	vsub.f32 v5, v39;
	v37 =	vpop (erf)  }
0x700: {  	[tilespmem:s13+$0xFFFFFF80] =	vst v30;
	v30 =	vld.idx.msk [tilespmem:v38+s22+$0x0], $0xffff;
	v37 =	vsub.f32 $1.000000000e+00, v37;
	v38 =	vadd.s32 s11, v8;
	(erf) = vpow2.f32 v40;
	v31 =	vpop (erf)  }
0x701: {  	v32 =	vsub.f32 v12, v32;
	v36 =	vld.idx.msk [tilespmem:v36+s22+$0x0], $0xffff;
	v33 =	vmul.f32 $1.442695020e+00, v33;
	v39 =	vpop (erf);
	v31 =	vsub.f32 $1.000000000e+00, v31  }
0x702: {  	v29 =	vmul.f32 $1.000000000e+01, v29;
	v37 =	vmax.f32 v37, $2.000000030e-01;
	v41 =	vsub.f32 $1.000000000e+00, v39;
	v40 =	vpop (erf)  }
0x703: {  	v32 =	vmul.f32 $1.442695020e+00, v32;
	[tilespmem:s2+$0x30] =	vst v37;
	(erf) = vpow2.f32 v33;
	v31 =	vmax.f32 v31, $2.000000030e-01  }
0x704: {  	v29 =	vsub.f32 v12, v29;
	v37 =	vsub.f32 $1.000000000e+00, v40;
	v33 =	vmax.f32 v41, $2.000000030e-01;
	[tilespmem:s1+$0x50] =	vst v31  }
0x705: {  	v31 =	vadd.s32 s19, v14;
	v28 =	vmul.f32 $1.000000000e+01, v28;
	v39 =	vpop (erf);
	[tilespmem:s2+$0xB0] =	vst v33;
	v33 =	vld.idx.msk [tilespmem:v35+s22+$0x0], $0xffff;
	(erf) = vpow2.f32 v32  }
0x706: {  	v30 =	vmul.f32 $1.000000000e+01, v30;
	v29 =	vmul.f32 $1.442695020e+00, v29;
	v32 =	vsub.f32 $1.000000000e+00, v39;
	v35 =	vld.idx.msk [tilespmem:v38+s22+$0x0], $0xffff  }
0x707: {  	v37 =	vmax.f32 v37, $2.000000030e-01;
	v39 =	vmul.f32 $1.000000000e+01, v36;
	v28 =	vsub.f32 v1, v28;
	v34 =	vld.idx.msk [tilespmem:v34+s22+$0x0], $0xffff  }
0x708: {  	v38 =	vadd.s32 s10, v8;
	v30 =	vsub.f32 v1, v30;
	v32 =	vmax.f32 v32, $2.000000030e-01;
	[tilespmem:s1+$0xFFFFFFD0] =	vst v37  }
0x709: {  	v28 =	vmul.f32 $1.442695020e+00, v28;
	[tilespmem:s13+$0xFFFFFF00] =	vst v32;
	v32 =	vsub.f32 v1, v39;
	v36 =	vpop (erf);
	v27 =	vld.idx.msk [tilespmem:v27+s22+$0x0], $0xffff;
	(erf) = vpow2.f32 v29  }
0x70a: {  	v30 =	vmul.f32 $1.442695020e+00, v30;
	v29 =	vld.idx.msk [tilespmem:v31+s22+$0x0], $0xffff;
	v31 =	vsub.f32 $1.000000000e+00, v36;
	v36 =	vadd.s32 s18, v2;
	s18 =	smov.u32 s11;
	s11 =	smov.u32 s26  }
0x70b: {  	v33 =	vmul.f32 $1.000000000e+01, v33;
	(erf) = vpow2.f32 v28;
	v28 =	vadd.s32 s12, v8  }
0x70c: {  	(erf) = vpow2.f32 v30;
	v30 =	vmax.f32 v31, $2.000000030e-01;
	v31 =	vmul.f32 $1.000000000e+01, v35;
	v35 =	vpop (erf)  }
0x70d: {  	v32 =	vmul.f32 $1.442695020e+00, v32;
	v35 =	vsub.f32 $1.000000000e+00, v35;
	[tilespmem:s2+$0xFFFFFFB0] =	vst v30;
	v30 =	vmul.f32 $1.000000000e+01, v34  }
0x70e: {  	v33 =	vsub.f32 v12, v33;
	v34 =	vadd.s32 s20, v15;
	v37 =	vld.idx.msk [tilespmem:v38+s22+$0x0], $0xffff;
	v31 =	vsub.f32 v7, v31;
	v38 =	vpop (erf)  }
0x70f: {  	(erf) = vpow2.f32 v32;
	v32 =	vmax.f32 v35, $2.000000030e-01;
	v30 =	vsub.f32 v7, v30  }
0x710: {  	v29 =	vmul.f32 $1.000000000e+01, v29;
	[tilespmem:s2+$0xFFFFFF30] =	vst v32;
	v32 =	vmul.f32 $1.442695020e+00, v33;
	v33 =	vsub.f32 $1.000000000e+00, v38  }
0x711: {  	v27 =	vmul.f32 $1.000000000e+01, v27;
	v35 =	vadd.s32 s11, v15;
	v28 =	vld.idx.msk [tilespmem:v28+s22+$0x0], $0xffff;
	v30 =	vmul.f32 $1.442695020e+00, v30  }
0x712: {  	v31 =	vmul.f32 $1.442695020e+00, v31;
	v29 =	vsub.f32 v1, v29;
	v38 =	vpop (erf);
	(erf) = vpow2.f32 v32  }
0x713: {  	v27 =	vsub.f32 v12, v27;
	(erf) = vpow2.f32 v30;
	v30 =	vsub.f32 $1.000000000e+00, v38  }
0x714: {  	v33 =	vmax.f32 v33, $2.000000030e-01;
	v29 =	vmul.f32 $1.442695020e+00, v29;
	v37 =	vmul.f32 $1.000000000e+01, v37;
	v32 =	vpop (erf)  }
0x715: {  	v32 =	vsub.f32 $1.000000000e+00, v32;
	v38 =	vpop (erf);
	(erf) = vpow2.f32 v31;
	v30 =	vmax.f32 v30, $2.000000030e-01;
	[tilespmem:s1+$0xE0] =	vst v33  }
0x716: {  	v27 =	vmul.f32 $1.442695020e+00, v27;
	v31 =	vsub.f32 $1.000000000e+00, v38;
	(erf) = vpow2.f32 v29;
	[tilespmem:s1+$0xFFFFFF60] =	vst v30;
	v29 =	vld.idx.msk [tilespmem:v36+s22+$0x0], $0xffff  }
0x717: {  	v28 =	vmul.f32 $1.000000000e+01, v28;
	v33 =	vmax.f32 v32, $2.000000030e-01;
	v32 =	vsub.f32 v7, v37;
	v26 =	vld.idx.msk [tilespmem:v26+s22+$0x0], $0xffff  }
0x718: {  	v31 =	vmax.f32 v31, $2.000000030e-01;
	[tilespmem:s13+$0x90] =	vst v33;
	v30 =	vpop (erf);
	v33 =	vadd.s32 s3, v2;
	(erf) = vpow2.f32 v27;
	s3 =	smov.u32 s10;
	s10 =	smov.u32 s21  }
0x719: {  	v28 =	vsub.f32 v7, v28;
	v27 =	vsub.f32 $1.000000000e+00, v30;
	v30 =	vadd.s32 s10, v15;
	[tilespmem:s13+$0x10] =	vst v31;
	v31 =	vld.idx.msk [tilespmem:v35+s22+$0x0], $0xffff  }
0x71a: {  	v36 =	vadd.s32 s5, v2;
	s5 =	smov.u32 s9;
	s9 =	smov.u32 s20;
	v39 =	vmul.f32 $1.442695020e+00, v32;
	v35 =	vadd.s32 s18, v6;
	v34 =	vld.idx.msk [tilespmem:v34+s22+$0x0], $0xffff  }
0x71b: {  	v37 =	vadd.s32 s5, v6;
	v28 =	vmul.f32 $1.442695020e+00, v28;
	v27 =	vmax.f32 v27, $2.000000030e-01;
	v38 =	vpop (erf)  }
0x71c: {  	v29 =	vmul.f32 $1.000000000e+01, v29;
	(erf) = vpow2.f32 v39;
	v32 =	vpop (erf);
	v38 =	vsub.f32 $1.000000000e+00, v38  }
0x71d: {  	v26 =	vmul.f32 $1.000000000e+01, v26;
	[tilespmem:s13+$0xFFFFFF90] =	vst v27;
	v27 =	vsub.f32 $1.000000000e+00, v32;
	(erf) = vpow2.f32 v28  }
0x71e: {  	v28 =	vadd.s32 s19, v15;
	v40 =	vsub.f32 v11, v29;
	v30 =	vld.idx.msk [tilespmem:v30+s22+$0x0], $0xffff;
	v32 =	vpop (erf);
	v38 =	vmax.f32 v38, $2.000000030e-01  }
0x71f: {  	v31 =	vmul.f32 $1.000000000e+01, v31;
	v26 =	vsub.f32 v11, v26;
	v39 =	vpop (erf)  }
0x720: {  	v27 =	vmax.f32 v27, $2.000000030e-01;
	[tilespmem:s1+$0x60] =	vst v38;
	v34 =	vmul.f32 $1.000000000e+01, v34;
	v38 =	vsub.f32 $1.000000000e+00, v39  }
0x721: {  	[tilespmem:s2+$0x40] =	vst v27;
	v27 =	vsub.f32 $1.000000000e+00, v32;
	v36 =	vld.idx.msk [tilespmem:v36+s22+$0x0], $0xffff;
	v31 =	vsub.f32 v3, v31  }
0x722: {  	v26 =	vmul.f32 $1.442695020e+00, v26;
	v39 =	vmul.f32 $1.442695020e+00, v40;
	v37 =	vld.idx.msk [tilespmem:v37+s22+$0x0], $0xffff;
	v29 =	vpop (erf);
	v34 =	vsub.f32 v3, v34  }
0x723: {  	v32 =	vmax.f32 v38, $2.000000030e-01;
	v29 =	vsub.f32 $1.000000000e+00, v29;
	v31 =	vmul.f32 $1.442695020e+00, v31  }
0x724: {  	v27 =	vmax.f32 v27, $2.000000030e-01;
	[tilespmem:s13+$0xFFFFFF10] =	vst v32;
	(erf) = vpow2.f32 v26;
	v26 =	vmul.f32 $1.000000000e+01, v30  }
.Ltmp3:
0x725: {  	v34 =	vmul.f32 $1.442695020e+00, v34;
	v28 =	vld.idx.msk [tilespmem:v28+s22+$0x0], $0xffff;
	[tilespmem:s2+$0xC0] =	vst v27;
	v38 =	vmax.f32 v29, $2.000000030e-01;
	(pc) =	sbr.rel @p0 .LBB2_9-.Ltmp3, $4  }
0x726: {  	v30 =	vadd.s32 s12, v6;
	v29 =	vld.idx.msk [tilespmem:v35+s22+$0x0], $0xffff;
	v32 =	vpop (erf);
	[tilespmem:s1+$0xFFFFFFE0] =	vst v38;
	(erf) = vpow2.f32 v39  }
0x727: {  	v26 =	vsub.f32 v3, v26;
	v36 =	vmul.f32 $1.000000000e+01, v36;
	(erf) = vpow2.f32 v31;
	v27 =	vpop (erf);
	v35 =	vld.idx.msk [tilespmem:v33+s22+$0x0], $0xffff  }
0x728: {  	v31 =	vmul.f32 $1.000000000e+01, v37;
	(erf) = vpow2.f32 v34;
	v34 =	vsub.f32 $1.000000000e+00, v27  }
0x729: {  	s19 =	sadd.s32 $0x200, s19;
	v33 =	vmul.f32 $1.442695020e+00, v26;
	v26 =	vadd.s32 s12, v2;
	v36 =	vsub.f32 v11, v36  }
0x72a: {  	_ = 	snop  }
0x72b: {  	v28 =	vmul.f32 $1.000000000e+01, v28;
	v27 =	vmul.f32 $1.000000000e+01, v29  }
0x72c: {  	v39 =	vmul.f32 $1.442695020e+00, v36;
	v38 =	vmul.f32 $1.000000000e+01, v35  }
0x72d: {  	v27 =	vsub.f32 v9, v27  }
0x72e: {  	v28 =	vsub.f32 v3, v28;
	(erf) = vpow2.f32 v39;
	v29 =	vsub.f32 v11, v38  }
0x72f: {  	(erf) = vpow2.f32 v33;
	v27 =	vmul.f32 $1.442695020e+00, v27  }
0x730: {  	v28 =	vmul.f32 $1.442695020e+00, v28;
	v29 =	vmul.f32 $1.442695020e+00, v29  }
0x731: {  	(erf) = vpow2.f32 v27  }
0x732: {  	(erf) = vpow2.f32 v29  }
0x733: {  	v27 =	vpop (erf);
	(erf) = vpow2.f32 v28  }
0x734: {  	v28 =	vpop (erf)  }
0x735: {  	v40 =	vpop (erf)  }
0x736: {  	v41 =	vadd.s32 s9, v10;
	v42 =	vpop (erf)  }
0x737: {  	v34 =	vmax.f32 v34, $2.000000030e-01;
	v43 =	vsub.f32 $1.000000000e+00, v42  }
0x738: {  	[tilespmem:s2+$0xFFFFFF40] =	vst v34;
	v29 =	vpop (erf)  }
0x739: {  	v32 =	vsub.f32 $1.000000000e+00, v32;
	v37 =	vadd.s32 s11, v10;
	v34 =	vld.idx.msk [tilespmem:v30+s22+$0x0], $0xffff;
	v45 =	vpop (erf);
	v44 =	vmax.f32 v43, $2.000000030e-01  }
0x73a: {  	v33 =	vsub.f32 $1.000000000e+00, v40;
	[tilespmem:s13+$0x20] =	vst v44;
	v38 =	vpop (erf)  }
0x73b: {  	v32 =	vmax.f32 v32, $2.000000030e-01;
	v39 =	vadd.s32 s10, v10;
	v35 =	vld.idx.msk [tilespmem:v41+s22+$0x0], $0xffff;
	v30 =	vpop (erf)  }
0x73c: {  	v47 =	vadd.s32 s16, v10;
	[tilespmem:s2+$0xFFFFFFC0] =	vst v32;
	v46 =	vmax.f32 v33, $2.000000030e-01;
	v36 =	vsub.f32 $1.000000000e+00, v45;
	v40 =	vpop (erf)  }
0x73d: {  	v25 =	vld.idx.msk [tilespmem:v25+s22+$0x0], $0xffff;
	[tilespmem:s13+$0xA0] =	vst v46;
	v48 =	vsub.f32 $1.000000000e+00, v40  }
0x73e: {  	v34 =	vmul.f32 $1.000000000e+01, v34;
	v37 =	vld.idx.msk [tilespmem:v37+s22+$0x0], $0xffff;
	v36 =	vmax.f32 v36, $2.000000030e-01  }
0x73f: {  	[tilespmem:s13+$0xFFFFFFA0] =	vst v36;
	v32 =	vmax.f32 v48, $2.000000030e-01  }
0x740: {  	v34 =	vsub.f32 v9, v34;
	v36 =	vld.idx.msk [tilespmem:v39+s22+$0x0], $0xffff;
	v35 =	vmul.f32 $1.000000000e+01, v35;
	[tilespmem:s13+$0xFFFFFF20] =	vst v32  }
0x741: {  	v32 =	vld.idx.msk [tilespmem:v47+s22+$0x0], $0xffff  }
0x742: {  	v49 =	vmul.f32 $1.442695020e+00, v34;
	v50 =	vsub.f32 v5, v35  }
0x743: {  	v31 =	vsub.f32 v9, v31;
	v25 =	vmul.f32 $1.000000000e+01, v25;
	v51 =	vmul.f32 $1.000000000e+01, v37  }
0x744: {  	(erf) = vpow2.f32 v49;
	v52 =	vmul.f32 $1.442695020e+00, v50  }
0x745: {  	v31 =	vmul.f32 $1.442695020e+00, v31;
	v53 =	vsub.f32 v5, v51;
	v54 =	vmul.f32 $1.000000000e+01, v36  }
0x746: {  	v25 =	vsub.f32 v9, v25;
	(erf) = vpow2.f32 v52;
	v32 =	vmul.f32 $1.000000000e+01, v32  }
0x747: {  	v55 =	vmul.f32 $1.442695020e+00, v53;
	v56 =	vsub.f32 v5, v54;
	(erf) = vpow2.f32 v31  }
0x748: {  	v25 =	vmul.f32 $1.442695020e+00, v25;
	v32 =	vsub.f32 v5, v32  }
0x749: {  	v31 =	vmul.f32 $1.442695020e+00, v56;
	(erf) = vpow2.f32 v55  }
0x74a: {  	(erf) = vpow2.f32 v25;
	v57 =	vmul.f32 $1.442695020e+00, v32  }
0x74b: {  	(erf) = vpow2.f32 v31  }
0x74c: {  	v58 =	vadd.s32 s18, v4;
	(erf) = vpow2.f32 v57  }
0x74d: {  	v60 =	vadd.s32 s12, v4;
	v59 =	vsub.f32 $1.000000000e+00, v38;
	v61 =	vpop (erf)  }
0x74e: {  	v33 =	vsub.f32 $1.000000000e+00, v61  }
0x74f: {  	v25 =	vmax.f32 v59, $2.000000030e-01;
	v62 =	vpop (erf)  }
0x750: {  	v63 =	vadd.s32 s5, v4;
	v33 =	vmax.f32 v33, $2.000000030e-01;
	[tilespmem:s2+$0xD0] =	vst v25;
	v43 =	vpop (erf)  }
0x751: {  	v44 =	vadd.s32 s9, v8;
	[tilespmem:s2+$0xFFFFFF50] =	vst v33;
	v31 =	vld.idx.msk [tilespmem:v58+s22+$0x0], $0xffff;
	v35 =	vsub.f32 $1.000000000e+00, v43  }
0x752: {  	v45 =	vadd.s32 s11, v8;
	v32 =	vld.idx.msk [tilespmem:v60+s22+$0x0], $0xffff;
	v34 =	vsub.f32 $1.000000000e+00, v62;
	v46 =	vpop (erf)  }
0x753: {  	v47 =	vadd.s32 s3, v4;
	v37 =	vsub.f32 $1.000000000e+00, v46;
	v48 =	vpop (erf);
	v35 =	vmax.f32 v35, $2.000000030e-01  }
0x754: {  	v49 =	vadd.s32 s10, v8;
	v34 =	vmax.f32 v34, $2.000000030e-01;
	v39 =	vsub.f32 $1.000000000e+00, v48;
	v50 =	vpop (erf);
	[tilespmem:s2+$0x50] =	vst v35  }
0x755: {  	v53 =	vadd.s32 s16, v8;
	[tilespmem:s13+$0x30] =	vst v34;
	v51 =	vmax.f32 v37, $2.000000030e-01;
	v52 =	vsub.f32 $1.000000000e+00, v50;
	v25 =	vld.idx.msk [tilespmem:v63+s22+$0x0], $0xffff;
	v41 =	vpop (erf)  }
0x756: {  	v31 =	vmul.f32 $1.000000000e+01, v31;
	v33 =	vld.idx.msk [tilespmem:v44+s22+$0x0], $0xffff;
	[tilespmem:s13+$0xB0] =	vst v51;
	v54 =	vmax.f32 v39, $2.000000030e-01;
	v55 =	vsub.f32 $1.000000000e+00, v41  }
0x757: {  	v32 =	vmul.f32 $1.000000000e+01, v32;
	[tilespmem:s2+$0xFFFFFFD0] =	vst v54;
	v56 =	vld.idx.msk [tilespmem:v45+s22+$0x0], $0xffff;
	v57 =	vmax.f32 v52, $2.000000030e-01  }
0x758: {  	v31 =	vsub.f32 v12, v31;
	v58 =	vld.idx.msk [tilespmem:v47+s22+$0x0], $0xffff;
	[tilespmem:s13+$0xFFFFFFB0] =	vst v57;
	v59 =	vmax.f32 v55, $2.000000030e-01  }
0x759: {  	v32 =	vsub.f32 v12, v32;
	v35 =	vld.idx.msk [tilespmem:v49+s22+$0x0], $0xffff;
	[tilespmem:s13+$0xFFFFFF30] =	vst v59  }
0x75a: {  	v31 =	vmul.f32 $1.442695020e+00, v31;
	v25 =	vmul.f32 $1.000000000e+01, v25;
	v36 =	vld.idx.msk [tilespmem:v53+s22+$0x0], $0xffff  }
0x75b: {  	v32 =	vmul.f32 $1.442695020e+00, v32;
	v33 =	vmul.f32 $1.000000000e+01, v33  }
0x75c: {  	(erf) = vpow2.f32 v31;
	v60 =	vmul.f32 $1.000000000e+01, v56;
	v25 =	vsub.f32 v12, v25  }
0x75d: {  	(erf) = vpow2.f32 v32;
	v61 =	vsub.f32 v7, v33;
	v62 =	vmul.f32 $1.000000000e+01, v58  }
0x75e: {  	v31 =	vsub.f32 v7, v60;
	v63 =	vmul.f32 $1.000000000e+01, v35;
	v25 =	vmul.f32 $1.442695020e+00, v25  }
0x75f: {  	v32 =	vmul.f32 $1.442695020e+00, v61;
	v33 =	vsub.f32 v12, v62;
	v37 =	vmul.f32 $1.000000000e+01, v36  }
0x760: {  	v31 =	vmul.f32 $1.442695020e+00, v31;
	v38 =	vsub.f32 v7, v63;
	(erf) = vpow2.f32 v25  }
0x761: {  	v39 =	vmul.f32 $1.442695020e+00, v33;
	(erf) = vpow2.f32 v32;
	v40 =	vsub.f32 v7, v37  }
0x762: {  	v25 =	vmul.f32 $1.442695020e+00, v38;
	(erf) = vpow2.f32 v31  }
0x763: {  	(erf) = vpow2.f32 v39;
	v41 =	vmul.f32 $1.442695020e+00, v40  }
0x764: {  	(erf) = vpow2.f32 v25  }
0x765: {  	(erf) = vpow2.f32 v41  }
0x766: {  	v42 =	vpop (erf)  }
0x767: {  	v43 =	vpop (erf)  }
0x768: {  	v44 =	vadd.s32 s18, v2;
	v31 =	vsub.f32 $1.000000000e+00, v43  }
0x769: {  	v25 =	vsub.f32 $1.000000000e+00, v42;
	v45 =	vpop (erf)  }
0x76a: {  	v31 =	vmax.f32 v31, $2.000000030e-01;
	v47 =	vpop (erf)  }
0x76b: {  	v46 =	vadd.s32 s5, v2;
	[tilespmem:s2+$0xFFFFFF60] =	vst v31;
	v25 =	vmax.f32 v25, $2.000000030e-01;
	v49 =	vpop (erf)  }
0x76c: {  	v48 =	vadd.s32 s11, v6;
	v50 =	vld.idx.msk [tilespmem:v26+s22+$0x0], $0xffff;
	[tilespmem:s2+$0xE0] =	vst v25;
	v33 =	vsub.f32 $1.000000000e+00, v45;
	v52 =	vpop (erf)  }
0x76d: {  	v53 =	vadd.s32 s3, v2;
	v32 =	vld.idx.msk [tilespmem:v44+s22+$0x0], $0xffff;
	v51 =	vsub.f32 $1.000000000e+00, v49;
	v54 =	vpop (erf)  }
0x76e: {  	v56 =	vadd.s32 s16, v6;
	v33 =	vmax.f32 v33, $2.000000030e-01;
	v55 =	vsub.f32 $1.000000000e+00, v52;
	v57 =	vpop (erf)  }
0x76f: {  	v59 =	vadd.s32 s9, v6;
	[tilespmem:s2+$0x60] =	vst v33;
	v26 =	vmax.f32 v51, $2.000000030e-01;
	v58 =	vsub.f32 $1.000000000e+00, v57  }
0x770: {  	v60 =	vsub.f32 $1.000000000e+00, v47;
	v34 =	vld.idx.msk [tilespmem:v46+s22+$0x0], $0xffff;
	[tilespmem:s13+$0xC0] =	vst v26;
	v33 =	vmax.f32 v55, $2.000000030e-01  }
0x771: {  	v25 =	vmul.f32 $1.000000000e+01, v50;
	v63 =	vsub.f32 $1.000000000e+00, v54;
	v31 =	vld.idx.msk [tilespmem:v48+s22+$0x0], $0xffff;
	[tilespmem:s2+$0xFFFFFFE0] =	vst v33;
	v26 =	vmax.f32 v58, $2.000000030e-01  }
0x772: {  	v32 =	vmul.f32 $1.000000000e+01, v32;
	v62 =	vmax.f32 v60, $2.000000030e-01;
	v61 =	vld.idx.msk [tilespmem:v53+s22+$0x0], $0xffff;
	[tilespmem:s13+$0xFFFFFF40] =	vst v26  }
0x773: {  	v25 =	vsub.f32 v11, v25;
	[tilespmem:s13+$0x40] =	vst v62;
	v33 =	vmax.f32 v63, $2.000000030e-01;
	v36 =	vld.idx.msk [tilespmem:v56+s22+$0x0], $0xffff  }
0x774: {  	v32 =	vsub.f32 v11, v32;
	v40 =	vld.idx.msk [tilespmem:v59+s22+$0x0], $0xffff;
	[tilespmem:s13+$0xFFFFFFC0] =	vst v33  }
0x775: {  	v25 =	vmul.f32 $1.442695020e+00, v25;
	v24 =	vld.idx.msk [tilespmem:v24+s22+$0x0], $0xffff;
	v38 =	vmul.f32 $1.000000000e+01, v34  }
0x776: {  	v32 =	vmul.f32 $1.442695020e+00, v32;
	v31 =	vmul.f32 $1.000000000e+01, v31  }
0x777: {  	(erf) = vpow2.f32 v25;
	v26 =	vsub.f32 v11, v38;
	v41 =	vmul.f32 $1.000000000e+01, v61  }
0x778: {  	(erf) = vpow2.f32 v32;
	v31 =	vsub.f32 v9, v31;
	v42 =	vmul.f32 $1.000000000e+01, v36  }
0x779: {  	v43 =	vmul.f32 $1.000000000e+01, v40;
	v26 =	vmul.f32 $1.442695020e+00, v26;
	v25 =	vsub.f32 v11, v41  }
0x77a: {  	v24 =	vmul.f32 $1.000000000e+01, v24;
	v31 =	vmul.f32 $1.442695020e+00, v31;
	v44 =	vsub.f32 v9, v42  }
0x77b: {  	v45 =	vsub.f32 v9, v43;
	(erf) = vpow2.f32 v26;
	v25 =	vmul.f32 $1.442695020e+00, v25  }
0x77c: {  	(erf) = vpow2.f32 v31;
	v26 =	vmul.f32 $1.442695020e+00, v44  }
0x77d: {  	v24 =	vsub.f32 v9, v24;
	(erf) = vpow2.f32 v25;
	v25 =	vmul.f32 $1.442695020e+00, v45  }
0x77e: {  	(erf) = vpow2.f32 v26  }
0x77f: {  	v24 =	vmul.f32 $1.442695020e+00, v24  }
0x780: {  	(erf) = vpow2.f32 v25  }
0x781: {  	v25 =	vpop (erf);
	(erf) = vpow2.f32 v24;
	_ =	sdelay $0x1  }
0x782: {  	v24 =	vpop (erf)  }
0x783: {  	v26 =	vpop (erf)  }
0x784: {  	v31 =	vpop (erf)  }
0x785: {  	v46 =	vadd.s32 s11, v4;
	v33 =	vpop (erf)  }
0x786: {  	v47 =	vadd.s32 s16, v4;
	v31 =	vsub.f32 $1.000000000e+00, v31;
	v48 =	vpop (erf)  }
0x787: {  	v35 =	vsub.f32 $1.000000000e+00, v48  }
0x788: {  	v49 =	vadd.s32 s9, v4;
	v31 =	vmax.f32 v31, $2.000000030e-01;
	v50 =	vpop (erf)  }
0x789: {  	v51 =	vadd.s32 s10, v4;
	[tilespmem:s13+$0xD0] =	vst v31;
	v52 =	vsub.f32 $1.000000000e+00, v50;
	v53 =	vpop (erf);
	v35 =	vmax.f32 v35, $2.000000030e-01  }
0x78a: {  	v32 =	vld.idx.msk [tilespmem:v46+s22+$0x0], $0xffff;
	v36 =	vsub.f32 $1.000000000e+00, v53;
	[tilespmem:s13+$0xFFFFFF50] =	vst v35  }
0x78b: {  	v35 =	vmax.f32 v52, $2.000000030e-01;
	v34 =	vld.idx.msk [tilespmem:v47+s22+$0x0], $0xffff  }
0x78c: {  	[tilespmem:s13+$0x50] =	vst v35;
	v54 =	vmax.f32 v36, $2.000000030e-01  }
0x78d: {  	v31 =	vld.idx.msk [tilespmem:v49+s22+$0x0], $0xffff;
	[tilespmem:s13+$0xFFFFFFD0] =	vst v54  }
0x78e: {  	v35 =	vld.idx.msk [tilespmem:v51+s22+$0x0], $0xffff  }
0x78f: {  	v32 =	vmul.f32 $1.000000000e+01, v32  }
0x790: {  	v34 =	vmul.f32 $1.000000000e+01, v34  }
0x791: {  	v32 =	vsub.f32 v12, v32  }
0x792: {  	v31 =	vmul.f32 $1.000000000e+01, v31;
	v34 =	vsub.f32 v12, v34  }
0x793: {  	v32 =	vmul.f32 $1.442695020e+00, v32;
	v35 =	vmul.f32 $1.000000000e+01, v35  }
0x794: {  	v31 =	vsub.f32 v12, v31;
	v34 =	vmul.f32 $1.442695020e+00, v34  }
0x795: {  	(erf) = vpow2.f32 v32;
	v55 =	vsub.f32 v12, v35  }
0x796: {  	v31 =	vmul.f32 $1.442695020e+00, v31;
	(erf) = vpow2.f32 v34  }
0x797: {  	v32 =	vmul.f32 $1.442695020e+00, v55  }
0x798: {  	(erf) = vpow2.f32 v31  }
0x799: {  	(erf) = vpow2.f32 v32;
	_ =	sdelay $0x4  }
0x79a: {  	v56 =	vpop (erf)  }
0x79b: {  	v57 =	vadd.s32 s16, v2;
	v34 =	vpop (erf)  }
0x79c: {  	v58 =	vadd.s32 s11, v2;
	v34 =	vsub.f32 $1.000000000e+00, v34  }
0x79d: {  	v59 =	vadd.s32 s9, v2;
	v31 =	vsub.f32 $1.000000000e+00, v56;
	v60 =	vpop (erf)  }
0x79e: {  	v61 =	vadd.s32 s10, v2;
	v37 =	vsub.f32 $1.000000000e+00, v60;
	v62 =	vpop (erf);
	v34 =	vmax.f32 v34, $2.000000030e-01  }
0x79f: {  	v31 =	vmax.f32 v31, $2.000000030e-01;
	v40 =	vsub.f32 $1.000000000e+00, v62;
	[tilespmem:s13+$0xFFFFFF60] =	vst v34  }
0x7a0: {  	[tilespmem:s13+$0xE0] =	vst v31;
	v37 =	vmax.f32 v37, $2.000000030e-01;
	v63 =	vld.idx.msk [tilespmem:v57+s22+$0x0], $0xffff  }
0x7a1: {  	v35 =	vld.idx.msk [tilespmem:v58+s22+$0x0], $0xffff;
	[tilespmem:s13+$0x60] =	vst v37;
	v32 =	vmax.f32 v40, $2.000000030e-01  }
0x7a2: {  	v36 =	vld.idx.msk [tilespmem:v59+s22+$0x0], $0xffff;
	[tilespmem:s13+$0xFFFFFFE0] =	vst v32  }
0x7a3: {  	v32 =	vld.idx.msk [tilespmem:v61+s22+$0x0], $0xffff;
	_ =	sdelay $0x1  }
0x7a4: {  	v31 =	vmul.f32 $1.000000000e+01, v63  }
0x7a5: {  	v41 =	vmul.f32 $1.000000000e+01, v35  }
0x7a6: {  	v42 =	vmul.f32 $1.000000000e+01, v36;
	v31 =	vsub.f32 v11, v31  }
0x7a7: {  	v34 =	vsub.f32 v11, v41;
	v32 =	vmul.f32 $1.000000000e+01, v32  }
0x7a8: {  	v35 =	vsub.f32 v11, v42;
	v31 =	vmul.f32 $1.442695020e+00, v31  }
0x7a9: {  	v34 =	vmul.f32 $1.442695020e+00, v34;
	v43 =	vsub.f32 v11, v32  }
0x7aa: {  	v44 =	vmul.f32 $1.442695020e+00, v35;
	(erf) = vpow2.f32 v31  }
0x7ab: {  	v31 =	vmul.f32 $1.442695020e+00, v43;
	(erf) = vpow2.f32 v34  }
0x7ac: {  	v27 =	vsub.f32 $1.000000000e+00, v27;
	(erf) = vpow2.f32 v44  }
0x7ad: {  	v28 =	vsub.f32 $1.000000000e+00, v28;
	(erf) = vpow2.f32 v31  }
0x7ae: {  	v27 =	vmax.f32 v27, $2.000000030e-01;
	v24 =	vsub.f32 $1.000000000e+00, v24  }
0x7af: {  	v28 =	vmax.f32 v28, $2.000000030e-01;
	[tilespmem:s1+$0xFFFFFF70] =	vst v27;
	v29 =	vsub.f32 $1.000000000e+00, v29  }
0x7b0: {  	[tilespmem:s1+$0xF0] =	vst v28;
	v26 =	vsub.f32 $1.000000000e+00, v26;
	v24 =	vmax.f32 v24, $2.000000030e-01  }
0x7b1: {  	v45 =	vsub.f32 $1.000000000e+00, v30;
	[tilespmem:s2+$0xF0] =	vst v24;
	v46 =	vmax.f32 v29, $2.000000030e-01  }
0x7b2: {  	v25 =	vsub.f32 $1.000000000e+00, v25;
	[tilespmem:s1+$0x70] =	vst v46;
	v52 =	vmax.f32 v26, $2.000000030e-01  }
0x7b3: {  	v50 =	vsub.f32 $1.000000000e+00, v33;
	v47 =	vmax.f32 v45, $2.000000030e-01;
	[tilespmem:s2+$0x70] =	vst v52;
	v48 =	vpop (erf)  }
0x7b4: {  	[tilespmem:s1+$0xFFFFFFF0] =	vst v47;
	v49 =	vmax.f32 v25, $2.000000030e-01;
	v51 =	vpop (erf);
	v55 =	vsub.f32 $1.000000000e+00, v48  }
0x7b5: {  	v54 =	vmax.f32 v50, $2.000000030e-01;
	[tilespmem:s2+$0xFFFFFF70] =	vst v49;
	v53 =	vsub.f32 $1.000000000e+00, v51;
	v56 =	vpop (erf)  }
0x7b6: {  	[tilespmem:s2+$0xFFFFFFF0] =	vst v54;
	v58 =	vsub.f32 $1.000000000e+00, v56;
	v59 =	vpop (erf);
	v60 =	vmax.f32 v55, $2.000000030e-01  }
0x7b7: {  	v57 =	vmax.f32 v53, $2.000000030e-01;
	v61 =	vsub.f32 $1.000000000e+00, v59;
	[tilespmem:s13+$0xFFFFFF70] =	vst v60  }
0x7b8: {  	[tilespmem:s13+$0xF0] =	vst v57;
	v62 =	vmax.f32 v58, $2.000000030e-01  }
0x7b9: {  	[tilespmem:s13+$0x70] =	vst v62;
	v63 =	vmax.f32 v61, $2.000000030e-01  }
0x7ba: {  	[tilespmem:s13+$0xFFFFFFF0] =	vst v63  }
0x7bb: {  	v24 =	vld.idx.msk [tilespmem:v16+s22+$0x0], $0xffff;
	_ =	sdelay $0x4  }
0x7bc: {  	v24 =	vmul.f32 $1.000000000e+01, v24;
	_ =	sdelay $0x1  }
0x7bd: {  	v24 =	vsub.f32 v0, v24;
	_ =	sdelay $0x1  }
0x7be: {  	v24 =	vmul.f32 $1.442695020e+00, v24;
	_ =	sdelay $0x1  }
0x7bf: {  	(erf) = vpow2.f32 v24;
	_ =	sdelay $0x8  }
0x7c0: {  	v24 =	vpop (erf)  }
0x7c1: {  	v24 =	vsub.f32 $1.000000000e+00, v24;
	_ =	sdelay $0x1  }
0x7c2: {  	v24 =	vmax.f32 v24, $2.000000030e-01  }
0x7c3: {  	[tilespmem:$0xF980] =	vst v24  }
0x7c4: {  	v24 =	vld.idx.msk [tilespmem:v17+s22+$0x0], $0xffff;
	_ =	sdelay $0x4  }
0x7c5: {  	v24 =	vmul.f32 $1.000000000e+01, v24;
	_ =	sdelay $0x1  }
0x7c6: {  	v24 =	vsub.f32 v1, v24;
	_ =	sdelay $0x1  }
0x7c7: {  	v24 =	vmul.f32 $1.442695020e+00, v24;
	_ =	sdelay $0x1  }
0x7c8: {  	(erf) = vpow2.f32 v24;
	_ =	sdelay $0x8  }
0x7c9: {  	v24 =	vpop (erf)  }
0x7ca: {  	v24 =	vsub.f32 $1.000000000e+00, v24;
	_ =	sdelay $0x1  }
0x7cb: {  	v24 =	vmax.f32 v24, $2.000000030e-01  }
0x7cc: {  	[tilespmem:$0xF990] =	vst v24  }
0x7cd: {  	v24 =	vld.idx.msk [tilespmem:v18+s22+$0x0], $0xffff;
	_ =	sdelay $0x4  }
0x7ce: {  	v24 =	vmul.f32 $1.000000000e+01, v24;
	_ =	sdelay $0x1  }
0x7cf: {  	v24 =	vsub.f32 v3, v24;
	_ =	sdelay $0x1  }
0x7d0: {  	v24 =	vmul.f32 $1.442695020e+00, v24;
	_ =	sdelay $0x1  }
0x7d1: {  	(erf) = vpow2.f32 v24;
	_ =	sdelay $0x8  }
0x7d2: {  	v24 =	vpop (erf)  }
0x7d3: {  	v24 =	vsub.f32 $1.000000000e+00, v24;
	_ =	sdelay $0x1  }
0x7d4: {  	v24 =	vmax.f32 v24, $2.000000030e-01  }
0x7d5: {  	[tilespmem:$0xF9A0] =	vst v24  }
0x7d6: {  	v24 =	vld.idx.msk [tilespmem:v19+s22+$0x0], $0xffff;
	_ =	sdelay $0x4  }
0x7d7: {  	v24 =	vmul.f32 $1.000000000e+01, v24;
	_ =	sdelay $0x1  }
0x7d8: {  	v24 =	vsub.f32 v5, v24;
	_ =	sdelay $0x1  }
0x7d9: {  	v24 =	vmul.f32 $1.442695020e+00, v24;
	_ =	sdelay $0x1  }
0x7da: {  	(erf) = vpow2.f32 v24;
	_ =	sdelay $0x8  }
0x7db: {  	v24 =	vpop (erf)  }
0x7dc: {  	v24 =	vsub.f32 $1.000000000e+00, v24;
	_ =	sdelay $0x1  }
0x7dd: {  	v24 =	vmax.f32 v24, $2.000000030e-01  }
0x7de: {  	[tilespmem:$0xF9B0] =	vst v24  }
0x7df: {  	v24 =	vld.idx.msk [tilespmem:v20+s22+$0x0], $0xffff;
	_ =	sdelay $0x4  }
0x7e0: {  	v24 =	vmul.f32 $1.000000000e+01, v24;
	_ =	sdelay $0x1  }
0x7e1: {  	v24 =	vsub.f32 v7, v24;
	_ =	sdelay $0x1  }
0x7e2: {  	v24 =	vmul.f32 $1.442695020e+00, v24;
	_ =	sdelay $0x1  }
0x7e3: {  	(erf) = vpow2.f32 v24;
	_ =	sdelay $0x8  }
0x7e4: {  	v24 =	vpop (erf)  }
0x7e5: {  	v24 =	vsub.f32 $1.000000000e+00, v24;
	_ =	sdelay $0x1  }
0x7e6: {  	v24 =	vmax.f32 v24, $2.000000030e-01  }
0x7e7: {  	[tilespmem:$0xF9C0] =	vst v24  }
0x7e8: {  	v24 =	vld.idx.msk [tilespmem:v21+s22+$0x0], $0xffff;
	_ =	sdelay $0x4  }
0x7e9: {  	v24 =	vmul.f32 $1.000000000e+01, v24;
	_ =	sdelay $0x1  }
0x7ea: {  	v24 =	vsub.f32 v9, v24;
	_ =	sdelay $0x1  }
0x7eb: {  	v24 =	vmul.f32 $1.442695020e+00, v24;
	_ =	sdelay $0x1  }
0x7ec: {  	(erf) = vpow2.f32 v24;
	_ =	sdelay $0x8  }
0x7ed: {  	v24 =	vpop (erf)  }
0x7ee: {  	v24 =	vsub.f32 $1.000000000e+00, v24;
	_ =	sdelay $0x1  }
0x7ef: {  	v24 =	vmax.f32 v24, $2.000000030e-01  }
0x7f0: {  	[tilespmem:$0xF9D0] =	vst v24  }
0x7f1: {  	v24 =	vld.idx.msk [tilespmem:v22+s22+$0x0], $0xffff;
	_ =	sdelay $0x4  }
0x7f2: {  	v24 =	vmul.f32 $1.000000000e+01, v24;
	_ =	sdelay $0x1  }
0x7f3: {  	v24 =	vsub.f32 v12, v24;
	_ =	sdelay $0x1  }
0x7f4: {  	v24 =	vmul.f32 $1.442695020e+00, v24;
	_ =	sdelay $0x1  }
0x7f5: {  	(erf) = vpow2.f32 v24;
	_ =	sdelay $0x8  }
0x7f6: {  	v24 =	vpop (erf)  }
0x7f7: {  	v24 =	vsub.f32 $1.000000000e+00, v24;
	_ =	sdelay $0x1  }
0x7f8: {  	v24 =	vmax.f32 v24, $2.000000030e-01  }
0x7f9: {  	[tilespmem:$0xF9E0] =	vst v24  }
0x7fa: {  	v24 =	vld.idx.msk [tilespmem:v23+s22+$0x0], $0xffff;
	_ =	sdelay $0x4  }
0x7fb: {  	v24 =	vmul.f32 $1.000000000e+01, v24;
	_ =	sdelay $0x1  }
0x7fc: {  	v24 =	vsub.f32 v11, v24;
	_ =	sdelay $0x1  }
0x7fd: {  	v24 =	vmul.f32 $1.442695020e+00, v24;
	_ =	sdelay $0x1  }
0x7fe: {  	(erf) = vpow2.f32 v24;
	_ =	sdelay $0x7  }
0x7ff: {  	s31 =	sadd.s32 $0x1, s31  }
0x800: {  	p0 =	sne.s32 s31, $0xC;
	v24 =	vpop (erf)  }
.Ltmp4:
0x801: {  	v24 =	vsub.f32 $1.000000000e+00, v24;
	(pc) =	sbr.rel @p0 .LBB2_6-.Ltmp4, $4  }
0x802: {  	_ = 	snop  }
0x803: {  	v24 =	vmax.f32 v24, $2.000000030e-01  }
0x804: {  	s26 =	sadd.s32 s6, s4;
	s30 =	simm.s32 $0xBB80;
	[tilespmem:$0xF9F0] =	vst v24  }
0x805: {  	[hbm4b:s26+s7] =	stream.linear.scatter [tilespmem:s30], [sflag:$0x4], $0x3E80, $0x38;
	[tilespmem:$0x13B80] =	vst v63  }
0x806: {  	_ =	swait.ge [sflag:s23], $0x3E80;
	s19 =	simm.s32 $0x180  }
0x807: {  	s18 =	simm.s32 $0x100;
	[sflag:s23] =	ssyncset.done $0x0;
	v24 =	vadd.s32 s19, v13  }
0x808: {  	v25 =	vadd.s32 s18, v13;
	[sflag:s23] =	ssyncadd.s32 $0xFFFFC180  }
0x809: {  	_ =	swait.ge [sflag:s28], $0x3E80  }
0x80a: {  	[sflag:s28] =	ssyncset.done $0x0  }
0x80b: {  	[sflag:s28] =	ssyncadd.s32 $0xFFFFC180  }
0x80c: {  	v24 =	vld.idx.msk [tilespmem:v24+s7+$0x0], $0xffff  }
0x80d: {  	s17 =	simm.s32 $0x80;
	v25 =	vld.idx.msk [tilespmem:v25+s7+$0x0], $0xffff  }
0x80e: {  	v26 =	vadd.s32 s17, v13;
	_ =	sdelay $0x2  }
0x80f: {  	s13 =	simm.s32 $0x0;
	v24 =	vmul.f32 $1.000000000e+01, v24  }
0x810: {  	v27 =	vadd.s32 s13, v13;
	v25 =	vmul.f32 $1.000000000e+01, v25  }
0x811: {  	v26 =	vld.idx.msk [tilespmem:v26+s7+$0x0], $0xffff;
	v24 =	vsub.f32 v0, v24  }
0x812: {  	v25 =	vsub.f32 v0, v25  }
0x813: {  	v24 =	vmul.f32 $1.442695020e+00, v24  }
0x814: {  	v25 =	vmul.f32 $1.442695020e+00, v25  }
0x815: {  	v27 =	vld.idx.msk [tilespmem:v27+s7+$0x0], $0xffff;
	(erf) = vpow2.f32 v24  }
0x816: {  	v24 =	vmul.f32 $1.000000000e+01, v26;
	(erf) = vpow2.f32 v25;
	_ =	sdelay $0x1  }
0x817: {  	v24 =	vsub.f32 v0, v24;
	_ =	sdelay $0x1  }
0x818: {  	v25 =	vmul.f32 $1.000000000e+01, v27;
	v24 =	vmul.f32 $1.442695020e+00, v24;
	_ =	sdelay $0x1  }
0x819: {  	v25 =	vsub.f32 v0, v25;
	(erf) = vpow2.f32 v24;
	_ =	sdelay $0x1  }
0x81a: {  	v25 =	vmul.f32 $1.442695020e+00, v25;
	v24 =	vadd.s32 s19, v14;
	v26 =	vpop (erf)  }
0x81b: {  	v27 =	vadd.s32 s18, v14;
	v26 =	vsub.f32 $1.000000000e+00, v26;
	v28 =	vpop (erf)  }
0x81c: {  	(erf) = vpow2.f32 v25;
	v25 =	vsub.f32 $1.000000000e+00, v28  }
0x81d: {  	s1 =	simm.s32 $0x7E00;
	v26 =	vmax.f32 v26, $2.000000030e-01  }
0x81e: {  	v25 =	vmax.f32 v25, $2.000000030e-01;
	[tilespmem:s1+$0x80] =	vst v26  }
0x81f: {  	[tilespmem:s1+$0x0] =	vst v25;
	v24 =	vld.idx.msk [tilespmem:v24+s7+$0x0], $0xffff  }
0x820: {  	v25 =	vld.idx.msk [tilespmem:v27+s7+$0x0], $0xffff  }
0x821: {  	v26 =	vadd.s32 s17, v14;
	v27 =	vpop (erf)  }
0x822: {  	v27 =	vsub.f32 $1.000000000e+00, v27;
	_ =	sdelay $0x1  }
0x823: {  	v27 =	vmax.f32 v27, $2.000000030e-01;
	v24 =	vmul.f32 $1.000000000e+01, v24  }
0x824: {  	v28 =	vadd.s32 s13, v14;
	v29 =	vpop (erf);
	[tilespmem:s1+$0xFFFFFF80] =	vst v27;
	v25 =	vmul.f32 $1.000000000e+01, v25  }
0x825: {  	v29 =	vsub.f32 $1.000000000e+00, v29;
	v26 =	vld.idx.msk [tilespmem:v26+s7+$0x0], $0xffff;
	v24 =	vsub.f32 v1, v24  }
0x826: {  	v25 =	vsub.f32 v1, v25  }
0x827: {  	v27 =	vmax.f32 v29, $2.000000030e-01;
	v24 =	vmul.f32 $1.442695020e+00, v24  }
0x828: {  	[tilespmem:s1+$0xFFFFFF00] =	vst v27;
	v25 =	vmul.f32 $1.442695020e+00, v25  }
0x829: {  	v27 =	vld.idx.msk [tilespmem:v28+s7+$0x0], $0xffff;
	(erf) = vpow2.f32 v24  }
0x82a: {  	v24 =	vmul.f32 $1.000000000e+01, v26;
	(erf) = vpow2.f32 v25;
	_ =	sdelay $0x1  }
0x82b: {  	v24 =	vsub.f32 v1, v24;
	_ =	sdelay $0x1  }
0x82c: {  	v25 =	vmul.f32 $1.000000000e+01, v27;
	v24 =	vmul.f32 $1.442695020e+00, v24;
	_ =	sdelay $0x1  }
0x82d: {  	v25 =	vsub.f32 v1, v25;
	(erf) = vpow2.f32 v24;
	_ =	sdelay $0x1  }
0x82e: {  	v25 =	vmul.f32 $1.442695020e+00, v25;
	v24 =	vadd.s32 s19, v15;
	v26 =	vpop (erf)  }
0x82f: {  	v27 =	vadd.s32 s18, v15;
	v26 =	vsub.f32 $1.000000000e+00, v26;
	v28 =	vpop (erf)  }
0x830: {  	(erf) = vpow2.f32 v25;
	v25 =	vsub.f32 $1.000000000e+00, v28  }
0x831: {  	v26 =	vmax.f32 v26, $2.000000030e-01  }
0x832: {  	v25 =	vmax.f32 v25, $2.000000030e-01;
	[tilespmem:s1+$0x90] =	vst v26  }
0x833: {  	[tilespmem:s1+$0x10] =	vst v25;
	v24 =	vld.idx.msk [tilespmem:v24+s7+$0x0], $0xffff  }
0x834: {  	v25 =	vld.idx.msk [tilespmem:v27+s7+$0x0], $0xffff  }
0x835: {  	v26 =	vpop (erf);
	v27 =	vadd.s32 s17, v15  }
0x836: {  	v26 =	vsub.f32 $1.000000000e+00, v26;
	_ =	sdelay $0x1  }
0x837: {  	v26 =	vmax.f32 v26, $2.000000030e-01;
	v24 =	vmul.f32 $1.000000000e+01, v24  }
0x838: {  	v28 =	vadd.s32 s13, v15;
	v29 =	vpop (erf);
	[tilespmem:s1+$0xFFFFFF90] =	vst v26;
	v25 =	vmul.f32 $1.000000000e+01, v25  }
0x839: {  	v29 =	vsub.f32 $1.000000000e+00, v29;
	v27 =	vld.idx.msk [tilespmem:v27+s7+$0x0], $0xffff;
	v24 =	vsub.f32 v3, v24  }
0x83a: {  	v25 =	vsub.f32 v3, v25  }
0x83b: {  	v26 =	vmax.f32 v29, $2.000000030e-01;
	v24 =	vmul.f32 $1.442695020e+00, v24  }
0x83c: {  	[tilespmem:s1+$0xFFFFFF10] =	vst v26;
	v25 =	vmul.f32 $1.442695020e+00, v25  }
0x83d: {  	v26 =	vld.idx.msk [tilespmem:v28+s7+$0x0], $0xffff;
	(erf) = vpow2.f32 v24  }
0x83e: {  	s5 =	simm.s32 $0x380;
	v27 =	vmul.f32 $1.000000000e+01, v27;
	(erf) = vpow2.f32 v25  }
0x83f: {  	v24 =	vadd.s32 s5, v13  }
0x840: {  	v27 =	vsub.f32 v3, v27  }
0x841: {  	s4 =	simm.s32 $0x300  }
0x842: {  	v25 =	vadd.s32 s4, v13;
	v26 =	vmul.f32 $1.000000000e+01, v26;
	v27 =	vmul.f32 $1.442695020e+00, v27;
	_ =	sdelay $0x1  }
0x843: {  	v26 =	vsub.f32 v3, v26;
	v24 =	vld.idx.msk [tilespmem:v24+s7+$0x0], $0xffff;
	_ =	sdelay $0x1  }
0x844: {  	s3 =	simm.s32 $0x280;
	v26 =	vmul.f32 $1.442695020e+00, v26;
	(erf) = vpow2.f32 v27;
	v27 =	vpop (erf)  }
0x845: {  	v28 =	vadd.s32 s3, v13;
	v25 =	vld.idx.msk [tilespmem:v25+s7+$0x0], $0xffff;
	v30 =	vpop (erf)  }
0x846: {  	v29 =	vadd.s32 s18, v10;
	(erf) = vpow2.f32 v26;
	v26 =	vsub.f32 $1.000000000e+00, v30  }
0x847: {  	v24 =	vmul.f32 $1.000000000e+01, v24  }
0x848: {  	s12 =	simm.s32 $0x200;
	v30 =	vadd.s32 s19, v10;
	v26 =	vmax.f32 v26, $2.000000030e-01  }
0x849: {  	v27 =	vsub.f32 $1.000000000e+00, v27;
	v24 =	vsub.f32 v0, v24;
	[tilespmem:s1+$0x20] =	vst v26;
	v26 =	vadd.s32 s12, v13  }
0x84a: {  	v28 =	vld.idx.msk [tilespmem:v28+s7+$0x0], $0xffff;
	v25 =	vmul.f32 $1.000000000e+01, v25  }
0x84b: {  	v27 =	vmax.f32 v27, $2.000000030e-01;
	v24 =	vmul.f32 $1.442695020e+00, v24;
	v29 =	vld.idx.msk [tilespmem:v29+s7+$0x0], $0xffff  }
0x84c: {  	v25 =	vsub.f32 v0, v25;
	[tilespmem:s1+$0xA0] =	vst v27  }
0x84d: {  	(erf) = vpow2.f32 v24;
	v24 =	vld.idx.msk [tilespmem:v30+s7+$0x0], $0xffff  }
0x84e: {  	v25 =	vmul.f32 $1.442695020e+00, v25;
	v26 =	vld.idx.msk [tilespmem:v26+s7+$0x0], $0xffff  }
0x84f: {  	v28 =	vmul.f32 $1.000000000e+01, v28;
	v27 =	vadd.s32 s17, v10;
	v30 =	vpop (erf)  }
0x850: {  	(erf) = vpow2.f32 v25;
	v30 =	vsub.f32 $1.000000000e+00, v30;
	v31 =	vpop (erf);
	v29 =	vmul.f32 $1.000000000e+01, v29  }
0x851: {  	v28 =	vsub.f32 v0, v28;
	v25 =	vadd.s32 s13, v10;
	v31 =	vsub.f32 $1.000000000e+00, v31  }
0x852: {  	v30 =	vmax.f32 v30, $2.000000030e-01;
	v24 =	vmul.f32 $1.000000000e+01, v24;
	v29 =	vsub.f32 v5, v29  }
0x853: {  	v28 =	vmul.f32 $1.442695020e+00, v28;
	[tilespmem:s1+$0xFFFFFFA0] =	vst v30;
	v26 =	vmul.f32 $1.000000000e+01, v26  }
0x854: {  	v30 =	vmax.f32 v31, $2.000000030e-01;
	v27 =	vld.idx.msk [tilespmem:v27+s7+$0x0], $0xffff;
	v24 =	vsub.f32 v5, v24;
	v29 =	vmul.f32 $1.442695020e+00, v29  }
0x855: {  	(erf) = vpow2.f32 v28;
	[tilespmem:s1+$0xFFFFFF20] =	vst v30;
	v26 =	vsub.f32 v0, v26  }
0x856: {  	v25 =	vld.idx.msk [tilespmem:v25+s7+$0x0], $0xffff;
	v24 =	vmul.f32 $1.442695020e+00, v24;
	(erf) = vpow2.f32 v29  }
0x857: {  	v26 =	vmul.f32 $1.442695020e+00, v26  }
0x858: {  	v28 =	vadd.s32 s5, v14;
	v30 =	vadd.s32 s4, v14;
	(erf) = vpow2.f32 v24;
	v29 =	vpop (erf)  }
0x859: {  	v27 =	vmul.f32 $1.000000000e+01, v27;
	v29 =	vsub.f32 $1.000000000e+00, v29;
	v31 =	vpop (erf);
	(erf) = vpow2.f32 v26  }
0x85a: {  	v31 =	vsub.f32 $1.000000000e+00, v31  }
0x85b: {  	s2 =	simm.s32 $0x8000;
	v25 =	vmul.f32 $1.000000000e+01, v25;
	v26 =	vsub.f32 v5, v27;
	v24 =	vmax.f32 v29, $2.000000030e-01  }
0x85c: {  	v27 =	vmax.f32 v31, $2.000000030e-01;
	[tilespmem:s2+$0x80] =	vst v24  }
0x85d: {  	v25 =	vsub.f32 v5, v25;
	v26 =	vmul.f32 $1.442695020e+00, v26;
	[tilespmem:s2+$0x0] =	vst v27;
	v24 =	vld.idx.msk [tilespmem:v28+s7+$0x0], $0xffff  }
0x85e: {  	v28 =	vpop (erf);
	v27 =	vld.idx.msk [tilespmem:v30+s7+$0x0], $0xffff  }
0x85f: {  	v25 =	vmul.f32 $1.442695020e+00, v25;
	(erf) = vpow2.f32 v26;
	v28 =	vsub.f32 $1.000000000e+00, v28;
	v29 =	vpop (erf)  }
0x860: {  	v26 =	vadd.s32 s3, v14;
	v29 =	vsub.f32 $1.000000000e+00, v29  }
0x861: {  	(erf) = vpow2.f32 v25;
	v25 =	vadd.s32 s18, v8;
	v28 =	vmax.f32 v28, $2.000000030e-01;
	v31 =	vpop (erf)  }
0x862: {  	[tilespmem:s2+$0xFFFFFF80] =	vst v28;
	v28 =	vsub.f32 $1.000000000e+00, v31;
	v24 =	vmul.f32 $1.000000000e+01, v24;
	v29 =	vmax.f32 v29, $2.000000030e-01;
	v32 =	vpop (erf)  }
0x863: {  	v30 =	vadd.s32 s19, v8;
	v27 =	vmul.f32 $1.000000000e+01, v27;
	[tilespmem:s1+$0x30] =	vst v29;
	v29 =	vsub.f32 $1.000000000e+00, v32  }
0x864: {  	v31 =	vadd.s32 s12, v14;
	v28 =	vmax.f32 v28, $2.000000030e-01;
	v24 =	vsub.f32 v1, v24  }
0x865: {  	v26 =	vld.idx.msk [tilespmem:v26+s7+$0x0], $0xffff;
	[tilespmem:s1+$0xB0] =	vst v28;
	v27 =	vsub.f32 v1, v27;
	v28 =	vmax.f32 v29, $2.000000030e-01  }
0x866: {  	v25 =	vld.idx.msk [tilespmem:v25+s7+$0x0], $0xffff;
	v24 =	vmul.f32 $1.442695020e+00, v24  }
0x867: {  	v27 =	vmul.f32 $1.442695020e+00, v27  }
0x868: {  	v29 =	vadd.s32 s17, v8;
	[tilespmem:s2+$0xFFFFFF00] =	vst v28;
	(erf) = vpow2.f32 v24;
	v24 =	vld.idx.msk [tilespmem:v30+s7+$0x0], $0xffff;
	v28 =	vpop (erf)  }
0x869: {  	(erf) = vpow2.f32 v27;
	v27 =	vld.idx.msk [tilespmem:v31+s7+$0x0], $0xffff;
	v28 =	vsub.f32 $1.000000000e+00, v28  }
0x86a: {  	v26 =	vmul.f32 $1.000000000e+01, v26  }
0x86b: {  	v30 =	vadd.s32 s13, v8;
	v25 =	vmul.f32 $1.000000000e+01, v25;
	v31 =	vpop (erf);
	v28 =	vmax.f32 v28, $2.000000030e-01  }
0x86c: {  	v26 =	vsub.f32 v1, v26;
	v31 =	vsub.f32 $1.000000000e+00, v31;
	[tilespmem:s1+$0xFFFFFFB0] =	vst v28  }
0x86d: {  	v25 =	vsub.f32 v7, v25;
	v24 =	vmul.f32 $1.000000000e+01, v24;
	v29 =	vld.idx.msk [tilespmem:v29+s7+$0x0], $0xffff  }
0x86e: {  	v26 =	vmul.f32 $1.442695020e+00, v26;
	v28 =	vmax.f32 v31, $2.000000030e-01;
	v27 =	vmul.f32 $1.000000000e+01, v27  }
0x86f: {  	v25 =	vmul.f32 $1.442695020e+00, v25;
	[tilespmem:s1+$0xFFFFFF30] =	vst v28;
	v24 =	vsub.f32 v7, v24  }
0x870: {  	(erf) = vpow2.f32 v26;
	v26 =	vadd.s32 s5, v15;
	v28 =	vld.idx.msk [tilespmem:v30+s7+$0x0], $0xffff;
	v27 =	vsub.f32 v1, v27  }
0x871: {  	v30 =	vadd.s32 s4, v15;
	(erf) = vpow2.f32 v25;
	v31 =	vpop (erf);
	v24 =	vmul.f32 $1.442695020e+00, v24  }
0x872: {  	v25 =	vsub.f32 $1.000000000e+00, v31;
	v31 =	vpop (erf);
	v27 =	vmul.f32 $1.442695020e+00, v27;
	v29 =	vmul.f32 $1.000000000e+01, v29  }
0x873: {  	v31 =	vsub.f32 $1.000000000e+00, v31;
	(erf) = vpow2.f32 v24  }
0x874: {  	v24 =	vmax.f32 v25, $2.000000030e-01;
	(erf) = vpow2.f32 v27;
	v27 =	vsub.f32 v7, v29  }
0x875: {  	v25 =	vmul.f32 $1.000000000e+01, v28;
	v28 =	vmax.f32 v31, $2.000000030e-01;
	[tilespmem:s2+$0x90] =	vst v24  }
0x876: {  	[tilespmem:s2+$0x10] =	vst v28;
	v24 =	vld.idx.msk [tilespmem:v26+s7+$0x0], $0xffff;
	v27 =	vmul.f32 $1.442695020e+00, v27  }
0x877: {  	v25 =	vsub.f32 v7, v25;
	v26 =	vld.idx.msk [tilespmem:v30+s7+$0x0], $0xffff;
	_ =	sdelay $0x1  }
0x878: {  	v25 =	vmul.f32 $1.442695020e+00, v25  }
0x879: {  	(erf) = vpow2.f32 v27;
	v27 =	vpop (erf)  }
0x87a: {  	(erf) = vpow2.f32 v25;
	v24 =	vmul.f32 $1.000000000e+01, v24;
	v25 =	vsub.f32 $1.000000000e+00, v27;
	v28 =	vpop (erf)  }
0x87b: {  	v27 =	vadd.s32 s3, v15;
	v26 =	vmul.f32 $1.000000000e+01, v26;
	v30 =	vpop (erf)  }
0x87c: {  	v24 =	vsub.f32 v3, v24;
	v25 =	vmax.f32 v25, $2.000000030e-01;
	v55 =	vpop (erf)  }
0x87d: {  	v29 =	vadd.s32 s19, v6;
	v26 =	vsub.f32 v3, v26;
	[tilespmem:s2+$0xFFFFFF90] =	vst v25;
	v25 =	vsub.f32 $1.000000000e+00, v55  }
0x87e: {  	v31 =	vadd.s32 s12, v15;
	v30 =	vsub.f32 $1.000000000e+00, v30;
	v24 =	vmul.f32 $1.442695020e+00, v24  }
0x87f: {  	v26 =	vmul.f32 $1.442695020e+00, v26;
	v25 =	vmax.f32 v25, $2.000000030e-01  }
0x880: {  	s9 =	simm.s32 $0x500;
	v30 =	vmax.f32 v30, $2.000000030e-01;
	v27 =	vld.idx.msk [tilespmem:v27+s7+$0x0], $0xffff;
	(erf) = vpow2.f32 v24  }
0x881: {  	s11 =	simm.s32 $0x580;
	v56 =	vadd.s32 s9, v13;
	[tilespmem:s1+$0xC0] =	vst v30;
	(erf) = vpow2.f32 v26  }
0x882: {  	v33 =	vadd.s32 s17, v6;
	v34 =	vadd.s32 s11, v13;
	[tilespmem:s2+$0xFFFFFF10] =	vst v25;
	v24 =	vld.idx.msk [tilespmem:v29+s7+$0x0], $0xffff;
	v25 =	vpop (erf)  }
0x883: {  	s16 =	simm.s32 $0x400;
	v35 =	vadd.s32 s5, v10;
	v28 =	vsub.f32 $1.000000000e+00, v28;
	v29 =	vadd.s32 s13, v6;
	v26 =	vld.idx.msk [tilespmem:v31+s7+$0x0], $0xffff;
	v30 =	vpop (erf)  }
0x884: {  	v57 =	vadd.s32 s4, v10;
	v59 =	vadd.s32 s16, v13;
	v30 =	vsub.f32 $1.000000000e+00, v30  }
0x885: {  	v60 =	vadd.s32 s12, v10;
	v28 =	vmax.f32 v28, $2.000000030e-01;
	v27 =	vmul.f32 $1.000000000e+01, v27  }
0x886: {  	v38 =	vadd.s32 s3, v10;
	[tilespmem:s1+$0x40] =	vst v28;
	v31 =	vadd.s32 s18, v6;
	v30 =	vmax.f32 v30, $2.000000030e-01  }
0x887: {  	s10 =	simm.s32 $0x480;
	v28 =	vsub.f32 $1.000000000e+00, v25;
	v24 =	vmul.f32 $1.000000000e+01, v24;
	v27 =	vsub.f32 v3, v27;
	[tilespmem:s1+$0xFFFFFF40] =	vst v30  }
0x888: {  	v63 =	vadd.s32 s19, v4;
	v26 =	vmul.f32 $1.000000000e+01, v26;
	v30 =	vadd.s32 s10, v13;
	v29 =	vld.idx.msk [tilespmem:v29+s7+$0x0], $0xffff  }
0x889: {  	v32 =	vld.idx.msk [tilespmem:v56+s7+$0x0], $0xffff;
	v28 =	vmax.f32 v28, $2.000000030e-01;
	v24 =	vsub.f32 v9, v24;
	v27 =	vmul.f32 $1.442695020e+00, v27;
	v36 =	vpop (erf)  }
0x88a: {  	v44 =	vadd.s32 s9, v14;
	v47 =	vadd.s32 s10, v14;
	[tilespmem:s1+$0xFFFFFFC0] =	vst v28;
	v28 =	vld.idx.msk [tilespmem:v34+s7+$0x0], $0xffff;
	v26 =	vsub.f32 v3, v26;
	v37 =	vpop (erf)  }
0x88b: {  	v31 =	vld.idx.msk [tilespmem:v31+s7+$0x0], $0xffff;
	v24 =	vmul.f32 $1.442695020e+00, v24;
	(erf) = vpow2.f32 v27;
	v27 =	vsub.f32 $1.000000000e+00, v37  }
0x88c: {  	v48 =	vadd.s32 s4, v8;
	v53 =	vadd.s32 s5, v8;
	v33 =	vld.idx.msk [tilespmem:v33+s7+$0x0], $0xffff;
	v26 =	vmul.f32 $1.442695020e+00, v26  }
0x88d: {  	(erf) = vpow2.f32 v24;
	v30 =	vld.idx.msk [tilespmem:v30+s7+$0x0], $0xffff;
	v58 =	vmax.f32 v27, $2.000000030e-01;
	v29 =	vmul.f32 $1.000000000e+01, v29  }
0x88e: {  	v32 =	vmul.f32 $1.000000000e+01, v32;
	v36 =	vsub.f32 $1.000000000e+00, v36;
	(erf) = vpow2.f32 v26;
	[tilespmem:s2+$0x20] =	vst v58  }
0x88f: {  	v56 =	vadd.s32 s16, v14;
	v28 =	vmul.f32 $1.000000000e+01, v28;
	v34 =	vld.idx.msk [tilespmem:v57+s7+$0x0], $0xffff;
	v29 =	vsub.f32 v9, v29  }
0x890: {  	v32 =	vsub.f32 v0, v32;
	v25 =	vadd.s32 s3, v6;
	v24 =	vmax.f32 v36, $2.000000030e-01  }
0x891: {  	v31 =	vmul.f32 $1.000000000e+01, v31;
	v36 =	vld.idx.msk [tilespmem:v59+s7+$0x0], $0xffff;
	[tilespmem:s2+$0xA0] =	vst v24;
	v28 =	vsub.f32 v0, v28;
	v29 =	vmul.f32 $1.442695020e+00, v29  }
0x892: {  	v59 =	vadd.s32 s3, v8;
	v33 =	vmul.f32 $1.000000000e+01, v33;
	v35 =	vld.idx.msk [tilespmem:v35+s7+$0x0], $0xffff;
	v30 =	vmul.f32 $1.000000000e+01, v30  }
0x893: {  	v26 =	vadd.s32 s13, v2;
	v28 =	vmul.f32 $1.442695020e+00, v28;
	(erf) = vpow2.f32 v29  }
0x894: {  	v29 =	vsub.f32 v0, v30;
	v30 =	vmul.f32 $1.442695020e+00, v32;
	v61 =	vpop (erf);
	v34 =	vmul.f32 $1.000000000e+01, v34  }
0x895: {  	v31 =	vsub.f32 v9, v31;
	v32 =	vsub.f32 $1.000000000e+00, v61;
	(erf) = vpow2.f32 v28  }
0x896: {  	v39 =	vpop (erf);
	v29 =	vmul.f32 $1.442695020e+00, v29;
	(erf) = vpow2.f32 v30;
	v30 =	vsub.f32 v5, v34  }
0x897: {  	v31 =	vmul.f32 $1.442695020e+00, v31;
	v35 =	vmul.f32 $1.000000000e+01, v35;
	v62 =	vpop (erf);
	v32 =	vmax.f32 v32, $2.000000030e-01  }
0x898: {  	(erf) = vpow2.f32 v29;
	v29 =	vsub.f32 $1.000000000e+00, v62;
	v30 =	vmul.f32 $1.442695020e+00, v30  }
0x899: {  	v36 =	vmul.f32 $1.000000000e+01, v36;
	v28 =	vsub.f32 v5, v35;
	v40 =	vsub.f32 $1.000000000e+00, v39;
	[tilespmem:s2+$0xFFFFFFA0] =	vst v32  }
0x89a: {  	v33 =	vsub.f32 v9, v33;
	v32 =	vld.idx.msk [tilespmem:v38+s7+$0x0], $0xffff;
	v29 =	vmax.f32 v29, $2.000000030e-01;
	(erf) = vpow2.f32 v30  }
0x89b: {  	v36 =	vsub.f32 v0, v36;
	v28 =	vmul.f32 $1.442695020e+00, v28;
	v35 =	vmax.f32 v40, $2.000000030e-01;
	[tilespmem:s2+$0xFFFFFF20] =	vst v29  }
0x89c: {  	v30 =	vmul.f32 $1.442695020e+00, v33;
	v29 =	vadd.s32 s13, v4;
	(erf) = vpow2.f32 v31;
	v41 =	vld.idx.msk [tilespmem:v60+s7+$0x0], $0xffff;
	v31 =	vpop (erf)  }
0x89d: {  	v27 =	vadd.s32 s17, v4;
	[tilespmem:s1+$0xD0] =	vst v35;
	(erf) = vpow2.f32 v28;
	v28 =	vsub.f32 $1.000000000e+00, v31  }
0x89e: {  	v42 =	vmul.f32 $1.442695020e+00, v36;
	v34 =	vld.idx.msk [tilespmem:v63+s7+$0x0], $0xffff;
	(erf) = vpow2.f32 v30;
	v31 =	vadd.s32 s11, v14;
	v43 =	vpop (erf)  }
0x89f: {  	v32 =	vmul.f32 $1.000000000e+01, v32;
	v36 =	vsub.f32 $1.000000000e+00, v43;
	v45 =	vpop (erf);
	v28 =	vmax.f32 v28, $2.000000030e-01  }
0x8a0: {  	v24 =	vadd.s32 s10, v6;
	(erf) = vpow2.f32 v42;
	[tilespmem:s1+$0xFFFFFF50] =	vst v28;
	v28 =	vsub.f32 $1.000000000e+00, v45  }
0x8a1: {  	s13 =	simm.s32 $0x8200;
	v32 =	vsub.f32 v5, v32;
	v46 =	vpop (erf);
	v33 =	vmul.f32 $1.000000000e+01, v41;
	v36 =	vmax.f32 v36, $2.000000030e-01;
	v29 =	vld.idx.msk [tilespmem:v29+s7+$0x0], $0xffff  }
0x8a2: {  	v62 =	vadd.s32 s19, v2;
	v35 =	vsub.f32 $1.000000000e+00, v46;
	[tilespmem:s13+$0x80] =	vst v36;
	v28 =	vmax.f32 v28, $2.000000030e-01  }
0x8a3: {  	v32 =	vmul.f32 $1.442695020e+00, v32;
	v33 =	vsub.f32 v5, v33;
	v49 =	vpop (erf);
	[tilespmem:s13+$0x0] =	vst v28;
	v28 =	vld.idx.msk [tilespmem:v31+s7+$0x0], $0xffff;
	v31 =	vmul.f32 $1.000000000e+01, v34  }
0x8a4: {  	v30 =	vadd.s32 s18, v4;
	v35 =	vmax.f32 v35, $2.000000030e-01;
	v50 =	vsub.f32 $1.000000000e+00, v49  }
0x8a5: {  	(erf) = vpow2.f32 v32;
	v51 =	vpop (erf);
	[tilespmem:s13+$0xFFFFFF80] =	vst v35;
	v52 =	vld.idx.msk [tilespmem:v44+s7+$0x0], $0xffff;
	v33 =	vmul.f32 $1.442695020e+00, v33;
	v31 =	vsub.f32 v12, v31  }
0x8a6: {  	v54 =	vpop (erf);
	v32 =	vsub.f32 $1.000000000e+00, v51;
	v38 =	vld.idx.msk [tilespmem:v47+s7+$0x0], $0xffff;
	v34 =	vmax.f32 v50, $2.000000030e-01;
	v29 =	vmul.f32 $1.000000000e+01, v29  }
0x8a7: {  	v39 =	vsub.f32 $1.000000000e+00, v54;
	v55 =	vpop (erf);
	(erf) = vpow2.f32 v33;
	[tilespmem:s2+$0x30] =	vst v34;
	v31 =	vmul.f32 $1.442695020e+00, v31  }
0x8a8: {  	v32 =	vmax.f32 v32, $2.000000030e-01;
	v33 =	vsub.f32 $1.000000000e+00, v55;
	v36 =	vld.idx.msk [tilespmem:v48+s7+$0x0], $0xffff;
	v28 =	vmul.f32 $1.000000000e+01, v28  }
0x8a9: {  	v39 =	vmax.f32 v39, $2.000000030e-01;
	[tilespmem:s1+$0x50] =	vst v32;
	v40 =	vpop (erf);
	v29 =	vsub.f32 v12, v29;
	(erf) = vpow2.f32 v31  }
0x8aa: {  	[tilespmem:s2+$0xB0] =	vst v39;
	v30 =	vld.idx.msk [tilespmem:v30+s7+$0x0], $0xffff;
	v31 =	vsub.f32 $1.000000000e+00, v40;
	v35 =	vmul.f32 $1.000000000e+01, v52;
	v28 =	vsub.f32 v1, v28  }
0x8ab: {  	v33 =	vmax.f32 v33, $2.000000030e-01;
	v57 =	vld.idx.msk [tilespmem:v53+s7+$0x0], $0xffff;
	v29 =	vmul.f32 $1.442695020e+00, v29;
	v58 =	vmul.f32 $1.000000000e+01, v38  }
0x8ac: {  	[tilespmem:s1+$0xFFFFFFD0] =	vst v33;
	v31 =	vmax.f32 v31, $2.000000030e-01;
	v35 =	vsub.f32 v1, v35;
	v28 =	vmul.f32 $1.442695020e+00, v28  }
0x8ad: {  	v27 =	vld.idx.msk [tilespmem:v27+s7+$0x0], $0xffff;
	(erf) = vpow2.f32 v29;
	[tilespmem:s13+$0xFFFFFF00] =	vst v31;
	v29 =	vsub.f32 v1, v58;
	v40 =	vmul.f32 $1.000000000e+01, v36  }
0x8ae: {  	v41 =	vadd.s32 s9, v15;
	v60 =	vpop (erf);
	v31 =	vmul.f32 $1.442695020e+00, v35;
	v32 =	vld.idx.msk [tilespmem:v56+s7+$0x0], $0xffff;
	(erf) = vpow2.f32 v28  }
0x8af: {  	v61 =	vsub.f32 $1.000000000e+00, v60;
	v28 =	vmul.f32 $1.000000000e+01, v30;
	v29 =	vmul.f32 $1.442695020e+00, v29  }
0x8b0: {  	v30 =	vadd.s32 s12, v8;
	(erf) = vpow2.f32 v31;
	v31 =	vmul.f32 $1.000000000e+01, v57;
	v39 =	vpop (erf)  }
0x8b1: {  	v63 =	vmax.f32 v61, $2.000000030e-01;
	v34 =	vsub.f32 $1.000000000e+00, v39;
	v28 =	vsub.f32 v12, v28  }
0x8b2: {  	v27 =	vmul.f32 $1.000000000e+01, v27;
	[tilespmem:s2+$0xFFFFFFB0] =	vst v63;
	(erf) = vpow2.f32 v29;
	v29 =	vsub.f32 v7, v40  }
0x8b3: {  	v42 =	vld.idx.msk [tilespmem:v59+s7+$0x0], $0xffff;
	v34 =	vmax.f32 v34, $2.000000030e-01;
	v32 =	vmul.f32 $1.000000000e+01, v32;
	v28 =	vmul.f32 $1.442695020e+00, v28  }
0x8b4: {  	v45 =	vadd.s32 s11, v15;
	v31 =	vsub.f32 v7, v31;
	v27 =	vsub.f32 v12, v27;
	[tilespmem:s2+$0xFFFFFF30] =	vst v34  }
0x8b5: {  	v43 =	vpop (erf);
	v29 =	vmul.f32 $1.442695020e+00, v29;
	v30 =	vld.idx.msk [tilespmem:v30+s7+$0x0], $0xffff;
	v32 =	vsub.f32 v1, v32;
	(erf) = vpow2.f32 v28  }
0x8b6: {  	v44 =	vsub.f32 $1.000000000e+00, v43;
	v27 =	vmul.f32 $1.442695020e+00, v27;
	v28 =	vmul.f32 $1.442695020e+00, v31;
	v46 =	vpop (erf)  }
0x8b7: {  	(erf) = vpow2.f32 v29;
	v29 =	vsub.f32 $1.000000000e+00, v46;
	v31 =	vmul.f32 $1.442695020e+00, v32  }
0x8b8: {  	v34 =	vmax.f32 v44, $2.000000030e-01;
	v36 =	vmul.f32 $1.000000000e+01, v42;
	v47 =	vpop (erf);
	(erf) = vpow2.f32 v28  }
0x8b9: {  	[tilespmem:s1+$0xE0] =	vst v34;
	v32 =	vsub.f32 $1.000000000e+00, v47;
	v48 =	vpop (erf);
	v28 =	vmax.f32 v29, $2.000000030e-01;
	(erf) = vpow2.f32 v31  }
0x8ba: {  	v51 =	vadd.s32 s17, v2;
	v29 =	vsub.f32 $1.000000000e+00, v48;
	[tilespmem:s1+$0xFFFFFF60] =	vst v28;
	v28 =	vld.idx.msk [tilespmem:v62+s7+$0x0], $0xffff;
	v30 =	vmul.f32 $1.000000000e+01, v30  }
0x8bb: {  	v49 =	vsub.f32 v7, v36;
	v50 =	vpop (erf);
	(erf) = vpow2.f32 v27;
	v31 =	vmax.f32 v32, $2.000000030e-01;
	v26 =	vld.idx.msk [tilespmem:v26+s7+$0x0], $0xffff  }
0x8bc: {  	v52 =	vadd.s32 s5, v6;
	v29 =	vmax.f32 v29, $2.000000030e-01;
	[tilespmem:s13+$0x90] =	vst v31;
	v30 =	vsub.f32 v7, v30  }
0x8bd: {  	v53 =	vadd.s32 s18, v2;
	v32 =	vmul.f32 $1.442695020e+00, v49;
	v31 =	vadd.s32 s10, v15;
	[tilespmem:s13+$0x10] =	vst v29;
	v29 =	vld.idx.msk [tilespmem:v45+s7+$0x0], $0xffff  }
0x8be: {  	v56 =	vadd.s32 s4, v6;
	v27 =	vsub.f32 $1.000000000e+00, v50;
	v33 =	vld.idx.msk [tilespmem:v41+s7+$0x0], $0xffff;
	v30 =	vmul.f32 $1.442695020e+00, v30;
	v54 =	vpop (erf)  }
0x8bf: {  	(erf) = vpow2.f32 v32;
	v55 =	vsub.f32 $1.000000000e+00, v54;
	v28 =	vmul.f32 $1.000000000e+01, v28  }
0x8c0: {  	v27 =	vmax.f32 v27, $2.000000030e-01;
	v57 =	vpop (erf);
	(erf) = vpow2.f32 v30;
	v26 =	vmul.f32 $1.000000000e+01, v26  }
0x8c1: {  	[tilespmem:s13+$0xFFFFFF90] =	vst v27;
	v27 =	vsub.f32 $1.000000000e+00, v57;
	v30 =	vadd.s32 s16, v15;
	v58 =	vpop (erf);
	v32 =	vmax.f32 v55, $2.000000030e-01  }
0x8c2: {  	v31 =	vld.idx.msk [tilespmem:v31+s7+$0x0], $0xffff;
	v28 =	vsub.f32 v11, v28;
	v29 =	vmul.f32 $1.000000000e+01, v29;
	v59 =	vpop (erf);
	v26 =	vsub.f32 v11, v26  }
0x8c3: {  	v27 =	vmax.f32 v27, $2.000000030e-01;
	[tilespmem:s1+$0x60] =	vst v32;
	v60 =	vsub.f32 $1.000000000e+00, v59;
	v33 =	vmul.f32 $1.000000000e+01, v33  }
0x8c4: {  	[tilespmem:s2+$0x40] =	vst v27;
	v27 =	vsub.f32 $1.000000000e+00, v58;
	v35 =	vld.idx.msk [tilespmem:v53+s7+$0x0], $0xffff;
	v61 =	vpop (erf);
	v29 =	vsub.f32 v3, v29;
	v26 =	vmul.f32 $1.442695020e+00, v26  }
0x8c5: {  	v28 =	vmul.f32 $1.442695020e+00, v28;
	v37 =	vld.idx.msk [tilespmem:v56+s7+$0x0], $0xffff;
	v38 =	vsub.f32 $1.000000000e+00, v61;
	v32 =	vmax.f32 v60, $2.000000030e-01  }
0x8c6: {  	v33 =	vsub.f32 v3, v33;
	v62 =	vmul.f32 $1.442695020e+00, v29;
	(erf) = vpow2.f32 v26  }
0x8c7: {  	v26 =	vmax.f32 v27, $2.000000030e-01;
	v31 =	vmul.f32 $1.000000000e+01, v31;
	[tilespmem:s13+$0xFFFFFF10] =	vst v32;
	v63 =	vmax.f32 v38, $2.000000030e-01  }
0x8c8: {  	v29 =	vadd.s32 s12, v6;
	v33 =	vmul.f32 $1.442695020e+00, v33;
	v27 =	vpop (erf);
	(erf) = vpow2.f32 v28;
	v30 =	vld.idx.msk [tilespmem:v30+s7+$0x0], $0xffff;
	[tilespmem:s2+$0xC0] =	vst v26  }
0x8c9: {  	[tilespmem:s1+$0xFFFFFFE0] =	vst v63;
	v26 =	vsub.f32 v3, v31;
	(erf) = vpow2.f32 v62;
	v35 =	vmul.f32 $1.000000000e+01, v35;
	v31 =	vld.idx.msk [tilespmem:v52+s7+$0x0], $0xffff;
	v28 =	vpop (erf)  }
0x8ca: {  	v34 =	vld.idx.msk [tilespmem:v51+s7+$0x0], $0xffff;
	(erf) = vpow2.f32 v33;
	v33 =	vsub.f32 $1.000000000e+00, v28;
	v28 =	vmul.f32 $1.000000000e+01, v37  }
0x8cb: {  	s17 =	simm.s32 $0x8;
	s18 =	simm.s32 $0x600;
	v32 =	vmul.f32 $1.442695020e+00, v26;
	v26 =	vadd.s32 s12, v2;
	v35 =	vsub.f32 v11, v35  }
.LBB2_12:
0x8cc: {  	s20 =	sadd.s32 $0x80, s18;
	s19 =	sadd.s32 $0x100, s18;
	s21 =	sadd.s32 $0x180, s18;
	v33 =	vmax.f32 v33, $2.000000030e-01;
	v36 =	vsub.f32 $1.000000000e+00, v27;
	v27 =	vadd.s32 s3, v4  }
0x8cd: {  	s17 =	sadd.s32 $0x4, s17;
	v37 =	vadd.s32 s20, v13;
	v38 =	vadd.s32 s19, v13;
	[tilespmem:s2+$0xFFFFFF40] =	vst v33;
	v33 =	vmul.f32 $1.442695020e+00, v35  }
0x8ce: {  	v30 =	vmul.f32 $1.000000000e+01, v30;
	v35 =	vadd.s32 s21, v13;
	p0 =	slt.u32 s17, $0x78;
	v31 =	vmul.f32 $1.000000000e+01, v31;
	v29 =	vld.idx.msk [tilespmem:v29+s7+$0x0], $0xffff  }
0x8cf: {  	v36 =	vmax.f32 v36, $2.000000030e-01;
	v41 =	vmul.f32 $1.000000000e+01, v34;
	v39 =	vpop (erf);
	(erf) = vpow2.f32 v33  }
0x8d0: {  	v30 =	vsub.f32 v3, v30;
	v33 =	vadd.s32 s20, v6;
	v31 =	vsub.f32 v9, v31;
	[tilespmem:s2+$0xFFFFFFC0] =	vst v36  }
0x8d1: {  	v36 =	vadd.s32 s11, v10;
	v44 =	vsub.f32 v11, v41;
	(erf) = vpow2.f32 v32;
	v32 =	vld.idx.msk [tilespmem:v25+s7+$0x0], $0xffff;
	v34 =	vpop (erf)  }
0x8d2: {  	v30 =	vmul.f32 $1.442695020e+00, v30;
	v31 =	vmul.f32 $1.442695020e+00, v31;
	v38 =	vld.idx.msk [tilespmem:v38+s7+$0x0], $0xffff;
	v40 =	vpop (erf);
	v34 =	vsub.f32 $1.000000000e+00, v34  }
0x8d3: {  	v41 =	vadd.s32 s9, v10;
	v43 =	vmul.f32 $1.442695020e+00, v44;
	v35 =	vld.idx.msk [tilespmem:v35+s7+$0x0], $0xffff;
	v40 =	vsub.f32 $1.000000000e+00, v40;
	v42 =	vpop (erf)  }
0x8d4: {  	v25 =	vmovc v24;
	v24 =	vmovc v33;
	v29 =	vmul.f32 $1.000000000e+01, v29;
	v37 =	vld.idx.msk [tilespmem:v37+s7+$0x0], $0xffff;
	v42 =	vsub.f32 $1.000000000e+00, v42;
	(erf) = vpow2.f32 v31  }
0x8d5: {  	v33 =	vmax.f32 v34, $2.000000030e-01;
	v31 =	vmax.f32 v40, $2.000000030e-01;
	(erf) = vpow2.f32 v43  }
0x8d6: {  	v29 =	vsub.f32 v9, v29;
	v34 =	vmax.f32 v42, $2.000000030e-01;
	[tilespmem:s13+$0xA0] =	vst v31;
	(erf) = vpow2.f32 v30  }
0x8d7: {  	v31 =	vmul.f32 $1.000000000e+01, v32;
	v32 =	vadd.s32 s5, v4;
	[tilespmem:s13+$0x20] =	vst v34;
	v30 =	vld.idx.msk [tilespmem:v36+s7+$0x0], $0xffff;
	v34 =	vsub.f32 $1.000000000e+00, v39  }
0x8d8: {  	v36 =	vmul.f32 $1.000000000e+01, v38;
	v38 =	vadd.s32 s16, v10;
	v29 =	vmul.f32 $1.442695020e+00, v29;
	v39 =	vld.idx.msk [tilespmem:v41+s7+$0x0], $0xffff;
	[tilespmem:s1+$0xF0] =	vst v33;
	v33 =	vpop (erf)  }
0x8d9: {  	v40 =	vadd.s32 s18, v13;
	v35 =	vmul.f32 $1.000000000e+01, v35;
	v33 =	vsub.f32 $1.000000000e+00, v33  }
0x8da: {  	v41 =	vadd.s32 s10, v10;
	v37 =	vmul.f32 $1.000000000e+01, v37;
	v36 =	vsub.f32 v0, v36;
	v42 =	vpop (erf)  }
0x8db: {  	v43 =	vsub.f32 v0, v35;
	(erf) = vpow2.f32 v29;
	v29 =	vmax.f32 v34, $2.000000030e-01  }
0x8dc: {  	v28 =	vsub.f32 v9, v28;
	v34 =	vsub.f32 v0, v37;
	v36 =	vmul.f32 $1.442695020e+00, v36;
	[tilespmem:s1+$0xFFFFFF70] =	vst v29  }
0x8dd: {  	v29 =	vmul.f32 $1.442695020e+00, v43;
	v44 =	vmul.f32 $1.000000000e+01, v30;
	v43 =	vmax.f32 v33, $2.000000030e-01;
	v35 =	vpop (erf)  }
0x8de: {  	v34 =	vmul.f32 $1.442695020e+00, v34;
	v39 =	vmul.f32 $1.000000000e+01, v39;
	v37 =	vld.idx.msk [tilespmem:v40+s7+$0x0], $0xffff;
	v40 =	vsub.f32 $1.000000000e+00, v42;
	[tilespmem:s1+$0x70] =	vst v43;
	v33 =	vpop (erf)  }
0x8df: {  	(erf) = vpow2.f32 v29;
	v29 =	vsub.f32 v5, v44;
	v30 =	vpop (erf);
	v33 =	vsub.f32 $1.000000000e+00, v33  }
0x8e0: {  	v39 =	vsub.f32 v5, v39;
	(erf) = vpow2.f32 v36;
	v36 =	vmax.f32 v40, $2.000000030e-01  }
0x8e1: {  	v30 =	vsub.f32 $1.000000000e+00, v30;
	(erf) = vpow2.f32 v34;
	[tilespmem:s13+$0xFFFFFFA0] =	vst v36;
	v33 =	vmax.f32 v33, $2.000000030e-01  }
0x8e2: {  	v31 =	vsub.f32 v9, v31;
	v39 =	vmul.f32 $1.442695020e+00, v39;
	v29 =	vmul.f32 $1.442695020e+00, v29;
	v34 =	vld.idx.msk [tilespmem:v41+s7+$0x0], $0xffff;
	[tilespmem:s1+$0xFFFFFFF0] =	vst v33;
	s1 =	smov.u32 s2;
	s2 =	smov.u32 s13  }
0x8e3: {  	v28 =	vmul.f32 $1.442695020e+00, v28;
	v30 =	vmax.f32 v30, $2.000000030e-01;
	v33 =	vsub.f32 $1.000000000e+00, v35  }
0x8e4: {  	v35 =	vmul.f32 $1.000000000e+01, v37;
	[tilespmem:s13+$0xFFFFFF20] =	vst v30;
	(erf) = vpow2.f32 v39;
	v30 =	vadd.s32 s12, v4;
	v36 =	vpop (erf);
	s12 =	smov.u32 s16;
	s16 =	smov.u32 s18  }
0x8e5: {  	v33 =	vmax.f32 v33, $2.000000030e-01;
	v37 =	vld.idx.msk [tilespmem:v38+s7+$0x0], $0xffff;
	v38 =	vmul.f32 $1.442695020e+00, v31;
	(erf) = vpow2.f32 v28  }
0x8e6: {  	v28 =	vsub.f32 v0, v35;
	(erf) = vpow2.f32 v29;
	v29 =	vsub.f32 $1.000000000e+00, v36;
	[tilespmem:s1+$0xD0] =	vst v33  }
0x8e7: {  	v35 =	vadd.s32 s4, v4;
	v33 =	vadd.s32 s21, v14;
	v32 =	vld.idx.msk [tilespmem:v32+s7+$0x0], $0xffff;
	(erf) = vpow2.f32 v38  }
0x8e8: {  	v40 =	vmul.f32 $1.442695020e+00, v28;
	v34 =	vmul.f32 $1.000000000e+01, v34;
	v31 =	vpop (erf);
	v29 =	vmax.f32 v29, $2.000000030e-01  }
0x8e9: {  	v36 =	vadd.s32 s20, v14;
	v38 =	vadd.s32 s19, v14;
	v31 =	vsub.f32 $1.000000000e+00, v31;
	v39 =	vpop (erf);
	[tilespmem:s1+$0xFFFFFF50] =	vst v29  }
0x8ea: {  	v34 =	vsub.f32 v5, v34;
	v29 =	vsub.f32 $1.000000000e+00, v39;
	(erf) = vpow2.f32 v40;
	v28 =	vpop (erf);
	v30 =	vld.idx.msk [tilespmem:v30+s7+$0x0], $0xffff  }
0x8eb: {  	s13 =	sadd.s32 $0x200, s13;
	v39 =	vmul.f32 $1.000000000e+01, v37;
	v28 =	vsub.f32 $1.000000000e+00, v28;
	v31 =	vmax.f32 v31, $2.000000030e-01  }
0x8ec: {  	v40 =	vmul.f32 $1.442695020e+00, v34;
	v34 =	vadd.s32 s9, v8;
	v29 =	vmax.f32 v29, $2.000000030e-01;
	[tilespmem:s13+$0x80] =	vst v31  }
0x8ed: {  	v32 =	vmul.f32 $1.000000000e+01, v32;
	v28 =	vmax.f32 v28, $2.000000030e-01;
	[tilespmem:s13+$0x0] =	vst v29;
	v29 =	vld.idx.msk [tilespmem:v33+s7+$0x0], $0xffff;
	v33 =	vsub.f32 v5, v39;
	v37 =	vpop (erf)  }
0x8ee: {  	[tilespmem:s13+$0xFFFFFF80] =	vst v28;
	v28 =	vld.idx.msk [tilespmem:v38+s7+$0x0], $0xffff;
	v37 =	vsub.f32 $1.000000000e+00, v37;
	v38 =	vadd.s32 s11, v8;
	(erf) = vpow2.f32 v40;
	v31 =	vpop (erf)  }
0x8ef: {  	v32 =	vsub.f32 v12, v32;
	v36 =	vld.idx.msk [tilespmem:v36+s7+$0x0], $0xffff;
	v33 =	vmul.f32 $1.442695020e+00, v33;
	v39 =	vpop (erf);
	v31 =	vsub.f32 $1.000000000e+00, v31  }
0x8f0: {  	v30 =	vmul.f32 $1.000000000e+01, v30;
	v37 =	vmax.f32 v37, $2.000000030e-01;
	v41 =	vsub.f32 $1.000000000e+00, v39;
	v40 =	vpop (erf)  }
0x8f1: {  	v32 =	vmul.f32 $1.442695020e+00, v32;
	[tilespmem:s2+$0x30] =	vst v37;
	(erf) = vpow2.f32 v33;
	v31 =	vmax.f32 v31, $2.000000030e-01  }
0x8f2: {  	v30 =	vsub.f32 v12, v30;
	v37 =	vsub.f32 $1.000000000e+00, v40;
	v33 =	vmax.f32 v41, $2.000000030e-01;
	[tilespmem:s1+$0x50] =	vst v31  }
0x8f3: {  	v31 =	vadd.s32 s18, v14;
	v29 =	vmul.f32 $1.000000000e+01, v29;
	v39 =	vpop (erf);
	[tilespmem:s2+$0xB0] =	vst v33;
	v33 =	vld.idx.msk [tilespmem:v35+s7+$0x0], $0xffff;
	(erf) = vpow2.f32 v32  }
0x8f4: {  	v28 =	vmul.f32 $1.000000000e+01, v28;
	v30 =	vmul.f32 $1.442695020e+00, v30;
	v32 =	vsub.f32 $1.000000000e+00, v39;
	v35 =	vld.idx.msk [tilespmem:v38+s7+$0x0], $0xffff  }
0x8f5: {  	v37 =	vmax.f32 v37, $2.000000030e-01;
	v39 =	vmul.f32 $1.000000000e+01, v36;
	v29 =	vsub.f32 v1, v29;
	v34 =	vld.idx.msk [tilespmem:v34+s7+$0x0], $0xffff  }
0x8f6: {  	v38 =	vadd.s32 s10, v8;
	v28 =	vsub.f32 v1, v28;
	v32 =	vmax.f32 v32, $2.000000030e-01;
	[tilespmem:s1+$0xFFFFFFD0] =	vst v37  }
0x8f7: {  	v29 =	vmul.f32 $1.442695020e+00, v29;
	[tilespmem:s13+$0xFFFFFF00] =	vst v32;
	v32 =	vsub.f32 v1, v39;
	v36 =	vpop (erf);
	v27 =	vld.idx.msk [tilespmem:v27+s7+$0x0], $0xffff;
	(erf) = vpow2.f32 v30  }
0x8f8: {  	v28 =	vmul.f32 $1.442695020e+00, v28;
	v30 =	vld.idx.msk [tilespmem:v31+s7+$0x0], $0xffff;
	v31 =	vsub.f32 $1.000000000e+00, v36;
	v36 =	vadd.s32 s5, v2;
	s5 =	smov.u32 s11;
	s11 =	smov.u32 s21  }
0x8f9: {  	v33 =	vmul.f32 $1.000000000e+01, v33;
	(erf) = vpow2.f32 v29;
	v29 =	vadd.s32 s12, v8  }
0x8fa: {  	(erf) = vpow2.f32 v28;
	v28 =	vmax.f32 v31, $2.000000030e-01;
	v31 =	vmul.f32 $1.000000000e+01, v35;
	v35 =	vpop (erf)  }
0x8fb: {  	v32 =	vmul.f32 $1.442695020e+00, v32;
	v35 =	vsub.f32 $1.000000000e+00, v35;
	[tilespmem:s2+$0xFFFFFFB0] =	vst v28;
	v28 =	vmul.f32 $1.000000000e+01, v34  }
0x8fc: {  	v33 =	vsub.f32 v12, v33;
	v34 =	vadd.s32 s19, v15;
	v37 =	vld.idx.msk [tilespmem:v38+s7+$0x0], $0xffff;
	v31 =	vsub.f32 v7, v31;
	v38 =	vpop (erf)  }
0x8fd: {  	(erf) = vpow2.f32 v32;
	v32 =	vmax.f32 v35, $2.000000030e-01;
	v28 =	vsub.f32 v7, v28  }
0x8fe: {  	v30 =	vmul.f32 $1.000000000e+01, v30;
	[tilespmem:s2+$0xFFFFFF30] =	vst v32;
	v32 =	vmul.f32 $1.442695020e+00, v33;
	v33 =	vsub.f32 $1.000000000e+00, v38  }
0x8ff: {  	v27 =	vmul.f32 $1.000000000e+01, v27;
	v35 =	vadd.s32 s11, v15;
	v29 =	vld.idx.msk [tilespmem:v29+s7+$0x0], $0xffff;
	v28 =	vmul.f32 $1.442695020e+00, v28  }
0x900: {  	v31 =	vmul.f32 $1.442695020e+00, v31;
	v30 =	vsub.f32 v1, v30;
	v38 =	vpop (erf);
	(erf) = vpow2.f32 v32  }
0x901: {  	v27 =	vsub.f32 v12, v27;
	(erf) = vpow2.f32 v28;
	v28 =	vsub.f32 $1.000000000e+00, v38  }
0x902: {  	v33 =	vmax.f32 v33, $2.000000030e-01;
	v30 =	vmul.f32 $1.442695020e+00, v30;
	v37 =	vmul.f32 $1.000000000e+01, v37;
	v32 =	vpop (erf)  }
0x903: {  	v32 =	vsub.f32 $1.000000000e+00, v32;
	v38 =	vpop (erf);
	(erf) = vpow2.f32 v31;
	v28 =	vmax.f32 v28, $2.000000030e-01;
	[tilespmem:s1+$0xE0] =	vst v33  }
0x904: {  	v27 =	vmul.f32 $1.442695020e+00, v27;
	v31 =	vsub.f32 $1.000000000e+00, v38;
	(erf) = vpow2.f32 v30;
	[tilespmem:s1+$0xFFFFFF60] =	vst v28;
	v28 =	vld.idx.msk [tilespmem:v36+s7+$0x0], $0xffff  }
0x905: {  	v29 =	vmul.f32 $1.000000000e+01, v29;
	v33 =	vmax.f32 v32, $2.000000030e-01;
	v32 =	vsub.f32 v7, v37;
	v26 =	vld.idx.msk [tilespmem:v26+s7+$0x0], $0xffff  }
0x906: {  	v31 =	vmax.f32 v31, $2.000000030e-01;
	[tilespmem:s13+$0x90] =	vst v33;
	v30 =	vpop (erf);
	v33 =	vadd.s32 s3, v2;
	(erf) = vpow2.f32 v27;
	s3 =	smov.u32 s10;
	s10 =	smov.u32 s20  }
0x907: {  	v29 =	vsub.f32 v7, v29;
	v27 =	vsub.f32 $1.000000000e+00, v30;
	v30 =	vadd.s32 s10, v15;
	[tilespmem:s13+$0x10] =	vst v31;
	v31 =	vld.idx.msk [tilespmem:v35+s7+$0x0], $0xffff  }
0x908: {  	v36 =	vadd.s32 s4, v2;
	s4 =	smov.u32 s9;
	s9 =	smov.u32 s19;
	v39 =	vmul.f32 $1.442695020e+00, v32;
	v35 =	vadd.s32 s5, v6;
	v34 =	vld.idx.msk [tilespmem:v34+s7+$0x0], $0xffff  }
0x909: {  	v37 =	vadd.s32 s4, v6;
	v29 =	vmul.f32 $1.442695020e+00, v29;
	v27 =	vmax.f32 v27, $2.000000030e-01;
	v38 =	vpop (erf)  }
0x90a: {  	v28 =	vmul.f32 $1.000000000e+01, v28;
	(erf) = vpow2.f32 v39;
	v32 =	vpop (erf);
	v38 =	vsub.f32 $1.000000000e+00, v38  }
0x90b: {  	v26 =	vmul.f32 $1.000000000e+01, v26;
	[tilespmem:s13+$0xFFFFFF90] =	vst v27;
	v27 =	vsub.f32 $1.000000000e+00, v32;
	(erf) = vpow2.f32 v29  }
0x90c: {  	v29 =	vadd.s32 s18, v15;
	v28 =	vsub.f32 v11, v28;
	v32 =	vld.idx.msk [tilespmem:v30+s7+$0x0], $0xffff;
	v30 =	vpop (erf);
	v38 =	vmax.f32 v38, $2.000000030e-01  }
0x90d: {  	v40 =	vmul.f32 $1.000000000e+01, v31;
	v26 =	vsub.f32 v11, v26;
	v39 =	vpop (erf);
	v27 =	vmax.f32 v27, $2.000000030e-01;
	[tilespmem:s1+$0x60] =	vst v38  }
0x90e: {  	v34 =	vmul.f32 $1.000000000e+01, v34;
	v38 =	vsub.f32 $1.000000000e+00, v39;
	[tilespmem:s2+$0x40] =	vst v27;
	v27 =	vsub.f32 $1.000000000e+00, v30;
	v36 =	vld.idx.msk [tilespmem:v36+s7+$0x0], $0xffff  }
0x90f: {  	v28 =	vmul.f32 $1.442695020e+00, v28;
	v30 =	vsub.f32 v3, v40;
	v26 =	vmul.f32 $1.442695020e+00, v26;
	v37 =	vld.idx.msk [tilespmem:v37+s7+$0x0], $0xffff;
	v31 =	vpop (erf)  }
0x910: {  	v34 =	vsub.f32 v3, v34;
	v38 =	vmax.f32 v38, $2.000000030e-01;
	v31 =	vsub.f32 $1.000000000e+00, v31  }
0x911: {  	[tilespmem:s13+$0xFFFFFF10] =	vst v38;
	v38 =	vmul.f32 $1.442695020e+00, v30  }
0x912: {  	v39 =	vmax.f32 v27, $2.000000030e-01;
	(erf) = vpow2.f32 v26;
	v26 =	vmul.f32 $1.000000000e+01, v32  }
.Ltmp5:
0x913: {  	v32 =	vmul.f32 $1.442695020e+00, v34;
	v30 =	vld.idx.msk [tilespmem:v29+s7+$0x0], $0xffff;
	[tilespmem:s2+$0xC0] =	vst v39;
	v34 =	vmax.f32 v31, $2.000000030e-01;
	(pc) =	sbr.rel @p0 .LBB2_12-.Ltmp5, $4  }
0x914: {  	v29 =	vadd.s32 s12, v6;
	v31 =	vld.idx.msk [tilespmem:v35+s7+$0x0], $0xffff;
	v27 =	vpop (erf);
	[tilespmem:s1+$0xFFFFFFE0] =	vst v34;
	(erf) = vpow2.f32 v28  }
0x915: {  	v26 =	vsub.f32 v3, v26;
	v35 =	vmul.f32 $1.000000000e+01, v36;
	(erf) = vpow2.f32 v38;
	v28 =	vpop (erf);
	v34 =	vld.idx.msk [tilespmem:v33+s7+$0x0], $0xffff  }
0x916: {  	(erf) = vpow2.f32 v32;
	v33 =	vsub.f32 $1.000000000e+00, v28;
	v28 =	vmul.f32 $1.000000000e+01, v37  }
0x917: {  	s18 =	sadd.s32 $0x200, s18;
	v32 =	vmul.f32 $1.442695020e+00, v26;
	v26 =	vadd.s32 s12, v2;
	v35 =	vsub.f32 v11, v35  }
0x918: {  	_ = 	snop  }
0x919: {  	v13 =	vmul.f32 $1.000000000e+01, v31  }
0x91a: {  	v14 =	vmul.f32 $1.000000000e+01, v34  }
0x91b: {  	v30 =	vmul.f32 $1.000000000e+01, v30;
	v15 =	vmul.f32 $1.442695020e+00, v35;
	v13 =	vsub.f32 v9, v13  }
0x91c: {  	v14 =	vsub.f32 v11, v14  }
0x91d: {  	v52 =	vsub.f32 v3, v30;
	(erf) = vpow2.f32 v15;
	v13 =	vmul.f32 $1.442695020e+00, v13  }
0x91e: {  	(erf) = vpow2.f32 v32;
	v14 =	vmul.f32 $1.442695020e+00, v14  }
0x91f: {  	v15 =	vmul.f32 $1.442695020e+00, v52;
	(erf) = vpow2.f32 v13  }
0x920: {  	(erf) = vpow2.f32 v14  }
0x921: {  	v13 =	vpop (erf);
	(erf) = vpow2.f32 v15  }
0x922: {  	v14 =	vpop (erf)  }
0x923: {  	v53 =	vpop (erf)  }
0x924: {  	v54 =	vadd.s32 s9, v10;
	v55 =	vpop (erf)  }
0x925: {  	v56 =	vmax.f32 v33, $2.000000030e-01;
	v27 =	vsub.f32 $1.000000000e+00, v27;
	v57 =	vsub.f32 $1.000000000e+00, v55  }
0x926: {  	[tilespmem:s2+$0xFFFFFF40] =	vst v56;
	v15 =	vpop (erf)  }
0x927: {  	v58 =	vadd.s32 s11, v10;
	v29 =	vld.idx.msk [tilespmem:v29+s7+$0x0], $0xffff;
	v59 =	vpop (erf);
	v33 =	vmax.f32 v57, $2.000000030e-01  }
0x928: {  	v30 =	vsub.f32 $1.000000000e+00, v53;
	[tilespmem:s13+$0x20] =	vst v33;
	v60 =	vpop (erf)  }
0x929: {  	v36 =	vadd.s32 s10, v10;
	v61 =	vmax.f32 v27, $2.000000030e-01;
	v31 =	vld.idx.msk [tilespmem:v54+s7+$0x0], $0xffff;
	v27 =	vpop (erf)  }
0x92a: {  	v62 =	vadd.s32 s16, v10;
	[tilespmem:s2+$0xFFFFFFC0] =	vst v61;
	v30 =	vmax.f32 v30, $2.000000030e-01;
	v34 =	vsub.f32 $1.000000000e+00, v59;
	v63 =	vpop (erf)  }
0x92b: {  	v25 =	vld.idx.msk [tilespmem:v25+s7+$0x0], $0xffff;
	[tilespmem:s13+$0xA0] =	vst v30;
	v37 =	vsub.f32 $1.000000000e+00, v63  }
0x92c: {  	v29 =	vmul.f32 $1.000000000e+01, v29;
	v32 =	vld.idx.msk [tilespmem:v58+s7+$0x0], $0xffff;
	v34 =	vmax.f32 v34, $2.000000030e-01  }
0x92d: {  	[tilespmem:s13+$0xFFFFFFA0] =	vst v34;
	v30 =	vmax.f32 v37, $2.000000030e-01  }
0x92e: {  	v29 =	vsub.f32 v9, v29;
	v34 =	vld.idx.msk [tilespmem:v36+s7+$0x0], $0xffff;
	v31 =	vmul.f32 $1.000000000e+01, v31;
	[tilespmem:s13+$0xFFFFFF20] =	vst v30  }
0x92f: {  	v10 =	vld.idx.msk [tilespmem:v62+s7+$0x0], $0xffff  }
0x930: {  	v29 =	vmul.f32 $1.442695020e+00, v29;
	v38 =	vsub.f32 v5, v31  }
0x931: {  	v28 =	vsub.f32 v9, v28;
	v25 =	vmul.f32 $1.000000000e+01, v25;
	v39 =	vmul.f32 $1.000000000e+01, v32  }
0x932: {  	(erf) = vpow2.f32 v29;
	v40 =	vmul.f32 $1.442695020e+00, v38  }
0x933: {  	v28 =	vmul.f32 $1.442695020e+00, v28;
	v41 =	vsub.f32 v5, v39;
	v42 =	vmul.f32 $1.000000000e+01, v34  }
0x934: {  	v25 =	vsub.f32 v9, v25;
	(erf) = vpow2.f32 v40;
	v10 =	vmul.f32 $1.000000000e+01, v10  }
0x935: {  	v43 =	vmul.f32 $1.442695020e+00, v41;
	v44 =	vsub.f32 v5, v42;
	(erf) = vpow2.f32 v28  }
0x936: {  	v25 =	vmul.f32 $1.442695020e+00, v25;
	v10 =	vsub.f32 v5, v10  }
0x937: {  	v28 =	vmul.f32 $1.442695020e+00, v44;
	(erf) = vpow2.f32 v43  }
0x938: {  	(erf) = vpow2.f32 v25;
	v10 =	vmul.f32 $1.442695020e+00, v10  }
0x939: {  	(erf) = vpow2.f32 v28  }
0x93a: {  	v45 =	vadd.s32 s5, v4;
	(erf) = vpow2.f32 v10  }
0x93b: {  	v47 =	vadd.s32 s12, v4;
	v46 =	vsub.f32 $1.000000000e+00, v60;
	v48 =	vpop (erf)  }
0x93c: {  	v29 =	vsub.f32 $1.000000000e+00, v48  }
0x93d: {  	v10 =	vmax.f32 v46, $2.000000030e-01;
	v49 =	vpop (erf)  }
0x93e: {  	v50 =	vadd.s32 s4, v4;
	v29 =	vmax.f32 v29, $2.000000030e-01;
	[tilespmem:s2+$0xD0] =	vst v10;
	v51 =	vpop (erf)  }
0x93f: {  	v52 =	vadd.s32 s9, v8;
	[tilespmem:s2+$0xFFFFFF50] =	vst v29;
	v25 =	vld.idx.msk [tilespmem:v45+s7+$0x0], $0xffff;
	v31 =	vsub.f32 $1.000000000e+00, v51  }
0x940: {  	v53 =	vadd.s32 s11, v8;
	v28 =	vld.idx.msk [tilespmem:v47+s7+$0x0], $0xffff;
	v30 =	vsub.f32 $1.000000000e+00, v49;
	v54 =	vpop (erf)  }
0x941: {  	v55 =	vadd.s32 s3, v4;
	v33 =	vsub.f32 $1.000000000e+00, v54;
	v56 =	vpop (erf);
	v31 =	vmax.f32 v31, $2.000000030e-01  }
0x942: {  	v57 =	vadd.s32 s10, v8;
	v30 =	vmax.f32 v30, $2.000000030e-01;
	v35 =	vsub.f32 $1.000000000e+00, v56;
	v58 =	vpop (erf);
	[tilespmem:s2+$0x50] =	vst v31  }
0x943: {  	v61 =	vadd.s32 s16, v8;
	[tilespmem:s13+$0x30] =	vst v30;
	v59 =	vmax.f32 v33, $2.000000030e-01;
	v60 =	vsub.f32 $1.000000000e+00, v58;
	v10 =	vld.idx.msk [tilespmem:v50+s7+$0x0], $0xffff;
	v62 =	vpop (erf)  }
0x944: {  	v25 =	vmul.f32 $1.000000000e+01, v25;
	v29 =	vld.idx.msk [tilespmem:v52+s7+$0x0], $0xffff;
	[tilespmem:s13+$0xB0] =	vst v59;
	v63 =	vmax.f32 v35, $2.000000030e-01;
	v37 =	vsub.f32 $1.000000000e+00, v62  }
0x945: {  	v28 =	vmul.f32 $1.000000000e+01, v28;
	v32 =	vld.idx.msk [tilespmem:v53+s7+$0x0], $0xffff;
	[tilespmem:s2+$0xFFFFFFD0] =	vst v63;
	v38 =	vmax.f32 v60, $2.000000030e-01  }
0x946: {  	v25 =	vsub.f32 v12, v25;
	v39 =	vld.idx.msk [tilespmem:v55+s7+$0x0], $0xffff;
	[tilespmem:s13+$0xFFFFFFB0] =	vst v38;
	v40 =	vmax.f32 v37, $2.000000030e-01  }
0x947: {  	v28 =	vsub.f32 v12, v28;
	v31 =	vld.idx.msk [tilespmem:v57+s7+$0x0], $0xffff;
	[tilespmem:s13+$0xFFFFFF30] =	vst v40  }
0x948: {  	v25 =	vmul.f32 $1.442695020e+00, v25;
	v10 =	vmul.f32 $1.000000000e+01, v10;
	v8 =	vld.idx.msk [tilespmem:v61+s7+$0x0], $0xffff  }
0x949: {  	v28 =	vmul.f32 $1.442695020e+00, v28;
	v29 =	vmul.f32 $1.000000000e+01, v29  }
0x94a: {  	(erf) = vpow2.f32 v25;
	v41 =	vmul.f32 $1.000000000e+01, v32;
	v10 =	vsub.f32 v12, v10  }
0x94b: {  	(erf) = vpow2.f32 v28;
	v42 =	vsub.f32 v7, v29;
	v43 =	vmul.f32 $1.000000000e+01, v39  }
0x94c: {  	v25 =	vsub.f32 v7, v41;
	v44 =	vmul.f32 $1.000000000e+01, v31;
	v10 =	vmul.f32 $1.442695020e+00, v10  }
0x94d: {  	v28 =	vmul.f32 $1.442695020e+00, v42;
	v29 =	vsub.f32 v12, v43;
	v8 =	vmul.f32 $1.000000000e+01, v8  }
0x94e: {  	v25 =	vmul.f32 $1.442695020e+00, v25;
	v45 =	vsub.f32 v7, v44;
	(erf) = vpow2.f32 v10  }
0x94f: {  	v46 =	vmul.f32 $1.442695020e+00, v29;
	(erf) = vpow2.f32 v28;
	v8 =	vsub.f32 v7, v8  }
0x950: {  	v10 =	vmul.f32 $1.442695020e+00, v45;
	(erf) = vpow2.f32 v25  }
0x951: {  	(erf) = vpow2.f32 v46;
	v8 =	vmul.f32 $1.442695020e+00, v8  }
0x952: {  	(erf) = vpow2.f32 v10  }
0x953: {  	(erf) = vpow2.f32 v8  }
0x954: {  	v47 =	vpop (erf)  }
0x955: {  	v48 =	vpop (erf)  }
0x956: {  	v49 =	vadd.s32 s5, v2;
	v10 =	vsub.f32 $1.000000000e+00, v48  }
0x957: {  	v8 =	vsub.f32 $1.000000000e+00, v47;
	v50 =	vpop (erf)  }
0x958: {  	v10 =	vmax.f32 v10, $2.000000030e-01;
	v52 =	vpop (erf)  }
0x959: {  	v51 =	vadd.s32 s4, v2;
	v8 =	vmax.f32 v8, $2.000000030e-01;
	[tilespmem:s2+$0xFFFFFF60] =	vst v10;
	v54 =	vpop (erf)  }
0x95a: {  	v53 =	vadd.s32 s11, v6;
	[tilespmem:s2+$0xE0] =	vst v8;
	v55 =	vld.idx.msk [tilespmem:v26+s7+$0x0], $0xffff;
	v28 =	vsub.f32 $1.000000000e+00, v50;
	v57 =	vpop (erf)  }
0x95b: {  	v58 =	vadd.s32 s3, v2;
	v25 =	vld.idx.msk [tilespmem:v49+s7+$0x0], $0xffff;
	v56 =	vsub.f32 $1.000000000e+00, v54;
	v59 =	vpop (erf)  }
0x95c: {  	v61 =	vadd.s32 s16, v6;
	v28 =	vmax.f32 v28, $2.000000030e-01;
	v60 =	vsub.f32 $1.000000000e+00, v57;
	v62 =	vpop (erf)  }
0x95d: {  	v34 =	vadd.s32 s9, v6;
	[tilespmem:s2+$0x60] =	vst v28;
	v26 =	vmax.f32 v56, $2.000000030e-01;
	v63 =	vsub.f32 $1.000000000e+00, v62  }
0x95e: {  	v30 =	vsub.f32 $1.000000000e+00, v52;
	v29 =	vld.idx.msk [tilespmem:v51+s7+$0x0], $0xffff;
	[tilespmem:s13+$0xC0] =	vst v26;
	v28 =	vmax.f32 v60, $2.000000030e-01  }
0x95f: {  	v8 =	vmul.f32 $1.000000000e+01, v55;
	v36 =	vsub.f32 $1.000000000e+00, v59;
	v10 =	vld.idx.msk [tilespmem:v53+s7+$0x0], $0xffff;
	[tilespmem:s2+$0xFFFFFFE0] =	vst v28;
	v26 =	vmax.f32 v63, $2.000000030e-01  }
0x960: {  	v35 =	vmax.f32 v30, $2.000000030e-01;
	v25 =	vmul.f32 $1.000000000e+01, v25;
	v28 =	vld.idx.msk [tilespmem:v58+s7+$0x0], $0xffff;
	[tilespmem:s13+$0xFFFFFF40] =	vst v26  }
0x961: {  	[tilespmem:s13+$0x40] =	vst v35;
	v8 =	vsub.f32 v11, v8;
	v38 =	vmax.f32 v36, $2.000000030e-01;
	v31 =	vld.idx.msk [tilespmem:v61+s7+$0x0], $0xffff  }
0x962: {  	v6 =	vld.idx.msk [tilespmem:v34+s7+$0x0], $0xffff;
	v25 =	vsub.f32 v11, v25;
	[tilespmem:s13+$0xFFFFFFC0] =	vst v38  }
0x963: {  	v8 =	vmul.f32 $1.442695020e+00, v8;
	v24 =	vld.idx.msk [tilespmem:v24+s7+$0x0], $0xffff;
	v37 =	vmul.f32 $1.000000000e+01, v29  }
0x964: {  	v25 =	vmul.f32 $1.442695020e+00, v25;
	v10 =	vmul.f32 $1.000000000e+01, v10  }
0x965: {  	(erf) = vpow2.f32 v8;
	v26 =	vsub.f32 v11, v37;
	v39 =	vmul.f32 $1.000000000e+01, v28  }
0x966: {  	(erf) = vpow2.f32 v25;
	v10 =	vsub.f32 v9, v10;
	v40 =	vmul.f32 $1.000000000e+01, v31  }
0x967: {  	v6 =	vmul.f32 $1.000000000e+01, v6;
	v26 =	vmul.f32 $1.442695020e+00, v26;
	v8 =	vsub.f32 v11, v39  }
0x968: {  	v42 =	vmul.f32 $1.000000000e+01, v24;
	v10 =	vmul.f32 $1.442695020e+00, v10;
	v41 =	vsub.f32 v9, v40  }
0x969: {  	v6 =	vsub.f32 v9, v6;
	(erf) = vpow2.f32 v26;
	v8 =	vmul.f32 $1.442695020e+00, v8  }
0x96a: {  	(erf) = vpow2.f32 v10;
	v43 =	vmul.f32 $1.442695020e+00, v41  }
0x96b: {  	v6 =	vmul.f32 $1.442695020e+00, v6;
	v44 =	vsub.f32 v9, v42;
	(erf) = vpow2.f32 v8  }
0x96c: {  	(erf) = vpow2.f32 v43  }
0x96d: {  	v8 =	vmul.f32 $1.442695020e+00, v44  }
0x96e: {  	(erf) = vpow2.f32 v6  }
0x96f: {  	v6 =	vpop (erf);
	(erf) = vpow2.f32 v8;
	_ =	sdelay $0x1  }
0x970: {  	v45 =	vpop (erf)  }
0x971: {  	v10 =	vpop (erf)  }
0x972: {  	v46 =	vpop (erf)  }
0x973: {  	v47 =	vadd.s32 s11, v4;
	v26 =	vpop (erf)  }
0x974: {  	v48 =	vadd.s32 s16, v4;
	v24 =	vsub.f32 $1.000000000e+00, v46;
	v49 =	vpop (erf)  }
0x975: {  	v29 =	vsub.f32 $1.000000000e+00, v49  }
0x976: {  	v50 =	vadd.s32 s9, v4;
	v24 =	vmax.f32 v24, $2.000000030e-01;
	v51 =	vpop (erf)  }
0x977: {  	v52 =	vadd.s32 s10, v4;
	[tilespmem:s13+$0xD0] =	vst v24;
	v53 =	vsub.f32 $1.000000000e+00, v51;
	v54 =	vpop (erf);
	v29 =	vmax.f32 v29, $2.000000030e-01  }
0x978: {  	v25 =	vld.idx.msk [tilespmem:v47+s7+$0x0], $0xffff;
	v30 =	vsub.f32 $1.000000000e+00, v54;
	[tilespmem:s13+$0xFFFFFF50] =	vst v29  }
0x979: {  	v29 =	vmax.f32 v53, $2.000000030e-01;
	v28 =	vld.idx.msk [tilespmem:v48+s7+$0x0], $0xffff  }
0x97a: {  	[tilespmem:s13+$0x50] =	vst v29;
	v55 =	vmax.f32 v30, $2.000000030e-01  }
0x97b: {  	v24 =	vld.idx.msk [tilespmem:v50+s7+$0x0], $0xffff;
	[tilespmem:s13+$0xFFFFFFD0] =	vst v55  }
0x97c: {  	v4 =	vld.idx.msk [tilespmem:v52+s7+$0x0], $0xffff  }
0x97d: {  	v25 =	vmul.f32 $1.000000000e+01, v25  }
0x97e: {  	v28 =	vmul.f32 $1.000000000e+01, v28  }
0x97f: {  	v25 =	vsub.f32 v12, v25  }
0x980: {  	v24 =	vmul.f32 $1.000000000e+01, v24;
	v28 =	vsub.f32 v12, v28  }
0x981: {  	v25 =	vmul.f32 $1.442695020e+00, v25;
	v4 =	vmul.f32 $1.000000000e+01, v4  }
0x982: {  	v24 =	vsub.f32 v12, v24;
	v28 =	vmul.f32 $1.442695020e+00, v28  }
0x983: {  	(erf) = vpow2.f32 v25;
	v4 =	vsub.f32 v12, v4  }
0x984: {  	v24 =	vmul.f32 $1.442695020e+00, v24;
	(erf) = vpow2.f32 v28  }
0x985: {  	v4 =	vmul.f32 $1.442695020e+00, v4  }
0x986: {  	(erf) = vpow2.f32 v24  }
0x987: {  	(erf) = vpow2.f32 v4;
	_ =	sdelay $0x4  }
0x988: {  	v56 =	vpop (erf)  }
0x989: {  	v57 =	vadd.s32 s16, v2;
	v58 =	vpop (erf)  }
0x98a: {  	v59 =	vadd.s32 s11, v2;
	v25 =	vsub.f32 $1.000000000e+00, v58  }
0x98b: {  	v60 =	vadd.s32 s9, v2;
	v4 =	vsub.f32 $1.000000000e+00, v56;
	v61 =	vpop (erf)  }
0x98c: {  	v62 =	vadd.s32 s10, v2;
	v63 =	vsub.f32 $1.000000000e+00, v61;
	v33 =	vpop (erf);
	v25 =	vmax.f32 v25, $2.000000030e-01  }
0x98d: {  	v4 =	vmax.f32 v4, $2.000000030e-01;
	v35 =	vsub.f32 $1.000000000e+00, v33;
	[tilespmem:s13+$0xFFFFFF60] =	vst v25  }
0x98e: {  	[tilespmem:s13+$0xE0] =	vst v4;
	v25 =	vmax.f32 v63, $2.000000030e-01;
	v34 =	vld.idx.msk [tilespmem:v57+s7+$0x0], $0xffff  }
0x98f: {  	v28 =	vld.idx.msk [tilespmem:v59+s7+$0x0], $0xffff;
	[tilespmem:s13+$0x60] =	vst v25;
	v24 =	vmax.f32 v35, $2.000000030e-01  }
0x990: {  	v25 =	vld.idx.msk [tilespmem:v60+s7+$0x0], $0xffff;
	[tilespmem:s13+$0xFFFFFFE0] =	vst v24  }
0x991: {  	v2 =	vld.idx.msk [tilespmem:v62+s7+$0x0], $0xffff;
	_ =	sdelay $0x1  }
0x992: {  	v4 =	vmul.f32 $1.000000000e+01, v34  }
0x993: {  	v36 =	vmul.f32 $1.000000000e+01, v28  }
0x994: {  	v25 =	vmul.f32 $1.000000000e+01, v25;
	v4 =	vsub.f32 v11, v4  }
0x995: {  	v24 =	vsub.f32 v11, v36;
	v2 =	vmul.f32 $1.000000000e+01, v2  }
0x996: {  	v25 =	vsub.f32 v11, v25;
	v4 =	vmul.f32 $1.442695020e+00, v4  }
0x997: {  	v24 =	vmul.f32 $1.442695020e+00, v24;
	v2 =	vsub.f32 v11, v2  }
0x998: {  	v37 =	vmul.f32 $1.442695020e+00, v25;
	(erf) = vpow2.f32 v4  }
0x999: {  	v2 =	vmul.f32 $1.442695020e+00, v2;
	(erf) = vpow2.f32 v24  }
0x99a: {  	v14 =	vsub.f32 $1.000000000e+00, v14;
	(erf) = vpow2.f32 v37  }
0x99b: {  	v38 =	vsub.f32 $1.000000000e+00, v13;
	(erf) = vpow2.f32 v2  }
0x99c: {  	v39 =	vmax.f32 v14, $2.000000030e-01;
	v42 =	vsub.f32 $1.000000000e+00, v27  }
0x99d: {  	[tilespmem:s1+$0xF0] =	vst v39;
	v40 =	vsub.f32 $1.000000000e+00, v15;
	v41 =	vmax.f32 v38, $2.000000030e-01  }
0x99e: {  	v44 =	vmax.f32 v42, $2.000000030e-01;
	[tilespmem:s1+$0xFFFFFF70] =	vst v41;
	v8 =	vsub.f32 $1.000000000e+00, v45  }
0x99f: {  	[tilespmem:s1+$0xFFFFFFF0] =	vst v44;
	v43 =	vmax.f32 v40, $2.000000030e-01;
	v45 =	vsub.f32 $1.000000000e+00, v6  }
0x9a0: {  	[tilespmem:s1+$0x70] =	vst v43;
	v46 =	vmax.f32 v8, $2.000000030e-01;
	v47 =	vsub.f32 $1.000000000e+00, v10  }
0x9a1: {  	[tilespmem:s2+$0xF0] =	vst v46;
	v49 =	vmax.f32 v45, $2.000000030e-01;
	v50 =	vsub.f32 $1.000000000e+00, v26;
	v48 =	vpop (erf)  }
0x9a2: {  	[tilespmem:s2+$0xFFFFFF70] =	vst v49;
	v52 =	vmax.f32 v47, $2.000000030e-01;
	v51 =	vpop (erf);
	v55 =	vsub.f32 $1.000000000e+00, v48  }
0x9a3: {  	[tilespmem:s2+$0x70] =	vst v52;
	v54 =	vmax.f32 v50, $2.000000030e-01;
	v53 =	vsub.f32 $1.000000000e+00, v51;
	v56 =	vpop (erf)  }
0x9a4: {  	[tilespmem:s2+$0xFFFFFFF0] =	vst v54;
	v58 =	vsub.f32 $1.000000000e+00, v56;
	v59 =	vpop (erf);
	v60 =	vmax.f32 v55, $2.000000030e-01  }
0x9a5: {  	v57 =	vmax.f32 v53, $2.000000030e-01;
	v61 =	vsub.f32 $1.000000000e+00, v59;
	[tilespmem:s13+$0xFFFFFF70] =	vst v60  }
0x9a6: {  	[tilespmem:s13+$0xF0] =	vst v57;
	v62 =	vmax.f32 v58, $2.000000030e-01  }
0x9a7: {  	[tilespmem:s13+$0x70] =	vst v62;
	v63 =	vmax.f32 v61, $2.000000030e-01  }
0x9a8: {  	[tilespmem:s13+$0xFFFFFFF0] =	vst v63  }
0x9a9: {  	v2 =	vld.idx.msk [tilespmem:v16+s7+$0x0], $0xffff;
	_ =	sdelay $0x4  }
0x9aa: {  	v2 =	vmul.f32 $1.000000000e+01, v2;
	_ =	sdelay $0x1  }
0x9ab: {  	v0 =	vsub.f32 v0, v2;
	_ =	sdelay $0x1  }
0x9ac: {  	v0 =	vmul.f32 $1.442695020e+00, v0;
	_ =	sdelay $0x1  }
0x9ad: {  	(erf) = vpow2.f32 v0;
	_ =	sdelay $0x8  }
0x9ae: {  	v0 =	vpop (erf)  }
0x9af: {  	v0 =	vsub.f32 $1.000000000e+00, v0;
	_ =	sdelay $0x1  }
0x9b0: {  	v0 =	vmax.f32 v0, $2.000000030e-01  }
0x9b1: {  	[tilespmem:$0xBB00] =	vst v0  }
0x9b2: {  	v0 =	vld.idx.msk [tilespmem:v17+s7+$0x0], $0xffff;
	_ =	sdelay $0x4  }
0x9b3: {  	v0 =	vmul.f32 $1.000000000e+01, v0;
	_ =	sdelay $0x1  }
0x9b4: {  	v0 =	vsub.f32 v1, v0;
	_ =	sdelay $0x1  }
0x9b5: {  	v0 =	vmul.f32 $1.442695020e+00, v0;
	_ =	sdelay $0x1  }
0x9b6: {  	(erf) = vpow2.f32 v0;
	_ =	sdelay $0x8  }
0x9b7: {  	v0 =	vpop (erf)  }
0x9b8: {  	v0 =	vsub.f32 $1.000000000e+00, v0;
	_ =	sdelay $0x1  }
0x9b9: {  	v0 =	vmax.f32 v0, $2.000000030e-01  }
0x9ba: {  	[tilespmem:$0xBB10] =	vst v0  }
0x9bb: {  	v0 =	vld.idx.msk [tilespmem:v18+s7+$0x0], $0xffff;
	_ =	sdelay $0x4  }
0x9bc: {  	v0 =	vmul.f32 $1.000000000e+01, v0;
	_ =	sdelay $0x1  }
0x9bd: {  	v0 =	vsub.f32 v3, v0;
	_ =	sdelay $0x1  }
0x9be: {  	v0 =	vmul.f32 $1.442695020e+00, v0;
	_ =	sdelay $0x1  }
0x9bf: {  	(erf) = vpow2.f32 v0;
	_ =	sdelay $0x8  }
0x9c0: {  	v0 =	vpop (erf)  }
0x9c1: {  	v0 =	vsub.f32 $1.000000000e+00, v0;
	_ =	sdelay $0x1  }
0x9c2: {  	v0 =	vmax.f32 v0, $2.000000030e-01  }
0x9c3: {  	[tilespmem:$0xBB20] =	vst v0  }
0x9c4: {  	v0 =	vld.idx.msk [tilespmem:v19+s7+$0x0], $0xffff;
	_ =	sdelay $0x4  }
0x9c5: {  	v0 =	vmul.f32 $1.000000000e+01, v0;
	_ =	sdelay $0x1  }
0x9c6: {  	v0 =	vsub.f32 v5, v0;
	_ =	sdelay $0x1  }
0x9c7: {  	v0 =	vmul.f32 $1.442695020e+00, v0;
	_ =	sdelay $0x1  }
0x9c8: {  	(erf) = vpow2.f32 v0;
	_ =	sdelay $0x8  }
0x9c9: {  	v0 =	vpop (erf)  }
0x9ca: {  	v0 =	vsub.f32 $1.000000000e+00, v0;
	_ =	sdelay $0x1  }
0x9cb: {  	v0 =	vmax.f32 v0, $2.000000030e-01  }
0x9cc: {  	[tilespmem:$0xBB30] =	vst v0  }
0x9cd: {  	v0 =	vld.idx.msk [tilespmem:v20+s7+$0x0], $0xffff;
	_ =	sdelay $0x4  }
0x9ce: {  	v0 =	vmul.f32 $1.000000000e+01, v0;
	_ =	sdelay $0x1  }
0x9cf: {  	v0 =	vsub.f32 v7, v0;
	_ =	sdelay $0x1  }
0x9d0: {  	v0 =	vmul.f32 $1.442695020e+00, v0;
	_ =	sdelay $0x1  }
0x9d1: {  	(erf) = vpow2.f32 v0;
	_ =	sdelay $0x8  }
0x9d2: {  	v0 =	vpop (erf)  }
0x9d3: {  	v0 =	vsub.f32 $1.000000000e+00, v0;
	_ =	sdelay $0x1  }
0x9d4: {  	v0 =	vmax.f32 v0, $2.000000030e-01  }
0x9d5: {  	[tilespmem:$0xBB40] =	vst v0  }
0x9d6: {  	v0 =	vld.idx.msk [tilespmem:v21+s7+$0x0], $0xffff;
	_ =	sdelay $0x4  }
0x9d7: {  	v0 =	vmul.f32 $1.000000000e+01, v0;
	_ =	sdelay $0x1  }
0x9d8: {  	v0 =	vsub.f32 v9, v0;
	_ =	sdelay $0x1  }
0x9d9: {  	v0 =	vmul.f32 $1.442695020e+00, v0;
	_ =	sdelay $0x1  }
0x9da: {  	(erf) = vpow2.f32 v0;
	_ =	sdelay $0x8  }
0x9db: {  	v0 =	vpop (erf)  }
0x9dc: {  	v0 =	vsub.f32 $1.000000000e+00, v0;
	_ =	sdelay $0x1  }
0x9dd: {  	v0 =	vmax.f32 v0, $2.000000030e-01  }
0x9de: {  	[tilespmem:$0xBB50] =	vst v0  }
0x9df: {  	v0 =	vld.idx.msk [tilespmem:v22+s7+$0x0], $0xffff;
	_ =	sdelay $0x4  }
0x9e0: {  	v0 =	vmul.f32 $1.000000000e+01, v0;
	_ =	sdelay $0x1  }
0x9e1: {  	v0 =	vsub.f32 v12, v0;
	_ =	sdelay $0x1  }
0x9e2: {  	v0 =	vmul.f32 $1.442695020e+00, v0;
	_ =	sdelay $0x1  }
0x9e3: {  	(erf) = vpow2.f32 v0;
	_ =	sdelay $0x8  }
0x9e4: {  	v0 =	vpop (erf)  }
0x9e5: {  	v0 =	vsub.f32 $1.000000000e+00, v0;
	_ =	sdelay $0x1  }
0x9e6: {  	v0 =	vmax.f32 v0, $2.000000030e-01  }
0x9e7: {  	[tilespmem:$0xBB60] =	vst v0  }
0x9e8: {  	v0 =	vld.idx.msk [tilespmem:v23+s7+$0x0], $0xffff;
	_ =	sdelay $0x4  }
0x9e9: {  	v0 =	vmul.f32 $1.000000000e+01, v0;
	_ =	sdelay $0x1  }
0x9ea: {  	v0 =	vsub.f32 v11, v0;
	_ =	sdelay $0x1  }
0x9eb: {  	v0 =	vmul.f32 $1.442695020e+00, v0;
	_ =	sdelay $0x1  }
0x9ec: {  	(erf) = vpow2.f32 v0;
	_ =	sdelay $0x8  }
0x9ed: {  	v0 =	vpop (erf)  }
0x9ee: {  	v0 =	vsub.f32 $1.000000000e+00, v0;
	_ =	sdelay $0x1  }
0x9ef: {  	v0 =	vmax.f32 v0, $2.000000030e-01  }
0x9f0: {  	s1 =	rddreg [dreg:$0xb];
	[tilespmem:$0xBB70] =	vst v0  }
0x9f1: {  	[hbm4b:s1+s7] =	stream.linear.scatter [tilespmem:s24], [sflag:$0x3], $0x3E80, $0x38;
	[tilespmem:$0x13B80] =	vst v63  }
0x9f2: {  	_ =	swait.ge [sflag:s29], $0x3E80  }
0x9f3: {  	[sflag:s29] =	ssyncset.done $0x0  }
0x9f4: {  	[sflag:s29] =	ssyncadd.s32 $0xFFFFC180  }
0x9f5: {  	_ =	swait.ge [sflag:s28], $0x3E80  }
0x9f6: {  	s30 =	rddreg [dreg:$0xd]  }
0x9f7: {  	s31 =	rddreg [dreg:$0xc];
	s2 =	sadd.s32 $0x1, s30  }
0x9f8: {  	p0 =	sne.s32 s2, s31  }
.Ltmp6:
0x9f9: {  	_ = 	snop;
	(pc) =	sbr.rel @p0 .LBB2_1-.Ltmp6, $3  }
0x9fa: {  	_ =	sdelay $0x1  }
0x9fb: {  	[sflag:s28] =	ssyncset.done $0x0  }
0x9fc: {  	[sflag:s28] =	ssyncadd.s32 $0xFFFFC180  }
0x9fd: {  	_ =	sfence.sel $0x180000  }
0x9fe: {  	[bflag:$0x0] =	sbarrier.arrive $0xFFFF  }
0x9ff: {  	_ =	strace $0x90000047  }
0xa00: {  	s0 =	stileid.u32;
	[bflag:$0x2] =	sbarrier.arrive $0xFFFF  }
0xa01: {  	p0 =	sne.s32 s0, $0x0;
	s0 =	rddreg [dreg:$0x5]  }
0xa02: {  	s0 =	sadd.s32 @!p0 $0x100000, s0  }
0xa03: {  	[sflag:s0] =	ssyncadd.tile.s32 @!p0 $0x1;
	_ =	shalt  }
.Lfunc_end2:
_tile_overlayer_lowered:
.L_overlay_start_2:
0xa04: {  	(tag) =	ssettag $0x2  }
0xa05: {  	s0 =	rddreg [dreg:$0x0];
	s2 =	stileid.u32  }
0xa06: {  	s1 =	rddreg [dreg:$0x1];
	p0 =	sne.s32 s2, $0x0  }
0xa07: {  	s3 =	rddreg [dreg:$0x2];
	[bflag:$0x3] =	sbarrier.arrive $0xFFFF;
	s2 =	simm.s32 @!p0 $0x1C05  }
0xa08: {  	[timem:s3], [sflag:s2] =	dma.local @!p0 [hbm:s0], s1  }
0xa09: {  	s0 =	simm.s32 @!p0 $0x5  }
0xa0a: {  	_ =	swait.ge @!p0 [sflag:s0], s1  }
0xa0b: {  	s1 =	ssub.s32 @!p0 $0x0, s1;
	[sflag:s0] =	ssyncset.done @!p0 $0x0  }
0xa0c: {  	[sflag:s0] =	ssyncadd.s32 @!p0 s1  }
0xa0d: {  	[bflag:$0x3] =	sbarrier.arrive $0xFFFF  }
0xa0e: {  	_ =	shalt  }

</sc_bundles>
